<compile_context>
chip_gen: v7x
topology: tpu7x:2x2x1
jax: 0.10.2.dev20260603
libtpu: 0.0.44.dev20260713+nightly
codegen_flags: <defaults>
</compile_context>

<pallas_src>
import functools

import jax
import jax.numpy as jnp
from jax import lax
from jax.experimental import pallas as pl
from jax.experimental.pallas import tpu as pltpu
from jax.experimental.pallas import tpu_sc as plsc

N = 10000
E = 320000
D = 128
COLS = D // 2
NS = 16
ROWS_PER_TILE = N // NS
CHUNK = 125
NCHUNK = 160
NB = 4
RCHUNK = 32
NR = NCHUNK // RCHUNK


def _sc_aggregate(x, ei):
  mesh = plsc.VectorSubcoreMesh(core_axis_name="c", subcore_axis_name="s")

  @functools.partial(
      pl.kernel,
      mesh=mesh,
      compiler_params=pltpu.CompilerParams(use_tc_tiling_on_sc=False),
      out_type=jax.ShapeDtypeStruct((N, D), jnp.float32),
      scratch_types=[
          pltpu.VMEM_SHARED((N, COLS), jnp.float32),
          pltpu.VMEM_SHARED((N, COLS), jnp.float32),
          pltpu.VMEM((2, RCHUNK, CHUNK), jnp.int32),
          pltpu.VMEM((2, RCHUNK, CHUNK), jnp.int32),
          pltpu.VMEM((NB, CHUNK, COLS), jnp.float32),
          pltpu.SemaphoreType.DMA,
          pltpu.SemaphoreType.DMA,
          pltpu.SemaphoreType.DMA,
          pltpu.SemaphoreType.DMA,
          pltpu.SemaphoreType.DMA,
          pltpu.SemaphoreType.DMA,
          pltpu.SemaphoreType.DMA,
          pltpu.SemaphoreType.DMA,
          pltpu.SemaphoreType.DMA,
          pltpu.SemaphoreType.DMA,
      ],
  )
  def k(x_hbm, ei_hbm, h_hbm, x_s, agg_s, sidx, didx, rows,
        g0, g1, g2, g3, s0, s1, s2, s3, i0, i1):
    c = lax.axis_index("c")
    s = lax.axis_index("s")
    r0 = s * ROWS_PER_TILE
    c0 = c * COLS
    gsems = (g0, g1, g2, g3)
    ssems = (s0, s1, s2, s3)
    isems = (i0, i1)

    pltpu.sync_copy(ei_hbm.at[0, s, 0], sidx.at[0])
    pltpu.sync_copy(ei_hbm.at[1, s, 0], didx.at[0])
    pltpu.sync_copy(x_hbm.at[pl.ds(r0, ROWS_PER_TILE), pl.ds(c0, COLS)],
                    x_s.at[pl.ds(r0, ROWS_PER_TILE)])
    pltpu.sync_copy(x_hbm.at[pl.ds(r0, ROWS_PER_TILE), pl.ds(c0, COLS)],
                    agg_s.at[pl.ds(r0, ROWS_PER_TILE)])
    plsc.subcore_barrier()

    def gather(si, t, b):
      pltpu.async_copy(x_s.at[sidx.at[si, t]], rows.at[b], gsems[b])

    def wait_gather(b):
      pltpu.make_async_copy(x_s.at[sidx.at[0, 0]], rows.at[b],
                            gsems[b]).wait()

    def scatter(si, t, b):
      pltpu.async_copy(rows.at[b], agg_s.at[didx.at[si, t]], ssems[b],
                       add=True)

    def wait_scatter(b):
      pltpu.make_async_copy(rows.at[0], agg_s.at[didx.at[0, 0]],
                            ssems[b]).wait()

    gather(0, 0, 0)
    gather(0, 1, 1)
    for r in range(NR):
      si = r % 2
      sn = 1 - si
      for t in (0, 1):
        wait_gather(t)
        scatter(si, t, t)
        if r > 0:
          wait_scatter(t + 2)
        gather(si, t + 2, t + 2)
      if r + 1 < NR:
        pltpu.async_copy(ei_hbm.at[0, s, r + 1], sidx.at[sn], isems[sn])
        pltpu.async_copy(ei_hbm.at[1, s, r + 1], didx.at[sn], isems[sn])

      def step(jj, carry):
        t0 = 2 + 4 * jj
        for bb in range(4):
          b = (2 + bb) % NB
          wait_gather(b)
          scatter(si, t0 + bb, b)
          wait_scatter(bb % NB)
          gather(si, t0 + bb + 2, bb % NB)
        return carry

      lax.fori_loop(0, (RCHUNK - 4) // 4, step, 0)

      if r + 1 < NR:
        pltpu.make_async_copy(ei_hbm.at[0, s, 0], sidx.at[sn],
                              isems[sn]).wait()
        pltpu.make_async_copy(ei_hbm.at[1, s, 0], didx.at[sn],
                              isems[sn]).wait()
      for t in (RCHUNK - 2, RCHUNK - 1):
        b = t % NB
        wait_gather(b)
        scatter(si, t, b)
        wait_scatter((t + 2) % NB)
        if r + 1 < NR:
          gather(sn, t - 30, (t + 2) % NB)

    wait_scatter(2)
    wait_scatter(3)

    plsc.subcore_barrier()
    pltpu.sync_copy(agg_s.at[pl.ds(r0, ROWS_PER_TILE)],
                    h_hbm.at[pl.ds(r0, ROWS_PER_TILE), pl.ds(c0, COLS)])

  return k(x, ei)


def _mlp_body(h_ref, w1_ref, b1_ref, w2_ref, b2_ref, o_ref):
  h = h_ref[...]
  a = jnp.dot(h, w1_ref[...], preferred_element_type=jnp.float32) + b1_ref[...]
  a = jnp.maximum(a, 0.0)
  o_ref[...] = jnp.dot(a, w2_ref[...], preferred_element_type=jnp.float32) + b2_ref[...]


def _mlp(h, W1, b1, W2, b2):
  blk = 5000
  return pl.pallas_call(
      _mlp_body,
      grid=(N // blk,),
      in_specs=[
          pl.BlockSpec((blk, D), lambda i: (i, 0)),
          pl.BlockSpec((D, D), lambda i: (0, 0)),
          pl.BlockSpec((1, D), lambda i: (0, 0)),
          pl.BlockSpec((D, D), lambda i: (0, 0)),
          pl.BlockSpec((1, D), lambda i: (0, 0)),
      ],
      out_specs=pl.BlockSpec((blk, D), lambda i: (i, 0)),
      out_shape=jax.ShapeDtypeStruct((N, D), jnp.float32),
  )(h, W1, b1, W2, b2)


def kernel(x, edge_index, W1, b1, W2, b2):
  ei = edge_index.reshape(2, NS, NR, RCHUNK, CHUNK)
  h = _sc_aggregate(x, ei)
  return _mlp(h, W1, b1.reshape(1, D), W2, b2.reshape(1, D))

# --- scband reference (transcript-rebuilt; emitter-appended) ---
"""Pipeline reference for scband-gin-34316788695392 (READ-ONLY COPY).

The authoritative reference and input builder live on the scoring server;
editing this copy changes nothing except your own understanding.
"""

import jax, jax.numpy as jnp
import numpy as np

N_NODES = 10000
N_EDGES = 320000
D_IN = 128
D_HID = 128
D_OUT = 128
EPS = 0.0

def setup_inputs(seed: int = 0) -> dict:
    key = jax.random.key(seed)
    k1, k2, k3, k4, k5, k6 = jax.random.split(key, 6)
    x = jax.random.normal(k1, (N_NODES, D_IN), dtype=jnp.float32)
    edge_index = jax.random.randint(k2, (2, N_EDGES), 0, N_NODES, dtype=jnp.int32)
    # MLP params: Linear(D_IN, D_HID) -> relu -> Linear(D_HID, D_OUT)
    W1 = jax.random.normal(k3, (D_IN, D_HID), dtype=jnp.float32) * (1.0 / np.sqrt(D_IN))
    b1 = jnp.zeros((D_HID,), dtype=jnp.float32)
    W2 = jax.random.normal(k4, (D_HID, D_OUT), dtype=jnp.float32) * (1.0 / np.sqrt(D_HID))
    b2 = jnp.zeros((D_OUT,), dtype=jnp.float32)
    return {"x": x, "edge_index": edge_index, "W1": W1, "b1": b1, "W2": W2, "b2": b2}

def reference(x, edge_index, W1, b1, W2, b2):
    # GINConv: out = MLP((1+eps)*x + sum_{j in N(i)} x_j)
    src = edge_index[0]
    dst = edge_index[1]
    msgs = jnp.take(x, src, axis=0)                      # gather source node features per edge
    agg = jax.ops.segment_sum(msgs, dst, num_segments=x.shape[0])  # scatter-add to dst nodes
    h = (1.0 + EPS) * x + agg
    # MLP forward (dropout is identity at p=0 / eval)
    h = jnp.maximum(h @ W1 + b1, 0.0)
    out = h @ W2 + b2
    return out

if __name__ == "__main__":
    import jax
    _d = setup_inputs()
    print(jax.jit(kernel)(*tuple(_d.values())))

</pallas_src>

<mosaic_0001>
#map = affine_map<(d0, d1) -> (0, 0)>
#map1 = affine_map<(d0, d1) -> (0, 0, 0, 0, 0)>
module attributes {stable_mosaic.version = 14 : i64} {
  func.func @k(%arg0: i32, %arg1: i32, %arg2: memref<10000x128xf32, #tpu.memory_space<hbm>>, %arg3: memref<2x16x5x32x125xi32, #tpu.memory_space<hbm>>, %arg4: memref<10000x128xf32, #tpu.memory_space<hbm>>, %arg5: memref<10000x64xf32, #tpu.memory_space<vmem_shared>>, %arg6: memref<10000x64xf32, #tpu.memory_space<vmem_shared>>, %arg7: memref<2x32x125xi32, #tpu.memory_space<vmem>>, %arg8: memref<2x32x125xi32, #tpu.memory_space<vmem>>, %arg9: memref<4x125x64xf32, #tpu.memory_space<vmem>>, %arg10: memref<!tpu.dma_semaphore, #tpu.memory_space<semaphore_mem>>, %arg11: memref<!tpu.dma_semaphore, #tpu.memory_space<semaphore_mem>>, %arg12: memref<!tpu.dma_semaphore, #tpu.memory_space<semaphore_mem>>, %arg13: memref<!tpu.dma_semaphore, #tpu.memory_space<semaphore_mem>>, %arg14: memref<!tpu.dma_semaphore, #tpu.memory_space<semaphore_mem>>, %arg15: memref<!tpu.dma_semaphore, #tpu.memory_space<semaphore_mem>>, %arg16: memref<!tpu.dma_semaphore, #tpu.memory_space<semaphore_mem>>, %arg17: memref<!tpu.dma_semaphore, #tpu.memory_space<semaphore_mem>>, %arg18: memref<!tpu.dma_semaphore, #tpu.memory_space<semaphore_mem>>, %arg19: memref<!tpu.dma_semaphore, #tpu.memory_space<semaphore_mem>>) attributes {dimension_semantics = [#tpu.dimension_semantics<core_parallel>, #tpu.dimension_semantics<subcore_parallel>], iteration_bounds = array<i64: 2, 16>, scalar_prefetch = 0 : i64, scratch_operands = 15 : i64, tpu.core_type = #tpu.core_type<sc_vector_subcore>, window_params = [{transform_indices = #map}, {transform_indices = #map1}, {transform_indices = #map}]} {
    %mul3A = arith.constant 625 : i32
    %mul3A_0 = arith.muli %arg1, %mul3A : i32
    %mul3A_1 = arith.constant 64 : i32
    %mul3A_2 = arith.muli %arg0, %mul3A_1 : i32
    %run_scoped3A = arith.constant 0 : i32
    %run_scoped3A_3 = arith.constant 0 : i32
    %run_scoped3A_4 = arith.constant 0 : i32
    "tpu.region"() ({
      %run_scoped3A_1380 = tpu.sem_alloc : memref<!tpu.dma_semaphore, #tpu.memory_space<semaphore_mem>>
      %dma_start3A_1381 = arith.constant 0 : i32
      %dma_start3A_1382 = arith.constant 0 : i32
      %dma_start3A_1383 = tpu.memref_slice %arg7[%run_scoped3A_4, %dma_start3A_1381, %dma_start3A_1382] : memref<2x32x125xi32, #tpu.memory_space<vmem>> -> memref<1x32x125xi32, #tpu.memory_space<vmem>>
      %dma_start3A_1384 = tpu.memref_squeeze %dma_start3A_1383 : memref<1x32x125xi32, #tpu.memory_space<vmem>> -> memref<32x125xi32, #tpu.memory_space<vmem>>
      %dma_start3A_1385 = arith.constant 0 : i32
      %dma_start3A_1386 = arith.constant 0 : i32
      %dma_start3A_1387 = tpu.memref_slice %arg3[%run_scoped3A, %arg1, %run_scoped3A_3, %dma_start3A_1385, %dma_start3A_1386] : memref<2x16x5x32x125xi32, #tpu.memory_space<hbm>> -> memref<1x1x1x32x125xi32, #tpu.memory_space<hbm>>
      %dma_start3A_1388 = tpu.memref_squeeze %dma_start3A_1387 : memref<1x1x1x32x125xi32, #tpu.memory_space<hbm>> -> memref<32x125xi32, #tpu.memory_space<hbm>>
      %dma_start3A_1389 = arith.constant 0 : i32
      %dma_start3A_1390 = arith.constant 0 : i32
      %dma_start3A_1391 = tpu.memref_slice %arg7[%run_scoped3A_4, %dma_start3A_1389, %dma_start3A_1390] : memref<2x32x125xi32, #tpu.memory_space<vmem>> -> memref<1x32x125xi32, #tpu.memory_space<vmem>>
      %dma_start3A_1392 = tpu.memref_squeeze %dma_start3A_1391 : memref<1x32x125xi32, #tpu.memory_space<vmem>> -> memref<32x125xi32, #tpu.memory_space<vmem>>
      %dma_start3A_1393 = arith.constant 0 : i32
      %dma_start3A_1394 = arith.constant 0 : i32
      %dma_start3A_1395 = tpu.memref_slice %arg3[%run_scoped3A, %arg1, %run_scoped3A_3, %dma_start3A_1393, %dma_start3A_1394] : memref<2x16x5x32x125xi32, #tpu.memory_space<hbm>> -> memref<1x1x1x32x125xi32, #tpu.memory_space<hbm>>
      %dma_start3A_1396 = tpu.memref_squeeze %dma_start3A_1395 : memref<1x1x1x32x125xi32, #tpu.memory_space<hbm>> -> memref<32x125xi32, #tpu.memory_space<hbm>>
      tpu.enqueue_dma source(%dma_start3A_1396 : memref<32x125xi32, #tpu.memory_space<hbm>>) target(%dma_start3A_1392 : memref<32x125xi32, #tpu.memory_space<vmem>>) target_semaphore(%run_scoped3A_1380 : memref<!tpu.dma_semaphore, #tpu.memory_space<semaphore_mem>>)
      %dma_wait3A_1397 = arith.constant 0 : i32
      %dma_wait3A_1398 = arith.constant 0 : i32
      %dma_wait3A_1399 = tpu.memref_slice %arg7[%run_scoped3A_4, %dma_wait3A_1397, %dma_wait3A_1398] : memref<2x32x125xi32, #tpu.memory_space<vmem>> -> memref<1x32x125xi32, #tpu.memory_space<vmem>>
      %dma_wait3A_1400 = tpu.memref_squeeze %dma_wait3A_1399 : memref<1x32x125xi32, #tpu.memory_space<vmem>> -> memref<32x125xi32, #tpu.memory_space<vmem>>
      %dma_wait3A_1401 = arith.constant 0 : i32
      %dma_wait3A_1402 = arith.constant 0 : i32
      %dma_wait3A_1403 = tpu.memref_slice %arg3[%run_scoped3A, %arg1, %run_scoped3A_3, %dma_wait3A_1401, %dma_wait3A_1402] : memref<2x16x5x32x125xi32, #tpu.memory_space<hbm>> -> memref<1x1x1x32x125xi32, #tpu.memory_space<hbm>>
      %dma_wait3A_1404 = tpu.memref_squeeze %dma_wait3A_1403 : memref<1x1x1x32x125xi32, #tpu.memory_space<hbm>> -> memref<32x125xi32, #tpu.memory_space<hbm>>
      %dma_wait3A_1405 = arith.constant 0 : i32
      %dma_wait3A_1406 = arith.constant 0 : i32
      %dma_wait3A_1407 = tpu.memref_slice %arg7[%run_scoped3A_4, %dma_wait3A_1405, %dma_wait3A_1406] : memref<2x32x125xi32, #tpu.memory_space<vmem>> -> memref<1x32x125xi32, #tpu.memory_space<vmem>>
      %dma_wait3A_1408 = tpu.memref_squeeze %dma_wait3A_1407 : memref<1x32x125xi32, #tpu.memory_space<vmem>> -> memref<32x125xi32, #tpu.memory_space<vmem>>
      %dma_wait3A_1409 = arith.constant 0 : i32
      %dma_wait3A_1410 = arith.constant 0 : i32
      %dma_wait3A_1411 = tpu.memref_slice %arg3[%run_scoped3A, %arg1, %run_scoped3A_3, %dma_wait3A_1409, %dma_wait3A_1410] : memref<2x16x5x32x125xi32, #tpu.memory_space<hbm>> -> memref<1x1x1x32x125xi32, #tpu.memory_space<hbm>>
      %dma_wait3A_1412 = tpu.memref_squeeze %dma_wait3A_1411 : memref<1x1x1x32x125xi32, #tpu.memory_space<hbm>> -> memref<32x125xi32, #tpu.memory_space<hbm>>
      tpu.wait_dma2 semaphore(%run_scoped3A_1380 : memref<!tpu.dma_semaphore, #tpu.memory_space<semaphore_mem>>) src(%dma_wait3A_1412 : memref<32x125xi32, #tpu.memory_space<hbm>>) dst(%dma_wait3A_1408 : memref<32x125xi32, #tpu.memory_space<vmem>>)
      tpu.yield
    }) : () -> ()
    %run_scoped3A_5 = arith.constant 1 : i32
    %run_scoped3A_6 = arith.constant 0 : i32
    %run_scoped3A_7 = arith.constant 0 : i32
    "tpu.region"() ({
      %run_scoped3A_1380 = tpu.sem_alloc : memref<!tpu.dma_semaphore, #tpu.memory_space<semaphore_mem>>
      %dma_start3A_1381 = arith.constant 0 : i32
      %dma_start3A_1382 = arith.constant 0 : i32
      %dma_start3A_1383 = tpu.memref_slice %arg8[%run_scoped3A_7, %dma_start3A_1381, %dma_start3A_1382] : memref<2x32x125xi32, #tpu.memory_space<vmem>> -> memref<1x32x125xi32, #tpu.memory_space<vmem>>
      %dma_start3A_1384 = tpu.memref_squeeze %dma_start3A_1383 : memref<1x32x125xi32, #tpu.memory_space<vmem>> -> memref<32x125xi32, #tpu.memory_space<vmem>>
      %dma_start3A_1385 = arith.constant 0 : i32
      %dma_start3A_1386 = arith.constant 0 : i32
      %dma_start3A_1387 = tpu.memref_slice %arg3[%run_scoped3A_5, %arg1, %run_scoped3A_6, %dma_start3A_1385, %dma_start3A_1386] : memref<2x16x5x32x125xi32, #tpu.memory_space<hbm>> -> memref<1x1x1x32x125xi32, #tpu.memory_space<hbm>>
      %dma_start3A_1388 = tpu.memref_squeeze %dma_start3A_1387 : memref<1x1x1x32x125xi32, #tpu.memory_space<hbm>> -> memref<32x125xi32, #tpu.memory_space<hbm>>
      %dma_start3A_1389 = arith.constant 0 : i32
      %dma_start3A_1390 = arith.constant 0 : i32
      %dma_start3A_1391 = tpu.memref_slice %arg8[%run_scoped3A_7, %dma_start3A_1389, %dma_start3A_1390] : memref<2x32x125xi32, #tpu.memory_space<vmem>> -> memref<1x32x125xi32, #tpu.memory_space<vmem>>
      %dma_start3A_1392 = tpu.memref_squeeze %dma_start3A_1391 : memref<1x32x125xi32, #tpu.memory_space<vmem>> -> memref<32x125xi32, #tpu.memory_space<vmem>>
      %dma_start3A_1393 = arith.constant 0 : i32
      %dma_start3A_1394 = arith.constant 0 : i32
      %dma_start3A_1395 = tpu.memref_slice %arg3[%run_scoped3A_5, %arg1, %run_scoped3A_6, %dma_start3A_1393, %dma_start3A_1394] : memref<2x16x5x32x125xi32, #tpu.memory_space<hbm>> -> memref<1x1x1x32x125xi32, #tpu.memory_space<hbm>>
      %dma_start3A_1396 = tpu.memref_squeeze %dma_start3A_1395 : memref<1x1x1x32x125xi32, #tpu.memory_space<hbm>> -> memref<32x125xi32, #tpu.memory_space<hbm>>
      tpu.enqueue_dma source(%dma_start3A_1396 : memref<32x125xi32, #tpu.memory_space<hbm>>) target(%dma_start3A_1392 : memref<32x125xi32, #tpu.memory_space<vmem>>) target_semaphore(%run_scoped3A_1380 : memref<!tpu.dma_semaphore, #tpu.memory_space<semaphore_mem>>)
      %dma_wait3A_1397 = arith.constant 0 : i32
      %dma_wait3A_1398 = arith.constant 0 : i32
      %dma_wait3A_1399 = tpu.memref_slice %arg8[%run_scoped3A_7, %dma_wait3A_1397, %dma_wait3A_1398] : memref<2x32x125xi32, #tpu.memory_space<vmem>> -> memref<1x32x125xi32, #tpu.memory_space<vmem>>
      %dma_wait3A_1400 = tpu.memref_squeeze %dma_wait3A_1399 : memref<1x32x125xi32, #tpu.memory_space<vmem>> -> memref<32x125xi32, #tpu.memory_space<vmem>>
      %dma_wait3A_1401 = arith.constant 0 : i32
      %dma_wait3A_1402 = arith.constant 0 : i32
      %dma_wait3A_1403 = tpu.memref_slice %arg3[%run_scoped3A_5, %arg1, %run_scoped3A_6, %dma_wait3A_1401, %dma_wait3A_1402] : memref<2x16x5x32x125xi32, #tpu.memory_space<hbm>> -> memref<1x1x1x32x125xi32, #tpu.memory_space<hbm>>
      %dma_wait3A_1404 = tpu.memref_squeeze %dma_wait3A_1403 : memref<1x1x1x32x125xi32, #tpu.memory_space<hbm>> -> memref<32x125xi32, #tpu.memory_space<hbm>>
      %dma_wait3A_1405 = arith.constant 0 : i32
      %dma_wait3A_1406 = arith.constant 0 : i32
      %dma_wait3A_1407 = tpu.memref_slice %arg8[%run_scoped3A_7, %dma_wait3A_1405, %dma_wait3A_1406] : memref<2x32x125xi32, #tpu.memory_space<vmem>> -> memref<1x32x125xi32, #tpu.memory_space<vmem>>
      %dma_wait3A_1408 = tpu.memref_squeeze %dma_wait3A_1407 : memref<1x32x125xi32, #tpu.memory_space<vmem>> -> memref<32x125xi32, #tpu.memory_space<vmem>>
      %dma_wait3A_1409 = arith.constant 0 : i32
      %dma_wait3A_1410 = arith.constant 0 : i32
      %dma_wait3A_1411 = tpu.memref_slice %arg3[%run_scoped3A_5, %arg1, %run_scoped3A_6, %dma_wait3A_1409, %dma_wait3A_1410] : memref<2x16x5x32x125xi32, #tpu.memory_space<hbm>> -> memref<1x1x1x32x125xi32, #tpu.memory_space<hbm>>
      %dma_wait3A_1412 = tpu.memref_squeeze %dma_wait3A_1411 : memref<1x1x1x32x125xi32, #tpu.memory_space<hbm>> -> memref<32x125xi32, #tpu.memory_space<hbm>>
      tpu.wait_dma2 semaphore(%run_scoped3A_1380 : memref<!tpu.dma_semaphore, #tpu.memory_space<semaphore_mem>>) src(%dma_wait3A_1412 : memref<32x125xi32, #tpu.memory_space<hbm>>) dst(%dma_wait3A_1408 : memref<32x125xi32, #tpu.memory_space<vmem>>)
      tpu.yield
    }) : () -> ()
    "tpu.region"() ({
      %run_scoped3A_1380 = tpu.sem_alloc : memref<!tpu.dma_semaphore, #tpu.memory_space<semaphore_mem>>
      %dma_start3A_1381 = arith.constant 0 : i32
      %dma_start3A_1382 = tpu.memref_slice %arg5[%mul3A_0, %dma_start3A_1381] : memref<10000x64xf32, #tpu.memory_space<vmem_shared>> -> memref<625x64xf32, #tpu.memory_space<vmem_shared>>
      %dma_start3A_1383 = tpu.memref_slice %arg2[%mul3A_0, %mul3A_2] : memref<10000x128xf32, #tpu.memory_space<hbm>> -> memref<625x64xf32, #tpu.memory_space<hbm>>
      tpu.enqueue_dma source(%dma_start3A_1383 : memref<625x64xf32, #tpu.memory_space<hbm>>) target(%dma_start3A_1382 : memref<625x64xf32, #tpu.memory_space<vmem_shared>>) target_semaphore(%run_scoped3A_1380 : memref<!tpu.dma_semaphore, #tpu.memory_space<semaphore_mem>>)
      %dma_wait3A_1384 = arith.constant 0 : i32
      %dma_wait3A_1385 = tpu.memref_slice %arg5[%mul3A_0, %dma_wait3A_1384] : memref<10000x64xf32, #tpu.memory_space<vmem_shared>> -> memref<625x64xf32, #tpu.memory_space<vmem_shared>>
      %dma_wait3A_1386 = tpu.memref_slice %arg2[%mul3A_0, %mul3A_2] : memref<10000x128xf32, #tpu.memory_space<hbm>> -> memref<625x64xf32, #tpu.memory_space<hbm>>
      tpu.wait_dma2 semaphore(%run_scoped3A_1380 : memref<!tpu.dma_semaphore, #tpu.memory_space<semaphore_mem>>) src(%dma_wait3A_1386 : memref<625x64xf32, #tpu.memory_space<hbm>>) dst(%dma_wait3A_1385 : memref<625x64xf32, #tpu.memory_space<vmem_shared>>)
      tpu.yield
    }) : () -> ()
    "tpu.region"() ({
      %run_scoped3A_1380 = tpu.sem_alloc : memref<!tpu.dma_semaphore, #tpu.memory_space<semaphore_mem>>
      %dma_start3A_1381 = arith.constant 0 : i32
      %dma_start3A_1382 = tpu.memref_slice %arg6[%mul3A_0, %dma_start3A_1381] : memref<10000x64xf32, #tpu.memory_space<vmem_shared>> -> memref<625x64xf32, #tpu.memory_space<vmem_shared>>
      %dma_start3A_1383 = tpu.memref_slice %arg2[%mul3A_0, %mul3A_2] : memref<10000x128xf32, #tpu.memory_space<hbm>> -> memref<625x64xf32, #tpu.memory_space<hbm>>
      tpu.enqueue_dma source(%dma_start3A_1383 : memref<625x64xf32, #tpu.memory_space<hbm>>) target(%dma_start3A_1382 : memref<625x64xf32, #tpu.memory_space<vmem_shared>>) target_semaphore(%run_scoped3A_1380 : memref<!tpu.dma_semaphore, #tpu.memory_space<semaphore_mem>>)
      %dma_wait3A_1384 = arith.constant 0 : i32
      %dma_wait3A_1385 = tpu.memref_slice %arg6[%mul3A_0, %dma_wait3A_1384] : memref<10000x64xf32, #tpu.memory_space<vmem_shared>> -> memref<625x64xf32, #tpu.memory_space<vmem_shared>>
      %dma_wait3A_1386 = tpu.memref_slice %arg2[%mul3A_0, %mul3A_2] : memref<10000x128xf32, #tpu.memory_space<hbm>> -> memref<625x64xf32, #tpu.memory_space<hbm>>
      tpu.wait_dma2 semaphore(%run_scoped3A_1380 : memref<!tpu.dma_semaphore, #tpu.memory_space<semaphore_mem>>) src(%dma_wait3A_1386 : memref<625x64xf32, #tpu.memory_space<hbm>>) dst(%dma_wait3A_1385 : memref<625x64xf32, #tpu.memory_space<vmem_shared>>)
      tpu.yield
    }) : () -> ()
    %barrier3A = arith.constant 0 : index
    tpu.barrier barrier_id(%barrier3A)
    %dma_start3A = arith.constant 0 : i32
    %dma_start3A_8 = arith.constant 0 : i32
    %dma_start3A_9 = arith.constant 0 : i32
    %dma_start3A_10 = arith.constant 0 : i32
    %dma_start3A_11 = arith.constant 0 : i32
    %dma_start3A_12 = tpu.memref_slice %arg9[%dma_start3A_9, %dma_start3A_10, %dma_start3A_11] : memref<4x125x64xf32, #tpu.memory_space<vmem>> -> memref<1x125x64xf32, #tpu.memory_space<vmem>>
    %dma_start3A_13 = tpu.memref_squeeze %dma_start3A_12 : memref<1x125x64xf32, #tpu.memory_space<vmem>> -> memref<125x64xf32, #tpu.memory_space<vmem>>
    %dma_start3A_14 = arith.constant 0 : i32
    %dma_start3A_15 = tpu.memref_slice %arg7[%dma_start3A, %dma_start3A_8, %dma_start3A_14] : memref<2x32x125xi32, #tpu.memory_space<vmem>> -> memref<1x1x125xi32, #tpu.memory_space<vmem>>
    %dma_start3A_16 = tpu.memref_squeeze %dma_start3A_15 : memref<1x1x125xi32, #tpu.memory_space<vmem>> -> memref<125xi32, #tpu.memory_space<vmem>>
    %dma_start3A_17 = arith.constant 0 : i32
    %dma_start3A_18 = arith.constant 0 : i32
    %dma_start3A_19 = tpu.memref_slice %arg5[%dma_start3A_17, %dma_start3A_18] : memref<10000x64xf32, #tpu.memory_space<vmem_shared>> -> memref<10000x64xf32, #tpu.memory_space<vmem_shared>>
    tpu.enqueue_indirect_dma source(%dma_start3A_19 : memref<10000x64xf32, #tpu.memory_space<vmem_shared>>) target(%dma_start3A_13 : memref<125x64xf32, #tpu.memory_space<vmem>>) offsets(%dma_start3A_16 : memref<125xi32, #tpu.memory_space<vmem>>) semaphore(%arg10 : memref<!tpu.dma_semaphore, #tpu.memory_space<semaphore_mem>>)
    %dma_start3A_20 = arith.constant 0 : i32
    %dma_start3A_21 = arith.constant 1 : i32
    %dma_start3A_22 = arith.constant 1 : i32
    %dma_start3A_23 = arith.constant 0 : i32
    %dma_start3A_24 = arith.constant 0 : i32
    %dma_start3A_25 = tpu.memref_slice %arg9[%dma_start3A_22, %dma_start3A_23, %dma_start3A_24] : memref<4x125x64xf32, #tpu.memory_space<vmem>> -> memref<1x125x64xf32, #tpu.memory_space<vmem>>
    %dma_start3A_26 = tpu.memref_squeeze %dma_start3A_25 : memref<1x125x64xf32, #tpu.memory_space<vmem>> -> memref<125x64xf32, #tpu.memory_space<vmem>>
    %dma_start3A_27 = arith.constant 0 : i32
    %dma_start3A_28 = tpu.memref_slice %arg7[%dma_start3A_20, %dma_start3A_21, %dma_start3A_27] : memref<2x32x125xi32, #tpu.memory_space<vmem>> -> memref<1x1x125xi32, #tpu.memory_space<vmem>>
    %dma_start3A_29 = tpu.memref_squeeze %dma_start3A_28 : memref<1x1x125xi32, #tpu.memory_space<vmem>> -> memref<125xi32, #tpu.memory_space<vmem>>
    %dma_start3A_30 = arith.constant 0 : i32
    %dma_start3A_31 = arith.constant 0 : i32
    %dma_start3A_32 = tpu.memref_slice %arg5[%dma_start3A_30, %dma_start3A_31] : memref<10000x64xf32, #tpu.memory_space<vmem_shared>> -> memref<10000x64xf32, #tpu.memory_space<vmem_shared>>
    tpu.enqueue_indirect_dma source(%dma_start3A_32 : memref<10000x64xf32, #tpu.memory_space<vmem_shared>>) target(%dma_start3A_26 : memref<125x64xf32, #tpu.memory_space<vmem>>) offsets(%dma_start3A_29 : memref<125xi32, #tpu.memory_space<vmem>>) semaphore(%arg11 : memref<!tpu.dma_semaphore, #tpu.memory_space<semaphore_mem>>)
    %dma_wait3A = arith.constant 0 : i32
    %dma_wait3A_33 = arith.constant 0 : i32
    %dma_wait3A_34 = arith.constant 0 : i32
    %dma_wait3A_35 = arith.constant 0 : i32
    %dma_wait3A_36 = arith.constant 0 : i32
    %dma_wait3A_37 = tpu.memref_slice %arg9[%dma_wait3A_34, %dma_wait3A_35, %dma_wait3A_36] : memref<4x125x64xf32, #tpu.memory_space<vmem>> -> memref<1x125x64xf32, #tpu.memory_space<vmem>>
    %dma_wait3A_38 = tpu.memref_squeeze %dma_wait3A_37 : memref<1x125x64xf32, #tpu.memory_space<vmem>> -> memref<125x64xf32, #tpu.memory_space<vmem>>
    %dma_wait3A_39 = arith.constant 0 : i32
    %dma_wait3A_40 = tpu.memref_slice %arg7[%dma_wait3A, %dma_wait3A_33, %dma_wait3A_39] : memref<2x32x125xi32, #tpu.memory_space<vmem>> -> memref<1x1x125xi32, #tpu.memory_space<vmem>>
    %dma_wait3A_41 = tpu.memref_squeeze %dma_wait3A_40 : memref<1x1x125xi32, #tpu.memory_space<vmem>> -> memref<125xi32, #tpu.memory_space<vmem>>
    %dma_wait3A_42 = arith.constant 0 : i32
    %dma_wait3A_43 = arith.constant 0 : i32
    %dma_wait3A_44 = tpu.memref_slice %arg5[%dma_wait3A_42, %dma_wait3A_43] : memref<10000x64xf32, #tpu.memory_space<vmem_shared>> -> memref<10000x64xf32, #tpu.memory_space<vmem_shared>>
    tpu.wait_indirect_dma semaphore(%arg10 : memref<!tpu.dma_semaphore, #tpu.memory_space<semaphore_mem>>) src(%dma_wait3A_44 : memref<10000x64xf32, #tpu.memory_space<vmem_shared>>) dst(%dma_wait3A_38 : memref<125x64xf32, #tpu.memory_space<vmem>>)
    %dma_start3A_45 = arith.constant 0 : i32
    %dma_start3A_46 = arith.constant 0 : i32
    %dma_start3A_47 = arith.constant 0 : i32
    %dma_start3A_48 = arith.constant 0 : i32
    %dma_start3A_49 = arith.constant 0 : i32
    %dma_start3A_50 = tpu.memref_slice %arg9[%dma_start3A_45, %dma_start3A_48, %dma_start3A_49] : memref<4x125x64xf32, #tpu.memory_space<vmem>> -> memref<1x125x64xf32, #tpu.memory_space<vmem>>
    %dma_start3A_51 = tpu.memref_squeeze %dma_start3A_50 : memref<1x125x64xf32, #tpu.memory_space<vmem>> -> memref<125x64xf32, #tpu.memory_space<vmem>>
    %dma_start3A_52 = arith.constant 0 : i32
    %dma_start3A_53 = tpu.memref_slice %arg8[%dma_start3A_46, %dma_start3A_47, %dma_start3A_52] : memref<2x32x125xi32, #tpu.memory_space<vmem>> -> memref<1x1x125xi32, #tpu.memory_space<vmem>>
    %dma_start3A_54 = tpu.memref_squeeze %dma_start3A_53 : memref<1x1x125xi32, #tpu.memory_space<vmem>> -> memref<125xi32, #tpu.memory_space<vmem>>
    %dma_start3A_55 = arith.constant 0 : i32
    %dma_start3A_56 = arith.constant 0 : i32
    %dma_start3A_57 = tpu.memref_slice %arg6[%dma_start3A_55, %dma_start3A_56] : memref<10000x64xf32, #tpu.memory_space<vmem_shared>> -> memref<10000x64xf32, #tpu.memory_space<vmem_shared>>
    tpu.enqueue_indirect_dma source(%dma_start3A_51 : memref<125x64xf32, #tpu.memory_space<vmem>>) target(%dma_start3A_57 : memref<10000x64xf32, #tpu.memory_space<vmem_shared>>) offsets(%dma_start3A_54 : memref<125xi32, #tpu.memory_space<vmem>>) semaphore(%arg14 : memref<!tpu.dma_semaphore, #tpu.memory_space<semaphore_mem>>) {add = true}
    %dma_start3A_58 = arith.constant 0 : i32
    %dma_start3A_59 = arith.constant 2 : i32
    %dma_start3A_60 = arith.constant 2 : i32
    %dma_start3A_61 = arith.constant 0 : i32
    %dma_start3A_62 = arith.constant 0 : i32
    %dma_start3A_63 = tpu.memref_slice %arg9[%dma_start3A_60, %dma_start3A_61, %dma_start3A_62] : memref<4x125x64xf32, #tpu.memory_space<vmem>> -> memref<1x125x64xf32, #tpu.memory_space<vmem>>
    %dma_start3A_64 = tpu.memref_squeeze %dma_start3A_63 : memref<1x125x64xf32, #tpu.memory_space<vmem>> -> memref<125x64xf32, #tpu.memory_space<vmem>>
    %dma_start3A_65 = arith.constant 0 : i32
    %dma_start3A_66 = tpu.memref_slice %arg7[%dma_start3A_58, %dma_start3A_59, %dma_start3A_65] : memref<2x32x125xi32, #tpu.memory_space<vmem>> -> memref<1x1x125xi32, #tpu.memory_space<vmem>>
    %dma_start3A_67 = tpu.memref_squeeze %dma_start3A_66 : memref<1x1x125xi32, #tpu.memory_space<vmem>> -> memref<125xi32, #tpu.memory_space<vmem>>
    %dma_start3A_68 = arith.constant 0 : i32
    %dma_start3A_69 = arith.constant 0 : i32
    %dma_start3A_70 = tpu.memref_slice %arg5[%dma_start3A_68, %dma_start3A_69] : memref<10000x64xf32, #tpu.memory_space<vmem_shared>> -> memref<10000x64xf32, #tpu.memory_space<vmem_shared>>
    tpu.enqueue_indirect_dma source(%dma_start3A_70 : memref<10000x64xf32, #tpu.memory_space<vmem_shared>>) target(%dma_start3A_64 : memref<125x64xf32, #tpu.memory_space<vmem>>) offsets(%dma_start3A_67 : memref<125xi32, #tpu.memory_space<vmem>>) semaphore(%arg12 : memref<!tpu.dma_semaphore, #tpu.memory_space<semaphore_mem>>)
    %dma_wait3A_71 = arith.constant 0 : i32
    %dma_wait3A_72 = arith.constant 0 : i32
    %dma_wait3A_73 = arith.constant 1 : i32
    %dma_wait3A_74 = arith.constant 0 : i32
    %dma_wait3A_75 = arith.constant 0 : i32
    %dma_wait3A_76 = tpu.memref_slice %arg9[%dma_wait3A_73, %dma_wait3A_74, %dma_wait3A_75] : memref<4x125x64xf32, #tpu.memory_space<vmem>> -> memref<1x125x64xf32, #tpu.memory_space<vmem>>
    %dma_wait3A_77 = tpu.memref_squeeze %dma_wait3A_76 : memref<1x125x64xf32, #tpu.memory_space<vmem>> -> memref<125x64xf32, #tpu.memory_space<vmem>>
    %dma_wait3A_78 = arith.constant 0 : i32
    %dma_wait3A_79 = tpu.memref_slice %arg7[%dma_wait3A_71, %dma_wait3A_72, %dma_wait3A_78] : memref<2x32x125xi32, #tpu.memory_space<vmem>> -> memref<1x1x125xi32, #tpu.memory_space<vmem>>
    %dma_wait3A_80 = tpu.memref_squeeze %dma_wait3A_79 : memref<1x1x125xi32, #tpu.memory_space<vmem>> -> memref<125xi32, #tpu.memory_space<vmem>>
    %dma_wait3A_81 = arith.constant 0 : i32
    %dma_wait3A_82 = arith.constant 0 : i32
    %dma_wait3A_83 = tpu.memref_slice %arg5[%dma_wait3A_81, %dma_wait3A_82] : memref<10000x64xf32, #tpu.memory_space<vmem_shared>> -> memref<10000x64xf32, #tpu.memory_space<vmem_shared>>
    tpu.wait_indirect_dma semaphore(%arg11 : memref<!tpu.dma_semaphore, #tpu.memory_space<semaphore_mem>>) src(%dma_wait3A_83 : memref<10000x64xf32, #tpu.memory_space<vmem_shared>>) dst(%dma_wait3A_77 : memref<125x64xf32, #tpu.memory_space<vmem>>)
    %dma_start3A_84 = arith.constant 1 : i32
    %dma_start3A_85 = arith.constant 0 : i32
    %dma_start3A_86 = arith.constant 1 : i32
    %dma_start3A_87 = arith.constant 0 : i32
    %dma_start3A_88 = arith.constant 0 : i32
    %dma_start3A_89 = tpu.memref_slice %arg9[%dma_start3A_84, %dma_start3A_87, %dma_start3A_88] : memref<4x125x64xf32, #tpu.memory_space<vmem>> -> memref<1x125x64xf32, #tpu.memory_space<vmem>>
    %dma_start3A_90 = tpu.memref_squeeze %dma_start3A_89 : memref<1x125x64xf32, #tpu.memory_space<vmem>> -> memref<125x64xf32, #tpu.memory_space<vmem>>
    %dma_start3A_91 = arith.constant 0 : i32
    %dma_start3A_92 = tpu.memref_slice %arg8[%dma_start3A_85, %dma_start3A_86, %dma_start3A_91] : memref<2x32x125xi32, #tpu.memory_space<vmem>> -> memref<1x1x125xi32, #tpu.memory_space<vmem>>
    %dma_start3A_93 = tpu.memref_squeeze %dma_start3A_92 : memref<1x1x125xi32, #tpu.memory_space<vmem>> -> memref<125xi32, #tpu.memory_space<vmem>>
    %dma_start3A_94 = arith.constant 0 : i32
    %dma_start3A_95 = arith.constant 0 : i32
    %dma_start3A_96 = tpu.memref_slice %arg6[%dma_start3A_94, %dma_start3A_95] : memref<10000x64xf32, #tpu.memory_space<vmem_shared>> -> memref<10000x64xf32, #tpu.memory_space<vmem_shared>>
    tpu.enqueue_indirect_dma source(%dma_start3A_90 : memref<125x64xf32, #tpu.memory_space<vmem>>) target(%dma_start3A_96 : memref<10000x64xf32, #tpu.memory_space<vmem_shared>>) offsets(%dma_start3A_93 : memref<125xi32, #tpu.memory_space<vmem>>) semaphore(%arg15 : memref<!tpu.dma_semaphore, #tpu.memory_space<semaphore_mem>>) {add = true}
    %dma_start3A_97 = arith.constant 0 : i32
    %dma_start3A_98 = arith.constant 3 : i32
    %dma_start3A_99 = arith.constant 3 : i32
    %dma_start3A_100 = arith.constant 0 : i32
    %dma_start3A_101 = arith.constant 0 : i32
    %dma_start3A_102 = tpu.memref_slice %arg9[%dma_start3A_99, %dma_start3A_100, %dma_start3A_101] : memref<4x125x64xf32, #tpu.memory_space<vmem>> -> memref<1x125x64xf32, #tpu.memory_space<vmem>>
    %dma_start3A_103 = tpu.memref_squeeze %dma_start3A_102 : memref<1x125x64xf32, #tpu.memory_space<vmem>> -> memref<125x64xf32, #tpu.memory_space<vmem>>
    %dma_start3A_104 = arith.constant 0 : i32
    %dma_start3A_105 = tpu.memref_slice %arg7[%dma_start3A_97, %dma_start3A_98, %dma_start3A_104] : memref<2x32x125xi32, #tpu.memory_space<vmem>> -> memref<1x1x125xi32, #tpu.memory_space<vmem>>
    %dma_start3A_106 = tpu.memref_squeeze %dma_start3A_105 : memref<1x1x125xi32, #tpu.memory_space<vmem>> -> memref<125xi32, #tpu.memory_space<vmem>>
    %dma_start3A_107 = arith.constant 0 : i32
    %dma_start3A_108 = arith.constant 0 : i32
    %dma_start3A_109 = tpu.memref_slice %arg5[%dma_start3A_107, %dma_start3A_108] : memref<10000x64xf32, #tpu.memory_space<vmem_shared>> -> memref<10000x64xf32, #tpu.memory_space<vmem_shared>>
    tpu.enqueue_indirect_dma source(%dma_start3A_109 : memref<10000x64xf32, #tpu.memory_space<vmem_shared>>) target(%dma_start3A_103 : memref<125x64xf32, #tpu.memory_space<vmem>>) offsets(%dma_start3A_106 : memref<125xi32, #tpu.memory_space<vmem>>) semaphore(%arg13 : memref<!tpu.dma_semaphore, #tpu.memory_space<semaphore_mem>>)
    %dma_start3A_110 = arith.constant 0 : i32
    %dma_start3A_111 = arith.constant 1 : i32
    %dma_start3A_112 = arith.constant 1 : i32
    %dma_start3A_113 = arith.constant 0 : i32
    %dma_start3A_114 = arith.constant 0 : i32
    %dma_start3A_115 = tpu.memref_slice %arg7[%dma_start3A_112, %dma_start3A_113, %dma_start3A_114] : memref<2x32x125xi32, #tpu.memory_space<vmem>> -> memref<1x32x125xi32, #tpu.memory_space<vmem>>
    %dma_start3A_116 = tpu.memref_squeeze %dma_start3A_115 : memref<1x32x125xi32, #tpu.memory_space<vmem>> -> memref<32x125xi32, #tpu.memory_space<vmem>>
    %dma_start3A_117 = arith.constant 0 : i32
    %dma_start3A_118 = arith.constant 0 : i32
    %dma_start3A_119 = tpu.memref_slice %arg3[%dma_start3A_110, %arg1, %dma_start3A_111, %dma_start3A_117, %dma_start3A_118] : memref<2x16x5x32x125xi32, #tpu.memory_space<hbm>> -> memref<1x1x1x32x125xi32, #tpu.memory_space<hbm>>
    %dma_start3A_120 = tpu.memref_squeeze %dma_start3A_119 : memref<1x1x1x32x125xi32, #tpu.memory_space<hbm>> -> memref<32x125xi32, #tpu.memory_space<hbm>>
    %dma_start3A_121 = arith.constant 0 : i32
    %dma_start3A_122 = arith.constant 0 : i32
    %dma_start3A_123 = tpu.memref_slice %arg7[%dma_start3A_112, %dma_start3A_121, %dma_start3A_122] : memref<2x32x125xi32, #tpu.memory_space<vmem>> -> memref<1x32x125xi32, #tpu.memory_space<vmem>>
    %dma_start3A_124 = tpu.memref_squeeze %dma_start3A_123 : memref<1x32x125xi32, #tpu.memory_space<vmem>> -> memref<32x125xi32, #tpu.memory_space<vmem>>
    %dma_start3A_125 = arith.constant 0 : i32
    %dma_start3A_126 = arith.constant 0 : i32
    %dma_start3A_127 = tpu.memref_slice %arg3[%dma_start3A_110, %arg1, %dma_start3A_111, %dma_start3A_125, %dma_start3A_126] : memref<2x16x5x32x125xi32, #tpu.memory_space<hbm>> -> memref<1x1x1x32x125xi32, #tpu.memory_space<hbm>>
    %dma_start3A_128 = tpu.memref_squeeze %dma_start3A_127 : memref<1x1x1x32x125xi32, #tpu.memory_space<hbm>> -> memref<32x125xi32, #tpu.memory_space<hbm>>
    tpu.enqueue_dma source(%dma_start3A_128 : memref<32x125xi32, #tpu.memory_space<hbm>>) target(%dma_start3A_124 : memref<32x125xi32, #tpu.memory_space<vmem>>) target_semaphore(%arg19 : memref<!tpu.dma_semaphore, #tpu.memory_space<semaphore_mem>>)
    %dma_start3A_129 = arith.constant 1 : i32
    %dma_start3A_130 = arith.constant 1 : i32
    %dma_start3A_131 = arith.constant 1 : i32
    %dma_start3A_132 = arith.constant 0 : i32
    %dma_start3A_133 = arith.constant 0 : i32
    %dma_start3A_134 = tpu.memref_slice %arg8[%dma_start3A_131, %dma_start3A_132, %dma_start3A_133] : memref<2x32x125xi32, #tpu.memory_space<vmem>> -> memref<1x32x125xi32, #tpu.memory_space<vmem>>
    %dma_start3A_135 = tpu.memref_squeeze %dma_start3A_134 : memref<1x32x125xi32, #tpu.memory_space<vmem>> -> memref<32x125xi32, #tpu.memory_space<vmem>>
    %dma_start3A_136 = arith.constant 0 : i32
    %dma_start3A_137 = arith.constant 0 : i32
    %dma_start3A_138 = tpu.memref_slice %arg3[%dma_start3A_129, %arg1, %dma_start3A_130, %dma_start3A_136, %dma_start3A_137] : memref<2x16x5x32x125xi32, #tpu.memory_space<hbm>> -> memref<1x1x1x32x125xi32, #tpu.memory_space<hbm>>
    %dma_start3A_139 = tpu.memref_squeeze %dma_start3A_138 : memref<1x1x1x32x125xi32, #tpu.memory_space<hbm>> -> memref<32x125xi32, #tpu.memory_space<hbm>>
    %dma_start3A_140 = arith.constant 0 : i32
    %dma_start3A_141 = arith.constant 0 : i32
    %dma_start3A_142 = tpu.memref_slice %arg8[%dma_start3A_131, %dma_start3A_140, %dma_start3A_141] : memref<2x32x125xi32, #tpu.memory_space<vmem>> -> memref<1x32x125xi32, #tpu.memory_space<vmem>>
    %dma_start3A_143 = tpu.memref_squeeze %dma_start3A_142 : memref<1x32x125xi32, #tpu.memory_space<vmem>> -> memref<32x125xi32, #tpu.memory_space<vmem>>
    %dma_start3A_144 = arith.constant 0 : i32
    %dma_start3A_145 = arith.constant 0 : i32
    %dma_start3A_146 = tpu.memref_slice %arg3[%dma_start3A_129, %arg1, %dma_start3A_130, %dma_start3A_144, %dma_start3A_145] : memref<2x16x5x32x125xi32, #tpu.memory_space<hbm>> -> memref<1x1x1x32x125xi32, #tpu.memory_space<hbm>>
    %dma_start3A_147 = tpu.memref_squeeze %dma_start3A_146 : memref<1x1x1x32x125xi32, #tpu.memory_space<hbm>> -> memref<32x125xi32, #tpu.memory_space<hbm>>
    tpu.enqueue_dma source(%dma_start3A_147 : memref<32x125xi32, #tpu.memory_space<hbm>>) target(%dma_start3A_143 : memref<32x125xi32, #tpu.memory_space<vmem>>) target_semaphore(%arg19 : memref<!tpu.dma_semaphore, #tpu.memory_space<semaphore_mem>>)
    %scan3A = arith.constant 0 : i32
    %scan3A_148 = arith.constant 0 : i32
    %scan3A_149 = arith.constant 7 : i32
    %scan3A_150 = arith.addi %scan3A_148, %scan3A_149 : i32
    %scan3A_151 = arith.constant 1 : i32
    scf.for %scan3A_1380 = %scan3A_148 to %scan3A_150 step %scan3A_151  : i32 {
      %mul3A_1381 = arith.constant 4 : i32
      %mul3A_1382 = arith.muli %mul3A_1381, %scan3A_1380 : i32
      %add3A = arith.constant 2 : i32
      %add3A_1383 = arith.addi %add3A, %mul3A_1382 : i32
      %dma_wait3A_1384 = arith.constant 0 : i32
      %dma_wait3A_1385 = arith.constant 0 : i32
      %dma_wait3A_1386 = arith.constant 2 : i32
      %dma_wait3A_1387 = arith.constant 0 : i32
      %dma_wait3A_1388 = arith.constant 0 : i32
      %dma_wait3A_1389 = tpu.memref_slice %arg9[%dma_wait3A_1386, %dma_wait3A_1387, %dma_wait3A_1388] : memref<4x125x64xf32, #tpu.memory_space<vmem>> -> memref<1x125x64xf32, #tpu.memory_space<vmem>>
      %dma_wait3A_1390 = tpu.memref_squeeze %dma_wait3A_1389 : memref<1x125x64xf32, #tpu.memory_space<vmem>> -> memref<125x64xf32, #tpu.memory_space<vmem>>
      %dma_wait3A_1391 = arith.constant 0 : i32
      %dma_wait3A_1392 = tpu.memref_slice %arg7[%dma_wait3A_1384, %dma_wait3A_1385, %dma_wait3A_1391] : memref<2x32x125xi32, #tpu.memory_space<vmem>> -> memref<1x1x125xi32, #tpu.memory_space<vmem>>
      %dma_wait3A_1393 = tpu.memref_squeeze %dma_wait3A_1392 : memref<1x1x125xi32, #tpu.memory_space<vmem>> -> memref<125xi32, #tpu.memory_space<vmem>>
      %dma_wait3A_1394 = arith.constant 0 : i32
      %dma_wait3A_1395 = arith.constant 0 : i32
      %dma_wait3A_1396 = tpu.memref_slice %arg5[%dma_wait3A_1394, %dma_wait3A_1395] : memref<10000x64xf32, #tpu.memory_space<vmem_shared>> -> memref<10000x64xf32, #tpu.memory_space<vmem_shared>>
      tpu.wait_indirect_dma semaphore(%arg12 : memref<!tpu.dma_semaphore, #tpu.memory_space<semaphore_mem>>) src(%dma_wait3A_1396 : memref<10000x64xf32, #tpu.memory_space<vmem_shared>>) dst(%dma_wait3A_1390 : memref<125x64xf32, #tpu.memory_space<vmem>>)
      %add3A_1397 = arith.constant 0 : i32
      %add3A_1398 = arith.addi %add3A_1383, %add3A_1397 : i32
      %dma_start3A_1399 = arith.constant 2 : i32
      %dma_start3A_1400 = arith.constant 0 : i32
      %dma_start3A_1401 = arith.constant 0 : i32
      %dma_start3A_1402 = arith.constant 0 : i32
      %dma_start3A_1403 = tpu.memref_slice %arg9[%dma_start3A_1399, %dma_start3A_1401, %dma_start3A_1402] : memref<4x125x64xf32, #tpu.memory_space<vmem>> -> memref<1x125x64xf32, #tpu.memory_space<vmem>>
      %dma_start3A_1404 = tpu.memref_squeeze %dma_start3A_1403 : memref<1x125x64xf32, #tpu.memory_space<vmem>> -> memref<125x64xf32, #tpu.memory_space<vmem>>
      %dma_start3A_1405 = arith.constant 0 : i32
      %dma_start3A_1406 = tpu.memref_slice %arg8[%dma_start3A_1400, %add3A_1398, %dma_start3A_1405] : memref<2x32x125xi32, #tpu.memory_space<vmem>> -> memref<1x1x125xi32, #tpu.memory_space<vmem>>
      %dma_start3A_1407 = tpu.memref_squeeze %dma_start3A_1406 : memref<1x1x125xi32, #tpu.memory_space<vmem>> -> memref<125xi32, #tpu.memory_space<vmem>>
      %dma_start3A_1408 = arith.constant 0 : i32
      %dma_start3A_1409 = arith.constant 0 : i32
      %dma_start3A_1410 = tpu.memref_slice %arg6[%dma_start3A_1408, %dma_start3A_1409] : memref<10000x64xf32, #tpu.memory_space<vmem_shared>> -> memref<10000x64xf32, #tpu.memory_space<vmem_shared>>
      tpu.enqueue_indirect_dma source(%dma_start3A_1404 : memref<125x64xf32, #tpu.memory_space<vmem>>) target(%dma_start3A_1410 : memref<10000x64xf32, #tpu.memory_space<vmem_shared>>) offsets(%dma_start3A_1407 : memref<125xi32, #tpu.memory_space<vmem>>) semaphore(%arg16 : memref<!tpu.dma_semaphore, #tpu.memory_space<semaphore_mem>>) {add = true}
      %dma_wait3A_1411 = arith.constant 0 : i32
      %dma_wait3A_1412 = arith.constant 0 : i32
      %dma_wait3A_1413 = arith.constant 0 : i32
      %dma_wait3A_1414 = arith.constant 0 : i32
      %dma_wait3A_1415 = arith.constant 0 : i32
      %dma_wait3A_1416 = tpu.memref_slice %arg9[%dma_wait3A_1411, %dma_wait3A_1414, %dma_wait3A_1415] : memref<4x125x64xf32, #tpu.memory_space<vmem>> -> memref<1x125x64xf32, #tpu.memory_space<vmem>>
      %dma_wait3A_1417 = tpu.memref_squeeze %dma_wait3A_1416 : memref<1x125x64xf32, #tpu.memory_space<vmem>> -> memref<125x64xf32, #tpu.memory_space<vmem>>
      %dma_wait3A_1418 = arith.constant 0 : i32
      %dma_wait3A_1419 = tpu.memref_slice %arg8[%dma_wait3A_1412, %dma_wait3A_1413, %dma_wait3A_1418] : memref<2x32x125xi32, #tpu.memory_space<vmem>> -> memref<1x1x125xi32, #tpu.memory_space<vmem>>
      %dma_wait3A_1420 = tpu.memref_squeeze %dma_wait3A_1419 : memref<1x1x125xi32, #tpu.memory_space<vmem>> -> memref<125xi32, #tpu.memory_space<vmem>>
      %dma_wait3A_1421 = arith.constant 0 : i32
      %dma_wait3A_1422 = arith.constant 0 : i32
      %dma_wait3A_1423 = tpu.memref_slice %arg6[%dma_wait3A_1421, %dma_wait3A_1422] : memref<10000x64xf32, #tpu.memory_space<vmem_shared>> -> memref<10000x64xf32, #tpu.memory_space<vmem_shared>>
      tpu.wait_indirect_dma semaphore(%arg14 : memref<!tpu.dma_semaphore, #tpu.memory_space<semaphore_mem>>) src(%dma_wait3A_1417 : memref<125x64xf32, #tpu.memory_space<vmem>>) dst(%dma_wait3A_1423 : memref<10000x64xf32, #tpu.memory_space<vmem_shared>>)
      %add3A_1424 = arith.constant 0 : i32
      %add3A_1425 = arith.addi %add3A_1383, %add3A_1424 : i32
      %add3A_1426 = arith.constant 2 : i32
      %add3A_1427 = arith.addi %add3A_1425, %add3A_1426 : i32
      %dma_start3A_1428 = arith.constant 0 : i32
      %dma_start3A_1429 = arith.constant 0 : i32
      %dma_start3A_1430 = arith.constant 0 : i32
      %dma_start3A_1431 = arith.constant 0 : i32
      %dma_start3A_1432 = tpu.memref_slice %arg9[%dma_start3A_1429, %dma_start3A_1430, %dma_start3A_1431] : memref<4x125x64xf32, #tpu.memory_space<vmem>> -> memref<1x125x64xf32, #tpu.memory_space<vmem>>
      %dma_start3A_1433 = tpu.memref_squeeze %dma_start3A_1432 : memref<1x125x64xf32, #tpu.memory_space<vmem>> -> memref<125x64xf32, #tpu.memory_space<vmem>>
      %dma_start3A_1434 = arith.constant 0 : i32
      %dma_start3A_1435 = tpu.memref_slice %arg7[%dma_start3A_1428, %add3A_1427, %dma_start3A_1434] : memref<2x32x125xi32, #tpu.memory_space<vmem>> -> memref<1x1x125xi32, #tpu.memory_space<vmem>>
      %dma_start3A_1436 = tpu.memref_squeeze %dma_start3A_1435 : memref<1x1x125xi32, #tpu.memory_space<vmem>> -> memref<125xi32, #tpu.memory_space<vmem>>
      %dma_start3A_1437 = arith.constant 0 : i32
      %dma_start3A_1438 = arith.constant 0 : i32
      %dma_start3A_1439 = tpu.memref_slice %arg5[%dma_start3A_1437, %dma_start3A_1438] : memref<10000x64xf32, #tpu.memory_space<vmem_shared>> -> memref<10000x64xf32, #tpu.memory_space<vmem_shared>>
      tpu.enqueue_indirect_dma source(%dma_start3A_1439 : memref<10000x64xf32, #tpu.memory_space<vmem_shared>>) target(%dma_start3A_1433 : memref<125x64xf32, #tpu.memory_space<vmem>>) offsets(%dma_start3A_1436 : memref<125xi32, #tpu.memory_space<vmem>>) semaphore(%arg10 : memref<!tpu.dma_semaphore, #tpu.memory_space<semaphore_mem>>)
      %dma_wait3A_1440 = arith.constant 0 : i32
      %dma_wait3A_1441 = arith.constant 0 : i32
      %dma_wait3A_1442 = arith.constant 3 : i32
      %dma_wait3A_1443 = arith.constant 0 : i32
      %dma_wait3A_1444 = arith.constant 0 : i32
      %dma_wait3A_1445 = tpu.memref_slice %arg9[%dma_wait3A_1442, %dma_wait3A_1443, %dma_wait3A_1444] : memref<4x125x64xf32, #tpu.memory_space<vmem>> -> memref<1x125x64xf32, #tpu.memory_space<vmem>>
      %dma_wait3A_1446 = tpu.memref_squeeze %dma_wait3A_1445 : memref<1x125x64xf32, #tpu.memory_space<vmem>> -> memref<125x64xf32, #tpu.memory_space<vmem>>
      %dma_wait3A_1447 = arith.constant 0 : i32
      %dma_wait3A_1448 = tpu.memref_slice %arg7[%dma_wait3A_1440, %dma_wait3A_1441, %dma_wait3A_1447] : memref<2x32x125xi32, #tpu.memory_space<vmem>> -> memref<1x1x125xi32, #tpu.memory_space<vmem>>
      %dma_wait3A_1449 = tpu.memref_squeeze %dma_wait3A_1448 : memref<1x1x125xi32, #tpu.memory_space<vmem>> -> memref<125xi32, #tpu.memory_space<vmem>>
      %dma_wait3A_1450 = arith.constant 0 : i32
      %dma_wait3A_1451 = arith.constant 0 : i32
      %dma_wait3A_1452 = tpu.memref_slice %arg5[%dma_wait3A_1450, %dma_wait3A_1451] : memref<10000x64xf32, #tpu.memory_space<vmem_shared>> -> memref<10000x64xf32, #tpu.memory_space<vmem_shared>>
      tpu.wait_indirect_dma semaphore(%arg13 : memref<!tpu.dma_semaphore, #tpu.memory_space<semaphore_mem>>) src(%dma_wait3A_1452 : memref<10000x64xf32, #tpu.memory_space<vmem_shared>>) dst(%dma_wait3A_1446 : memref<125x64xf32, #tpu.memory_space<vmem>>)
      %add3A_1453 = arith.constant 1 : i32
      %add3A_1454 = arith.addi %add3A_1383, %add3A_1453 : i32
      %dma_start3A_1455 = arith.constant 3 : i32
      %dma_start3A_1456 = arith.constant 0 : i32
      %dma_start3A_1457 = arith.constant 0 : i32
      %dma_start3A_1458 = arith.constant 0 : i32
      %dma_start3A_1459 = tpu.memref_slice %arg9[%dma_start3A_1455, %dma_start3A_1457, %dma_start3A_1458] : memref<4x125x64xf32, #tpu.memory_space<vmem>> -> memref<1x125x64xf32, #tpu.memory_space<vmem>>
      %dma_start3A_1460 = tpu.memref_squeeze %dma_start3A_1459 : memref<1x125x64xf32, #tpu.memory_space<vmem>> -> memref<125x64xf32, #tpu.memory_space<vmem>>
      %dma_start3A_1461 = arith.constant 0 : i32
      %dma_start3A_1462 = tpu.memref_slice %arg8[%dma_start3A_1456, %add3A_1454, %dma_start3A_1461] : memref<2x32x125xi32, #tpu.memory_space<vmem>> -> memref<1x1x125xi32, #tpu.memory_space<vmem>>
      %dma_start3A_1463 = tpu.memref_squeeze %dma_start3A_1462 : memref<1x1x125xi32, #tpu.memory_space<vmem>> -> memref<125xi32, #tpu.memory_space<vmem>>
      %dma_start3A_1464 = arith.constant 0 : i32
      %dma_start3A_1465 = arith.constant 0 : i32
      %dma_start3A_1466 = tpu.memref_slice %arg6[%dma_start3A_1464, %dma_start3A_1465] : memref<10000x64xf32, #tpu.memory_space<vmem_shared>> -> memref<10000x64xf32, #tpu.memory_space<vmem_shared>>
      tpu.enqueue_indirect_dma source(%dma_start3A_1460 : memref<125x64xf32, #tpu.memory_space<vmem>>) target(%dma_start3A_1466 : memref<10000x64xf32, #tpu.memory_space<vmem_shared>>) offsets(%dma_start3A_1463 : memref<125xi32, #tpu.memory_space<vmem>>) semaphore(%arg17 : memref<!tpu.dma_semaphore, #tpu.memory_space<semaphore_mem>>) {add = true}
      %dma_wait3A_1467 = arith.constant 0 : i32
      %dma_wait3A_1468 = arith.constant 0 : i32
      %dma_wait3A_1469 = arith.constant 0 : i32
      %dma_wait3A_1470 = arith.constant 0 : i32
      %dma_wait3A_1471 = arith.constant 0 : i32
      %dma_wait3A_1472 = tpu.memref_slice %arg9[%dma_wait3A_1467, %dma_wait3A_1470, %dma_wait3A_1471] : memref<4x125x64xf32, #tpu.memory_space<vmem>> -> memref<1x125x64xf32, #tpu.memory_space<vmem>>
      %dma_wait3A_1473 = tpu.memref_squeeze %dma_wait3A_1472 : memref<1x125x64xf32, #tpu.memory_space<vmem>> -> memref<125x64xf32, #tpu.memory_space<vmem>>
      %dma_wait3A_1474 = arith.constant 0 : i32
      %dma_wait3A_1475 = tpu.memref_slice %arg8[%dma_wait3A_1468, %dma_wait3A_1469, %dma_wait3A_1474] : memref<2x32x125xi32, #tpu.memory_space<vmem>> -> memref<1x1x125xi32, #tpu.memory_space<vmem>>
      %dma_wait3A_1476 = tpu.memref_squeeze %dma_wait3A_1475 : memref<1x1x125xi32, #tpu.memory_space<vmem>> -> memref<125xi32, #tpu.memory_space<vmem>>
      %dma_wait3A_1477 = arith.constant 0 : i32
      %dma_wait3A_1478 = arith.constant 0 : i32
      %dma_wait3A_1479 = tpu.memref_slice %arg6[%dma_wait3A_1477, %dma_wait3A_1478] : memref<10000x64xf32, #tpu.memory_space<vmem_shared>> -> memref<10000x64xf32, #tpu.memory_space<vmem_shared>>
      tpu.wait_indirect_dma semaphore(%arg15 : memref<!tpu.dma_semaphore, #tpu.memory_space<semaphore_mem>>) src(%dma_wait3A_1473 : memref<125x64xf32, #tpu.memory_space<vmem>>) dst(%dma_wait3A_1479 : memref<10000x64xf32, #tpu.memory_space<vmem_shared>>)
      %add3A_1480 = arith.constant 1 : i32
      %add3A_1481 = arith.addi %add3A_1383, %add3A_1480 : i32
      %add3A_1482 = arith.constant 2 : i32
      %add3A_1483 = arith.addi %add3A_1481, %add3A_1482 : i32
      %dma_start3A_1484 = arith.constant 0 : i32
      %dma_start3A_1485 = arith.constant 1 : i32
      %dma_start3A_1486 = arith.constant 0 : i32
      %dma_start3A_1487 = arith.constant 0 : i32
      %dma_start3A_1488 = tpu.memref_slice %arg9[%dma_start3A_1485, %dma_start3A_1486, %dma_start3A_1487] : memref<4x125x64xf32, #tpu.memory_space<vmem>> -> memref<1x125x64xf32, #tpu.memory_space<vmem>>
      %dma_start3A_1489 = tpu.memref_squeeze %dma_start3A_1488 : memref<1x125x64xf32, #tpu.memory_space<vmem>> -> memref<125x64xf32, #tpu.memory_space<vmem>>
      %dma_start3A_1490 = arith.constant 0 : i32
      %dma_start3A_1491 = tpu.memref_slice %arg7[%dma_start3A_1484, %add3A_1483, %dma_start3A_1490] : memref<2x32x125xi32, #tpu.memory_space<vmem>> -> memref<1x1x125xi32, #tpu.memory_space<vmem>>
      %dma_start3A_1492 = tpu.memref_squeeze %dma_start3A_1491 : memref<1x1x125xi32, #tpu.memory_space<vmem>> -> memref<125xi32, #tpu.memory_space<vmem>>
      %dma_start3A_1493 = arith.constant 0 : i32
      %dma_start3A_1494 = arith.constant 0 : i32
      %dma_start3A_1495 = tpu.memref_slice %arg5[%dma_start3A_1493, %dma_start3A_1494] : memref<10000x64xf32, #tpu.memory_space<vmem_shared>> -> memref<10000x64xf32, #tpu.memory_space<vmem_shared>>
      tpu.enqueue_indirect_dma source(%dma_start3A_1495 : memref<10000x64xf32, #tpu.memory_space<vmem_shared>>) target(%dma_start3A_1489 : memref<125x64xf32, #tpu.memory_space<vmem>>) offsets(%dma_start3A_1492 : memref<125xi32, #tpu.memory_space<vmem>>) semaphore(%arg11 : memref<!tpu.dma_semaphore, #tpu.memory_space<semaphore_mem>>)
      %dma_wait3A_1496 = arith.constant 0 : i32
      %dma_wait3A_1497 = arith.constant 0 : i32
      %dma_wait3A_1498 = arith.constant 0 : i32
      %dma_wait3A_1499 = arith.constant 0 : i32
      %dma_wait3A_1500 = arith.constant 0 : i32
      %dma_wait3A_1501 = tpu.memref_slice %arg9[%dma_wait3A_1498, %dma_wait3A_1499, %dma_wait3A_1500] : memref<4x125x64xf32, #tpu.memory_space<vmem>> -> memref<1x125x64xf32, #tpu.memory_space<vmem>>
      %dma_wait3A_1502 = tpu.memref_squeeze %dma_wait3A_1501 : memref<1x125x64xf32, #tpu.memory_space<vmem>> -> memref<125x64xf32, #tpu.memory_space<vmem>>
      %dma_wait3A_1503 = arith.constant 0 : i32
      %dma_wait3A_1504 = tpu.memref_slice %arg7[%dma_wait3A_1496, %dma_wait3A_1497, %dma_wait3A_1503] : memref<2x32x125xi32, #tpu.memory_space<vmem>> -> memref<1x1x125xi32, #tpu.memory_space<vmem>>
      %dma_wait3A_1505 = tpu.memref_squeeze %dma_wait3A_1504 : memref<1x1x125xi32, #tpu.memory_space<vmem>> -> memref<125xi32, #tpu.memory_space<vmem>>
      %dma_wait3A_1506 = arith.constant 0 : i32
      %dma_wait3A_1507 = arith.constant 0 : i32
      %dma_wait3A_1508 = tpu.memref_slice %arg5[%dma_wait3A_1506, %dma_wait3A_1507] : memref<10000x64xf32, #tpu.memory_space<vmem_shared>> -> memref<10000x64xf32, #tpu.memory_space<vmem_shared>>
      tpu.wait_indirect_dma semaphore(%arg10 : memref<!tpu.dma_semaphore, #tpu.memory_space<semaphore_mem>>) src(%dma_wait3A_1508 : memref<10000x64xf32, #tpu.memory_space<vmem_shared>>) dst(%dma_wait3A_1502 : memref<125x64xf32, #tpu.memory_space<vmem>>)
      %add3A_1509 = arith.constant 2 : i32
      %add3A_1510 = arith.addi %add3A_1383, %add3A_1509 : i32
      %dma_start3A_1511 = arith.constant 0 : i32
      %dma_start3A_1512 = arith.constant 0 : i32
      %dma_start3A_1513 = arith.constant 0 : i32
      %dma_start3A_1514 = arith.constant 0 : i32
      %dma_start3A_1515 = tpu.memref_slice %arg9[%dma_start3A_1511, %dma_start3A_1513, %dma_start3A_1514] : memref<4x125x64xf32, #tpu.memory_space<vmem>> -> memref<1x125x64xf32, #tpu.memory_space<vmem>>
      %dma_start3A_1516 = tpu.memref_squeeze %dma_start3A_1515 : memref<1x125x64xf32, #tpu.memory_space<vmem>> -> memref<125x64xf32, #tpu.memory_space<vmem>>
      %dma_start3A_1517 = arith.constant 0 : i32
      %dma_start3A_1518 = tpu.memref_slice %arg8[%dma_start3A_1512, %add3A_1510, %dma_start3A_1517] : memref<2x32x125xi32, #tpu.memory_space<vmem>> -> memref<1x1x125xi32, #tpu.memory_space<vmem>>
      %dma_start3A_1519 = tpu.memref_squeeze %dma_start3A_1518 : memref<1x1x125xi32, #tpu.memory_space<vmem>> -> memref<125xi32, #tpu.memory_space<vmem>>
      %dma_start3A_1520 = arith.constant 0 : i32
      %dma_start3A_1521 = arith.constant 0 : i32
      %dma_start3A_1522 = tpu.memref_slice %arg6[%dma_start3A_1520, %dma_start3A_1521] : memref<10000x64xf32, #tpu.memory_space<vmem_shared>> -> memref<10000x64xf32, #tpu.memory_space<vmem_shared>>
      tpu.enqueue_indirect_dma source(%dma_start3A_1516 : memref<125x64xf32, #tpu.memory_space<vmem>>) target(%dma_start3A_1522 : memref<10000x64xf32, #tpu.memory_space<vmem_shared>>) offsets(%dma_start3A_1519 : memref<125xi32, #tpu.memory_space<vmem>>) semaphore(%arg14 : memref<!tpu.dma_semaphore, #tpu.memory_space<semaphore_mem>>) {add = true}
      %dma_wait3A_1523 = arith.constant 0 : i32
      %dma_wait3A_1524 = arith.constant 0 : i32
      %dma_wait3A_1525 = arith.constant 0 : i32
      %dma_wait3A_1526 = arith.constant 0 : i32
      %dma_wait3A_1527 = arith.constant 0 : i32
      %dma_wait3A_1528 = tpu.memref_slice %arg9[%dma_wait3A_1523, %dma_wait3A_1526, %dma_wait3A_1527] : memref<4x125x64xf32, #tpu.memory_space<vmem>> -> memref<1x125x64xf32, #tpu.memory_space<vmem>>
      %dma_wait3A_1529 = tpu.memref_squeeze %dma_wait3A_1528 : memref<1x125x64xf32, #tpu.memory_space<vmem>> -> memref<125x64xf32, #tpu.memory_space<vmem>>
      %dma_wait3A_1530 = arith.constant 0 : i32
      %dma_wait3A_1531 = tpu.memref_slice %arg8[%dma_wait3A_1524, %dma_wait3A_1525, %dma_wait3A_1530] : memref<2x32x125xi32, #tpu.memory_space<vmem>> -> memref<1x1x125xi32, #tpu.memory_space<vmem>>
      %dma_wait3A_1532 = tpu.memref_squeeze %dma_wait3A_1531 : memref<1x1x125xi32, #tpu.memory_space<vmem>> -> memref<125xi32, #tpu.memory_space<vmem>>
      %dma_wait3A_1533 = arith.constant 0 : i32
      %dma_wait3A_1534 = arith.constant 0 : i32
      %dma_wait3A_1535 = tpu.memref_slice %arg6[%dma_wait3A_1533, %dma_wait3A_1534] : memref<10000x64xf32, #tpu.memory_space<vmem_shared>> -> memref<10000x64xf32, #tpu.memory_space<vmem_shared>>
      tpu.wait_indirect_dma semaphore(%arg16 : memref<!tpu.dma_semaphore, #tpu.memory_space<semaphore_mem>>) src(%dma_wait3A_1529 : memref<125x64xf32, #tpu.memory_space<vmem>>) dst(%dma_wait3A_1535 : memref<10000x64xf32, #tpu.memory_space<vmem_shared>>)
      %add3A_1536 = arith.constant 2 : i32
      %add3A_1537 = arith.addi %add3A_1383, %add3A_1536 : i32
      %add3A_1538 = arith.constant 2 : i32
      %add3A_1539 = arith.addi %add3A_1537, %add3A_1538 : i32
      %dma_start3A_1540 = arith.constant 0 : i32
      %dma_start3A_1541 = arith.constant 2 : i32
      %dma_start3A_1542 = arith.constant 0 : i32
      %dma_start3A_1543 = arith.constant 0 : i32
      %dma_start3A_1544 = tpu.memref_slice %arg9[%dma_start3A_1541, %dma_start3A_1542, %dma_start3A_1543] : memref<4x125x64xf32, #tpu.memory_space<vmem>> -> memref<1x125x64xf32, #tpu.memory_space<vmem>>
      %dma_start3A_1545 = tpu.memref_squeeze %dma_start3A_1544 : memref<1x125x64xf32, #tpu.memory_space<vmem>> -> memref<125x64xf32, #tpu.memory_space<vmem>>
      %dma_start3A_1546 = arith.constant 0 : i32
      %dma_start3A_1547 = tpu.memref_slice %arg7[%dma_start3A_1540, %add3A_1539, %dma_start3A_1546] : memref<2x32x125xi32, #tpu.memory_space<vmem>> -> memref<1x1x125xi32, #tpu.memory_space<vmem>>
      %dma_start3A_1548 = tpu.memref_squeeze %dma_start3A_1547 : memref<1x1x125xi32, #tpu.memory_space<vmem>> -> memref<125xi32, #tpu.memory_space<vmem>>
      %dma_start3A_1549 = arith.constant 0 : i32
      %dma_start3A_1550 = arith.constant 0 : i32
      %dma_start3A_1551 = tpu.memref_slice %arg5[%dma_start3A_1549, %dma_start3A_1550] : memref<10000x64xf32, #tpu.memory_space<vmem_shared>> -> memref<10000x64xf32, #tpu.memory_space<vmem_shared>>
      tpu.enqueue_indirect_dma source(%dma_start3A_1551 : memref<10000x64xf32, #tpu.memory_space<vmem_shared>>) target(%dma_start3A_1545 : memref<125x64xf32, #tpu.memory_space<vmem>>) offsets(%dma_start3A_1548 : memref<125xi32, #tpu.memory_space<vmem>>) semaphore(%arg12 : memref<!tpu.dma_semaphore, #tpu.memory_space<semaphore_mem>>)
      %dma_wait3A_1552 = arith.constant 0 : i32
      %dma_wait3A_1553 = arith.constant 0 : i32
      %dma_wait3A_1554 = arith.constant 1 : i32
      %dma_wait3A_1555 = arith.constant 0 : i32
      %dma_wait3A_1556 = arith.constant 0 : i32
      %dma_wait3A_1557 = tpu.memref_slice %arg9[%dma_wait3A_1554, %dma_wait3A_1555, %dma_wait3A_1556] : memref<4x125x64xf32, #tpu.memory_space<vmem>> -> memref<1x125x64xf32, #tpu.memory_space<vmem>>
      %dma_wait3A_1558 = tpu.memref_squeeze %dma_wait3A_1557 : memref<1x125x64xf32, #tpu.memory_space<vmem>> -> memref<125x64xf32, #tpu.memory_space<vmem>>
      %dma_wait3A_1559 = arith.constant 0 : i32
      %dma_wait3A_1560 = tpu.memref_slice %arg7[%dma_wait3A_1552, %dma_wait3A_1553, %dma_wait3A_1559] : memref<2x32x125xi32, #tpu.memory_space<vmem>> -> memref<1x1x125xi32, #tpu.memory_space<vmem>>
      %dma_wait3A_1561 = tpu.memref_squeeze %dma_wait3A_1560 : memref<1x1x125xi32, #tpu.memory_space<vmem>> -> memref<125xi32, #tpu.memory_space<vmem>>
      %dma_wait3A_1562 = arith.constant 0 : i32
      %dma_wait3A_1563 = arith.constant 0 : i32
      %dma_wait3A_1564 = tpu.memref_slice %arg5[%dma_wait3A_1562, %dma_wait3A_1563] : memref<10000x64xf32, #tpu.memory_space<vmem_shared>> -> memref<10000x64xf32, #tpu.memory_space<vmem_shared>>
      tpu.wait_indirect_dma semaphore(%arg11 : memref<!tpu.dma_semaphore, #tpu.memory_space<semaphore_mem>>) src(%dma_wait3A_1564 : memref<10000x64xf32, #tpu.memory_space<vmem_shared>>) dst(%dma_wait3A_1558 : memref<125x64xf32, #tpu.memory_space<vmem>>)
      %add3A_1565 = arith.constant 3 : i32
      %add3A_1566 = arith.addi %add3A_1383, %add3A_1565 : i32
      %dma_start3A_1567 = arith.constant 1 : i32
      %dma_start3A_1568 = arith.constant 0 : i32
      %dma_start3A_1569 = arith.constant 0 : i32
      %dma_start3A_1570 = arith.constant 0 : i32
      %dma_start3A_1571 = tpu.memref_slice %arg9[%dma_start3A_1567, %dma_start3A_1569, %dma_start3A_1570] : memref<4x125x64xf32, #tpu.memory_space<vmem>> -> memref<1x125x64xf32, #tpu.memory_space<vmem>>
      %dma_start3A_1572 = tpu.memref_squeeze %dma_start3A_1571 : memref<1x125x64xf32, #tpu.memory_space<vmem>> -> memref<125x64xf32, #tpu.memory_space<vmem>>
      %dma_start3A_1573 = arith.constant 0 : i32
      %dma_start3A_1574 = tpu.memref_slice %arg8[%dma_start3A_1568, %add3A_1566, %dma_start3A_1573] : memref<2x32x125xi32, #tpu.memory_space<vmem>> -> memref<1x1x125xi32, #tpu.memory_space<vmem>>
      %dma_start3A_1575 = tpu.memref_squeeze %dma_start3A_1574 : memref<1x1x125xi32, #tpu.memory_space<vmem>> -> memref<125xi32, #tpu.memory_space<vmem>>
      %dma_start3A_1576 = arith.constant 0 : i32
      %dma_start3A_1577 = arith.constant 0 : i32
      %dma_start3A_1578 = tpu.memref_slice %arg6[%dma_start3A_1576, %dma_start3A_1577] : memref<10000x64xf32, #tpu.memory_space<vmem_shared>> -> memref<10000x64xf32, #tpu.memory_space<vmem_shared>>
      tpu.enqueue_indirect_dma source(%dma_start3A_1572 : memref<125x64xf32, #tpu.memory_space<vmem>>) target(%dma_start3A_1578 : memref<10000x64xf32, #tpu.memory_space<vmem_shared>>) offsets(%dma_start3A_1575 : memref<125xi32, #tpu.memory_space<vmem>>) semaphore(%arg15 : memref<!tpu.dma_semaphore, #tpu.memory_space<semaphore_mem>>) {add = true}
      %dma_wait3A_1579 = arith.constant 0 : i32
      %dma_wait3A_1580 = arith.constant 0 : i32
      %dma_wait3A_1581 = arith.constant 0 : i32
      %dma_wait3A_1582 = arith.constant 0 : i32
      %dma_wait3A_1583 = arith.constant 0 : i32
      %dma_wait3A_1584 = tpu.memref_slice %arg9[%dma_wait3A_1579, %dma_wait3A_1582, %dma_wait3A_1583] : memref<4x125x64xf32, #tpu.memory_space<vmem>> -> memref<1x125x64xf32, #tpu.memory_space<vmem>>
      %dma_wait3A_1585 = tpu.memref_squeeze %dma_wait3A_1584 : memref<1x125x64xf32, #tpu.memory_space<vmem>> -> memref<125x64xf32, #tpu.memory_space<vmem>>
      %dma_wait3A_1586 = arith.constant 0 : i32
      %dma_wait3A_1587 = tpu.memref_slice %arg8[%dma_wait3A_1580, %dma_wait3A_1581, %dma_wait3A_1586] : memref<2x32x125xi32, #tpu.memory_space<vmem>> -> memref<1x1x125xi32, #tpu.memory_space<vmem>>
      %dma_wait3A_1588 = tpu.memref_squeeze %dma_wait3A_1587 : memref<1x1x125xi32, #tpu.memory_space<vmem>> -> memref<125xi32, #tpu.memory_space<vmem>>
      %dma_wait3A_1589 = arith.constant 0 : i32
      %dma_wait3A_1590 = arith.constant 0 : i32
      %dma_wait3A_1591 = tpu.memref_slice %arg6[%dma_wait3A_1589, %dma_wait3A_1590] : memref<10000x64xf32, #tpu.memory_space<vmem_shared>> -> memref<10000x64xf32, #tpu.memory_space<vmem_shared>>
      tpu.wait_indirect_dma semaphore(%arg17 : memref<!tpu.dma_semaphore, #tpu.memory_space<semaphore_mem>>) src(%dma_wait3A_1585 : memref<125x64xf32, #tpu.memory_space<vmem>>) dst(%dma_wait3A_1591 : memref<10000x64xf32, #tpu.memory_space<vmem_shared>>)
      %add3A_1592 = arith.constant 3 : i32
      %add3A_1593 = arith.addi %add3A_1383, %add3A_1592 : i32
      %add3A_1594 = arith.constant 2 : i32
      %add3A_1595 = arith.addi %add3A_1593, %add3A_1594 : i32
      %dma_start3A_1596 = arith.constant 0 : i32
      %dma_start3A_1597 = arith.constant 3 : i32
      %dma_start3A_1598 = arith.constant 0 : i32
      %dma_start3A_1599 = arith.constant 0 : i32
      %dma_start3A_1600 = tpu.memref_slice %arg9[%dma_start3A_1597, %dma_start3A_1598, %dma_start3A_1599] : memref<4x125x64xf32, #tpu.memory_space<vmem>> -> memref<1x125x64xf32, #tpu.memory_space<vmem>>
      %dma_start3A_1601 = tpu.memref_squeeze %dma_start3A_1600 : memref<1x125x64xf32, #tpu.memory_space<vmem>> -> memref<125x64xf32, #tpu.memory_space<vmem>>
      %dma_start3A_1602 = arith.constant 0 : i32
      %dma_start3A_1603 = tpu.memref_slice %arg7[%dma_start3A_1596, %add3A_1595, %dma_start3A_1602] : memref<2x32x125xi32, #tpu.memory_space<vmem>> -> memref<1x1x125xi32, #tpu.memory_space<vmem>>
      %dma_start3A_1604 = tpu.memref_squeeze %dma_start3A_1603 : memref<1x1x125xi32, #tpu.memory_space<vmem>> -> memref<125xi32, #tpu.memory_space<vmem>>
      %dma_start3A_1605 = arith.constant 0 : i32
      %dma_start3A_1606 = arith.constant 0 : i32
      %dma_start3A_1607 = tpu.memref_slice %arg5[%dma_start3A_1605, %dma_start3A_1606] : memref<10000x64xf32, #tpu.memory_space<vmem_shared>> -> memref<10000x64xf32, #tpu.memory_space<vmem_shared>>
      tpu.enqueue_indirect_dma source(%dma_start3A_1607 : memref<10000x64xf32, #tpu.memory_space<vmem_shared>>) target(%dma_start3A_1601 : memref<125x64xf32, #tpu.memory_space<vmem>>) offsets(%dma_start3A_1604 : memref<125xi32, #tpu.memory_space<vmem>>) semaphore(%arg13 : memref<!tpu.dma_semaphore, #tpu.memory_space<semaphore_mem>>)
    }
    %scan3A_152 = arith.constant 7 : i32
    %dma_wait3A_153 = arith.constant 0 : i32
    %dma_wait3A_154 = arith.constant 0 : i32
    %dma_wait3A_155 = arith.constant 1 : i32
    %dma_wait3A_156 = arith.constant 0 : i32
    %dma_wait3A_157 = arith.constant 0 : i32
    %dma_wait3A_158 = tpu.memref_slice %arg7[%dma_wait3A_155, %dma_wait3A_156, %dma_wait3A_157] : memref<2x32x125xi32, #tpu.memory_space<vmem>> -> memref<1x32x125xi32, #tpu.memory_space<vmem>>
    %dma_wait3A_159 = tpu.memref_squeeze %dma_wait3A_158 : memref<1x32x125xi32, #tpu.memory_space<vmem>> -> memref<32x125xi32, #tpu.memory_space<vmem>>
    %dma_wait3A_160 = arith.constant 0 : i32
    %dma_wait3A_161 = arith.constant 0 : i32
    %dma_wait3A_162 = tpu.memref_slice %arg3[%dma_wait3A_153, %arg1, %dma_wait3A_154, %dma_wait3A_160, %dma_wait3A_161] : memref<2x16x5x32x125xi32, #tpu.memory_space<hbm>> -> memref<1x1x1x32x125xi32, #tpu.memory_space<hbm>>
    %dma_wait3A_163 = tpu.memref_squeeze %dma_wait3A_162 : memref<1x1x1x32x125xi32, #tpu.memory_space<hbm>> -> memref<32x125xi32, #tpu.memory_space<hbm>>
    %dma_wait3A_164 = arith.constant 0 : i32
    %dma_wait3A_165 = arith.constant 0 : i32
    %dma_wait3A_166 = tpu.memref_slice %arg7[%dma_wait3A_155, %dma_wait3A_164, %dma_wait3A_165] : memref<2x32x125xi32, #tpu.memory_space<vmem>> -> memref<1x32x125xi32, #tpu.memory_space<vmem>>
    %dma_wait3A_167 = tpu.memref_squeeze %dma_wait3A_166 : memref<1x32x125xi32, #tpu.memory_space<vmem>> -> memref<32x125xi32, #tpu.memory_space<vmem>>
    %dma_wait3A_168 = arith.constant 0 : i32
    %dma_wait3A_169 = arith.constant 0 : i32
    %dma_wait3A_170 = tpu.memref_slice %arg3[%dma_wait3A_153, %arg1, %dma_wait3A_154, %dma_wait3A_168, %dma_wait3A_169] : memref<2x16x5x32x125xi32, #tpu.memory_space<hbm>> -> memref<1x1x1x32x125xi32, #tpu.memory_space<hbm>>
    %dma_wait3A_171 = tpu.memref_squeeze %dma_wait3A_170 : memref<1x1x1x32x125xi32, #tpu.memory_space<hbm>> -> memref<32x125xi32, #tpu.memory_space<hbm>>
    tpu.wait_dma2 semaphore(%arg19 : memref<!tpu.dma_semaphore, #tpu.memory_space<semaphore_mem>>) src(%dma_wait3A_171 : memref<32x125xi32, #tpu.memory_space<hbm>>) dst(%dma_wait3A_167 : memref<32x125xi32, #tpu.memory_space<vmem>>)
    %dma_wait3A_172 = arith.constant 1 : i32
    %dma_wait3A_173 = arith.constant 0 : i32
    %dma_wait3A_174 = arith.constant 1 : i32
    %dma_wait3A_175 = arith.constant 0 : i32
    %dma_wait3A_176 = arith.constant 0 : i32
    %dma_wait3A_177 = tpu.memref_slice %arg8[%dma_wait3A_174, %dma_wait3A_175, %dma_wait3A_176] : memref<2x32x125xi32, #tpu.memory_space<vmem>> -> memref<1x32x125xi32, #tpu.memory_space<vmem>>
    %dma_wait3A_178 = tpu.memref_squeeze %dma_wait3A_177 : memref<1x32x125xi32, #tpu.memory_space<vmem>> -> memref<32x125xi32, #tpu.memory_space<vmem>>
    %dma_wait3A_179 = arith.constant 0 : i32
    %dma_wait3A_180 = arith.constant 0 : i32
    %dma_wait3A_181 = tpu.memref_slice %arg3[%dma_wait3A_172, %arg1, %dma_wait3A_173, %dma_wait3A_179, %dma_wait3A_180] : memref<2x16x5x32x125xi32, #tpu.memory_space<hbm>> -> memref<1x1x1x32x125xi32, #tpu.memory_space<hbm>>
    %dma_wait3A_182 = tpu.memref_squeeze %dma_wait3A_181 : memref<1x1x1x32x125xi32, #tpu.memory_space<hbm>> -> memref<32x125xi32, #tpu.memory_space<hbm>>
    %dma_wait3A_183 = arith.constant 0 : i32
    %dma_wait3A_184 = arith.constant 0 : i32
    %dma_wait3A_185 = tpu.memref_slice %arg8[%dma_wait3A_174, %dma_wait3A_183, %dma_wait3A_184] : memref<2x32x125xi32, #tpu.memory_space<vmem>> -> memref<1x32x125xi32, #tpu.memory_space<vmem>>
    %dma_wait3A_186 = tpu.memref_squeeze %dma_wait3A_185 : memref<1x32x125xi32, #tpu.memory_space<vmem>> -> memref<32x125xi32, #tpu.memory_space<vmem>>
    %dma_wait3A_187 = arith.constant 0 : i32
    %dma_wait3A_188 = arith.constant 0 : i32
    %dma_wait3A_189 = tpu.memref_slice %arg3[%dma_wait3A_172, %arg1, %dma_wait3A_173, %dma_wait3A_187, %dma_wait3A_188] : memref<2x16x5x32x125xi32, #tpu.memory_space<hbm>> -> memref<1x1x1x32x125xi32, #tpu.memory_space<hbm>>
    %dma_wait3A_190 = tpu.memref_squeeze %dma_wait3A_189 : memref<1x1x1x32x125xi32, #tpu.memory_space<hbm>> -> memref<32x125xi32, #tpu.memory_space<hbm>>
    tpu.wait_dma2 semaphore(%arg19 : memref<!tpu.dma_semaphore, #tpu.memory_space<semaphore_mem>>) src(%dma_wait3A_190 : memref<32x125xi32, #tpu.memory_space<hbm>>) dst(%dma_wait3A_186 : memref<32x125xi32, #tpu.memory_space<vmem>>)
    %dma_wait3A_191 = arith.constant 0 : i32
    %dma_wait3A_192 = arith.constant 0 : i32
    %dma_wait3A_193 = arith.constant 2 : i32
    %dma_wait3A_194 = arith.constant 0 : i32
    %dma_wait3A_195 = arith.constant 0 : i32
    %dma_wait3A_196 = tpu.memref_slice %arg9[%dma_wait3A_193, %dma_wait3A_194, %dma_wait3A_195] : memref<4x125x64xf32, #tpu.memory_space<vmem>> -> memref<1x125x64xf32, #tpu.memory_space<vmem>>
    %dma_wait3A_197 = tpu.memref_squeeze %dma_wait3A_196 : memref<1x125x64xf32, #tpu.memory_space<vmem>> -> memref<125x64xf32, #tpu.memory_space<vmem>>
    %dma_wait3A_198 = arith.constant 0 : i32
    %dma_wait3A_199 = tpu.memref_slice %arg7[%dma_wait3A_191, %dma_wait3A_192, %dma_wait3A_198] : memref<2x32x125xi32, #tpu.memory_space<vmem>> -> memref<1x1x125xi32, #tpu.memory_space<vmem>>
    %dma_wait3A_200 = tpu.memref_squeeze %dma_wait3A_199 : memref<1x1x125xi32, #tpu.memory_space<vmem>> -> memref<125xi32, #tpu.memory_space<vmem>>
    %dma_wait3A_201 = arith.constant 0 : i32
    %dma_wait3A_202 = arith.constant 0 : i32
    %dma_wait3A_203 = tpu.memref_slice %arg5[%dma_wait3A_201, %dma_wait3A_202] : memref<10000x64xf32, #tpu.memory_space<vmem_shared>> -> memref<10000x64xf32, #tpu.memory_space<vmem_shared>>
    tpu.wait_indirect_dma semaphore(%arg12 : memref<!tpu.dma_semaphore, #tpu.memory_space<semaphore_mem>>) src(%dma_wait3A_203 : memref<10000x64xf32, #tpu.memory_space<vmem_shared>>) dst(%dma_wait3A_197 : memref<125x64xf32, #tpu.memory_space<vmem>>)
    %dma_start3A_204 = arith.constant 2 : i32
    %dma_start3A_205 = arith.constant 0 : i32
    %dma_start3A_206 = arith.constant 30 : i32
    %dma_start3A_207 = arith.constant 0 : i32
    %dma_start3A_208 = arith.constant 0 : i32
    %dma_start3A_209 = tpu.memref_slice %arg9[%dma_start3A_204, %dma_start3A_207, %dma_start3A_208] : memref<4x125x64xf32, #tpu.memory_space<vmem>> -> memref<1x125x64xf32, #tpu.memory_space<vmem>>
    %dma_start3A_210 = tpu.memref_squeeze %dma_start3A_209 : memref<1x125x64xf32, #tpu.memory_space<vmem>> -> memref<125x64xf32, #tpu.memory_space<vmem>>
    %dma_start3A_211 = arith.constant 0 : i32
    %dma_start3A_212 = tpu.memref_slice %arg8[%dma_start3A_205, %dma_start3A_206, %dma_start3A_211] : memref<2x32x125xi32, #tpu.memory_space<vmem>> -> memref<1x1x125xi32, #tpu.memory_space<vmem>>
    %dma_start3A_213 = tpu.memref_squeeze %dma_start3A_212 : memref<1x1x125xi32, #tpu.memory_space<vmem>> -> memref<125xi32, #tpu.memory_space<vmem>>
    %dma_start3A_214 = arith.constant 0 : i32
    %dma_start3A_215 = arith.constant 0 : i32
    %dma_start3A_216 = tpu.memref_slice %arg6[%dma_start3A_214, %dma_start3A_215] : memref<10000x64xf32, #tpu.memory_space<vmem_shared>> -> memref<10000x64xf32, #tpu.memory_space<vmem_shared>>
    tpu.enqueue_indirect_dma source(%dma_start3A_210 : memref<125x64xf32, #tpu.memory_space<vmem>>) target(%dma_start3A_216 : memref<10000x64xf32, #tpu.memory_space<vmem_shared>>) offsets(%dma_start3A_213 : memref<125xi32, #tpu.memory_space<vmem>>) semaphore(%arg16 : memref<!tpu.dma_semaphore, #tpu.memory_space<semaphore_mem>>) {add = true}
    %dma_wait3A_217 = arith.constant 0 : i32
    %dma_wait3A_218 = arith.constant 0 : i32
    %dma_wait3A_219 = arith.constant 0 : i32
    %dma_wait3A_220 = arith.constant 0 : i32
    %dma_wait3A_221 = arith.constant 0 : i32
    %dma_wait3A_222 = tpu.memref_slice %arg9[%dma_wait3A_217, %dma_wait3A_220, %dma_wait3A_221] : memref<4x125x64xf32, #tpu.memory_space<vmem>> -> memref<1x125x64xf32, #tpu.memory_space<vmem>>
    %dma_wait3A_223 = tpu.memref_squeeze %dma_wait3A_222 : memref<1x125x64xf32, #tpu.memory_space<vmem>> -> memref<125x64xf32, #tpu.memory_space<vmem>>
    %dma_wait3A_224 = arith.constant 0 : i32
    %dma_wait3A_225 = tpu.memref_slice %arg8[%dma_wait3A_218, %dma_wait3A_219, %dma_wait3A_224] : memref<2x32x125xi32, #tpu.memory_space<vmem>> -> memref<1x1x125xi32, #tpu.memory_space<vmem>>
    %dma_wait3A_226 = tpu.memref_squeeze %dma_wait3A_225 : memref<1x1x125xi32, #tpu.memory_space<vmem>> -> memref<125xi32, #tpu.memory_space<vmem>>
    %dma_wait3A_227 = arith.constant 0 : i32
    %dma_wait3A_228 = arith.constant 0 : i32
    %dma_wait3A_229 = tpu.memref_slice %arg6[%dma_wait3A_227, %dma_wait3A_228] : memref<10000x64xf32, #tpu.memory_space<vmem_shared>> -> memref<10000x64xf32, #tpu.memory_space<vmem_shared>>
    tpu.wait_indirect_dma semaphore(%arg14 : memref<!tpu.dma_semaphore, #tpu.memory_space<semaphore_mem>>) src(%dma_wait3A_223 : memref<125x64xf32, #tpu.memory_space<vmem>>) dst(%dma_wait3A_229 : memref<10000x64xf32, #tpu.memory_space<vmem_shared>>)
    %dma_start3A_230 = arith.constant 1 : i32
    %dma_start3A_231 = arith.constant 0 : i32
    %dma_start3A_232 = arith.constant 0 : i32
    %dma_start3A_233 = arith.constant 0 : i32
    %dma_start3A_234 = arith.constant 0 : i32
    %dma_start3A_235 = tpu.memref_slice %arg9[%dma_start3A_232, %dma_start3A_233, %dma_start3A_234] : memref<4x125x64xf32, #tpu.memory_space<vmem>> -> memref<1x125x64xf32, #tpu.memory_space<vmem>>
    %dma_start3A_236 = tpu.memref_squeeze %dma_start3A_235 : memref<1x125x64xf32, #tpu.memory_space<vmem>> -> memref<125x64xf32, #tpu.memory_space<vmem>>
    %dma_start3A_237 = arith.constant 0 : i32
    %dma_start3A_238 = tpu.memref_slice %arg7[%dma_start3A_230, %dma_start3A_231, %dma_start3A_237] : memref<2x32x125xi32, #tpu.memory_space<vmem>> -> memref<1x1x125xi32, #tpu.memory_space<vmem>>
    %dma_start3A_239 = tpu.memref_squeeze %dma_start3A_238 : memref<1x1x125xi32, #tpu.memory_space<vmem>> -> memref<125xi32, #tpu.memory_space<vmem>>
    %dma_start3A_240 = arith.constant 0 : i32
    %dma_start3A_241 = arith.constant 0 : i32
    %dma_start3A_242 = tpu.memref_slice %arg5[%dma_start3A_240, %dma_start3A_241] : memref<10000x64xf32, #tpu.memory_space<vmem_shared>> -> memref<10000x64xf32, #tpu.memory_space<vmem_shared>>
    tpu.enqueue_indirect_dma source(%dma_start3A_242 : memref<10000x64xf32, #tpu.memory_space<vmem_shared>>) target(%dma_start3A_236 : memref<125x64xf32, #tpu.memory_space<vmem>>) offsets(%dma_start3A_239 : memref<125xi32, #tpu.memory_space<vmem>>) semaphore(%arg10 : memref<!tpu.dma_semaphore, #tpu.memory_space<semaphore_mem>>)
    %dma_wait3A_243 = arith.constant 0 : i32
    %dma_wait3A_244 = arith.constant 0 : i32
    %dma_wait3A_245 = arith.constant 3 : i32
    %dma_wait3A_246 = arith.constant 0 : i32
    %dma_wait3A_247 = arith.constant 0 : i32
    %dma_wait3A_248 = tpu.memref_slice %arg9[%dma_wait3A_245, %dma_wait3A_246, %dma_wait3A_247] : memref<4x125x64xf32, #tpu.memory_space<vmem>> -> memref<1x125x64xf32, #tpu.memory_space<vmem>>
    %dma_wait3A_249 = tpu.memref_squeeze %dma_wait3A_248 : memref<1x125x64xf32, #tpu.memory_space<vmem>> -> memref<125x64xf32, #tpu.memory_space<vmem>>
    %dma_wait3A_250 = arith.constant 0 : i32
    %dma_wait3A_251 = tpu.memref_slice %arg7[%dma_wait3A_243, %dma_wait3A_244, %dma_wait3A_250] : memref<2x32x125xi32, #tpu.memory_space<vmem>> -> memref<1x1x125xi32, #tpu.memory_space<vmem>>
    %dma_wait3A_252 = tpu.memref_squeeze %dma_wait3A_251 : memref<1x1x125xi32, #tpu.memory_space<vmem>> -> memref<125xi32, #tpu.memory_space<vmem>>
    %dma_wait3A_253 = arith.constant 0 : i32
    %dma_wait3A_254 = arith.constant 0 : i32
    %dma_wait3A_255 = tpu.memref_slice %arg5[%dma_wait3A_253, %dma_wait3A_254] : memref<10000x64xf32, #tpu.memory_space<vmem_shared>> -> memref<10000x64xf32, #tpu.memory_space<vmem_shared>>
    tpu.wait_indirect_dma semaphore(%arg13 : memref<!tpu.dma_semaphore, #tpu.memory_space<semaphore_mem>>) src(%dma_wait3A_255 : memref<10000x64xf32, #tpu.memory_space<vmem_shared>>) dst(%dma_wait3A_249 : memref<125x64xf32, #tpu.memory_space<vmem>>)
    %dma_start3A_256 = arith.constant 3 : i32
    %dma_start3A_257 = arith.constant 0 : i32
    %dma_start3A_258 = arith.constant 31 : i32
    %dma_start3A_259 = arith.constant 0 : i32
    %dma_start3A_260 = arith.constant 0 : i32
    %dma_start3A_261 = tpu.memref_slice %arg9[%dma_start3A_256, %dma_start3A_259, %dma_start3A_260] : memref<4x125x64xf32, #tpu.memory_space<vmem>> -> memref<1x125x64xf32, #tpu.memory_space<vmem>>
    %dma_start3A_262 = tpu.memref_squeeze %dma_start3A_261 : memref<1x125x64xf32, #tpu.memory_space<vmem>> -> memref<125x64xf32, #tpu.memory_space<vmem>>
    %dma_start3A_263 = arith.constant 0 : i32
    %dma_start3A_264 = tpu.memref_slice %arg8[%dma_start3A_257, %dma_start3A_258, %dma_start3A_263] : memref<2x32x125xi32, #tpu.memory_space<vmem>> -> memref<1x1x125xi32, #tpu.memory_space<vmem>>
    %dma_start3A_265 = tpu.memref_squeeze %dma_start3A_264 : memref<1x1x125xi32, #tpu.memory_space<vmem>> -> memref<125xi32, #tpu.memory_space<vmem>>
    %dma_start3A_266 = arith.constant 0 : i32
    %dma_start3A_267 = arith.constant 0 : i32
    %dma_start3A_268 = tpu.memref_slice %arg6[%dma_start3A_266, %dma_start3A_267] : memref<10000x64xf32, #tpu.memory_space<vmem_shared>> -> memref<10000x64xf32, #tpu.memory_space<vmem_shared>>
    tpu.enqueue_indirect_dma source(%dma_start3A_262 : memref<125x64xf32, #tpu.memory_space<vmem>>) target(%dma_start3A_268 : memref<10000x64xf32, #tpu.memory_space<vmem_shared>>) offsets(%dma_start3A_265 : memref<125xi32, #tpu.memory_space<vmem>>) semaphore(%arg17 : memref<!tpu.dma_semaphore, #tpu.memory_space<semaphore_mem>>) {add = true}
    %dma_wait3A_269 = arith.constant 0 : i32
    %dma_wait3A_270 = arith.constant 0 : i32
    %dma_wait3A_271 = arith.constant 0 : i32
    %dma_wait3A_272 = arith.constant 0 : i32
    %dma_wait3A_273 = arith.constant 0 : i32
    %dma_wait3A_274 = tpu.memref_slice %arg9[%dma_wait3A_269, %dma_wait3A_272, %dma_wait3A_273] : memref<4x125x64xf32, #tpu.memory_space<vmem>> -> memref<1x125x64xf32, #tpu.memory_space<vmem>>
    %dma_wait3A_275 = tpu.memref_squeeze %dma_wait3A_274 : memref<1x125x64xf32, #tpu.memory_space<vmem>> -> memref<125x64xf32, #tpu.memory_space<vmem>>
    %dma_wait3A_276 = arith.constant 0 : i32
    %dma_wait3A_277 = tpu.memref_slice %arg8[%dma_wait3A_270, %dma_wait3A_271, %dma_wait3A_276] : memref<2x32x125xi32, #tpu.memory_space<vmem>> -> memref<1x1x125xi32, #tpu.memory_space<vmem>>
    %dma_wait3A_278 = tpu.memref_squeeze %dma_wait3A_277 : memref<1x1x125xi32, #tpu.memory_space<vmem>> -> memref<125xi32, #tpu.memory_space<vmem>>
    %dma_wait3A_279 = arith.constant 0 : i32
    %dma_wait3A_280 = arith.constant 0 : i32
    %dma_wait3A_281 = tpu.memref_slice %arg6[%dma_wait3A_279, %dma_wait3A_280] : memref<10000x64xf32, #tpu.memory_space<vmem_shared>> -> memref<10000x64xf32, #tpu.memory_space<vmem_shared>>
    tpu.wait_indirect_dma semaphore(%arg15 : memref<!tpu.dma_semaphore, #tpu.memory_space<semaphore_mem>>) src(%dma_wait3A_275 : memref<125x64xf32, #tpu.memory_space<vmem>>) dst(%dma_wait3A_281 : memref<10000x64xf32, #tpu.memory_space<vmem_shared>>)
    %dma_start3A_282 = arith.constant 1 : i32
    %dma_start3A_283 = arith.constant 1 : i32
    %dma_start3A_284 = arith.constant 1 : i32
    %dma_start3A_285 = arith.constant 0 : i32
    %dma_start3A_286 = arith.constant 0 : i32
    %dma_start3A_287 = tpu.memref_slice %arg9[%dma_start3A_284, %dma_start3A_285, %dma_start3A_286] : memref<4x125x64xf32, #tpu.memory_space<vmem>> -> memref<1x125x64xf32, #tpu.memory_space<vmem>>
    %dma_start3A_288 = tpu.memref_squeeze %dma_start3A_287 : memref<1x125x64xf32, #tpu.memory_space<vmem>> -> memref<125x64xf32, #tpu.memory_space<vmem>>
    %dma_start3A_289 = arith.constant 0 : i32
    %dma_start3A_290 = tpu.memref_slice %arg7[%dma_start3A_282, %dma_start3A_283, %dma_start3A_289] : memref<2x32x125xi32, #tpu.memory_space<vmem>> -> memref<1x1x125xi32, #tpu.memory_space<vmem>>
    %dma_start3A_291 = tpu.memref_squeeze %dma_start3A_290 : memref<1x1x125xi32, #tpu.memory_space<vmem>> -> memref<125xi32, #tpu.memory_space<vmem>>
    %dma_start3A_292 = arith.constant 0 : i32
    %dma_start3A_293 = arith.constant 0 : i32
    %dma_start3A_294 = tpu.memref_slice %arg5[%dma_start3A_292, %dma_start3A_293] : memref<10000x64xf32, #tpu.memory_space<vmem_shared>> -> memref<10000x64xf32, #tpu.memory_space<vmem_shared>>
    tpu.enqueue_indirect_dma source(%dma_start3A_294 : memref<10000x64xf32, #tpu.memory_space<vmem_shared>>) target(%dma_start3A_288 : memref<125x64xf32, #tpu.memory_space<vmem>>) offsets(%dma_start3A_291 : memref<125xi32, #tpu.memory_space<vmem>>) semaphore(%arg11 : memref<!tpu.dma_semaphore, #tpu.memory_space<semaphore_mem>>)
    %dma_wait3A_295 = arith.constant 0 : i32
    %dma_wait3A_296 = arith.constant 0 : i32
    %dma_wait3A_297 = arith.constant 0 : i32
    %dma_wait3A_298 = arith.constant 0 : i32
    %dma_wait3A_299 = arith.constant 0 : i32
    %dma_wait3A_300 = tpu.memref_slice %arg9[%dma_wait3A_297, %dma_wait3A_298, %dma_wait3A_299] : memref<4x125x64xf32, #tpu.memory_space<vmem>> -> memref<1x125x64xf32, #tpu.memory_space<vmem>>
    %dma_wait3A_301 = tpu.memref_squeeze %dma_wait3A_300 : memref<1x125x64xf32, #tpu.memory_space<vmem>> -> memref<125x64xf32, #tpu.memory_space<vmem>>
    %dma_wait3A_302 = arith.constant 0 : i32
    %dma_wait3A_303 = tpu.memref_slice %arg7[%dma_wait3A_295, %dma_wait3A_296, %dma_wait3A_302] : memref<2x32x125xi32, #tpu.memory_space<vmem>> -> memref<1x1x125xi32, #tpu.memory_space<vmem>>
    %dma_wait3A_304 = tpu.memref_squeeze %dma_wait3A_303 : memref<1x1x125xi32, #tpu.memory_space<vmem>> -> memref<125xi32, #tpu.memory_space<vmem>>
    %dma_wait3A_305 = arith.constant 0 : i32
    %dma_wait3A_306 = arith.constant 0 : i32
    %dma_wait3A_307 = tpu.memref_slice %arg5[%dma_wait3A_305, %dma_wait3A_306] : memref<10000x64xf32, #tpu.memory_space<vmem_shared>> -> memref<10000x64xf32, #tpu.memory_space<vmem_shared>>
    tpu.wait_indirect_dma semaphore(%arg10 : memref<!tpu.dma_semaphore, #tpu.memory_space<semaphore_mem>>) src(%dma_wait3A_307 : memref<10000x64xf32, #tpu.memory_space<vmem_shared>>) dst(%dma_wait3A_301 : memref<125x64xf32, #tpu.memory_space<vmem>>)
    %dma_start3A_308 = arith.constant 0 : i32
    %dma_start3A_309 = arith.constant 1 : i32
    %dma_start3A_310 = arith.constant 0 : i32
    %dma_start3A_311 = arith.constant 0 : i32
    %dma_start3A_312 = arith.constant 0 : i32
    %dma_start3A_313 = tpu.memref_slice %arg9[%dma_start3A_308, %dma_start3A_311, %dma_start3A_312] : memref<4x125x64xf32, #tpu.memory_space<vmem>> -> memref<1x125x64xf32, #tpu.memory_space<vmem>>
    %dma_start3A_314 = tpu.memref_squeeze %dma_start3A_313 : memref<1x125x64xf32, #tpu.memory_space<vmem>> -> memref<125x64xf32, #tpu.memory_space<vmem>>
    %dma_start3A_315 = arith.constant 0 : i32
    %dma_start3A_316 = tpu.memref_slice %arg8[%dma_start3A_309, %dma_start3A_310, %dma_start3A_315] : memref<2x32x125xi32, #tpu.memory_space<vmem>> -> memref<1x1x125xi32, #tpu.memory_space<vmem>>
    %dma_start3A_317 = tpu.memref_squeeze %dma_start3A_316 : memref<1x1x125xi32, #tpu.memory_space<vmem>> -> memref<125xi32, #tpu.memory_space<vmem>>
    %dma_start3A_318 = arith.constant 0 : i32
    %dma_start3A_319 = arith.constant 0 : i32
    %dma_start3A_320 = tpu.memref_slice %arg6[%dma_start3A_318, %dma_start3A_319] : memref<10000x64xf32, #tpu.memory_space<vmem_shared>> -> memref<10000x64xf32, #tpu.memory_space<vmem_shared>>
    tpu.enqueue_indirect_dma source(%dma_start3A_314 : memref<125x64xf32, #tpu.memory_space<vmem>>) target(%dma_start3A_320 : memref<10000x64xf32, #tpu.memory_space<vmem_shared>>) offsets(%dma_start3A_317 : memref<125xi32, #tpu.memory_space<vmem>>) semaphore(%arg14 : memref<!tpu.dma_semaphore, #tpu.memory_space<semaphore_mem>>) {add = true}
    %dma_wait3A_321 = arith.constant 0 : i32
    %dma_wait3A_322 = arith.constant 0 : i32
    %dma_wait3A_323 = arith.constant 0 : i32
    %dma_wait3A_324 = arith.constant 0 : i32
    %dma_wait3A_325 = arith.constant 0 : i32
    %dma_wait3A_326 = tpu.memref_slice %arg9[%dma_wait3A_321, %dma_wait3A_324, %dma_wait3A_325] : memref<4x125x64xf32, #tpu.memory_space<vmem>> -> memref<1x125x64xf32, #tpu.memory_space<vmem>>
    %dma_wait3A_327 = tpu.memref_squeeze %dma_wait3A_326 : memref<1x125x64xf32, #tpu.memory_space<vmem>> -> memref<125x64xf32, #tpu.memory_space<vmem>>
    %dma_wait3A_328 = arith.constant 0 : i32
    %dma_wait3A_329 = tpu.memref_slice %arg8[%dma_wait3A_322, %dma_wait3A_323, %dma_wait3A_328] : memref<2x32x125xi32, #tpu.memory_space<vmem>> -> memref<1x1x125xi32, #tpu.memory_space<vmem>>
    %dma_wait3A_330 = tpu.memref_squeeze %dma_wait3A_329 : memref<1x1x125xi32, #tpu.memory_space<vmem>> -> memref<125xi32, #tpu.memory_space<vmem>>
    %dma_wait3A_331 = arith.constant 0 : i32
    %dma_wait3A_332 = arith.constant 0 : i32
    %dma_wait3A_333 = tpu.memref_slice %arg6[%dma_wait3A_331, %dma_wait3A_332] : memref<10000x64xf32, #tpu.memory_space<vmem_shared>> -> memref<10000x64xf32, #tpu.memory_space<vmem_shared>>
    tpu.wait_indirect_dma semaphore(%arg16 : memref<!tpu.dma_semaphore, #tpu.memory_space<semaphore_mem>>) src(%dma_wait3A_327 : memref<125x64xf32, #tpu.memory_space<vmem>>) dst(%dma_wait3A_333 : memref<10000x64xf32, #tpu.memory_space<vmem_shared>>)
    %dma_start3A_334 = arith.constant 1 : i32
    %dma_start3A_335 = arith.constant 2 : i32
    %dma_start3A_336 = arith.constant 2 : i32
    %dma_start3A_337 = arith.constant 0 : i32
    %dma_start3A_338 = arith.constant 0 : i32
    %dma_start3A_339 = tpu.memref_slice %arg9[%dma_start3A_336, %dma_start3A_337, %dma_start3A_338] : memref<4x125x64xf32, #tpu.memory_space<vmem>> -> memref<1x125x64xf32, #tpu.memory_space<vmem>>
    %dma_start3A_340 = tpu.memref_squeeze %dma_start3A_339 : memref<1x125x64xf32, #tpu.memory_space<vmem>> -> memref<125x64xf32, #tpu.memory_space<vmem>>
    %dma_start3A_341 = arith.constant 0 : i32
    %dma_start3A_342 = tpu.memref_slice %arg7[%dma_start3A_334, %dma_start3A_335, %dma_start3A_341] : memref<2x32x125xi32, #tpu.memory_space<vmem>> -> memref<1x1x125xi32, #tpu.memory_space<vmem>>
    %dma_start3A_343 = tpu.memref_squeeze %dma_start3A_342 : memref<1x1x125xi32, #tpu.memory_space<vmem>> -> memref<125xi32, #tpu.memory_space<vmem>>
    %dma_start3A_344 = arith.constant 0 : i32
    %dma_start3A_345 = arith.constant 0 : i32
    %dma_start3A_346 = tpu.memref_slice %arg5[%dma_start3A_344, %dma_start3A_345] : memref<10000x64xf32, #tpu.memory_space<vmem_shared>> -> memref<10000x64xf32, #tpu.memory_space<vmem_shared>>
    tpu.enqueue_indirect_dma source(%dma_start3A_346 : memref<10000x64xf32, #tpu.memory_space<vmem_shared>>) target(%dma_start3A_340 : memref<125x64xf32, #tpu.memory_space<vmem>>) offsets(%dma_start3A_343 : memref<125xi32, #tpu.memory_space<vmem>>) semaphore(%arg12 : memref<!tpu.dma_semaphore, #tpu.memory_space<semaphore_mem>>)
    %dma_wait3A_347 = arith.constant 0 : i32
    %dma_wait3A_348 = arith.constant 0 : i32
    %dma_wait3A_349 = arith.constant 1 : i32
    %dma_wait3A_350 = arith.constant 0 : i32
    %dma_wait3A_351 = arith.constant 0 : i32
    %dma_wait3A_352 = tpu.memref_slice %arg9[%dma_wait3A_349, %dma_wait3A_350, %dma_wait3A_351] : memref<4x125x64xf32, #tpu.memory_space<vmem>> -> memref<1x125x64xf32, #tpu.memory_space<vmem>>
    %dma_wait3A_353 = tpu.memref_squeeze %dma_wait3A_352 : memref<1x125x64xf32, #tpu.memory_space<vmem>> -> memref<125x64xf32, #tpu.memory_space<vmem>>
    %dma_wait3A_354 = arith.constant 0 : i32
    %dma_wait3A_355 = tpu.memref_slice %arg7[%dma_wait3A_347, %dma_wait3A_348, %dma_wait3A_354] : memref<2x32x125xi32, #tpu.memory_space<vmem>> -> memref<1x1x125xi32, #tpu.memory_space<vmem>>
    %dma_wait3A_356 = tpu.memref_squeeze %dma_wait3A_355 : memref<1x1x125xi32, #tpu.memory_space<vmem>> -> memref<125xi32, #tpu.memory_space<vmem>>
    %dma_wait3A_357 = arith.constant 0 : i32
    %dma_wait3A_358 = arith.constant 0 : i32
    %dma_wait3A_359 = tpu.memref_slice %arg5[%dma_wait3A_357, %dma_wait3A_358] : memref<10000x64xf32, #tpu.memory_space<vmem_shared>> -> memref<10000x64xf32, #tpu.memory_space<vmem_shared>>
    tpu.wait_indirect_dma semaphore(%arg11 : memref<!tpu.dma_semaphore, #tpu.memory_space<semaphore_mem>>) src(%dma_wait3A_359 : memref<10000x64xf32, #tpu.memory_space<vmem_shared>>) dst(%dma_wait3A_353 : memref<125x64xf32, #tpu.memory_space<vmem>>)
    %dma_start3A_360 = arith.constant 1 : i32
    %dma_start3A_361 = arith.constant 1 : i32
    %dma_start3A_362 = arith.constant 1 : i32
    %dma_start3A_363 = arith.constant 0 : i32
    %dma_start3A_364 = arith.constant 0 : i32
    %dma_start3A_365 = tpu.memref_slice %arg9[%dma_start3A_360, %dma_start3A_363, %dma_start3A_364] : memref<4x125x64xf32, #tpu.memory_space<vmem>> -> memref<1x125x64xf32, #tpu.memory_space<vmem>>
    %dma_start3A_366 = tpu.memref_squeeze %dma_start3A_365 : memref<1x125x64xf32, #tpu.memory_space<vmem>> -> memref<125x64xf32, #tpu.memory_space<vmem>>
    %dma_start3A_367 = arith.constant 0 : i32
    %dma_start3A_368 = tpu.memref_slice %arg8[%dma_start3A_361, %dma_start3A_362, %dma_start3A_367] : memref<2x32x125xi32, #tpu.memory_space<vmem>> -> memref<1x1x125xi32, #tpu.memory_space<vmem>>
    %dma_start3A_369 = tpu.memref_squeeze %dma_start3A_368 : memref<1x1x125xi32, #tpu.memory_space<vmem>> -> memref<125xi32, #tpu.memory_space<vmem>>
    %dma_start3A_370 = arith.constant 0 : i32
    %dma_start3A_371 = arith.constant 0 : i32
    %dma_start3A_372 = tpu.memref_slice %arg6[%dma_start3A_370, %dma_start3A_371] : memref<10000x64xf32, #tpu.memory_space<vmem_shared>> -> memref<10000x64xf32, #tpu.memory_space<vmem_shared>>
    tpu.enqueue_indirect_dma source(%dma_start3A_366 : memref<125x64xf32, #tpu.memory_space<vmem>>) target(%dma_start3A_372 : memref<10000x64xf32, #tpu.memory_space<vmem_shared>>) offsets(%dma_start3A_369 : memref<125xi32, #tpu.memory_space<vmem>>) semaphore(%arg15 : memref<!tpu.dma_semaphore, #tpu.memory_space<semaphore_mem>>) {add = true}
    %dma_wait3A_373 = arith.constant 0 : i32
    %dma_wait3A_374 = arith.constant 0 : i32
    %dma_wait3A_375 = arith.constant 0 : i32
    %dma_wait3A_376 = arith.constant 0 : i32
    %dma_wait3A_377 = arith.constant 0 : i32
    %dma_wait3A_378 = tpu.memref_slice %arg9[%dma_wait3A_373, %dma_wait3A_376, %dma_wait3A_377] : memref<4x125x64xf32, #tpu.memory_space<vmem>> -> memref<1x125x64xf32, #tpu.memory_space<vmem>>
    %dma_wait3A_379 = tpu.memref_squeeze %dma_wait3A_378 : memref<1x125x64xf32, #tpu.memory_space<vmem>> -> memref<125x64xf32, #tpu.memory_space<vmem>>
    %dma_wait3A_380 = arith.constant 0 : i32
    %dma_wait3A_381 = tpu.memref_slice %arg8[%dma_wait3A_374, %dma_wait3A_375, %dma_wait3A_380] : memref<2x32x125xi32, #tpu.memory_space<vmem>> -> memref<1x1x125xi32, #tpu.memory_space<vmem>>
    %dma_wait3A_382 = tpu.memref_squeeze %dma_wait3A_381 : memref<1x1x125xi32, #tpu.memory_space<vmem>> -> memref<125xi32, #tpu.memory_space<vmem>>
    %dma_wait3A_383 = arith.constant 0 : i32
    %dma_wait3A_384 = arith.constant 0 : i32
    %dma_wait3A_385 = tpu.memref_slice %arg6[%dma_wait3A_383, %dma_wait3A_384] : memref<10000x64xf32, #tpu.memory_space<vmem_shared>> -> memref<10000x64xf32, #tpu.memory_space<vmem_shared>>
    tpu.wait_indirect_dma semaphore(%arg17 : memref<!tpu.dma_semaphore, #tpu.memory_space<semaphore_mem>>) src(%dma_wait3A_379 : memref<125x64xf32, #tpu.memory_space<vmem>>) dst(%dma_wait3A_385 : memref<10000x64xf32, #tpu.memory_space<vmem_shared>>)
    %dma_start3A_386 = arith.constant 1 : i32
    %dma_start3A_387 = arith.constant 3 : i32
    %dma_start3A_388 = arith.constant 3 : i32
    %dma_start3A_389 = arith.constant 0 : i32
    %dma_start3A_390 = arith.constant 0 : i32
    %dma_start3A_391 = tpu.memref_slice %arg9[%dma_start3A_388, %dma_start3A_389, %dma_start3A_390] : memref<4x125x64xf32, #tpu.memory_space<vmem>> -> memref<1x125x64xf32, #tpu.memory_space<vmem>>
    %dma_start3A_392 = tpu.memref_squeeze %dma_start3A_391 : memref<1x125x64xf32, #tpu.memory_space<vmem>> -> memref<125x64xf32, #tpu.memory_space<vmem>>
    %dma_start3A_393 = arith.constant 0 : i32
    %dma_start3A_394 = tpu.memref_slice %arg7[%dma_start3A_386, %dma_start3A_387, %dma_start3A_393] : memref<2x32x125xi32, #tpu.memory_space<vmem>> -> memref<1x1x125xi32, #tpu.memory_space<vmem>>
    %dma_start3A_395 = tpu.memref_squeeze %dma_start3A_394 : memref<1x1x125xi32, #tpu.memory_space<vmem>> -> memref<125xi32, #tpu.memory_space<vmem>>
    %dma_start3A_396 = arith.constant 0 : i32
    %dma_start3A_397 = arith.constant 0 : i32
    %dma_start3A_398 = tpu.memref_slice %arg5[%dma_start3A_396, %dma_start3A_397] : memref<10000x64xf32, #tpu.memory_space<vmem_shared>> -> memref<10000x64xf32, #tpu.memory_space<vmem_shared>>
    tpu.enqueue_indirect_dma source(%dma_start3A_398 : memref<10000x64xf32, #tpu.memory_space<vmem_shared>>) target(%dma_start3A_392 : memref<125x64xf32, #tpu.memory_space<vmem>>) offsets(%dma_start3A_395 : memref<125xi32, #tpu.memory_space<vmem>>) semaphore(%arg13 : memref<!tpu.dma_semaphore, #tpu.memory_space<semaphore_mem>>)
    %dma_start3A_399 = arith.constant 0 : i32
    %dma_start3A_400 = arith.constant 2 : i32
    %dma_start3A_401 = arith.constant 0 : i32
    %dma_start3A_402 = arith.constant 0 : i32
    %dma_start3A_403 = arith.constant 0 : i32
    %dma_start3A_404 = tpu.memref_slice %arg7[%dma_start3A_401, %dma_start3A_402, %dma_start3A_403] : memref<2x32x125xi32, #tpu.memory_space<vmem>> -> memref<1x32x125xi32, #tpu.memory_space<vmem>>
    %dma_start3A_405 = tpu.memref_squeeze %dma_start3A_404 : memref<1x32x125xi32, #tpu.memory_space<vmem>> -> memref<32x125xi32, #tpu.memory_space<vmem>>
    %dma_start3A_406 = arith.constant 0 : i32
    %dma_start3A_407 = arith.constant 0 : i32
    %dma_start3A_408 = tpu.memref_slice %arg3[%dma_start3A_399, %arg1, %dma_start3A_400, %dma_start3A_406, %dma_start3A_407] : memref<2x16x5x32x125xi32, #tpu.memory_space<hbm>> -> memref<1x1x1x32x125xi32, #tpu.memory_space<hbm>>
    %dma_start3A_409 = tpu.memref_squeeze %dma_start3A_408 : memref<1x1x1x32x125xi32, #tpu.memory_space<hbm>> -> memref<32x125xi32, #tpu.memory_space<hbm>>
    %dma_start3A_410 = arith.constant 0 : i32
    %dma_start3A_411 = arith.constant 0 : i32
    %dma_start3A_412 = tpu.memref_slice %arg7[%dma_start3A_401, %dma_start3A_410, %dma_start3A_411] : memref<2x32x125xi32, #tpu.memory_space<vmem>> -> memref<1x32x125xi32, #tpu.memory_space<vmem>>
    %dma_start3A_413 = tpu.memref_squeeze %dma_start3A_412 : memref<1x32x125xi32, #tpu.memory_space<vmem>> -> memref<32x125xi32, #tpu.memory_space<vmem>>
    %dma_start3A_414 = arith.constant 0 : i32
    %dma_start3A_415 = arith.constant 0 : i32
    %dma_start3A_416 = tpu.memref_slice %arg3[%dma_start3A_399, %arg1, %dma_start3A_400, %dma_start3A_414, %dma_start3A_415] : memref<2x16x5x32x125xi32, #tpu.memory_space<hbm>> -> memref<1x1x1x32x125xi32, #tpu.memory_space<hbm>>
    %dma_start3A_417 = tpu.memref_squeeze %dma_start3A_416 : memref<1x1x1x32x125xi32, #tpu.memory_space<hbm>> -> memref<32x125xi32, #tpu.memory_space<hbm>>
    tpu.enqueue_dma source(%dma_start3A_417 : memref<32x125xi32, #tpu.memory_space<hbm>>) target(%dma_start3A_413 : memref<32x125xi32, #tpu.memory_space<vmem>>) target_semaphore(%arg18 : memref<!tpu.dma_semaphore, #tpu.memory_space<semaphore_mem>>)
    %dma_start3A_418 = arith.constant 1 : i32
    %dma_start3A_419 = arith.constant 2 : i32
    %dma_start3A_420 = arith.constant 0 : i32
    %dma_start3A_421 = arith.constant 0 : i32
    %dma_start3A_422 = arith.constant 0 : i32
    %dma_start3A_423 = tpu.memref_slice %arg8[%dma_start3A_420, %dma_start3A_421, %dma_start3A_422] : memref<2x32x125xi32, #tpu.memory_space<vmem>> -> memref<1x32x125xi32, #tpu.memory_space<vmem>>
    %dma_start3A_424 = tpu.memref_squeeze %dma_start3A_423 : memref<1x32x125xi32, #tpu.memory_space<vmem>> -> memref<32x125xi32, #tpu.memory_space<vmem>>
    %dma_start3A_425 = arith.constant 0 : i32
    %dma_start3A_426 = arith.constant 0 : i32
    %dma_start3A_427 = tpu.memref_slice %arg3[%dma_start3A_418, %arg1, %dma_start3A_419, %dma_start3A_425, %dma_start3A_426] : memref<2x16x5x32x125xi32, #tpu.memory_space<hbm>> -> memref<1x1x1x32x125xi32, #tpu.memory_space<hbm>>
    %dma_start3A_428 = tpu.memref_squeeze %dma_start3A_427 : memref<1x1x1x32x125xi32, #tpu.memory_space<hbm>> -> memref<32x125xi32, #tpu.memory_space<hbm>>
    %dma_start3A_429 = arith.constant 0 : i32
    %dma_start3A_430 = arith.constant 0 : i32
    %dma_start3A_431 = tpu.memref_slice %arg8[%dma_start3A_420, %dma_start3A_429, %dma_start3A_430] : memref<2x32x125xi32, #tpu.memory_space<vmem>> -> memref<1x32x125xi32, #tpu.memory_space<vmem>>
    %dma_start3A_432 = tpu.memref_squeeze %dma_start3A_431 : memref<1x32x125xi32, #tpu.memory_space<vmem>> -> memref<32x125xi32, #tpu.memory_space<vmem>>
    %dma_start3A_433 = arith.constant 0 : i32
    %dma_start3A_434 = arith.constant 0 : i32
    %dma_start3A_435 = tpu.memref_slice %arg3[%dma_start3A_418, %arg1, %dma_start3A_419, %dma_start3A_433, %dma_start3A_434] : memref<2x16x5x32x125xi32, #tpu.memory_space<hbm>> -> memref<1x1x1x32x125xi32, #tpu.memory_space<hbm>>
    %dma_start3A_436 = tpu.memref_squeeze %dma_start3A_435 : memref<1x1x1x32x125xi32, #tpu.memory_space<hbm>> -> memref<32x125xi32, #tpu.memory_space<hbm>>
    tpu.enqueue_dma source(%dma_start3A_436 : memref<32x125xi32, #tpu.memory_space<hbm>>) target(%dma_start3A_432 : memref<32x125xi32, #tpu.memory_space<vmem>>) target_semaphore(%arg18 : memref<!tpu.dma_semaphore, #tpu.memory_space<semaphore_mem>>)
    %scan3A_437 = arith.constant 0 : i32
    %scan3A_438 = arith.constant 0 : i32
    %scan3A_439 = arith.constant 7 : i32
    %scan3A_440 = arith.addi %scan3A_438, %scan3A_439 : i32
    %scan3A_441 = arith.constant 1 : i32
    scf.for %scan3A_1380 = %scan3A_438 to %scan3A_440 step %scan3A_441  : i32 {
      %mul3A_1381 = arith.constant 4 : i32
      %mul3A_1382 = arith.muli %mul3A_1381, %scan3A_1380 : i32
      %add3A = arith.constant 2 : i32
      %add3A_1383 = arith.addi %add3A, %mul3A_1382 : i32
      %dma_wait3A_1384 = arith.constant 0 : i32
      %dma_wait3A_1385 = arith.constant 0 : i32
      %dma_wait3A_1386 = arith.constant 2 : i32
      %dma_wait3A_1387 = arith.constant 0 : i32
      %dma_wait3A_1388 = arith.constant 0 : i32
      %dma_wait3A_1389 = tpu.memref_slice %arg9[%dma_wait3A_1386, %dma_wait3A_1387, %dma_wait3A_1388] : memref<4x125x64xf32, #tpu.memory_space<vmem>> -> memref<1x125x64xf32, #tpu.memory_space<vmem>>
      %dma_wait3A_1390 = tpu.memref_squeeze %dma_wait3A_1389 : memref<1x125x64xf32, #tpu.memory_space<vmem>> -> memref<125x64xf32, #tpu.memory_space<vmem>>
      %dma_wait3A_1391 = arith.constant 0 : i32
      %dma_wait3A_1392 = tpu.memref_slice %arg7[%dma_wait3A_1384, %dma_wait3A_1385, %dma_wait3A_1391] : memref<2x32x125xi32, #tpu.memory_space<vmem>> -> memref<1x1x125xi32, #tpu.memory_space<vmem>>
      %dma_wait3A_1393 = tpu.memref_squeeze %dma_wait3A_1392 : memref<1x1x125xi32, #tpu.memory_space<vmem>> -> memref<125xi32, #tpu.memory_space<vmem>>
      %dma_wait3A_1394 = arith.constant 0 : i32
      %dma_wait3A_1395 = arith.constant 0 : i32
      %dma_wait3A_1396 = tpu.memref_slice %arg5[%dma_wait3A_1394, %dma_wait3A_1395] : memref<10000x64xf32, #tpu.memory_space<vmem_shared>> -> memref<10000x64xf32, #tpu.memory_space<vmem_shared>>
      tpu.wait_indirect_dma semaphore(%arg12 : memref<!tpu.dma_semaphore, #tpu.memory_space<semaphore_mem>>) src(%dma_wait3A_1396 : memref<10000x64xf32, #tpu.memory_space<vmem_shared>>) dst(%dma_wait3A_1390 : memref<125x64xf32, #tpu.memory_space<vmem>>)
      %add3A_1397 = arith.constant 0 : i32
      %add3A_1398 = arith.addi %add3A_1383, %add3A_1397 : i32
      %dma_start3A_1399 = arith.constant 2 : i32
      %dma_start3A_1400 = arith.constant 1 : i32
      %dma_start3A_1401 = arith.constant 0 : i32
      %dma_start3A_1402 = arith.constant 0 : i32
      %dma_start3A_1403 = tpu.memref_slice %arg9[%dma_start3A_1399, %dma_start3A_1401, %dma_start3A_1402] : memref<4x125x64xf32, #tpu.memory_space<vmem>> -> memref<1x125x64xf32, #tpu.memory_space<vmem>>
      %dma_start3A_1404 = tpu.memref_squeeze %dma_start3A_1403 : memref<1x125x64xf32, #tpu.memory_space<vmem>> -> memref<125x64xf32, #tpu.memory_space<vmem>>
      %dma_start3A_1405 = arith.constant 0 : i32
      %dma_start3A_1406 = tpu.memref_slice %arg8[%dma_start3A_1400, %add3A_1398, %dma_start3A_1405] : memref<2x32x125xi32, #tpu.memory_space<vmem>> -> memref<1x1x125xi32, #tpu.memory_space<vmem>>
      %dma_start3A_1407 = tpu.memref_squeeze %dma_start3A_1406 : memref<1x1x125xi32, #tpu.memory_space<vmem>> -> memref<125xi32, #tpu.memory_space<vmem>>
      %dma_start3A_1408 = arith.constant 0 : i32
      %dma_start3A_1409 = arith.constant 0 : i32
      %dma_start3A_1410 = tpu.memref_slice %arg6[%dma_start3A_1408, %dma_start3A_1409] : memref<10000x64xf32, #tpu.memory_space<vmem_shared>> -> memref<10000x64xf32, #tpu.memory_space<vmem_shared>>
      tpu.enqueue_indirect_dma source(%dma_start3A_1404 : memref<125x64xf32, #tpu.memory_space<vmem>>) target(%dma_start3A_1410 : memref<10000x64xf32, #tpu.memory_space<vmem_shared>>) offsets(%dma_start3A_1407 : memref<125xi32, #tpu.memory_space<vmem>>) semaphore(%arg16 : memref<!tpu.dma_semaphore, #tpu.memory_space<semaphore_mem>>) {add = true}
      %dma_wait3A_1411 = arith.constant 0 : i32
      %dma_wait3A_1412 = arith.constant 0 : i32
      %dma_wait3A_1413 = arith.constant 0 : i32
      %dma_wait3A_1414 = arith.constant 0 : i32
      %dma_wait3A_1415 = arith.constant 0 : i32
      %dma_wait3A_1416 = tpu.memref_slice %arg9[%dma_wait3A_1411, %dma_wait3A_1414, %dma_wait3A_1415] : memref<4x125x64xf32, #tpu.memory_space<vmem>> -> memref<1x125x64xf32, #tpu.memory_space<vmem>>
      %dma_wait3A_1417 = tpu.memref_squeeze %dma_wait3A_1416 : memref<1x125x64xf32, #tpu.memory_space<vmem>> -> memref<125x64xf32, #tpu.memory_space<vmem>>
      %dma_wait3A_1418 = arith.constant 0 : i32
      %dma_wait3A_1419 = tpu.memref_slice %arg8[%dma_wait3A_1412, %dma_wait3A_1413, %dma_wait3A_1418] : memref<2x32x125xi32, #tpu.memory_space<vmem>> -> memref<1x1x125xi32, #tpu.memory_space<vmem>>
      %dma_wait3A_1420 = tpu.memref_squeeze %dma_wait3A_1419 : memref<1x1x125xi32, #tpu.memory_space<vmem>> -> memref<125xi32, #tpu.memory_space<vmem>>
      %dma_wait3A_1421 = arith.constant 0 : i32
      %dma_wait3A_1422 = arith.constant 0 : i32
      %dma_wait3A_1423 = tpu.memref_slice %arg6[%dma_wait3A_1421, %dma_wait3A_1422] : memref<10000x64xf32, #tpu.memory_space<vmem_shared>> -> memref<10000x64xf32, #tpu.memory_space<vmem_shared>>
      tpu.wait_indirect_dma semaphore(%arg14 : memref<!tpu.dma_semaphore, #tpu.memory_space<semaphore_mem>>) src(%dma_wait3A_1417 : memref<125x64xf32, #tpu.memory_space<vmem>>) dst(%dma_wait3A_1423 : memref<10000x64xf32, #tpu.memory_space<vmem_shared>>)
      %add3A_1424 = arith.constant 0 : i32
      %add3A_1425 = arith.addi %add3A_1383, %add3A_1424 : i32
      %add3A_1426 = arith.constant 2 : i32
      %add3A_1427 = arith.addi %add3A_1425, %add3A_1426 : i32
      %dma_start3A_1428 = arith.constant 1 : i32
      %dma_start3A_1429 = arith.constant 0 : i32
      %dma_start3A_1430 = arith.constant 0 : i32
      %dma_start3A_1431 = arith.constant 0 : i32
      %dma_start3A_1432 = tpu.memref_slice %arg9[%dma_start3A_1429, %dma_start3A_1430, %dma_start3A_1431] : memref<4x125x64xf32, #tpu.memory_space<vmem>> -> memref<1x125x64xf32, #tpu.memory_space<vmem>>
      %dma_start3A_1433 = tpu.memref_squeeze %dma_start3A_1432 : memref<1x125x64xf32, #tpu.memory_space<vmem>> -> memref<125x64xf32, #tpu.memory_space<vmem>>
      %dma_start3A_1434 = arith.constant 0 : i32
      %dma_start3A_1435 = tpu.memref_slice %arg7[%dma_start3A_1428, %add3A_1427, %dma_start3A_1434] : memref<2x32x125xi32, #tpu.memory_space<vmem>> -> memref<1x1x125xi32, #tpu.memory_space<vmem>>
      %dma_start3A_1436 = tpu.memref_squeeze %dma_start3A_1435 : memref<1x1x125xi32, #tpu.memory_space<vmem>> -> memref<125xi32, #tpu.memory_space<vmem>>
      %dma_start3A_1437 = arith.constant 0 : i32
      %dma_start3A_1438 = arith.constant 0 : i32
      %dma_start3A_1439 = tpu.memref_slice %arg5[%dma_start3A_1437, %dma_start3A_1438] : memref<10000x64xf32, #tpu.memory_space<vmem_shared>> -> memref<10000x64xf32, #tpu.memory_space<vmem_shared>>
      tpu.enqueue_indirect_dma source(%dma_start3A_1439 : memref<10000x64xf32, #tpu.memory_space<vmem_shared>>) target(%dma_start3A_1433 : memref<125x64xf32, #tpu.memory_space<vmem>>) offsets(%dma_start3A_1436 : memref<125xi32, #tpu.memory_space<vmem>>) semaphore(%arg10 : memref<!tpu.dma_semaphore, #tpu.memory_space<semaphore_mem>>)
      %dma_wait3A_1440 = arith.constant 0 : i32
      %dma_wait3A_1441 = arith.constant 0 : i32
      %dma_wait3A_1442 = arith.constant 3 : i32
      %dma_wait3A_1443 = arith.constant 0 : i32
      %dma_wait3A_1444 = arith.constant 0 : i32
      %dma_wait3A_1445 = tpu.memref_slice %arg9[%dma_wait3A_1442, %dma_wait3A_1443, %dma_wait3A_1444] : memref<4x125x64xf32, #tpu.memory_space<vmem>> -> memref<1x125x64xf32, #tpu.memory_space<vmem>>
      %dma_wait3A_1446 = tpu.memref_squeeze %dma_wait3A_1445 : memref<1x125x64xf32, #tpu.memory_space<vmem>> -> memref<125x64xf32, #tpu.memory_space<vmem>>
      %dma_wait3A_1447 = arith.constant 0 : i32
      %dma_wait3A_1448 = tpu.memref_slice %arg7[%dma_wait3A_1440, %dma_wait3A_1441, %dma_wait3A_1447] : memref<2x32x125xi32, #tpu.memory_space<vmem>> -> memref<1x1x125xi32, #tpu.memory_space<vmem>>
      %dma_wait3A_1449 = tpu.memref_squeeze %dma_wait3A_1448 : memref<1x1x125xi32, #tpu.memory_space<vmem>> -> memref<125xi32, #tpu.memory_space<vmem>>
      %dma_wait3A_1450 = arith.constant 0 : i32
      %dma_wait3A_1451 = arith.constant 0 : i32
      %dma_wait3A_1452 = tpu.memref_slice %arg5[%dma_wait3A_1450, %dma_wait3A_1451] : memref<10000x64xf32, #tpu.memory_space<vmem_shared>> -> memref<10000x64xf32, #tpu.memory_space<vmem_shared>>
      tpu.wait_indirect_dma semaphore(%arg13 : memref<!tpu.dma_semaphore, #tpu.memory_space<semaphore_mem>>) src(%dma_wait3A_1452 : memref<10000x64xf32, #tpu.memory_space<vmem_shared>>) dst(%dma_wait3A_1446 : memref<125x64xf32, #tpu.memory_space<vmem>>)
      %add3A_1453 = arith.constant 1 : i32
      %add3A_1454 = arith.addi %add3A_1383, %add3A_1453 : i32
      %dma_start3A_1455 = arith.constant 3 : i32
      %dma_start3A_1456 = arith.constant 1 : i32
      %dma_start3A_1457 = arith.constant 0 : i32
      %dma_start3A_1458 = arith.constant 0 : i32
      %dma_start3A_1459 = tpu.memref_slice %arg9[%dma_start3A_1455, %dma_start3A_1457, %dma_start3A_1458] : memref<4x125x64xf32, #tpu.memory_space<vmem>> -> memref<1x125x64xf32, #tpu.memory_space<vmem>>
      %dma_start3A_1460 = tpu.memref_squeeze %dma_start3A_1459 : memref<1x125x64xf32, #tpu.memory_space<vmem>> -> memref<125x64xf32, #tpu.memory_space<vmem>>
      %dma_start3A_1461 = arith.constant 0 : i32
      %dma_start3A_1462 = tpu.memref_slice %arg8[%dma_start3A_1456, %add3A_1454, %dma_start3A_1461] : memref<2x32x125xi32, #tpu.memory_space<vmem>> -> memref<1x1x125xi32, #tpu.memory_space<vmem>>
      %dma_start3A_1463 = tpu.memref_squeeze %dma_start3A_1462 : memref<1x1x125xi32, #tpu.memory_space<vmem>> -> memref<125xi32, #tpu.memory_space<vmem>>
      %dma_start3A_1464 = arith.constant 0 : i32
      %dma_start3A_1465 = arith.constant 0 : i32
      %dma_start3A_1466 = tpu.memref_slice %arg6[%dma_start3A_1464, %dma_start3A_1465] : memref<10000x64xf32, #tpu.memory_space<vmem_shared>> -> memref<10000x64xf32, #tpu.memory_space<vmem_shared>>
      tpu.enqueue_indirect_dma source(%dma_start3A_1460 : memref<125x64xf32, #tpu.memory_space<vmem>>) target(%dma_start3A_1466 : memref<10000x64xf32, #tpu.memory_space<vmem_shared>>) offsets(%dma_start3A_1463 : memref<125xi32, #tpu.memory_space<vmem>>) semaphore(%arg17 : memref<!tpu.dma_semaphore, #tpu.memory_space<semaphore_mem>>) {add = true}
      %dma_wait3A_1467 = arith.constant 0 : i32
      %dma_wait3A_1468 = arith.constant 0 : i32
      %dma_wait3A_1469 = arith.constant 0 : i32
      %dma_wait3A_1470 = arith.constant 0 : i32
      %dma_wait3A_1471 = arith.constant 0 : i32
      %dma_wait3A_1472 = tpu.memref_slice %arg9[%dma_wait3A_1467, %dma_wait3A_1470, %dma_wait3A_1471] : memref<4x125x64xf32, #tpu.memory_space<vmem>> -> memref<1x125x64xf32, #tpu.memory_space<vmem>>
      %dma_wait3A_1473 = tpu.memref_squeeze %dma_wait3A_1472 : memref<1x125x64xf32, #tpu.memory_space<vmem>> -> memref<125x64xf32, #tpu.memory_space<vmem>>
      %dma_wait3A_1474 = arith.constant 0 : i32
      %dma_wait3A_1475 = tpu.memref_slice %arg8[%dma_wait3A_1468, %dma_wait3A_1469, %dma_wait3A_1474] : memref<2x32x125xi32, #tpu.memory_space<vmem>> -> memref<1x1x125xi32, #tpu.memory_space<vmem>>
      %dma_wait3A_1476 = tpu.memref_squeeze %dma_wait3A_1475 : memref<1x1x125xi32, #tpu.memory_space<vmem>> -> memref<125xi32, #tpu.memory_space<vmem>>
      %dma_wait3A_1477 = arith.constant 0 : i32
      %dma_wait3A_1478 = arith.constant 0 : i32
      %dma_wait3A_1479 = tpu.memref_slice %arg6[%dma_wait3A_1477, %dma_wait3A_1478] : memref<10000x64xf32, #tpu.memory_space<vmem_shared>> -> memref<10000x64xf32, #tpu.memory_space<vmem_shared>>
      tpu.wait_indirect_dma semaphore(%arg15 : memref<!tpu.dma_semaphore, #tpu.memory_space<semaphore_mem>>) src(%dma_wait3A_1473 : memref<125x64xf32, #tpu.memory_space<vmem>>) dst(%dma_wait3A_1479 : memref<10000x64xf32, #tpu.memory_space<vmem_shared>>)
      %add3A_1480 = arith.constant 1 : i32
      %add3A_1481 = arith.addi %add3A_1383, %add3A_1480 : i32
      %add3A_1482 = arith.constant 2 : i32
      %add3A_1483 = arith.addi %add3A_1481, %add3A_1482 : i32
      %dma_start3A_1484 = arith.constant 1 : i32
      %dma_start3A_1485 = arith.constant 1 : i32
      %dma_start3A_1486 = arith.constant 0 : i32
      %dma_start3A_1487 = arith.constant 0 : i32
      %dma_start3A_1488 = tpu.memref_slice %arg9[%dma_start3A_1485, %dma_start3A_1486, %dma_start3A_1487] : memref<4x125x64xf32, #tpu.memory_space<vmem>> -> memref<1x125x64xf32, #tpu.memory_space<vmem>>
      %dma_start3A_1489 = tpu.memref_squeeze %dma_start3A_1488 : memref<1x125x64xf32, #tpu.memory_space<vmem>> -> memref<125x64xf32, #tpu.memory_space<vmem>>
      %dma_start3A_1490 = arith.constant 0 : i32
      %dma_start3A_1491 = tpu.memref_slice %arg7[%dma_start3A_1484, %add3A_1483, %dma_start3A_1490] : memref<2x32x125xi32, #tpu.memory_space<vmem>> -> memref<1x1x125xi32, #tpu.memory_space<vmem>>
      %dma_start3A_1492 = tpu.memref_squeeze %dma_start3A_1491 : memref<1x1x125xi32, #tpu.memory_space<vmem>> -> memref<125xi32, #tpu.memory_space<vmem>>
      %dma_start3A_1493 = arith.constant 0 : i32
      %dma_start3A_1494 = arith.constant 0 : i32
      %dma_start3A_1495 = tpu.memref_slice %arg5[%dma_start3A_1493, %dma_start3A_1494] : memref<10000x64xf32, #tpu.memory_space<vmem_shared>> -> memref<10000x64xf32, #tpu.memory_space<vmem_shared>>
      tpu.enqueue_indirect_dma source(%dma_start3A_1495 : memref<10000x64xf32, #tpu.memory_space<vmem_shared>>) target(%dma_start3A_1489 : memref<125x64xf32, #tpu.memory_space<vmem>>) offsets(%dma_start3A_1492 : memref<125xi32, #tpu.memory_space<vmem>>) semaphore(%arg11 : memref<!tpu.dma_semaphore, #tpu.memory_space<semaphore_mem>>)
      %dma_wait3A_1496 = arith.constant 0 : i32
      %dma_wait3A_1497 = arith.constant 0 : i32
      %dma_wait3A_1498 = arith.constant 0 : i32
      %dma_wait3A_1499 = arith.constant 0 : i32
      %dma_wait3A_1500 = arith.constant 0 : i32
      %dma_wait3A_1501 = tpu.memref_slice %arg9[%dma_wait3A_1498, %dma_wait3A_1499, %dma_wait3A_1500] : memref<4x125x64xf32, #tpu.memory_space<vmem>> -> memref<1x125x64xf32, #tpu.memory_space<vmem>>
      %dma_wait3A_1502 = tpu.memref_squeeze %dma_wait3A_1501 : memref<1x125x64xf32, #tpu.memory_space<vmem>> -> memref<125x64xf32, #tpu.memory_space<vmem>>
      %dma_wait3A_1503 = arith.constant 0 : i32
      %dma_wait3A_1504 = tpu.memref_slice %arg7[%dma_wait3A_1496, %dma_wait3A_1497, %dma_wait3A_1503] : memref<2x32x125xi32, #tpu.memory_space<vmem>> -> memref<1x1x125xi32, #tpu.memory_space<vmem>>
      %dma_wait3A_1505 = tpu.memref_squeeze %dma_wait3A_1504 : memref<1x1x125xi32, #tpu.memory_space<vmem>> -> memref<125xi32, #tpu.memory_space<vmem>>
      %dma_wait3A_1506 = arith.constant 0 : i32
      %dma_wait3A_1507 = arith.constant 0 : i32
      %dma_wait3A_1508 = tpu.memref_slice %arg5[%dma_wait3A_1506, %dma_wait3A_1507] : memref<10000x64xf32, #tpu.memory_space<vmem_shared>> -> memref<10000x64xf32, #tpu.memory_space<vmem_shared>>
      tpu.wait_indirect_dma semaphore(%arg10 : memref<!tpu.dma_semaphore, #tpu.memory_space<semaphore_mem>>) src(%dma_wait3A_1508 : memref<10000x64xf32, #tpu.memory_space<vmem_shared>>) dst(%dma_wait3A_1502 : memref<125x64xf32, #tpu.memory_space<vmem>>)
      %add3A_1509 = arith.constant 2 : i32
      %add3A_1510 = arith.addi %add3A_1383, %add3A_1509 : i32
      %dma_start3A_1511 = arith.constant 0 : i32
      %dma_start3A_1512 = arith.constant 1 : i32
      %dma_start3A_1513 = arith.constant 0 : i32
      %dma_start3A_1514 = arith.constant 0 : i32
      %dma_start3A_1515 = tpu.memref_slice %arg9[%dma_start3A_1511, %dma_start3A_1513, %dma_start3A_1514] : memref<4x125x64xf32, #tpu.memory_space<vmem>> -> memref<1x125x64xf32, #tpu.memory_space<vmem>>
      %dma_start3A_1516 = tpu.memref_squeeze %dma_start3A_1515 : memref<1x125x64xf32, #tpu.memory_space<vmem>> -> memref<125x64xf32, #tpu.memory_space<vmem>>
      %dma_start3A_1517 = arith.constant 0 : i32
      %dma_start3A_1518 = tpu.memref_slice %arg8[%dma_start3A_1512, %add3A_1510, %dma_start3A_1517] : memref<2x32x125xi32, #tpu.memory_space<vmem>> -> memref<1x1x125xi32, #tpu.memory_space<vmem>>
      %dma_start3A_1519 = tpu.memref_squeeze %dma_start3A_1518 : memref<1x1x125xi32, #tpu.memory_space<vmem>> -> memref<125xi32, #tpu.memory_space<vmem>>
      %dma_start3A_1520 = arith.constant 0 : i32
      %dma_start3A_1521 = arith.constant 0 : i32
      %dma_start3A_1522 = tpu.memref_slice %arg6[%dma_start3A_1520, %dma_start3A_1521] : memref<10000x64xf32, #tpu.memory_space<vmem_shared>> -> memref<10000x64xf32, #tpu.memory_space<vmem_shared>>
      tpu.enqueue_indirect_dma source(%dma_start3A_1516 : memref<125x64xf32, #tpu.memory_space<vmem>>) target(%dma_start3A_1522 : memref<10000x64xf32, #tpu.memory_space<vmem_shared>>) offsets(%dma_start3A_1519 : memref<125xi32, #tpu.memory_space<vmem>>) semaphore(%arg14 : memref<!tpu.dma_semaphore, #tpu.memory_space<semaphore_mem>>) {add = true}
      %dma_wait3A_1523 = arith.constant 0 : i32
      %dma_wait3A_1524 = arith.constant 0 : i32
      %dma_wait3A_1525 = arith.constant 0 : i32
      %dma_wait3A_1526 = arith.constant 0 : i32
      %dma_wait3A_1527 = arith.constant 0 : i32
      %dma_wait3A_1528 = tpu.memref_slice %arg9[%dma_wait3A_1523, %dma_wait3A_1526, %dma_wait3A_1527] : memref<4x125x64xf32, #tpu.memory_space<vmem>> -> memref<1x125x64xf32, #tpu.memory_space<vmem>>
      %dma_wait3A_1529 = tpu.memref_squeeze %dma_wait3A_1528 : memref<1x125x64xf32, #tpu.memory_space<vmem>> -> memref<125x64xf32, #tpu.memory_space<vmem>>
      %dma_wait3A_1530 = arith.constant 0 : i32
      %dma_wait3A_1531 = tpu.memref_slice %arg8[%dma_wait3A_1524, %dma_wait3A_1525, %dma_wait3A_1530] : memref<2x32x125xi32, #tpu.memory_space<vmem>> -> memref<1x1x125xi32, #tpu.memory_space<vmem>>
      %dma_wait3A_1532 = tpu.memref_squeeze %dma_wait3A_1531 : memref<1x1x125xi32, #tpu.memory_space<vmem>> -> memref<125xi32, #tpu.memory_space<vmem>>
      %dma_wait3A_1533 = arith.constant 0 : i32
      %dma_wait3A_1534 = arith.constant 0 : i32
      %dma_wait3A_1535 = tpu.memref_slice %arg6[%dma_wait3A_1533, %dma_wait3A_1534] : memref<10000x64xf32, #tpu.memory_space<vmem_shared>> -> memref<10000x64xf32, #tpu.memory_space<vmem_shared>>
      tpu.wait_indirect_dma semaphore(%arg16 : memref<!tpu.dma_semaphore, #tpu.memory_space<semaphore_mem>>) src(%dma_wait3A_1529 : memref<125x64xf32, #tpu.memory_space<vmem>>) dst(%dma_wait3A_1535 : memref<10000x64xf32, #tpu.memory_space<vmem_shared>>)
      %add3A_1536 = arith.constant 2 : i32
      %add3A_1537 = arith.addi %add3A_1383, %add3A_1536 : i32
      %add3A_1538 = arith.constant 2 : i32
      %add3A_1539 = arith.addi %add3A_1537, %add3A_1538 : i32
      %dma_start3A_1540 = arith.constant 1 : i32
      %dma_start3A_1541 = arith.constant 2 : i32
      %dma_start3A_1542 = arith.constant 0 : i32
      %dma_start3A_1543 = arith.constant 0 : i32
      %dma_start3A_1544 = tpu.memref_slice %arg9[%dma_start3A_1541, %dma_start3A_1542, %dma_start3A_1543] : memref<4x125x64xf32, #tpu.memory_space<vmem>> -> memref<1x125x64xf32, #tpu.memory_space<vmem>>
      %dma_start3A_1545 = tpu.memref_squeeze %dma_start3A_1544 : memref<1x125x64xf32, #tpu.memory_space<vmem>> -> memref<125x64xf32, #tpu.memory_space<vmem>>
      %dma_start3A_1546 = arith.constant 0 : i32
      %dma_start3A_1547 = tpu.memref_slice %arg7[%dma_start3A_1540, %add3A_1539, %dma_start3A_1546] : memref<2x32x125xi32, #tpu.memory_space<vmem>> -> memref<1x1x125xi32, #tpu.memory_space<vmem>>
      %dma_start3A_1548 = tpu.memref_squeeze %dma_start3A_1547 : memref<1x1x125xi32, #tpu.memory_space<vmem>> -> memref<125xi32, #tpu.memory_space<vmem>>
      %dma_start3A_1549 = arith.constant 0 : i32
      %dma_start3A_1550 = arith.constant 0 : i32
      %dma_start3A_1551 = tpu.memref_slice %arg5[%dma_start3A_1549, %dma_start3A_1550] : memref<10000x64xf32, #tpu.memory_space<vmem_shared>> -> memref<10000x64xf32, #tpu.memory_space<vmem_shared>>
      tpu.enqueue_indirect_dma source(%dma_start3A_1551 : memref<10000x64xf32, #tpu.memory_space<vmem_shared>>) target(%dma_start3A_1545 : memref<125x64xf32, #tpu.memory_space<vmem>>) offsets(%dma_start3A_1548 : memref<125xi32, #tpu.memory_space<vmem>>) semaphore(%arg12 : memref<!tpu.dma_semaphore, #tpu.memory_space<semaphore_mem>>)
      %dma_wait3A_1552 = arith.constant 0 : i32
      %dma_wait3A_1553 = arith.constant 0 : i32
      %dma_wait3A_1554 = arith.constant 1 : i32
      %dma_wait3A_1555 = arith.constant 0 : i32
      %dma_wait3A_1556 = arith.constant 0 : i32
      %dma_wait3A_1557 = tpu.memref_slice %arg9[%dma_wait3A_1554, %dma_wait3A_1555, %dma_wait3A_1556] : memref<4x125x64xf32, #tpu.memory_space<vmem>> -> memref<1x125x64xf32, #tpu.memory_space<vmem>>
      %dma_wait3A_1558 = tpu.memref_squeeze %dma_wait3A_1557 : memref<1x125x64xf32, #tpu.memory_space<vmem>> -> memref<125x64xf32, #tpu.memory_space<vmem>>
      %dma_wait3A_1559 = arith.constant 0 : i32
      %dma_wait3A_1560 = tpu.memref_slice %arg7[%dma_wait3A_1552, %dma_wait3A_1553, %dma_wait3A_1559] : memref<2x32x125xi32, #tpu.memory_space<vmem>> -> memref<1x1x125xi32, #tpu.memory_space<vmem>>
      %dma_wait3A_1561 = tpu.memref_squeeze %dma_wait3A_1560 : memref<1x1x125xi32, #tpu.memory_space<vmem>> -> memref<125xi32, #tpu.memory_space<vmem>>
      %dma_wait3A_1562 = arith.constant 0 : i32
      %dma_wait3A_1563 = arith.constant 0 : i32
      %dma_wait3A_1564 = tpu.memref_slice %arg5[%dma_wait3A_1562, %dma_wait3A_1563] : memref<10000x64xf32, #tpu.memory_space<vmem_shared>> -> memref<10000x64xf32, #tpu.memory_space<vmem_shared>>
      tpu.wait_indirect_dma semaphore(%arg11 : memref<!tpu.dma_semaphore, #tpu.memory_space<semaphore_mem>>) src(%dma_wait3A_1564 : memref<10000x64xf32, #tpu.memory_space<vmem_shared>>) dst(%dma_wait3A_1558 : memref<125x64xf32, #tpu.memory_space<vmem>>)
      %add3A_1565 = arith.constant 3 : i32
      %add3A_1566 = arith.addi %add3A_1383, %add3A_1565 : i32
      %dma_start3A_1567 = arith.constant 1 : i32
      %dma_start3A_1568 = arith.constant 1 : i32
      %dma_start3A_1569 = arith.constant 0 : i32
      %dma_start3A_1570 = arith.constant 0 : i32
      %dma_start3A_1571 = tpu.memref_slice %arg9[%dma_start3A_1567, %dma_start3A_1569, %dma_start3A_1570] : memref<4x125x64xf32, #tpu.memory_space<vmem>> -> memref<1x125x64xf32, #tpu.memory_space<vmem>>
      %dma_start3A_1572 = tpu.memref_squeeze %dma_start3A_1571 : memref<1x125x64xf32, #tpu.memory_space<vmem>> -> memref<125x64xf32, #tpu.memory_space<vmem>>
      %dma_start3A_1573 = arith.constant 0 : i32
      %dma_start3A_1574 = tpu.memref_slice %arg8[%dma_start3A_1568, %add3A_1566, %dma_start3A_1573] : memref<2x32x125xi32, #tpu.memory_space<vmem>> -> memref<1x1x125xi32, #tpu.memory_space<vmem>>
      %dma_start3A_1575 = tpu.memref_squeeze %dma_start3A_1574 : memref<1x1x125xi32, #tpu.memory_space<vmem>> -> memref<125xi32, #tpu.memory_space<vmem>>
      %dma_start3A_1576 = arith.constant 0 : i32
      %dma_start3A_1577 = arith.constant 0 : i32
      %dma_start3A_1578 = tpu.memref_slice %arg6[%dma_start3A_1576, %dma_start3A_1577] : memref<10000x64xf32, #tpu.memory_space<vmem_shared>> -> memref<10000x64xf32, #tpu.memory_space<vmem_shared>>
      tpu.enqueue_indirect_dma source(%dma_start3A_1572 : memref<125x64xf32, #tpu.memory_space<vmem>>) target(%dma_start3A_1578 : memref<10000x64xf32, #tpu.memory_space<vmem_shared>>) offsets(%dma_start3A_1575 : memref<125xi32, #tpu.memory_space<vmem>>) semaphore(%arg15 : memref<!tpu.dma_semaphore, #tpu.memory_space<semaphore_mem>>) {add = true}
      %dma_wait3A_1579 = arith.constant 0 : i32
      %dma_wait3A_1580 = arith.constant 0 : i32
      %dma_wait3A_1581 = arith.constant 0 : i32
      %dma_wait3A_1582 = arith.constant 0 : i32
      %dma_wait3A_1583 = arith.constant 0 : i32
      %dma_wait3A_1584 = tpu.memref_slice %arg9[%dma_wait3A_1579, %dma_wait3A_1582, %dma_wait3A_1583] : memref<4x125x64xf32, #tpu.memory_space<vmem>> -> memref<1x125x64xf32, #tpu.memory_space<vmem>>
      %dma_wait3A_1585 = tpu.memref_squeeze %dma_wait3A_1584 : memref<1x125x64xf32, #tpu.memory_space<vmem>> -> memref<125x64xf32, #tpu.memory_space<vmem>>
      %dma_wait3A_1586 = arith.constant 0 : i32
      %dma_wait3A_1587 = tpu.memref_slice %arg8[%dma_wait3A_1580, %dma_wait3A_1581, %dma_wait3A_1586] : memref<2x32x125xi32, #tpu.memory_space<vmem>> -> memref<1x1x125xi32, #tpu.memory_space<vmem>>
      %dma_wait3A_1588 = tpu.memref_squeeze %dma_wait3A_1587 : memref<1x1x125xi32, #tpu.memory_space<vmem>> -> memref<125xi32, #tpu.memory_space<vmem>>
      %dma_wait3A_1589 = arith.constant 0 : i32
      %dma_wait3A_1590 = arith.constant 0 : i32
      %dma_wait3A_1591 = tpu.memref_slice %arg6[%dma_wait3A_1589, %dma_wait3A_1590] : memref<10000x64xf32, #tpu.memory_space<vmem_shared>> -> memref<10000x64xf32, #tpu.memory_space<vmem_shared>>
      tpu.wait_indirect_dma semaphore(%arg17 : memref<!tpu.dma_semaphore, #tpu.memory_space<semaphore_mem>>) src(%dma_wait3A_1585 : memref<125x64xf32, #tpu.memory_space<vmem>>) dst(%dma_wait3A_1591 : memref<10000x64xf32, #tpu.memory_space<vmem_shared>>)
      %add3A_1592 = arith.constant 3 : i32
      %add3A_1593 = arith.addi %add3A_1383, %add3A_1592 : i32
      %add3A_1594 = arith.constant 2 : i32
      %add3A_1595 = arith.addi %add3A_1593, %add3A_1594 : i32
      %dma_start3A_1596 = arith.constant 1 : i32
      %dma_start3A_1597 = arith.constant 3 : i32
      %dma_start3A_1598 = arith.constant 0 : i32
      %dma_start3A_1599 = arith.constant 0 : i32
      %dma_start3A_1600 = tpu.memref_slice %arg9[%dma_start3A_1597, %dma_start3A_1598, %dma_start3A_1599] : memref<4x125x64xf32, #tpu.memory_space<vmem>> -> memref<1x125x64xf32, #tpu.memory_space<vmem>>
      %dma_start3A_1601 = tpu.memref_squeeze %dma_start3A_1600 : memref<1x125x64xf32, #tpu.memory_space<vmem>> -> memref<125x64xf32, #tpu.memory_space<vmem>>
      %dma_start3A_1602 = arith.constant 0 : i32
      %dma_start3A_1603 = tpu.memref_slice %arg7[%dma_start3A_1596, %add3A_1595, %dma_start3A_1602] : memref<2x32x125xi32, #tpu.memory_space<vmem>> -> memref<1x1x125xi32, #tpu.memory_space<vmem>>
      %dma_start3A_1604 = tpu.memref_squeeze %dma_start3A_1603 : memref<1x1x125xi32, #tpu.memory_space<vmem>> -> memref<125xi32, #tpu.memory_space<vmem>>
      %dma_start3A_1605 = arith.constant 0 : i32
      %dma_start3A_1606 = arith.constant 0 : i32
      %dma_start3A_1607 = tpu.memref_slice %arg5[%dma_start3A_1605, %dma_start3A_1606] : memref<10000x64xf32, #tpu.memory_space<vmem_shared>> -> memref<10000x64xf32, #tpu.memory_space<vmem_shared>>
      tpu.enqueue_indirect_dma source(%dma_start3A_1607 : memref<10000x64xf32, #tpu.memory_space<vmem_shared>>) target(%dma_start3A_1601 : memref<125x64xf32, #tpu.memory_space<vmem>>) offsets(%dma_start3A_1604 : memref<125xi32, #tpu.memory_space<vmem>>) semaphore(%arg13 : memref<!tpu.dma_semaphore, #tpu.memory_space<semaphore_mem>>)
    }
    %scan3A_442 = arith.constant 7 : i32
    %dma_wait3A_443 = arith.constant 0 : i32
    %dma_wait3A_444 = arith.constant 0 : i32
    %dma_wait3A_445 = arith.constant 0 : i32
    %dma_wait3A_446 = arith.constant 0 : i32
    %dma_wait3A_447 = arith.constant 0 : i32
    %dma_wait3A_448 = tpu.memref_slice %arg7[%dma_wait3A_445, %dma_wait3A_446, %dma_wait3A_447] : memref<2x32x125xi32, #tpu.memory_space<vmem>> -> memref<1x32x125xi32, #tpu.memory_space<vmem>>
    %dma_wait3A_449 = tpu.memref_squeeze %dma_wait3A_448 : memref<1x32x125xi32, #tpu.memory_space<vmem>> -> memref<32x125xi32, #tpu.memory_space<vmem>>
    %dma_wait3A_450 = arith.constant 0 : i32
    %dma_wait3A_451 = arith.constant 0 : i32
    %dma_wait3A_452 = tpu.memref_slice %arg3[%dma_wait3A_443, %arg1, %dma_wait3A_444, %dma_wait3A_450, %dma_wait3A_451] : memref<2x16x5x32x125xi32, #tpu.memory_space<hbm>> -> memref<1x1x1x32x125xi32, #tpu.memory_space<hbm>>
    %dma_wait3A_453 = tpu.memref_squeeze %dma_wait3A_452 : memref<1x1x1x32x125xi32, #tpu.memory_space<hbm>> -> memref<32x125xi32, #tpu.memory_space<hbm>>
    %dma_wait3A_454 = arith.constant 0 : i32
    %dma_wait3A_455 = arith.constant 0 : i32
    %dma_wait3A_456 = tpu.memref_slice %arg7[%dma_wait3A_445, %dma_wait3A_454, %dma_wait3A_455] : memref<2x32x125xi32, #tpu.memory_space<vmem>> -> memref<1x32x125xi32, #tpu.memory_space<vmem>>
    %dma_wait3A_457 = tpu.memref_squeeze %dma_wait3A_456 : memref<1x32x125xi32, #tpu.memory_space<vmem>> -> memref<32x125xi32, #tpu.memory_space<vmem>>
    %dma_wait3A_458 = arith.constant 0 : i32
    %dma_wait3A_459 = arith.constant 0 : i32
    %dma_wait3A_460 = tpu.memref_slice %arg3[%dma_wait3A_443, %arg1, %dma_wait3A_444, %dma_wait3A_458, %dma_wait3A_459] : memref<2x16x5x32x125xi32, #tpu.memory_space<hbm>> -> memref<1x1x1x32x125xi32, #tpu.memory_space<hbm>>
    %dma_wait3A_461 = tpu.memref_squeeze %dma_wait3A_460 : memref<1x1x1x32x125xi32, #tpu.memory_space<hbm>> -> memref<32x125xi32, #tpu.memory_space<hbm>>
    tpu.wait_dma2 semaphore(%arg18 : memref<!tpu.dma_semaphore, #tpu.memory_space<semaphore_mem>>) src(%dma_wait3A_461 : memref<32x125xi32, #tpu.memory_space<hbm>>) dst(%dma_wait3A_457 : memref<32x125xi32, #tpu.memory_space<vmem>>)
    %dma_wait3A_462 = arith.constant 1 : i32
    %dma_wait3A_463 = arith.constant 0 : i32
    %dma_wait3A_464 = arith.constant 0 : i32
    %dma_wait3A_465 = arith.constant 0 : i32
    %dma_wait3A_466 = arith.constant 0 : i32
    %dma_wait3A_467 = tpu.memref_slice %arg8[%dma_wait3A_464, %dma_wait3A_465, %dma_wait3A_466] : memref<2x32x125xi32, #tpu.memory_space<vmem>> -> memref<1x32x125xi32, #tpu.memory_space<vmem>>
    %dma_wait3A_468 = tpu.memref_squeeze %dma_wait3A_467 : memref<1x32x125xi32, #tpu.memory_space<vmem>> -> memref<32x125xi32, #tpu.memory_space<vmem>>
    %dma_wait3A_469 = arith.constant 0 : i32
    %dma_wait3A_470 = arith.constant 0 : i32
    %dma_wait3A_471 = tpu.memref_slice %arg3[%dma_wait3A_462, %arg1, %dma_wait3A_463, %dma_wait3A_469, %dma_wait3A_470] : memref<2x16x5x32x125xi32, #tpu.memory_space<hbm>> -> memref<1x1x1x32x125xi32, #tpu.memory_space<hbm>>
    %dma_wait3A_472 = tpu.memref_squeeze %dma_wait3A_471 : memref<1x1x1x32x125xi32, #tpu.memory_space<hbm>> -> memref<32x125xi32, #tpu.memory_space<hbm>>
    %dma_wait3A_473 = arith.constant 0 : i32
    %dma_wait3A_474 = arith.constant 0 : i32
    %dma_wait3A_475 = tpu.memref_slice %arg8[%dma_wait3A_464, %dma_wait3A_473, %dma_wait3A_474] : memref<2x32x125xi32, #tpu.memory_space<vmem>> -> memref<1x32x125xi32, #tpu.memory_space<vmem>>
    %dma_wait3A_476 = tpu.memref_squeeze %dma_wait3A_475 : memref<1x32x125xi32, #tpu.memory_space<vmem>> -> memref<32x125xi32, #tpu.memory_space<vmem>>
    %dma_wait3A_477 = arith.constant 0 : i32
    %dma_wait3A_478 = arith.constant 0 : i32
    %dma_wait3A_479 = tpu.memref_slice %arg3[%dma_wait3A_462, %arg1, %dma_wait3A_463, %dma_wait3A_477, %dma_wait3A_478] : memref<2x16x5x32x125xi32, #tpu.memory_space<hbm>> -> memref<1x1x1x32x125xi32, #tpu.memory_space<hbm>>
    %dma_wait3A_480 = tpu.memref_squeeze %dma_wait3A_479 : memref<1x1x1x32x125xi32, #tpu.memory_space<hbm>> -> memref<32x125xi32, #tpu.memory_space<hbm>>
    tpu.wait_dma2 semaphore(%arg18 : memref<!tpu.dma_semaphore, #tpu.memory_space<semaphore_mem>>) src(%dma_wait3A_480 : memref<32x125xi32, #tpu.memory_space<hbm>>) dst(%dma_wait3A_476 : memref<32x125xi32, #tpu.memory_space<vmem>>)
    %dma_wait3A_481 = arith.constant 0 : i32
    %dma_wait3A_482 = arith.constant 0 : i32
    %dma_wait3A_483 = arith.constant 2 : i32
    %dma_wait3A_484 = arith.constant 0 : i32
    %dma_wait3A_485 = arith.constant 0 : i32
    %dma_wait3A_486 = tpu.memref_slice %arg9[%dma_wait3A_483, %dma_wait3A_484, %dma_wait3A_485] : memref<4x125x64xf32, #tpu.memory_space<vmem>> -> memref<1x125x64xf32, #tpu.memory_space<vmem>>
    %dma_wait3A_487 = tpu.memref_squeeze %dma_wait3A_486 : memref<1x125x64xf32, #tpu.memory_space<vmem>> -> memref<125x64xf32, #tpu.memory_space<vmem>>
    %dma_wait3A_488 = arith.constant 0 : i32
    %dma_wait3A_489 = tpu.memref_slice %arg7[%dma_wait3A_481, %dma_wait3A_482, %dma_wait3A_488] : memref<2x32x125xi32, #tpu.memory_space<vmem>> -> memref<1x1x125xi32, #tpu.memory_space<vmem>>
    %dma_wait3A_490 = tpu.memref_squeeze %dma_wait3A_489 : memref<1x1x125xi32, #tpu.memory_space<vmem>> -> memref<125xi32, #tpu.memory_space<vmem>>
    %dma_wait3A_491 = arith.constant 0 : i32
    %dma_wait3A_492 = arith.constant 0 : i32
    %dma_wait3A_493 = tpu.memref_slice %arg5[%dma_wait3A_491, %dma_wait3A_492] : memref<10000x64xf32, #tpu.memory_space<vmem_shared>> -> memref<10000x64xf32, #tpu.memory_space<vmem_shared>>
    tpu.wait_indirect_dma semaphore(%arg12 : memref<!tpu.dma_semaphore, #tpu.memory_space<semaphore_mem>>) src(%dma_wait3A_493 : memref<10000x64xf32, #tpu.memory_space<vmem_shared>>) dst(%dma_wait3A_487 : memref<125x64xf32, #tpu.memory_space<vmem>>)
    %dma_start3A_494 = arith.constant 2 : i32
    %dma_start3A_495 = arith.constant 1 : i32
    %dma_start3A_496 = arith.constant 30 : i32
    %dma_start3A_497 = arith.constant 0 : i32
    %dma_start3A_498 = arith.constant 0 : i32
    %dma_start3A_499 = tpu.memref_slice %arg9[%dma_start3A_494, %dma_start3A_497, %dma_start3A_498] : memref<4x125x64xf32, #tpu.memory_space<vmem>> -> memref<1x125x64xf32, #tpu.memory_space<vmem>>
    %dma_start3A_500 = tpu.memref_squeeze %dma_start3A_499 : memref<1x125x64xf32, #tpu.memory_space<vmem>> -> memref<125x64xf32, #tpu.memory_space<vmem>>
    %dma_start3A_501 = arith.constant 0 : i32
    %dma_start3A_502 = tpu.memref_slice %arg8[%dma_start3A_495, %dma_start3A_496, %dma_start3A_501] : memref<2x32x125xi32, #tpu.memory_space<vmem>> -> memref<1x1x125xi32, #tpu.memory_space<vmem>>
    %dma_start3A_503 = tpu.memref_squeeze %dma_start3A_502 : memref<1x1x125xi32, #tpu.memory_space<vmem>> -> memref<125xi32, #tpu.memory_space<vmem>>
    %dma_start3A_504 = arith.constant 0 : i32
    %dma_start3A_505 = arith.constant 0 : i32
    %dma_start3A_506 = tpu.memref_slice %arg6[%dma_start3A_504, %dma_start3A_505] : memref<10000x64xf32, #tpu.memory_space<vmem_shared>> -> memref<10000x64xf32, #tpu.memory_space<vmem_shared>>
    tpu.enqueue_indirect_dma source(%dma_start3A_500 : memref<125x64xf32, #tpu.memory_space<vmem>>) target(%dma_start3A_506 : memref<10000x64xf32, #tpu.memory_space<vmem_shared>>) offsets(%dma_start3A_503 : memref<125xi32, #tpu.memory_space<vmem>>) semaphore(%arg16 : memref<!tpu.dma_semaphore, #tpu.memory_space<semaphore_mem>>) {add = true}
    %dma_wait3A_507 = arith.constant 0 : i32
    %dma_wait3A_508 = arith.constant 0 : i32
    %dma_wait3A_509 = arith.constant 0 : i32
    %dma_wait3A_510 = arith.constant 0 : i32
    %dma_wait3A_511 = arith.constant 0 : i32
    %dma_wait3A_512 = tpu.memref_slice %arg9[%dma_wait3A_507, %dma_wait3A_510, %dma_wait3A_511] : memref<4x125x64xf32, #tpu.memory_space<vmem>> -> memref<1x125x64xf32, #tpu.memory_space<vmem>>
    %dma_wait3A_513 = tpu.memref_squeeze %dma_wait3A_512 : memref<1x125x64xf32, #tpu.memory_space<vmem>> -> memref<125x64xf32, #tpu.memory_space<vmem>>
    %dma_wait3A_514 = arith.constant 0 : i32
    %dma_wait3A_515 = tpu.memref_slice %arg8[%dma_wait3A_508, %dma_wait3A_509, %dma_wait3A_514] : memref<2x32x125xi32, #tpu.memory_space<vmem>> -> memref<1x1x125xi32, #tpu.memory_space<vmem>>
    %dma_wait3A_516 = tpu.memref_squeeze %dma_wait3A_515 : memref<1x1x125xi32, #tpu.memory_space<vmem>> -> memref<125xi32, #tpu.memory_space<vmem>>
    %dma_wait3A_517 = arith.constant 0 : i32
    %dma_wait3A_518 = arith.constant 0 : i32
    %dma_wait3A_519 = tpu.memref_slice %arg6[%dma_wait3A_517, %dma_wait3A_518] : memref<10000x64xf32, #tpu.memory_space<vmem_shared>> -> memref<10000x64xf32, #tpu.memory_space<vmem_shared>>
    tpu.wait_indirect_dma semaphore(%arg14 : memref<!tpu.dma_semaphore, #tpu.memory_space<semaphore_mem>>) src(%dma_wait3A_513 : memref<125x64xf32, #tpu.memory_space<vmem>>) dst(%dma_wait3A_519 : memref<10000x64xf32, #tpu.memory_space<vmem_shared>>)
    %dma_start3A_520 = arith.constant 0 : i32
    %dma_start3A_521 = arith.constant 0 : i32
    %dma_start3A_522 = arith.constant 0 : i32
    %dma_start3A_523 = arith.constant 0 : i32
    %dma_start3A_524 = arith.constant 0 : i32
    %dma_start3A_525 = tpu.memref_slice %arg9[%dma_start3A_522, %dma_start3A_523, %dma_start3A_524] : memref<4x125x64xf32, #tpu.memory_space<vmem>> -> memref<1x125x64xf32, #tpu.memory_space<vmem>>
    %dma_start3A_526 = tpu.memref_squeeze %dma_start3A_525 : memref<1x125x64xf32, #tpu.memory_space<vmem>> -> memref<125x64xf32, #tpu.memory_space<vmem>>
    %dma_start3A_527 = arith.constant 0 : i32
    %dma_start3A_528 = tpu.memref_slice %arg7[%dma_start3A_520, %dma_start3A_521, %dma_start3A_527] : memref<2x32x125xi32, #tpu.memory_space<vmem>> -> memref<1x1x125xi32, #tpu.memory_space<vmem>>
    %dma_start3A_529 = tpu.memref_squeeze %dma_start3A_528 : memref<1x1x125xi32, #tpu.memory_space<vmem>> -> memref<125xi32, #tpu.memory_space<vmem>>
    %dma_start3A_530 = arith.constant 0 : i32
    %dma_start3A_531 = arith.constant 0 : i32
    %dma_start3A_532 = tpu.memref_slice %arg5[%dma_start3A_530, %dma_start3A_531] : memref<10000x64xf32, #tpu.memory_space<vmem_shared>> -> memref<10000x64xf32, #tpu.memory_space<vmem_shared>>
    tpu.enqueue_indirect_dma source(%dma_start3A_532 : memref<10000x64xf32, #tpu.memory_space<vmem_shared>>) target(%dma_start3A_526 : memref<125x64xf32, #tpu.memory_space<vmem>>) offsets(%dma_start3A_529 : memref<125xi32, #tpu.memory_space<vmem>>) semaphore(%arg10 : memref<!tpu.dma_semaphore, #tpu.memory_space<semaphore_mem>>)
    %dma_wait3A_533 = arith.constant 0 : i32
    %dma_wait3A_534 = arith.constant 0 : i32
    %dma_wait3A_535 = arith.constant 3 : i32
    %dma_wait3A_536 = arith.constant 0 : i32
    %dma_wait3A_537 = arith.constant 0 : i32
    %dma_wait3A_538 = tpu.memref_slice %arg9[%dma_wait3A_535, %dma_wait3A_536, %dma_wait3A_537] : memref<4x125x64xf32, #tpu.memory_space<vmem>> -> memref<1x125x64xf32, #tpu.memory_space<vmem>>
    %dma_wait3A_539 = tpu.memref_squeeze %dma_wait3A_538 : memref<1x125x64xf32, #tpu.memory_space<vmem>> -> memref<125x64xf32, #tpu.memory_space<vmem>>
    %dma_wait3A_540 = arith.constant 0 : i32
    %dma_wait3A_541 = tpu.memref_slice %arg7[%dma_wait3A_533, %dma_wait3A_534, %dma_wait3A_540] : memref<2x32x125xi32, #tpu.memory_space<vmem>> -> memref<1x1x125xi32, #tpu.memory_space<vmem>>
    %dma_wait3A_542 = tpu.memref_squeeze %dma_wait3A_541 : memref<1x1x125xi32, #tpu.memory_space<vmem>> -> memref<125xi32, #tpu.memory_space<vmem>>
    %dma_wait3A_543 = arith.constant 0 : i32
    %dma_wait3A_544 = arith.constant 0 : i32
    %dma_wait3A_545 = tpu.memref_slice %arg5[%dma_wait3A_543, %dma_wait3A_544] : memref<10000x64xf32, #tpu.memory_space<vmem_shared>> -> memref<10000x64xf32, #tpu.memory_space<vmem_shared>>
    tpu.wait_indirect_dma semaphore(%arg13 : memref<!tpu.dma_semaphore, #tpu.memory_space<semaphore_mem>>) src(%dma_wait3A_545 : memref<10000x64xf32, #tpu.memory_space<vmem_shared>>) dst(%dma_wait3A_539 : memref<125x64xf32, #tpu.memory_space<vmem>>)
    %dma_start3A_546 = arith.constant 3 : i32
    %dma_start3A_547 = arith.constant 1 : i32
    %dma_start3A_548 = arith.constant 31 : i32
    %dma_start3A_549 = arith.constant 0 : i32
    %dma_start3A_550 = arith.constant 0 : i32
    %dma_start3A_551 = tpu.memref_slice %arg9[%dma_start3A_546, %dma_start3A_549, %dma_start3A_550] : memref<4x125x64xf32, #tpu.memory_space<vmem>> -> memref<1x125x64xf32, #tpu.memory_space<vmem>>
    %dma_start3A_552 = tpu.memref_squeeze %dma_start3A_551 : memref<1x125x64xf32, #tpu.memory_space<vmem>> -> memref<125x64xf32, #tpu.memory_space<vmem>>
    %dma_start3A_553 = arith.constant 0 : i32
    %dma_start3A_554 = tpu.memref_slice %arg8[%dma_start3A_547, %dma_start3A_548, %dma_start3A_553] : memref<2x32x125xi32, #tpu.memory_space<vmem>> -> memref<1x1x125xi32, #tpu.memory_space<vmem>>
    %dma_start3A_555 = tpu.memref_squeeze %dma_start3A_554 : memref<1x1x125xi32, #tpu.memory_space<vmem>> -> memref<125xi32, #tpu.memory_space<vmem>>
    %dma_start3A_556 = arith.constant 0 : i32
    %dma_start3A_557 = arith.constant 0 : i32
    %dma_start3A_558 = tpu.memref_slice %arg6[%dma_start3A_556, %dma_start3A_557] : memref<10000x64xf32, #tpu.memory_space<vmem_shared>> -> memref<10000x64xf32, #tpu.memory_space<vmem_shared>>
    tpu.enqueue_indirect_dma source(%dma_start3A_552 : memref<125x64xf32, #tpu.memory_space<vmem>>) target(%dma_start3A_558 : memref<10000x64xf32, #tpu.memory_space<vmem_shared>>) offsets(%dma_start3A_555 : memref<125xi32, #tpu.memory_space<vmem>>) semaphore(%arg17 : memref<!tpu.dma_semaphore, #tpu.memory_space<semaphore_mem>>) {add = true}
    %dma_wait3A_559 = arith.constant 0 : i32
    %dma_wait3A_560 = arith.constant 0 : i32
    %dma_wait3A_561 = arith.constant 0 : i32
    %dma_wait3A_562 = arith.constant 0 : i32
    %dma_wait3A_563 = arith.constant 0 : i32
    %dma_wait3A_564 = tpu.memref_slice %arg9[%dma_wait3A_559, %dma_wait3A_562, %dma_wait3A_563] : memref<4x125x64xf32, #tpu.memory_space<vmem>> -> memref<1x125x64xf32, #tpu.memory_space<vmem>>
    %dma_wait3A_565 = tpu.memref_squeeze %dma_wait3A_564 : memref<1x125x64xf32, #tpu.memory_space<vmem>> -> memref<125x64xf32, #tpu.memory_space<vmem>>
    %dma_wait3A_566 = arith.constant 0 : i32
    %dma_wait3A_567 = tpu.memref_slice %arg8[%dma_wait3A_560, %dma_wait3A_561, %dma_wait3A_566] : memref<2x32x125xi32, #tpu.memory_space<vmem>> -> memref<1x1x125xi32, #tpu.memory_space<vmem>>
    %dma_wait3A_568 = tpu.memref_squeeze %dma_wait3A_567 : memref<1x1x125xi32, #tpu.memory_space<vmem>> -> memref<125xi32, #tpu.memory_space<vmem>>
    %dma_wait3A_569 = arith.constant 0 : i32
    %dma_wait3A_570 = arith.constant 0 : i32
    %dma_wait3A_571 = tpu.memref_slice %arg6[%dma_wait3A_569, %dma_wait3A_570] : memref<10000x64xf32, #tpu.memory_space<vmem_shared>> -> memref<10000x64xf32, #tpu.memory_space<vmem_shared>>
    tpu.wait_indirect_dma semaphore(%arg15 : memref<!tpu.dma_semaphore, #tpu.memory_space<semaphore_mem>>) src(%dma_wait3A_565 : memref<125x64xf32, #tpu.memory_space<vmem>>) dst(%dma_wait3A_571 : memref<10000x64xf32, #tpu.memory_space<vmem_shared>>)
    %dma_start3A_572 = arith.constant 0 : i32
    %dma_start3A_573 = arith.constant 1 : i32
    %dma_start3A_574 = arith.constant 1 : i32
    %dma_start3A_575 = arith.constant 0 : i32
    %dma_start3A_576 = arith.constant 0 : i32
    %dma_start3A_577 = tpu.memref_slice %arg9[%dma_start3A_574, %dma_start3A_575, %dma_start3A_576] : memref<4x125x64xf32, #tpu.memory_space<vmem>> -> memref<1x125x64xf32, #tpu.memory_space<vmem>>
    %dma_start3A_578 = tpu.memref_squeeze %dma_start3A_577 : memref<1x125x64xf32, #tpu.memory_space<vmem>> -> memref<125x64xf32, #tpu.memory_space<vmem>>
    %dma_start3A_579 = arith.constant 0 : i32
    %dma_start3A_580 = tpu.memref_slice %arg7[%dma_start3A_572, %dma_start3A_573, %dma_start3A_579] : memref<2x32x125xi32, #tpu.memory_space<vmem>> -> memref<1x1x125xi32, #tpu.memory_space<vmem>>
    %dma_start3A_581 = tpu.memref_squeeze %dma_start3A_580 : memref<1x1x125xi32, #tpu.memory_space<vmem>> -> memref<125xi32, #tpu.memory_space<vmem>>
    %dma_start3A_582 = arith.constant 0 : i32
    %dma_start3A_583 = arith.constant 0 : i32
    %dma_start3A_584 = tpu.memref_slice %arg5[%dma_start3A_582, %dma_start3A_583] : memref<10000x64xf32, #tpu.memory_space<vmem_shared>> -> memref<10000x64xf32, #tpu.memory_space<vmem_shared>>
    tpu.enqueue_indirect_dma source(%dma_start3A_584 : memref<10000x64xf32, #tpu.memory_space<vmem_shared>>) target(%dma_start3A_578 : memref<125x64xf32, #tpu.memory_space<vmem>>) offsets(%dma_start3A_581 : memref<125xi32, #tpu.memory_space<vmem>>) semaphore(%arg11 : memref<!tpu.dma_semaphore, #tpu.memory_space<semaphore_mem>>)
    %dma_wait3A_585 = arith.constant 0 : i32
    %dma_wait3A_586 = arith.constant 0 : i32
    %dma_wait3A_587 = arith.constant 0 : i32
    %dma_wait3A_588 = arith.constant 0 : i32
    %dma_wait3A_589 = arith.constant 0 : i32
    %dma_wait3A_590 = tpu.memref_slice %arg9[%dma_wait3A_587, %dma_wait3A_588, %dma_wait3A_589] : memref<4x125x64xf32, #tpu.memory_space<vmem>> -> memref<1x125x64xf32, #tpu.memory_space<vmem>>
    %dma_wait3A_591 = tpu.memref_squeeze %dma_wait3A_590 : memref<1x125x64xf32, #tpu.memory_space<vmem>> -> memref<125x64xf32, #tpu.memory_space<vmem>>
    %dma_wait3A_592 = arith.constant 0 : i32
    %dma_wait3A_593 = tpu.memref_slice %arg7[%dma_wait3A_585, %dma_wait3A_586, %dma_wait3A_592] : memref<2x32x125xi32, #tpu.memory_space<vmem>> -> memref<1x1x125xi32, #tpu.memory_space<vmem>>
    %dma_wait3A_594 = tpu.memref_squeeze %dma_wait3A_593 : memref<1x1x125xi32, #tpu.memory_space<vmem>> -> memref<125xi32, #tpu.memory_space<vmem>>
    %dma_wait3A_595 = arith.constant 0 : i32
    %dma_wait3A_596 = arith.constant 0 : i32
    %dma_wait3A_597 = tpu.memref_slice %arg5[%dma_wait3A_595, %dma_wait3A_596] : memref<10000x64xf32, #tpu.memory_space<vmem_shared>> -> memref<10000x64xf32, #tpu.memory_space<vmem_shared>>
    tpu.wait_indirect_dma semaphore(%arg10 : memref<!tpu.dma_semaphore, #tpu.memory_space<semaphore_mem>>) src(%dma_wait3A_597 : memref<10000x64xf32, #tpu.memory_space<vmem_shared>>) dst(%dma_wait3A_591 : memref<125x64xf32, #tpu.memory_space<vmem>>)
    %dma_start3A_598 = arith.constant 0 : i32
    %dma_start3A_599 = arith.constant 0 : i32
    %dma_start3A_600 = arith.constant 0 : i32
    %dma_start3A_601 = arith.constant 0 : i32
    %dma_start3A_602 = arith.constant 0 : i32
    %dma_start3A_603 = tpu.memref_slice %arg9[%dma_start3A_598, %dma_start3A_601, %dma_start3A_602] : memref<4x125x64xf32, #tpu.memory_space<vmem>> -> memref<1x125x64xf32, #tpu.memory_space<vmem>>
    %dma_start3A_604 = tpu.memref_squeeze %dma_start3A_603 : memref<1x125x64xf32, #tpu.memory_space<vmem>> -> memref<125x64xf32, #tpu.memory_space<vmem>>
    %dma_start3A_605 = arith.constant 0 : i32
    %dma_start3A_606 = tpu.memref_slice %arg8[%dma_start3A_599, %dma_start3A_600, %dma_start3A_605] : memref<2x32x125xi32, #tpu.memory_space<vmem>> -> memref<1x1x125xi32, #tpu.memory_space<vmem>>
    %dma_start3A_607 = tpu.memref_squeeze %dma_start3A_606 : memref<1x1x125xi32, #tpu.memory_space<vmem>> -> memref<125xi32, #tpu.memory_space<vmem>>
    %dma_start3A_608 = arith.constant 0 : i32
    %dma_start3A_609 = arith.constant 0 : i32
    %dma_start3A_610 = tpu.memref_slice %arg6[%dma_start3A_608, %dma_start3A_609] : memref<10000x64xf32, #tpu.memory_space<vmem_shared>> -> memref<10000x64xf32, #tpu.memory_space<vmem_shared>>
    tpu.enqueue_indirect_dma source(%dma_start3A_604 : memref<125x64xf32, #tpu.memory_space<vmem>>) target(%dma_start3A_610 : memref<10000x64xf32, #tpu.memory_space<vmem_shared>>) offsets(%dma_start3A_607 : memref<125xi32, #tpu.memory_space<vmem>>) semaphore(%arg14 : memref<!tpu.dma_semaphore, #tpu.memory_space<semaphore_mem>>) {add = true}
    %dma_wait3A_611 = arith.constant 0 : i32
    %dma_wait3A_612 = arith.constant 0 : i32
    %dma_wait3A_613 = arith.constant 0 : i32
    %dma_wait3A_614 = arith.constant 0 : i32
    %dma_wait3A_615 = arith.constant 0 : i32
    %dma_wait3A_616 = tpu.memref_slice %arg9[%dma_wait3A_611, %dma_wait3A_614, %dma_wait3A_615] : memref<4x125x64xf32, #tpu.memory_space<vmem>> -> memref<1x125x64xf32, #tpu.memory_space<vmem>>
    %dma_wait3A_617 = tpu.memref_squeeze %dma_wait3A_616 : memref<1x125x64xf32, #tpu.memory_space<vmem>> -> memref<125x64xf32, #tpu.memory_space<vmem>>
    %dma_wait3A_618 = arith.constant 0 : i32
    %dma_wait3A_619 = tpu.memref_slice %arg8[%dma_wait3A_612, %dma_wait3A_613, %dma_wait3A_618] : memref<2x32x125xi32, #tpu.memory_space<vmem>> -> memref<1x1x125xi32, #tpu.memory_space<vmem>>
    %dma_wait3A_620 = tpu.memref_squeeze %dma_wait3A_619 : memref<1x1x125xi32, #tpu.memory_space<vmem>> -> memref<125xi32, #tpu.memory_space<vmem>>
    %dma_wait3A_621 = arith.constant 0 : i32
    %dma_wait3A_622 = arith.constant 0 : i32
    %dma_wait3A_623 = tpu.memref_slice %arg6[%dma_wait3A_621, %dma_wait3A_622] : memref<10000x64xf32, #tpu.memory_space<vmem_shared>> -> memref<10000x64xf32, #tpu.memory_space<vmem_shared>>
    tpu.wait_indirect_dma semaphore(%arg16 : memref<!tpu.dma_semaphore, #tpu.memory_space<semaphore_mem>>) src(%dma_wait3A_617 : memref<125x64xf32, #tpu.memory_space<vmem>>) dst(%dma_wait3A_623 : memref<10000x64xf32, #tpu.memory_space<vmem_shared>>)
    %dma_start3A_624 = arith.constant 0 : i32
    %dma_start3A_625 = arith.constant 2 : i32
    %dma_start3A_626 = arith.constant 2 : i32
    %dma_start3A_627 = arith.constant 0 : i32
    %dma_start3A_628 = arith.constant 0 : i32
    %dma_start3A_629 = tpu.memref_slice %arg9[%dma_start3A_626, %dma_start3A_627, %dma_start3A_628] : memref<4x125x64xf32, #tpu.memory_space<vmem>> -> memref<1x125x64xf32, #tpu.memory_space<vmem>>
    %dma_start3A_630 = tpu.memref_squeeze %dma_start3A_629 : memref<1x125x64xf32, #tpu.memory_space<vmem>> -> memref<125x64xf32, #tpu.memory_space<vmem>>
    %dma_start3A_631 = arith.constant 0 : i32
    %dma_start3A_632 = tpu.memref_slice %arg7[%dma_start3A_624, %dma_start3A_625, %dma_start3A_631] : memref<2x32x125xi32, #tpu.memory_space<vmem>> -> memref<1x1x125xi32, #tpu.memory_space<vmem>>
    %dma_start3A_633 = tpu.memref_squeeze %dma_start3A_632 : memref<1x1x125xi32, #tpu.memory_space<vmem>> -> memref<125xi32, #tpu.memory_space<vmem>>
    %dma_start3A_634 = arith.constant 0 : i32
    %dma_start3A_635 = arith.constant 0 : i32
    %dma_start3A_636 = tpu.memref_slice %arg5[%dma_start3A_634, %dma_start3A_635] : memref<10000x64xf32, #tpu.memory_space<vmem_shared>> -> memref<10000x64xf32, #tpu.memory_space<vmem_shared>>
    tpu.enqueue_indirect_dma source(%dma_start3A_636 : memref<10000x64xf32, #tpu.memory_space<vmem_shared>>) target(%dma_start3A_630 : memref<125x64xf32, #tpu.memory_space<vmem>>) offsets(%dma_start3A_633 : memref<125xi32, #tpu.memory_space<vmem>>) semaphore(%arg12 : memref<!tpu.dma_semaphore, #tpu.memory_space<semaphore_mem>>)
    %dma_wait3A_637 = arith.constant 0 : i32
    %dma_wait3A_638 = arith.constant 0 : i32
    %dma_wait3A_639 = arith.constant 1 : i32
    %dma_wait3A_640 = arith.constant 0 : i32
    %dma_wait3A_641 = arith.constant 0 : i32
    %dma_wait3A_642 = tpu.memref_slice %arg9[%dma_wait3A_639, %dma_wait3A_640, %dma_wait3A_641] : memref<4x125x64xf32, #tpu.memory_space<vmem>> -> memref<1x125x64xf32, #tpu.memory_space<vmem>>
    %dma_wait3A_643 = tpu.memref_squeeze %dma_wait3A_642 : memref<1x125x64xf32, #tpu.memory_space<vmem>> -> memref<125x64xf32, #tpu.memory_space<vmem>>
    %dma_wait3A_644 = arith.constant 0 : i32
    %dma_wait3A_645 = tpu.memref_slice %arg7[%dma_wait3A_637, %dma_wait3A_638, %dma_wait3A_644] : memref<2x32x125xi32, #tpu.memory_space<vmem>> -> memref<1x1x125xi32, #tpu.memory_space<vmem>>
    %dma_wait3A_646 = tpu.memref_squeeze %dma_wait3A_645 : memref<1x1x125xi32, #tpu.memory_space<vmem>> -> memref<125xi32, #tpu.memory_space<vmem>>
    %dma_wait3A_647 = arith.constant 0 : i32
    %dma_wait3A_648 = arith.constant 0 : i32
    %dma_wait3A_649 = tpu.memref_slice %arg5[%dma_wait3A_647, %dma_wait3A_648] : memref<10000x64xf32, #tpu.memory_space<vmem_shared>> -> memref<10000x64xf32, #tpu.memory_space<vmem_shared>>
    tpu.wait_indirect_dma semaphore(%arg11 : memref<!tpu.dma_semaphore, #tpu.memory_space<semaphore_mem>>) src(%dma_wait3A_649 : memref<10000x64xf32, #tpu.memory_space<vmem_shared>>) dst(%dma_wait3A_643 : memref<125x64xf32, #tpu.memory_space<vmem>>)
    %dma_start3A_650 = arith.constant 1 : i32
    %dma_start3A_651 = arith.constant 0 : i32
    %dma_start3A_652 = arith.constant 1 : i32
    %dma_start3A_653 = arith.constant 0 : i32
    %dma_start3A_654 = arith.constant 0 : i32
    %dma_start3A_655 = tpu.memref_slice %arg9[%dma_start3A_650, %dma_start3A_653, %dma_start3A_654] : memref<4x125x64xf32, #tpu.memory_space<vmem>> -> memref<1x125x64xf32, #tpu.memory_space<vmem>>
    %dma_start3A_656 = tpu.memref_squeeze %dma_start3A_655 : memref<1x125x64xf32, #tpu.memory_space<vmem>> -> memref<125x64xf32, #tpu.memory_space<vmem>>
    %dma_start3A_657 = arith.constant 0 : i32
    %dma_start3A_658 = tpu.memref_slice %arg8[%dma_start3A_651, %dma_start3A_652, %dma_start3A_657] : memref<2x32x125xi32, #tpu.memory_space<vmem>> -> memref<1x1x125xi32, #tpu.memory_space<vmem>>
    %dma_start3A_659 = tpu.memref_squeeze %dma_start3A_658 : memref<1x1x125xi32, #tpu.memory_space<vmem>> -> memref<125xi32, #tpu.memory_space<vmem>>
    %dma_start3A_660 = arith.constant 0 : i32
    %dma_start3A_661 = arith.constant 0 : i32
    %dma_start3A_662 = tpu.memref_slice %arg6[%dma_start3A_660, %dma_start3A_661] : memref<10000x64xf32, #tpu.memory_space<vmem_shared>> -> memref<10000x64xf32, #tpu.memory_space<vmem_shared>>
    tpu.enqueue_indirect_dma source(%dma_start3A_656 : memref<125x64xf32, #tpu.memory_space<vmem>>) target(%dma_start3A_662 : memref<10000x64xf32, #tpu.memory_space<vmem_shared>>) offsets(%dma_start3A_659 : memref<125xi32, #tpu.memory_space<vmem>>) semaphore(%arg15 : memref<!tpu.dma_semaphore, #tpu.memory_space<semaphore_mem>>) {add = true}
    %dma_wait3A_663 = arith.constant 0 : i32
    %dma_wait3A_664 = arith.constant 0 : i32
    %dma_wait3A_665 = arith.constant 0 : i32
    %dma_wait3A_666 = arith.constant 0 : i32
    %dma_wait3A_667 = arith.constant 0 : i32
    %dma_wait3A_668 = tpu.memref_slice %arg9[%dma_wait3A_663, %dma_wait3A_666, %dma_wait3A_667] : memref<4x125x64xf32, #tpu.memory_space<vmem>> -> memref<1x125x64xf32, #tpu.memory_space<vmem>>
    %dma_wait3A_669 = tpu.memref_squeeze %dma_wait3A_668 : memref<1x125x64xf32, #tpu.memory_space<vmem>> -> memref<125x64xf32, #tpu.memory_space<vmem>>
    %dma_wait3A_670 = arith.constant 0 : i32
    %dma_wait3A_671 = tpu.memref_slice %arg8[%dma_wait3A_664, %dma_wait3A_665, %dma_wait3A_670] : memref<2x32x125xi32, #tpu.memory_space<vmem>> -> memref<1x1x125xi32, #tpu.memory_space<vmem>>
    %dma_wait3A_672 = tpu.memref_squeeze %dma_wait3A_671 : memref<1x1x125xi32, #tpu.memory_space<vmem>> -> memref<125xi32, #tpu.memory_space<vmem>>
    %dma_wait3A_673 = arith.constant 0 : i32
    %dma_wait3A_674 = arith.constant 0 : i32
    %dma_wait3A_675 = tpu.memref_slice %arg6[%dma_wait3A_673, %dma_wait3A_674] : memref<10000x64xf32, #tpu.memory_space<vmem_shared>> -> memref<10000x64xf32, #tpu.memory_space<vmem_shared>>
    tpu.wait_indirect_dma semaphore(%arg17 : memref<!tpu.dma_semaphore, #tpu.memory_space<semaphore_mem>>) src(%dma_wait3A_669 : memref<125x64xf32, #tpu.memory_space<vmem>>) dst(%dma_wait3A_675 : memref<10000x64xf32, #tpu.memory_space<vmem_shared>>)
    %dma_start3A_676 = arith.constant 0 : i32
    %dma_start3A_677 = arith.constant 3 : i32
    %dma_start3A_678 = arith.constant 3 : i32
    %dma_start3A_679 = arith.constant 0 : i32
    %dma_start3A_680 = arith.constant 0 : i32
    %dma_start3A_681 = tpu.memref_slice %arg9[%dma_start3A_678, %dma_start3A_679, %dma_start3A_680] : memref<4x125x64xf32, #tpu.memory_space<vmem>> -> memref<1x125x64xf32, #tpu.memory_space<vmem>>
    %dma_start3A_682 = tpu.memref_squeeze %dma_start3A_681 : memref<1x125x64xf32, #tpu.memory_space<vmem>> -> memref<125x64xf32, #tpu.memory_space<vmem>>
    %dma_start3A_683 = arith.constant 0 : i32
    %dma_start3A_684 = tpu.memref_slice %arg7[%dma_start3A_676, %dma_start3A_677, %dma_start3A_683] : memref<2x32x125xi32, #tpu.memory_space<vmem>> -> memref<1x1x125xi32, #tpu.memory_space<vmem>>
    %dma_start3A_685 = tpu.memref_squeeze %dma_start3A_684 : memref<1x1x125xi32, #tpu.memory_space<vmem>> -> memref<125xi32, #tpu.memory_space<vmem>>
    %dma_start3A_686 = arith.constant 0 : i32
    %dma_start3A_687 = arith.constant 0 : i32
    %dma_start3A_688 = tpu.memref_slice %arg5[%dma_start3A_686, %dma_start3A_687] : memref<10000x64xf32, #tpu.memory_space<vmem_shared>> -> memref<10000x64xf32, #tpu.memory_space<vmem_shared>>
    tpu.enqueue_indirect_dma source(%dma_start3A_688 : memref<10000x64xf32, #tpu.memory_space<vmem_shared>>) target(%dma_start3A_682 : memref<125x64xf32, #tpu.memory_space<vmem>>) offsets(%dma_start3A_685 : memref<125xi32, #tpu.memory_space<vmem>>) semaphore(%arg13 : memref<!tpu.dma_semaphore, #tpu.memory_space<semaphore_mem>>)
    %dma_start3A_689 = arith.constant 0 : i32
    %dma_start3A_690 = arith.constant 3 : i32
    %dma_start3A_691 = arith.constant 1 : i32
    %dma_start3A_692 = arith.constant 0 : i32
    %dma_start3A_693 = arith.constant 0 : i32
    %dma_start3A_694 = tpu.memref_slice %arg7[%dma_start3A_691, %dma_start3A_692, %dma_start3A_693] : memref<2x32x125xi32, #tpu.memory_space<vmem>> -> memref<1x32x125xi32, #tpu.memory_space<vmem>>
    %dma_start3A_695 = tpu.memref_squeeze %dma_start3A_694 : memref<1x32x125xi32, #tpu.memory_space<vmem>> -> memref<32x125xi32, #tpu.memory_space<vmem>>
    %dma_start3A_696 = arith.constant 0 : i32
    %dma_start3A_697 = arith.constant 0 : i32
    %dma_start3A_698 = tpu.memref_slice %arg3[%dma_start3A_689, %arg1, %dma_start3A_690, %dma_start3A_696, %dma_start3A_697] : memref<2x16x5x32x125xi32, #tpu.memory_space<hbm>> -> memref<1x1x1x32x125xi32, #tpu.memory_space<hbm>>
    %dma_start3A_699 = tpu.memref_squeeze %dma_start3A_698 : memref<1x1x1x32x125xi32, #tpu.memory_space<hbm>> -> memref<32x125xi32, #tpu.memory_space<hbm>>
    %dma_start3A_700 = arith.constant 0 : i32
    %dma_start3A_701 = arith.constant 0 : i32
    %dma_start3A_702 = tpu.memref_slice %arg7[%dma_start3A_691, %dma_start3A_700, %dma_start3A_701] : memref<2x32x125xi32, #tpu.memory_space<vmem>> -> memref<1x32x125xi32, #tpu.memory_space<vmem>>
    %dma_start3A_703 = tpu.memref_squeeze %dma_start3A_702 : memref<1x32x125xi32, #tpu.memory_space<vmem>> -> memref<32x125xi32, #tpu.memory_space<vmem>>
    %dma_start3A_704 = arith.constant 0 : i32
    %dma_start3A_705 = arith.constant 0 : i32
    %dma_start3A_706 = tpu.memref_slice %arg3[%dma_start3A_689, %arg1, %dma_start3A_690, %dma_start3A_704, %dma_start3A_705] : memref<2x16x5x32x125xi32, #tpu.memory_space<hbm>> -> memref<1x1x1x32x125xi32, #tpu.memory_space<hbm>>
    %dma_start3A_707 = tpu.memref_squeeze %dma_start3A_706 : memref<1x1x1x32x125xi32, #tpu.memory_space<hbm>> -> memref<32x125xi32, #tpu.memory_space<hbm>>
    tpu.enqueue_dma source(%dma_start3A_707 : memref<32x125xi32, #tpu.memory_space<hbm>>) target(%dma_start3A_703 : memref<32x125xi32, #tpu.memory_space<vmem>>) target_semaphore(%arg19 : memref<!tpu.dma_semaphore, #tpu.memory_space<semaphore_mem>>)
    %dma_start3A_708 = arith.constant 1 : i32
    %dma_start3A_709 = arith.constant 3 : i32
    %dma_start3A_710 = arith.constant 1 : i32
    %dma_start3A_711 = arith.constant 0 : i32
    %dma_start3A_712 = arith.constant 0 : i32
    %dma_start3A_713 = tpu.memref_slice %arg8[%dma_start3A_710, %dma_start3A_711, %dma_start3A_712] : memref<2x32x125xi32, #tpu.memory_space<vmem>> -> memref<1x32x125xi32, #tpu.memory_space<vmem>>
    %dma_start3A_714 = tpu.memref_squeeze %dma_start3A_713 : memref<1x32x125xi32, #tpu.memory_space<vmem>> -> memref<32x125xi32, #tpu.memory_space<vmem>>
    %dma_start3A_715 = arith.constant 0 : i32
    %dma_start3A_716 = arith.constant 0 : i32
    %dma_start3A_717 = tpu.memref_slice %arg3[%dma_start3A_708, %arg1, %dma_start3A_709, %dma_start3A_715, %dma_start3A_716] : memref<2x16x5x32x125xi32, #tpu.memory_space<hbm>> -> memref<1x1x1x32x125xi32, #tpu.memory_space<hbm>>
    %dma_start3A_718 = tpu.memref_squeeze %dma_start3A_717 : memref<1x1x1x32x125xi32, #tpu.memory_space<hbm>> -> memref<32x125xi32, #tpu.memory_space<hbm>>
    %dma_start3A_719 = arith.constant 0 : i32
    %dma_start3A_720 = arith.constant 0 : i32
    %dma_start3A_721 = tpu.memref_slice %arg8[%dma_start3A_710, %dma_start3A_719, %dma_start3A_720] : memref<2x32x125xi32, #tpu.memory_space<vmem>> -> memref<1x32x125xi32, #tpu.memory_space<vmem>>
    %dma_start3A_722 = tpu.memref_squeeze %dma_start3A_721 : memref<1x32x125xi32, #tpu.memory_space<vmem>> -> memref<32x125xi32, #tpu.memory_space<vmem>>
    %dma_start3A_723 = arith.constant 0 : i32
    %dma_start3A_724 = arith.constant 0 : i32
    %dma_start3A_725 = tpu.memref_slice %arg3[%dma_start3A_708, %arg1, %dma_start3A_709, %dma_start3A_723, %dma_start3A_724] : memref<2x16x5x32x125xi32, #tpu.memory_space<hbm>> -> memref<1x1x1x32x125xi32, #tpu.memory_space<hbm>>
    %dma_start3A_726 = tpu.memref_squeeze %dma_start3A_725 : memref<1x1x1x32x125xi32, #tpu.memory_space<hbm>> -> memref<32x125xi32, #tpu.memory_space<hbm>>
    tpu.enqueue_dma source(%dma_start3A_726 : memref<32x125xi32, #tpu.memory_space<hbm>>) target(%dma_start3A_722 : memref<32x125xi32, #tpu.memory_space<vmem>>) target_semaphore(%arg19 : memref<!tpu.dma_semaphore, #tpu.memory_space<semaphore_mem>>)
    %scan3A_727 = arith.constant 0 : i32
    %scan3A_728 = arith.constant 0 : i32
    %scan3A_729 = arith.constant 7 : i32
    %scan3A_730 = arith.addi %scan3A_728, %scan3A_729 : i32
    %scan3A_731 = arith.constant 1 : i32
    scf.for %scan3A_1380 = %scan3A_728 to %scan3A_730 step %scan3A_731  : i32 {
      %mul3A_1381 = arith.constant 4 : i32
      %mul3A_1382 = arith.muli %mul3A_1381, %scan3A_1380 : i32
      %add3A = arith.constant 2 : i32
      %add3A_1383 = arith.addi %add3A, %mul3A_1382 : i32
      %dma_wait3A_1384 = arith.constant 0 : i32
      %dma_wait3A_1385 = arith.constant 0 : i32
      %dma_wait3A_1386 = arith.constant 2 : i32
      %dma_wait3A_1387 = arith.constant 0 : i32
      %dma_wait3A_1388 = arith.constant 0 : i32
      %dma_wait3A_1389 = tpu.memref_slice %arg9[%dma_wait3A_1386, %dma_wait3A_1387, %dma_wait3A_1388] : memref<4x125x64xf32, #tpu.memory_space<vmem>> -> memref<1x125x64xf32, #tpu.memory_space<vmem>>
      %dma_wait3A_1390 = tpu.memref_squeeze %dma_wait3A_1389 : memref<1x125x64xf32, #tpu.memory_space<vmem>> -> memref<125x64xf32, #tpu.memory_space<vmem>>
      %dma_wait3A_1391 = arith.constant 0 : i32
      %dma_wait3A_1392 = tpu.memref_slice %arg7[%dma_wait3A_1384, %dma_wait3A_1385, %dma_wait3A_1391] : memref<2x32x125xi32, #tpu.memory_space<vmem>> -> memref<1x1x125xi32, #tpu.memory_space<vmem>>
      %dma_wait3A_1393 = tpu.memref_squeeze %dma_wait3A_1392 : memref<1x1x125xi32, #tpu.memory_space<vmem>> -> memref<125xi32, #tpu.memory_space<vmem>>
      %dma_wait3A_1394 = arith.constant 0 : i32
      %dma_wait3A_1395 = arith.constant 0 : i32
      %dma_wait3A_1396 = tpu.memref_slice %arg5[%dma_wait3A_1394, %dma_wait3A_1395] : memref<10000x64xf32, #tpu.memory_space<vmem_shared>> -> memref<10000x64xf32, #tpu.memory_space<vmem_shared>>
      tpu.wait_indirect_dma semaphore(%arg12 : memref<!tpu.dma_semaphore, #tpu.memory_space<semaphore_mem>>) src(%dma_wait3A_1396 : memref<10000x64xf32, #tpu.memory_space<vmem_shared>>) dst(%dma_wait3A_1390 : memref<125x64xf32, #tpu.memory_space<vmem>>)
      %add3A_1397 = arith.constant 0 : i32
      %add3A_1398 = arith.addi %add3A_1383, %add3A_1397 : i32
      %dma_start3A_1399 = arith.constant 2 : i32
      %dma_start3A_1400 = arith.constant 0 : i32
      %dma_start3A_1401 = arith.constant 0 : i32
      %dma_start3A_1402 = arith.constant 0 : i32
      %dma_start3A_1403 = tpu.memref_slice %arg9[%dma_start3A_1399, %dma_start3A_1401, %dma_start3A_1402] : memref<4x125x64xf32, #tpu.memory_space<vmem>> -> memref<1x125x64xf32, #tpu.memory_space<vmem>>
      %dma_start3A_1404 = tpu.memref_squeeze %dma_start3A_1403 : memref<1x125x64xf32, #tpu.memory_space<vmem>> -> memref<125x64xf32, #tpu.memory_space<vmem>>
      %dma_start3A_1405 = arith.constant 0 : i32
      %dma_start3A_1406 = tpu.memref_slice %arg8[%dma_start3A_1400, %add3A_1398, %dma_start3A_1405] : memref<2x32x125xi32, #tpu.memory_space<vmem>> -> memref<1x1x125xi32, #tpu.memory_space<vmem>>
      %dma_start3A_1407 = tpu.memref_squeeze %dma_start3A_1406 : memref<1x1x125xi32, #tpu.memory_space<vmem>> -> memref<125xi32, #tpu.memory_space<vmem>>
      %dma_start3A_1408 = arith.constant 0 : i32
      %dma_start3A_1409 = arith.constant 0 : i32
      %dma_start3A_1410 = tpu.memref_slice %arg6[%dma_start3A_1408, %dma_start3A_1409] : memref<10000x64xf32, #tpu.memory_space<vmem_shared>> -> memref<10000x64xf32, #tpu.memory_space<vmem_shared>>
      tpu.enqueue_indirect_dma source(%dma_start3A_1404 : memref<125x64xf32, #tpu.memory_space<vmem>>) target(%dma_start3A_1410 : memref<10000x64xf32, #tpu.memory_space<vmem_shared>>) offsets(%dma_start3A_1407 : memref<125xi32, #tpu.memory_space<vmem>>) semaphore(%arg16 : memref<!tpu.dma_semaphore, #tpu.memory_space<semaphore_mem>>) {add = true}
      %dma_wait3A_1411 = arith.constant 0 : i32
      %dma_wait3A_1412 = arith.constant 0 : i32
      %dma_wait3A_1413 = arith.constant 0 : i32
      %dma_wait3A_1414 = arith.constant 0 : i32
      %dma_wait3A_1415 = arith.constant 0 : i32
      %dma_wait3A_1416 = tpu.memref_slice %arg9[%dma_wait3A_1411, %dma_wait3A_1414, %dma_wait3A_1415] : memref<4x125x64xf32, #tpu.memory_space<vmem>> -> memref<1x125x64xf32, #tpu.memory_space<vmem>>
      %dma_wait3A_1417 = tpu.memref_squeeze %dma_wait3A_1416 : memref<1x125x64xf32, #tpu.memory_space<vmem>> -> memref<125x64xf32, #tpu.memory_space<vmem>>
      %dma_wait3A_1418 = arith.constant 0 : i32
      %dma_wait3A_1419 = tpu.memref_slice %arg8[%dma_wait3A_1412, %dma_wait3A_1413, %dma_wait3A_1418] : memref<2x32x125xi32, #tpu.memory_space<vmem>> -> memref<1x1x125xi32, #tpu.memory_space<vmem>>
      %dma_wait3A_1420 = tpu.memref_squeeze %dma_wait3A_1419 : memref<1x1x125xi32, #tpu.memory_space<vmem>> -> memref<125xi32, #tpu.memory_space<vmem>>
      %dma_wait3A_1421 = arith.constant 0 : i32
      %dma_wait3A_1422 = arith.constant 0 : i32
      %dma_wait3A_1423 = tpu.memref_slice %arg6[%dma_wait3A_1421, %dma_wait3A_1422] : memref<10000x64xf32, #tpu.memory_space<vmem_shared>> -> memref<10000x64xf32, #tpu.memory_space<vmem_shared>>
      tpu.wait_indirect_dma semaphore(%arg14 : memref<!tpu.dma_semaphore, #tpu.memory_space<semaphore_mem>>) src(%dma_wait3A_1417 : memref<125x64xf32, #tpu.memory_space<vmem>>) dst(%dma_wait3A_1423 : memref<10000x64xf32, #tpu.memory_space<vmem_shared>>)
      %add3A_1424 = arith.constant 0 : i32
      %add3A_1425 = arith.addi %add3A_1383, %add3A_1424 : i32
      %add3A_1426 = arith.constant 2 : i32
      %add3A_1427 = arith.addi %add3A_1425, %add3A_1426 : i32
      %dma_start3A_1428 = arith.constant 0 : i32
      %dma_start3A_1429 = arith.constant 0 : i32
      %dma_start3A_1430 = arith.constant 0 : i32
      %dma_start3A_1431 = arith.constant 0 : i32
      %dma_start3A_1432 = tpu.memref_slice %arg9[%dma_start3A_1429, %dma_start3A_1430, %dma_start3A_1431] : memref<4x125x64xf32, #tpu.memory_space<vmem>> -> memref<1x125x64xf32, #tpu.memory_space<vmem>>
      %dma_start3A_1433 = tpu.memref_squeeze %dma_start3A_1432 : memref<1x125x64xf32, #tpu.memory_space<vmem>> -> memref<125x64xf32, #tpu.memory_space<vmem>>
      %dma_start3A_1434 = arith.constant 0 : i32
      %dma_start3A_1435 = tpu.memref_slice %arg7[%dma_start3A_1428, %add3A_1427, %dma_start3A_1434] : memref<2x32x125xi32, #tpu.memory_space<vmem>> -> memref<1x1x125xi32, #tpu.memory_space<vmem>>
      %dma_start3A_1436 = tpu.memref_squeeze %dma_start3A_1435 : memref<1x1x125xi32, #tpu.memory_space<vmem>> -> memref<125xi32, #tpu.memory_space<vmem>>
      %dma_start3A_1437 = arith.constant 0 : i32
      %dma_start3A_1438 = arith.constant 0 : i32
      %dma_start3A_1439 = tpu.memref_slice %arg5[%dma_start3A_1437, %dma_start3A_1438] : memref<10000x64xf32, #tpu.memory_space<vmem_shared>> -> memref<10000x64xf32, #tpu.memory_space<vmem_shared>>
      tpu.enqueue_indirect_dma source(%dma_start3A_1439 : memref<10000x64xf32, #tpu.memory_space<vmem_shared>>) target(%dma_start3A_1433 : memref<125x64xf32, #tpu.memory_space<vmem>>) offsets(%dma_start3A_1436 : memref<125xi32, #tpu.memory_space<vmem>>) semaphore(%arg10 : memref<!tpu.dma_semaphore, #tpu.memory_space<semaphore_mem>>)
      %dma_wait3A_1440 = arith.constant 0 : i32
      %dma_wait3A_1441 = arith.constant 0 : i32
      %dma_wait3A_1442 = arith.constant 3 : i32
      %dma_wait3A_1443 = arith.constant 0 : i32
      %dma_wait3A_1444 = arith.constant 0 : i32
      %dma_wait3A_1445 = tpu.memref_slice %arg9[%dma_wait3A_1442, %dma_wait3A_1443, %dma_wait3A_1444] : memref<4x125x64xf32, #tpu.memory_space<vmem>> -> memref<1x125x64xf32, #tpu.memory_space<vmem>>
      %dma_wait3A_1446 = tpu.memref_squeeze %dma_wait3A_1445 : memref<1x125x64xf32, #tpu.memory_space<vmem>> -> memref<125x64xf32, #tpu.memory_space<vmem>>
      %dma_wait3A_1447 = arith.constant 0 : i32
      %dma_wait3A_1448 = tpu.memref_slice %arg7[%dma_wait3A_1440, %dma_wait3A_1441, %dma_wait3A_1447] : memref<2x32x125xi32, #tpu.memory_space<vmem>> -> memref<1x1x125xi32, #tpu.memory_space<vmem>>
      %dma_wait3A_1449 = tpu.memref_squeeze %dma_wait3A_1448 : memref<1x1x125xi32, #tpu.memory_space<vmem>> -> memref<125xi32, #tpu.memory_space<vmem>>
      %dma_wait3A_1450 = arith.constant 0 : i32
      %dma_wait3A_1451 = arith.constant 0 : i32
      %dma_wait3A_1452 = tpu.memref_slice %arg5[%dma_wait3A_1450, %dma_wait3A_1451] : memref<10000x64xf32, #tpu.memory_space<vmem_shared>> -> memref<10000x64xf32, #tpu.memory_space<vmem_shared>>
      tpu.wait_indirect_dma semaphore(%arg13 : memref<!tpu.dma_semaphore, #tpu.memory_space<semaphore_mem>>) src(%dma_wait3A_1452 : memref<10000x64xf32, #tpu.memory_space<vmem_shared>>) dst(%dma_wait3A_1446 : memref<125x64xf32, #tpu.memory_space<vmem>>)
      %add3A_1453 = arith.constant 1 : i32
      %add3A_1454 = arith.addi %add3A_1383, %add3A_1453 : i32
      %dma_start3A_1455 = arith.constant 3 : i32
      %dma_start3A_1456 = arith.constant 0 : i32
      %dma_start3A_1457 = arith.constant 0 : i32
      %dma_start3A_1458 = arith.constant 0 : i32
      %dma_start3A_1459 = tpu.memref_slice %arg9[%dma_start3A_1455, %dma_start3A_1457, %dma_start3A_1458] : memref<4x125x64xf32, #tpu.memory_space<vmem>> -> memref<1x125x64xf32, #tpu.memory_space<vmem>>
      %dma_start3A_1460 = tpu.memref_squeeze %dma_start3A_1459 : memref<1x125x64xf32, #tpu.memory_space<vmem>> -> memref<125x64xf32, #tpu.memory_space<vmem>>
      %dma_start3A_1461 = arith.constant 0 : i32
      %dma_start3A_1462 = tpu.memref_slice %arg8[%dma_start3A_1456, %add3A_1454, %dma_start3A_1461] : memref<2x32x125xi32, #tpu.memory_space<vmem>> -> memref<1x1x125xi32, #tpu.memory_space<vmem>>
      %dma_start3A_1463 = tpu.memref_squeeze %dma_start3A_1462 : memref<1x1x125xi32, #tpu.memory_space<vmem>> -> memref<125xi32, #tpu.memory_space<vmem>>
      %dma_start3A_1464 = arith.constant 0 : i32
      %dma_start3A_1465 = arith.constant 0 : i32
      %dma_start3A_1466 = tpu.memref_slice %arg6[%dma_start3A_1464, %dma_start3A_1465] : memref<10000x64xf32, #tpu.memory_space<vmem_shared>> -> memref<10000x64xf32, #tpu.memory_space<vmem_shared>>
      tpu.enqueue_indirect_dma source(%dma_start3A_1460 : memref<125x64xf32, #tpu.memory_space<vmem>>) target(%dma_start3A_1466 : memref<10000x64xf32, #tpu.memory_space<vmem_shared>>) offsets(%dma_start3A_1463 : memref<125xi32, #tpu.memory_space<vmem>>) semaphore(%arg17 : memref<!tpu.dma_semaphore, #tpu.memory_space<semaphore_mem>>) {add = true}
      %dma_wait3A_1467 = arith.constant 0 : i32
      %dma_wait3A_1468 = arith.constant 0 : i32
      %dma_wait3A_1469 = arith.constant 0 : i32
      %dma_wait3A_1470 = arith.constant 0 : i32
      %dma_wait3A_1471 = arith.constant 0 : i32
      %dma_wait3A_1472 = tpu.memref_slice %arg9[%dma_wait3A_1467, %dma_wait3A_1470, %dma_wait3A_1471] : memref<4x125x64xf32, #tpu.memory_space<vmem>> -> memref<1x125x64xf32, #tpu.memory_space<vmem>>
      %dma_wait3A_1473 = tpu.memref_squeeze %dma_wait3A_1472 : memref<1x125x64xf32, #tpu.memory_space<vmem>> -> memref<125x64xf32, #tpu.memory_space<vmem>>
      %dma_wait3A_1474 = arith.constant 0 : i32
      %dma_wait3A_1475 = tpu.memref_slice %arg8[%dma_wait3A_1468, %dma_wait3A_1469, %dma_wait3A_1474] : memref<2x32x125xi32, #tpu.memory_space<vmem>> -> memref<1x1x125xi32, #tpu.memory_space<vmem>>
      %dma_wait3A_1476 = tpu.memref_squeeze %dma_wait3A_1475 : memref<1x1x125xi32, #tpu.memory_space<vmem>> -> memref<125xi32, #tpu.memory_space<vmem>>
      %dma_wait3A_1477 = arith.constant 0 : i32
      %dma_wait3A_1478 = arith.constant 0 : i32
      %dma_wait3A_1479 = tpu.memref_slice %arg6[%dma_wait3A_1477, %dma_wait3A_1478] : memref<10000x64xf32, #tpu.memory_space<vmem_shared>> -> memref<10000x64xf32, #tpu.memory_space<vmem_shared>>
      tpu.wait_indirect_dma semaphore(%arg15 : memref<!tpu.dma_semaphore, #tpu.memory_space<semaphore_mem>>) src(%dma_wait3A_1473 : memref<125x64xf32, #tpu.memory_space<vmem>>) dst(%dma_wait3A_1479 : memref<10000x64xf32, #tpu.memory_space<vmem_shared>>)
      %add3A_1480 = arith.constant 1 : i32
      %add3A_1481 = arith.addi %add3A_1383, %add3A_1480 : i32
      %add3A_1482 = arith.constant 2 : i32
      %add3A_1483 = arith.addi %add3A_1481, %add3A_1482 : i32
      %dma_start3A_1484 = arith.constant 0 : i32
      %dma_start3A_1485 = arith.constant 1 : i32
      %dma_start3A_1486 = arith.constant 0 : i32
      %dma_start3A_1487 = arith.constant 0 : i32
      %dma_start3A_1488 = tpu.memref_slice %arg9[%dma_start3A_1485, %dma_start3A_1486, %dma_start3A_1487] : memref<4x125x64xf32, #tpu.memory_space<vmem>> -> memref<1x125x64xf32, #tpu.memory_space<vmem>>
      %dma_start3A_1489 = tpu.memref_squeeze %dma_start3A_1488 : memref<1x125x64xf32, #tpu.memory_space<vmem>> -> memref<125x64xf32, #tpu.memory_space<vmem>>
      %dma_start3A_1490 = arith.constant 0 : i32
      %dma_start3A_1491 = tpu.memref_slice %arg7[%dma_start3A_1484, %add3A_1483, %dma_start3A_1490] : memref<2x32x125xi32, #tpu.memory_space<vmem>> -> memref<1x1x125xi32, #tpu.memory_space<vmem>>
      %dma_start3A_1492 = tpu.memref_squeeze %dma_start3A_1491 : memref<1x1x125xi32, #tpu.memory_space<vmem>> -> memref<125xi32, #tpu.memory_space<vmem>>
      %dma_start3A_1493 = arith.constant 0 : i32
      %dma_start3A_1494 = arith.constant 0 : i32
      %dma_start3A_1495 = tpu.memref_slice %arg5[%dma_start3A_1493, %dma_start3A_1494] : memref<10000x64xf32, #tpu.memory_space<vmem_shared>> -> memref<10000x64xf32, #tpu.memory_space<vmem_shared>>
      tpu.enqueue_indirect_dma source(%dma_start3A_1495 : memref<10000x64xf32, #tpu.memory_space<vmem_shared>>) target(%dma_start3A_1489 : memref<125x64xf32, #tpu.memory_space<vmem>>) offsets(%dma_start3A_1492 : memref<125xi32, #tpu.memory_space<vmem>>) semaphore(%arg11 : memref<!tpu.dma_semaphore, #tpu.memory_space<semaphore_mem>>)
      %dma_wait3A_1496 = arith.constant 0 : i32
      %dma_wait3A_1497 = arith.constant 0 : i32
      %dma_wait3A_1498 = arith.constant 0 : i32
      %dma_wait3A_1499 = arith.constant 0 : i32
      %dma_wait3A_1500 = arith.constant 0 : i32
      %dma_wait3A_1501 = tpu.memref_slice %arg9[%dma_wait3A_1498, %dma_wait3A_1499, %dma_wait3A_1500] : memref<4x125x64xf32, #tpu.memory_space<vmem>> -> memref<1x125x64xf32, #tpu.memory_space<vmem>>
      %dma_wait3A_1502 = tpu.memref_squeeze %dma_wait3A_1501 : memref<1x125x64xf32, #tpu.memory_space<vmem>> -> memref<125x64xf32, #tpu.memory_space<vmem>>
      %dma_wait3A_1503 = arith.constant 0 : i32
      %dma_wait3A_1504 = tpu.memref_slice %arg7[%dma_wait3A_1496, %dma_wait3A_1497, %dma_wait3A_1503] : memref<2x32x125xi32, #tpu.memory_space<vmem>> -> memref<1x1x125xi32, #tpu.memory_space<vmem>>
      %dma_wait3A_1505 = tpu.memref_squeeze %dma_wait3A_1504 : memref<1x1x125xi32, #tpu.memory_space<vmem>> -> memref<125xi32, #tpu.memory_space<vmem>>
      %dma_wait3A_1506 = arith.constant 0 : i32
      %dma_wait3A_1507 = arith.constant 0 : i32
      %dma_wait3A_1508 = tpu.memref_slice %arg5[%dma_wait3A_1506, %dma_wait3A_1507] : memref<10000x64xf32, #tpu.memory_space<vmem_shared>> -> memref<10000x64xf32, #tpu.memory_space<vmem_shared>>
      tpu.wait_indirect_dma semaphore(%arg10 : memref<!tpu.dma_semaphore, #tpu.memory_space<semaphore_mem>>) src(%dma_wait3A_1508 : memref<10000x64xf32, #tpu.memory_space<vmem_shared>>) dst(%dma_wait3A_1502 : memref<125x64xf32, #tpu.memory_space<vmem>>)
      %add3A_1509 = arith.constant 2 : i32
      %add3A_1510 = arith.addi %add3A_1383, %add3A_1509 : i32
      %dma_start3A_1511 = arith.constant 0 : i32
      %dma_start3A_1512 = arith.constant 0 : i32
      %dma_start3A_1513 = arith.constant 0 : i32
      %dma_start3A_1514 = arith.constant 0 : i32
      %dma_start3A_1515 = tpu.memref_slice %arg9[%dma_start3A_1511, %dma_start3A_1513, %dma_start3A_1514] : memref<4x125x64xf32, #tpu.memory_space<vmem>> -> memref<1x125x64xf32, #tpu.memory_space<vmem>>
      %dma_start3A_1516 = tpu.memref_squeeze %dma_start3A_1515 : memref<1x125x64xf32, #tpu.memory_space<vmem>> -> memref<125x64xf32, #tpu.memory_space<vmem>>
      %dma_start3A_1517 = arith.constant 0 : i32
      %dma_start3A_1518 = tpu.memref_slice %arg8[%dma_start3A_1512, %add3A_1510, %dma_start3A_1517] : memref<2x32x125xi32, #tpu.memory_space<vmem>> -> memref<1x1x125xi32, #tpu.memory_space<vmem>>
      %dma_start3A_1519 = tpu.memref_squeeze %dma_start3A_1518 : memref<1x1x125xi32, #tpu.memory_space<vmem>> -> memref<125xi32, #tpu.memory_space<vmem>>
      %dma_start3A_1520 = arith.constant 0 : i32
      %dma_start3A_1521 = arith.constant 0 : i32
      %dma_start3A_1522 = tpu.memref_slice %arg6[%dma_start3A_1520, %dma_start3A_1521] : memref<10000x64xf32, #tpu.memory_space<vmem_shared>> -> memref<10000x64xf32, #tpu.memory_space<vmem_shared>>
      tpu.enqueue_indirect_dma source(%dma_start3A_1516 : memref<125x64xf32, #tpu.memory_space<vmem>>) target(%dma_start3A_1522 : memref<10000x64xf32, #tpu.memory_space<vmem_shared>>) offsets(%dma_start3A_1519 : memref<125xi32, #tpu.memory_space<vmem>>) semaphore(%arg14 : memref<!tpu.dma_semaphore, #tpu.memory_space<semaphore_mem>>) {add = true}
      %dma_wait3A_1523 = arith.constant 0 : i32
      %dma_wait3A_1524 = arith.constant 0 : i32
      %dma_wait3A_1525 = arith.constant 0 : i32
      %dma_wait3A_1526 = arith.constant 0 : i32
      %dma_wait3A_1527 = arith.constant 0 : i32
      %dma_wait3A_1528 = tpu.memref_slice %arg9[%dma_wait3A_1523, %dma_wait3A_1526, %dma_wait3A_1527] : memref<4x125x64xf32, #tpu.memory_space<vmem>> -> memref<1x125x64xf32, #tpu.memory_space<vmem>>
      %dma_wait3A_1529 = tpu.memref_squeeze %dma_wait3A_1528 : memref<1x125x64xf32, #tpu.memory_space<vmem>> -> memref<125x64xf32, #tpu.memory_space<vmem>>
      %dma_wait3A_1530 = arith.constant 0 : i32
      %dma_wait3A_1531 = tpu.memref_slice %arg8[%dma_wait3A_1524, %dma_wait3A_1525, %dma_wait3A_1530] : memref<2x32x125xi32, #tpu.memory_space<vmem>> -> memref<1x1x125xi32, #tpu.memory_space<vmem>>
      %dma_wait3A_1532 = tpu.memref_squeeze %dma_wait3A_1531 : memref<1x1x125xi32, #tpu.memory_space<vmem>> -> memref<125xi32, #tpu.memory_space<vmem>>
      %dma_wait3A_1533 = arith.constant 0 : i32
      %dma_wait3A_1534 = arith.constant 0 : i32
      %dma_wait3A_1535 = tpu.memref_slice %arg6[%dma_wait3A_1533, %dma_wait3A_1534] : memref<10000x64xf32, #tpu.memory_space<vmem_shared>> -> memref<10000x64xf32, #tpu.memory_space<vmem_shared>>
      tpu.wait_indirect_dma semaphore(%arg16 : memref<!tpu.dma_semaphore, #tpu.memory_space<semaphore_mem>>) src(%dma_wait3A_1529 : memref<125x64xf32, #tpu.memory_space<vmem>>) dst(%dma_wait3A_1535 : memref<10000x64xf32, #tpu.memory_space<vmem_shared>>)
      %add3A_1536 = arith.constant 2 : i32
      %add3A_1537 = arith.addi %add3A_1383, %add3A_1536 : i32
      %add3A_1538 = arith.constant 2 : i32
      %add3A_1539 = arith.addi %add3A_1537, %add3A_1538 : i32
      %dma_start3A_1540 = arith.constant 0 : i32
      %dma_start3A_1541 = arith.constant 2 : i32
      %dma_start3A_1542 = arith.constant 0 : i32
      %dma_start3A_1543 = arith.constant 0 : i32
      %dma_start3A_1544 = tpu.memref_slice %arg9[%dma_start3A_1541, %dma_start3A_1542, %dma_start3A_1543] : memref<4x125x64xf32, #tpu.memory_space<vmem>> -> memref<1x125x64xf32, #tpu.memory_space<vmem>>
      %dma_start3A_1545 = tpu.memref_squeeze %dma_start3A_1544 : memref<1x125x64xf32, #tpu.memory_space<vmem>> -> memref<125x64xf32, #tpu.memory_space<vmem>>
      %dma_start3A_1546 = arith.constant 0 : i32
      %dma_start3A_1547 = tpu.memref_slice %arg7[%dma_start3A_1540, %add3A_1539, %dma_start3A_1546] : memref<2x32x125xi32, #tpu.memory_space<vmem>> -> memref<1x1x125xi32, #tpu.memory_space<vmem>>
      %dma_start3A_1548 = tpu.memref_squeeze %dma_start3A_1547 : memref<1x1x125xi32, #tpu.memory_space<vmem>> -> memref<125xi32, #tpu.memory_space<vmem>>
      %dma_start3A_1549 = arith.constant 0 : i32
      %dma_start3A_1550 = arith.constant 0 : i32
      %dma_start3A_1551 = tpu.memref_slice %arg5[%dma_start3A_1549, %dma_start3A_1550] : memref<10000x64xf32, #tpu.memory_space<vmem_shared>> -> memref<10000x64xf32, #tpu.memory_space<vmem_shared>>
      tpu.enqueue_indirect_dma source(%dma_start3A_1551 : memref<10000x64xf32, #tpu.memory_space<vmem_shared>>) target(%dma_start3A_1545 : memref<125x64xf32, #tpu.memory_space<vmem>>) offsets(%dma_start3A_1548 : memref<125xi32, #tpu.memory_space<vmem>>) semaphore(%arg12 : memref<!tpu.dma_semaphore, #tpu.memory_space<semaphore_mem>>)
      %dma_wait3A_1552 = arith.constant 0 : i32
      %dma_wait3A_1553 = arith.constant 0 : i32
      %dma_wait3A_1554 = arith.constant 1 : i32
      %dma_wait3A_1555 = arith.constant 0 : i32
      %dma_wait3A_1556 = arith.constant 0 : i32
      %dma_wait3A_1557 = tpu.memref_slice %arg9[%dma_wait3A_1554, %dma_wait3A_1555, %dma_wait3A_1556] : memref<4x125x64xf32, #tpu.memory_space<vmem>> -> memref<1x125x64xf32, #tpu.memory_space<vmem>>
      %dma_wait3A_1558 = tpu.memref_squeeze %dma_wait3A_1557 : memref<1x125x64xf32, #tpu.memory_space<vmem>> -> memref<125x64xf32, #tpu.memory_space<vmem>>
      %dma_wait3A_1559 = arith.constant 0 : i32
      %dma_wait3A_1560 = tpu.memref_slice %arg7[%dma_wait3A_1552, %dma_wait3A_1553, %dma_wait3A_1559] : memref<2x32x125xi32, #tpu.memory_space<vmem>> -> memref<1x1x125xi32, #tpu.memory_space<vmem>>
      %dma_wait3A_1561 = tpu.memref_squeeze %dma_wait3A_1560 : memref<1x1x125xi32, #tpu.memory_space<vmem>> -> memref<125xi32, #tpu.memory_space<vmem>>
      %dma_wait3A_1562 = arith.constant 0 : i32
      %dma_wait3A_1563 = arith.constant 0 : i32
      %dma_wait3A_1564 = tpu.memref_slice %arg5[%dma_wait3A_1562, %dma_wait3A_1563] : memref<10000x64xf32, #tpu.memory_space<vmem_shared>> -> memref<10000x64xf32, #tpu.memory_space<vmem_shared>>
      tpu.wait_indirect_dma semaphore(%arg11 : memref<!tpu.dma_semaphore, #tpu.memory_space<semaphore_mem>>) src(%dma_wait3A_1564 : memref<10000x64xf32, #tpu.memory_space<vmem_shared>>) dst(%dma_wait3A_1558 : memref<125x64xf32, #tpu.memory_space<vmem>>)
      %add3A_1565 = arith.constant 3 : i32
      %add3A_1566 = arith.addi %add3A_1383, %add3A_1565 : i32
      %dma_start3A_1567 = arith.constant 1 : i32
      %dma_start3A_1568 = arith.constant 0 : i32
      %dma_start3A_1569 = arith.constant 0 : i32
      %dma_start3A_1570 = arith.constant 0 : i32
      %dma_start3A_1571 = tpu.memref_slice %arg9[%dma_start3A_1567, %dma_start3A_1569, %dma_start3A_1570] : memref<4x125x64xf32, #tpu.memory_space<vmem>> -> memref<1x125x64xf32, #tpu.memory_space<vmem>>
      %dma_start3A_1572 = tpu.memref_squeeze %dma_start3A_1571 : memref<1x125x64xf32, #tpu.memory_space<vmem>> -> memref<125x64xf32, #tpu.memory_space<vmem>>
      %dma_start3A_1573 = arith.constant 0 : i32
      %dma_start3A_1574 = tpu.memref_slice %arg8[%dma_start3A_1568, %add3A_1566, %dma_start3A_1573] : memref<2x32x125xi32, #tpu.memory_space<vmem>> -> memref<1x1x125xi32, #tpu.memory_space<vmem>>
      %dma_start3A_1575 = tpu.memref_squeeze %dma_start3A_1574 : memref<1x1x125xi32, #tpu.memory_space<vmem>> -> memref<125xi32, #tpu.memory_space<vmem>>
      %dma_start3A_1576 = arith.constant 0 : i32
      %dma_start3A_1577 = arith.constant 0 : i32
      %dma_start3A_1578 = tpu.memref_slice %arg6[%dma_start3A_1576, %dma_start3A_1577] : memref<10000x64xf32, #tpu.memory_space<vmem_shared>> -> memref<10000x64xf32, #tpu.memory_space<vmem_shared>>
      tpu.enqueue_indirect_dma source(%dma_start3A_1572 : memref<125x64xf32, #tpu.memory_space<vmem>>) target(%dma_start3A_1578 : memref<10000x64xf32, #tpu.memory_space<vmem_shared>>) offsets(%dma_start3A_1575 : memref<125xi32, #tpu.memory_space<vmem>>) semaphore(%arg15 : memref<!tpu.dma_semaphore, #tpu.memory_space<semaphore_mem>>) {add = true}
      %dma_wait3A_1579 = arith.constant 0 : i32
      %dma_wait3A_1580 = arith.constant 0 : i32
      %dma_wait3A_1581 = arith.constant 0 : i32
      %dma_wait3A_1582 = arith.constant 0 : i32
      %dma_wait3A_1583 = arith.constant 0 : i32
      %dma_wait3A_1584 = tpu.memref_slice %arg9[%dma_wait3A_1579, %dma_wait3A_1582, %dma_wait3A_1583] : memref<4x125x64xf32, #tpu.memory_space<vmem>> -> memref<1x125x64xf32, #tpu.memory_space<vmem>>
      %dma_wait3A_1585 = tpu.memref_squeeze %dma_wait3A_1584 : memref<1x125x64xf32, #tpu.memory_space<vmem>> -> memref<125x64xf32, #tpu.memory_space<vmem>>
      %dma_wait3A_1586 = arith.constant 0 : i32
      %dma_wait3A_1587 = tpu.memref_slice %arg8[%dma_wait3A_1580, %dma_wait3A_1581, %dma_wait3A_1586] : memref<2x32x125xi32, #tpu.memory_space<vmem>> -> memref<1x1x125xi32, #tpu.memory_space<vmem>>
      %dma_wait3A_1588 = tpu.memref_squeeze %dma_wait3A_1587 : memref<1x1x125xi32, #tpu.memory_space<vmem>> -> memref<125xi32, #tpu.memory_space<vmem>>
      %dma_wait3A_1589 = arith.constant 0 : i32
      %dma_wait3A_1590 = arith.constant 0 : i32
      %dma_wait3A_1591 = tpu.memref_slice %arg6[%dma_wait3A_1589, %dma_wait3A_1590] : memref<10000x64xf32, #tpu.memory_space<vmem_shared>> -> memref<10000x64xf32, #tpu.memory_space<vmem_shared>>
      tpu.wait_indirect_dma semaphore(%arg17 : memref<!tpu.dma_semaphore, #tpu.memory_space<semaphore_mem>>) src(%dma_wait3A_1585 : memref<125x64xf32, #tpu.memory_space<vmem>>) dst(%dma_wait3A_1591 : memref<10000x64xf32, #tpu.memory_space<vmem_shared>>)
      %add3A_1592 = arith.constant 3 : i32
      %add3A_1593 = arith.addi %add3A_1383, %add3A_1592 : i32
      %add3A_1594 = arith.constant 2 : i32
      %add3A_1595 = arith.addi %add3A_1593, %add3A_1594 : i32
      %dma_start3A_1596 = arith.constant 0 : i32
      %dma_start3A_1597 = arith.constant 3 : i32
      %dma_start3A_1598 = arith.constant 0 : i32
      %dma_start3A_1599 = arith.constant 0 : i32
      %dma_start3A_1600 = tpu.memref_slice %arg9[%dma_start3A_1597, %dma_start3A_1598, %dma_start3A_1599] : memref<4x125x64xf32, #tpu.memory_space<vmem>> -> memref<1x125x64xf32, #tpu.memory_space<vmem>>
      %dma_start3A_1601 = tpu.memref_squeeze %dma_start3A_1600 : memref<1x125x64xf32, #tpu.memory_space<vmem>> -> memref<125x64xf32, #tpu.memory_space<vmem>>
      %dma_start3A_1602 = arith.constant 0 : i32
      %dma_start3A_1603 = tpu.memref_slice %arg7[%dma_start3A_1596, %add3A_1595, %dma_start3A_1602] : memref<2x32x125xi32, #tpu.memory_space<vmem>> -> memref<1x1x125xi32, #tpu.memory_space<vmem>>
      %dma_start3A_1604 = tpu.memref_squeeze %dma_start3A_1603 : memref<1x1x125xi32, #tpu.memory_space<vmem>> -> memref<125xi32, #tpu.memory_space<vmem>>
      %dma_start3A_1605 = arith.constant 0 : i32
      %dma_start3A_1606 = arith.constant 0 : i32
      %dma_start3A_1607 = tpu.memref_slice %arg5[%dma_start3A_1605, %dma_start3A_1606] : memref<10000x64xf32, #tpu.memory_space<vmem_shared>> -> memref<10000x64xf32, #tpu.memory_space<vmem_shared>>
      tpu.enqueue_indirect_dma source(%dma_start3A_1607 : memref<10000x64xf32, #tpu.memory_space<vmem_shared>>) target(%dma_start3A_1601 : memref<125x64xf32, #tpu.memory_space<vmem>>) offsets(%dma_start3A_1604 : memref<125xi32, #tpu.memory_space<vmem>>) semaphore(%arg13 : memref<!tpu.dma_semaphore, #tpu.memory_space<semaphore_mem>>)
    }
    %scan3A_732 = arith.constant 7 : i32
    %dma_wait3A_733 = arith.constant 0 : i32
    %dma_wait3A_734 = arith.constant 0 : i32
    %dma_wait3A_735 = arith.constant 1 : i32
    %dma_wait3A_736 = arith.constant 0 : i32
    %dma_wait3A_737 = arith.constant 0 : i32
    %dma_wait3A_738 = tpu.memref_slice %arg7[%dma_wait3A_735, %dma_wait3A_736, %dma_wait3A_737] : memref<2x32x125xi32, #tpu.memory_space<vmem>> -> memref<1x32x125xi32, #tpu.memory_space<vmem>>
    %dma_wait3A_739 = tpu.memref_squeeze %dma_wait3A_738 : memref<1x32x125xi32, #tpu.memory_space<vmem>> -> memref<32x125xi32, #tpu.memory_space<vmem>>
    %dma_wait3A_740 = arith.constant 0 : i32
    %dma_wait3A_741 = arith.constant 0 : i32
    %dma_wait3A_742 = tpu.memref_slice %arg3[%dma_wait3A_733, %arg1, %dma_wait3A_734, %dma_wait3A_740, %dma_wait3A_741] : memref<2x16x5x32x125xi32, #tpu.memory_space<hbm>> -> memref<1x1x1x32x125xi32, #tpu.memory_space<hbm>>
    %dma_wait3A_743 = tpu.memref_squeeze %dma_wait3A_742 : memref<1x1x1x32x125xi32, #tpu.memory_space<hbm>> -> memref<32x125xi32, #tpu.memory_space<hbm>>
    %dma_wait3A_744 = arith.constant 0 : i32
    %dma_wait3A_745 = arith.constant 0 : i32
    %dma_wait3A_746 = tpu.memref_slice %arg7[%dma_wait3A_735, %dma_wait3A_744, %dma_wait3A_745] : memref<2x32x125xi32, #tpu.memory_space<vmem>> -> memref<1x32x125xi32, #tpu.memory_space<vmem>>
    %dma_wait3A_747 = tpu.memref_squeeze %dma_wait3A_746 : memref<1x32x125xi32, #tpu.memory_space<vmem>> -> memref<32x125xi32, #tpu.memory_space<vmem>>
    %dma_wait3A_748 = arith.constant 0 : i32
    %dma_wait3A_749 = arith.constant 0 : i32
    %dma_wait3A_750 = tpu.memref_slice %arg3[%dma_wait3A_733, %arg1, %dma_wait3A_734, %dma_wait3A_748, %dma_wait3A_749] : memref<2x16x5x32x125xi32, #tpu.memory_space<hbm>> -> memref<1x1x1x32x125xi32, #tpu.memory_space<hbm>>
    %dma_wait3A_751 = tpu.memref_squeeze %dma_wait3A_750 : memref<1x1x1x32x125xi32, #tpu.memory_space<hbm>> -> memref<32x125xi32, #tpu.memory_space<hbm>>
    tpu.wait_dma2 semaphore(%arg19 : memref<!tpu.dma_semaphore, #tpu.memory_space<semaphore_mem>>) src(%dma_wait3A_751 : memref<32x125xi32, #tpu.memory_space<hbm>>) dst(%dma_wait3A_747 : memref<32x125xi32, #tpu.memory_space<vmem>>)
    %dma_wait3A_752 = arith.constant 1 : i32
    %dma_wait3A_753 = arith.constant 0 : i32
    %dma_wait3A_754 = arith.constant 1 : i32
    %dma_wait3A_755 = arith.constant 0 : i32
    %dma_wait3A_756 = arith.constant 0 : i32
    %dma_wait3A_757 = tpu.memref_slice %arg8[%dma_wait3A_754, %dma_wait3A_755, %dma_wait3A_756] : memref<2x32x125xi32, #tpu.memory_space<vmem>> -> memref<1x32x125xi32, #tpu.memory_space<vmem>>
    %dma_wait3A_758 = tpu.memref_squeeze %dma_wait3A_757 : memref<1x32x125xi32, #tpu.memory_space<vmem>> -> memref<32x125xi32, #tpu.memory_space<vmem>>
    %dma_wait3A_759 = arith.constant 0 : i32
    %dma_wait3A_760 = arith.constant 0 : i32
    %dma_wait3A_761 = tpu.memref_slice %arg3[%dma_wait3A_752, %arg1, %dma_wait3A_753, %dma_wait3A_759, %dma_wait3A_760] : memref<2x16x5x32x125xi32, #tpu.memory_space<hbm>> -> memref<1x1x1x32x125xi32, #tpu.memory_space<hbm>>
    %dma_wait3A_762 = tpu.memref_squeeze %dma_wait3A_761 : memref<1x1x1x32x125xi32, #tpu.memory_space<hbm>> -> memref<32x125xi32, #tpu.memory_space<hbm>>
    %dma_wait3A_763 = arith.constant 0 : i32
    %dma_wait3A_764 = arith.constant 0 : i32
    %dma_wait3A_765 = tpu.memref_slice %arg8[%dma_wait3A_754, %dma_wait3A_763, %dma_wait3A_764] : memref<2x32x125xi32, #tpu.memory_space<vmem>> -> memref<1x32x125xi32, #tpu.memory_space<vmem>>
    %dma_wait3A_766 = tpu.memref_squeeze %dma_wait3A_765 : memref<1x32x125xi32, #tpu.memory_space<vmem>> -> memref<32x125xi32, #tpu.memory_space<vmem>>
    %dma_wait3A_767 = arith.constant 0 : i32
    %dma_wait3A_768 = arith.constant 0 : i32
    %dma_wait3A_769 = tpu.memref_slice %arg3[%dma_wait3A_752, %arg1, %dma_wait3A_753, %dma_wait3A_767, %dma_wait3A_768] : memref<2x16x5x32x125xi32, #tpu.memory_space<hbm>> -> memref<1x1x1x32x125xi32, #tpu.memory_space<hbm>>
    %dma_wait3A_770 = tpu.memref_squeeze %dma_wait3A_769 : memref<1x1x1x32x125xi32, #tpu.memory_space<hbm>> -> memref<32x125xi32, #tpu.memory_space<hbm>>
    tpu.wait_dma2 semaphore(%arg19 : memref<!tpu.dma_semaphore, #tpu.memory_space<semaphore_mem>>) src(%dma_wait3A_770 : memref<32x125xi32, #tpu.memory_space<hbm>>) dst(%dma_wait3A_766 : memref<32x125xi32, #tpu.memory_space<vmem>>)
    %dma_wait3A_771 = arith.constant 0 : i32
    %dma_wait3A_772 = arith.constant 0 : i32
    %dma_wait3A_773 = arith.constant 2 : i32
    %dma_wait3A_774 = arith.constant 0 : i32
    %dma_wait3A_775 = arith.constant 0 : i32
    %dma_wait3A_776 = tpu.memref_slice %arg9[%dma_wait3A_773, %dma_wait3A_774, %dma_wait3A_775] : memref<4x125x64xf32, #tpu.memory_space<vmem>> -> memref<1x125x64xf32, #tpu.memory_space<vmem>>
    %dma_wait3A_777 = tpu.memref_squeeze %dma_wait3A_776 : memref<1x125x64xf32, #tpu.memory_space<vmem>> -> memref<125x64xf32, #tpu.memory_space<vmem>>
    %dma_wait3A_778 = arith.constant 0 : i32
    %dma_wait3A_779 = tpu.memref_slice %arg7[%dma_wait3A_771, %dma_wait3A_772, %dma_wait3A_778] : memref<2x32x125xi32, #tpu.memory_space<vmem>> -> memref<1x1x125xi32, #tpu.memory_space<vmem>>
    %dma_wait3A_780 = tpu.memref_squeeze %dma_wait3A_779 : memref<1x1x125xi32, #tpu.memory_space<vmem>> -> memref<125xi32, #tpu.memory_space<vmem>>
    %dma_wait3A_781 = arith.constant 0 : i32
    %dma_wait3A_782 = arith.constant 0 : i32
    %dma_wait3A_783 = tpu.memref_slice %arg5[%dma_wait3A_781, %dma_wait3A_782] : memref<10000x64xf32, #tpu.memory_space<vmem_shared>> -> memref<10000x64xf32, #tpu.memory_space<vmem_shared>>
    tpu.wait_indirect_dma semaphore(%arg12 : memref<!tpu.dma_semaphore, #tpu.memory_space<semaphore_mem>>) src(%dma_wait3A_783 : memref<10000x64xf32, #tpu.memory_space<vmem_shared>>) dst(%dma_wait3A_777 : memref<125x64xf32, #tpu.memory_space<vmem>>)
    %dma_start3A_784 = arith.constant 2 : i32
    %dma_start3A_785 = arith.constant 0 : i32
    %dma_start3A_786 = arith.constant 30 : i32
    %dma_start3A_787 = arith.constant 0 : i32
    %dma_start3A_788 = arith.constant 0 : i32
    %dma_start3A_789 = tpu.memref_slice %arg9[%dma_start3A_784, %dma_start3A_787, %dma_start3A_788] : memref<4x125x64xf32, #tpu.memory_space<vmem>> -> memref<1x125x64xf32, #tpu.memory_space<vmem>>
    %dma_start3A_790 = tpu.memref_squeeze %dma_start3A_789 : memref<1x125x64xf32, #tpu.memory_space<vmem>> -> memref<125x64xf32, #tpu.memory_space<vmem>>
    %dma_start3A_791 = arith.constant 0 : i32
    %dma_start3A_792 = tpu.memref_slice %arg8[%dma_start3A_785, %dma_start3A_786, %dma_start3A_791] : memref<2x32x125xi32, #tpu.memory_space<vmem>> -> memref<1x1x125xi32, #tpu.memory_space<vmem>>
    %dma_start3A_793 = tpu.memref_squeeze %dma_start3A_792 : memref<1x1x125xi32, #tpu.memory_space<vmem>> -> memref<125xi32, #tpu.memory_space<vmem>>
    %dma_start3A_794 = arith.constant 0 : i32
    %dma_start3A_795 = arith.constant 0 : i32
    %dma_start3A_796 = tpu.memref_slice %arg6[%dma_start3A_794, %dma_start3A_795] : memref<10000x64xf32, #tpu.memory_space<vmem_shared>> -> memref<10000x64xf32, #tpu.memory_space<vmem_shared>>
    tpu.enqueue_indirect_dma source(%dma_start3A_790 : memref<125x64xf32, #tpu.memory_space<vmem>>) target(%dma_start3A_796 : memref<10000x64xf32, #tpu.memory_space<vmem_shared>>) offsets(%dma_start3A_793 : memref<125xi32, #tpu.memory_space<vmem>>) semaphore(%arg16 : memref<!tpu.dma_semaphore, #tpu.memory_space<semaphore_mem>>) {add = true}
    %dma_wait3A_797 = arith.constant 0 : i32
    %dma_wait3A_798 = arith.constant 0 : i32
    %dma_wait3A_799 = arith.constant 0 : i32
    %dma_wait3A_800 = arith.constant 0 : i32
    %dma_wait3A_801 = arith.constant 0 : i32
    %dma_wait3A_802 = tpu.memref_slice %arg9[%dma_wait3A_797, %dma_wait3A_800, %dma_wait3A_801] : memref<4x125x64xf32, #tpu.memory_space<vmem>> -> memref<1x125x64xf32, #tpu.memory_space<vmem>>
    %dma_wait3A_803 = tpu.memref_squeeze %dma_wait3A_802 : memref<1x125x64xf32, #tpu.memory_space<vmem>> -> memref<125x64xf32, #tpu.memory_space<vmem>>
    %dma_wait3A_804 = arith.constant 0 : i32
    %dma_wait3A_805 = tpu.memref_slice %arg8[%dma_wait3A_798, %dma_wait3A_799, %dma_wait3A_804] : memref<2x32x125xi32, #tpu.memory_space<vmem>> -> memref<1x1x125xi32, #tpu.memory_space<vmem>>
    %dma_wait3A_806 = tpu.memref_squeeze %dma_wait3A_805 : memref<1x1x125xi32, #tpu.memory_space<vmem>> -> memref<125xi32, #tpu.memory_space<vmem>>
    %dma_wait3A_807 = arith.constant 0 : i32
    %dma_wait3A_808 = arith.constant 0 : i32
    %dma_wait3A_809 = tpu.memref_slice %arg6[%dma_wait3A_807, %dma_wait3A_808] : memref<10000x64xf32, #tpu.memory_space<vmem_shared>> -> memref<10000x64xf32, #tpu.memory_space<vmem_shared>>
    tpu.wait_indirect_dma semaphore(%arg14 : memref<!tpu.dma_semaphore, #tpu.memory_space<semaphore_mem>>) src(%dma_wait3A_803 : memref<125x64xf32, #tpu.memory_space<vmem>>) dst(%dma_wait3A_809 : memref<10000x64xf32, #tpu.memory_space<vmem_shared>>)
    %dma_start3A_810 = arith.constant 1 : i32
    %dma_start3A_811 = arith.constant 0 : i32
    %dma_start3A_812 = arith.constant 0 : i32
    %dma_start3A_813 = arith.constant 0 : i32
    %dma_start3A_814 = arith.constant 0 : i32
    %dma_start3A_815 = tpu.memref_slice %arg9[%dma_start3A_812, %dma_start3A_813, %dma_start3A_814] : memref<4x125x64xf32, #tpu.memory_space<vmem>> -> memref<1x125x64xf32, #tpu.memory_space<vmem>>
    %dma_start3A_816 = tpu.memref_squeeze %dma_start3A_815 : memref<1x125x64xf32, #tpu.memory_space<vmem>> -> memref<125x64xf32, #tpu.memory_space<vmem>>
    %dma_start3A_817 = arith.constant 0 : i32
    %dma_start3A_818 = tpu.memref_slice %arg7[%dma_start3A_810, %dma_start3A_811, %dma_start3A_817] : memref<2x32x125xi32, #tpu.memory_space<vmem>> -> memref<1x1x125xi32, #tpu.memory_space<vmem>>
    %dma_start3A_819 = tpu.memref_squeeze %dma_start3A_818 : memref<1x1x125xi32, #tpu.memory_space<vmem>> -> memref<125xi32, #tpu.memory_space<vmem>>
    %dma_start3A_820 = arith.constant 0 : i32
    %dma_start3A_821 = arith.constant 0 : i32
    %dma_start3A_822 = tpu.memref_slice %arg5[%dma_start3A_820, %dma_start3A_821] : memref<10000x64xf32, #tpu.memory_space<vmem_shared>> -> memref<10000x64xf32, #tpu.memory_space<vmem_shared>>
    tpu.enqueue_indirect_dma source(%dma_start3A_822 : memref<10000x64xf32, #tpu.memory_space<vmem_shared>>) target(%dma_start3A_816 : memref<125x64xf32, #tpu.memory_space<vmem>>) offsets(%dma_start3A_819 : memref<125xi32, #tpu.memory_space<vmem>>) semaphore(%arg10 : memref<!tpu.dma_semaphore, #tpu.memory_space<semaphore_mem>>)
    %dma_wait3A_823 = arith.constant 0 : i32
    %dma_wait3A_824 = arith.constant 0 : i32
    %dma_wait3A_825 = arith.constant 3 : i32
    %dma_wait3A_826 = arith.constant 0 : i32
    %dma_wait3A_827 = arith.constant 0 : i32
    %dma_wait3A_828 = tpu.memref_slice %arg9[%dma_wait3A_825, %dma_wait3A_826, %dma_wait3A_827] : memref<4x125x64xf32, #tpu.memory_space<vmem>> -> memref<1x125x64xf32, #tpu.memory_space<vmem>>
    %dma_wait3A_829 = tpu.memref_squeeze %dma_wait3A_828 : memref<1x125x64xf32, #tpu.memory_space<vmem>> -> memref<125x64xf32, #tpu.memory_space<vmem>>
    %dma_wait3A_830 = arith.constant 0 : i32
    %dma_wait3A_831 = tpu.memref_slice %arg7[%dma_wait3A_823, %dma_wait3A_824, %dma_wait3A_830] : memref<2x32x125xi32, #tpu.memory_space<vmem>> -> memref<1x1x125xi32, #tpu.memory_space<vmem>>
    %dma_wait3A_832 = tpu.memref_squeeze %dma_wait3A_831 : memref<1x1x125xi32, #tpu.memory_space<vmem>> -> memref<125xi32, #tpu.memory_space<vmem>>
    %dma_wait3A_833 = arith.constant 0 : i32
    %dma_wait3A_834 = arith.constant 0 : i32
    %dma_wait3A_835 = tpu.memref_slice %arg5[%dma_wait3A_833, %dma_wait3A_834] : memref<10000x64xf32, #tpu.memory_space<vmem_shared>> -> memref<10000x64xf32, #tpu.memory_space<vmem_shared>>
    tpu.wait_indirect_dma semaphore(%arg13 : memref<!tpu.dma_semaphore, #tpu.memory_space<semaphore_mem>>) src(%dma_wait3A_835 : memref<10000x64xf32, #tpu.memory_space<vmem_shared>>) dst(%dma_wait3A_829 : memref<125x64xf32, #tpu.memory_space<vmem>>)
    %dma_start3A_836 = arith.constant 3 : i32
    %dma_start3A_837 = arith.constant 0 : i32
    %dma_start3A_838 = arith.constant 31 : i32
    %dma_start3A_839 = arith.constant 0 : i32
    %dma_start3A_840 = arith.constant 0 : i32
    %dma_start3A_841 = tpu.memref_slice %arg9[%dma_start3A_836, %dma_start3A_839, %dma_start3A_840] : memref<4x125x64xf32, #tpu.memory_space<vmem>> -> memref<1x125x64xf32, #tpu.memory_space<vmem>>
    %dma_start3A_842 = tpu.memref_squeeze %dma_start3A_841 : memref<1x125x64xf32, #tpu.memory_space<vmem>> -> memref<125x64xf32, #tpu.memory_space<vmem>>
    %dma_start3A_843 = arith.constant 0 : i32
    %dma_start3A_844 = tpu.memref_slice %arg8[%dma_start3A_837, %dma_start3A_838, %dma_start3A_843] : memref<2x32x125xi32, #tpu.memory_space<vmem>> -> memref<1x1x125xi32, #tpu.memory_space<vmem>>
    %dma_start3A_845 = tpu.memref_squeeze %dma_start3A_844 : memref<1x1x125xi32, #tpu.memory_space<vmem>> -> memref<125xi32, #tpu.memory_space<vmem>>
    %dma_start3A_846 = arith.constant 0 : i32
    %dma_start3A_847 = arith.constant 0 : i32
    %dma_start3A_848 = tpu.memref_slice %arg6[%dma_start3A_846, %dma_start3A_847] : memref<10000x64xf32, #tpu.memory_space<vmem_shared>> -> memref<10000x64xf32, #tpu.memory_space<vmem_shared>>
    tpu.enqueue_indirect_dma source(%dma_start3A_842 : memref<125x64xf32, #tpu.memory_space<vmem>>) target(%dma_start3A_848 : memref<10000x64xf32, #tpu.memory_space<vmem_shared>>) offsets(%dma_start3A_845 : memref<125xi32, #tpu.memory_space<vmem>>) semaphore(%arg17 : memref<!tpu.dma_semaphore, #tpu.memory_space<semaphore_mem>>) {add = true}
    %dma_wait3A_849 = arith.constant 0 : i32
    %dma_wait3A_850 = arith.constant 0 : i32
    %dma_wait3A_851 = arith.constant 0 : i32
    %dma_wait3A_852 = arith.constant 0 : i32
    %dma_wait3A_853 = arith.constant 0 : i32
    %dma_wait3A_854 = tpu.memref_slice %arg9[%dma_wait3A_849, %dma_wait3A_852, %dma_wait3A_853] : memref<4x125x64xf32, #tpu.memory_space<vmem>> -> memref<1x125x64xf32, #tpu.memory_space<vmem>>
    %dma_wait3A_855 = tpu.memref_squeeze %dma_wait3A_854 : memref<1x125x64xf32, #tpu.memory_space<vmem>> -> memref<125x64xf32, #tpu.memory_space<vmem>>
    %dma_wait3A_856 = arith.constant 0 : i32
    %dma_wait3A_857 = tpu.memref_slice %arg8[%dma_wait3A_850, %dma_wait3A_851, %dma_wait3A_856] : memref<2x32x125xi32, #tpu.memory_space<vmem>> -> memref<1x1x125xi32, #tpu.memory_space<vmem>>
    %dma_wait3A_858 = tpu.memref_squeeze %dma_wait3A_857 : memref<1x1x125xi32, #tpu.memory_space<vmem>> -> memref<125xi32, #tpu.memory_space<vmem>>
    %dma_wait3A_859 = arith.constant 0 : i32
    %dma_wait3A_860 = arith.constant 0 : i32
    %dma_wait3A_861 = tpu.memref_slice %arg6[%dma_wait3A_859, %dma_wait3A_860] : memref<10000x64xf32, #tpu.memory_space<vmem_shared>> -> memref<10000x64xf32, #tpu.memory_space<vmem_shared>>
    tpu.wait_indirect_dma semaphore(%arg15 : memref<!tpu.dma_semaphore, #tpu.memory_space<semaphore_mem>>) src(%dma_wait3A_855 : memref<125x64xf32, #tpu.memory_space<vmem>>) dst(%dma_wait3A_861 : memref<10000x64xf32, #tpu.memory_space<vmem_shared>>)
    %dma_start3A_862 = arith.constant 1 : i32
    %dma_start3A_863 = arith.constant 1 : i32
    %dma_start3A_864 = arith.constant 1 : i32
    %dma_start3A_865 = arith.constant 0 : i32
    %dma_start3A_866 = arith.constant 0 : i32
    %dma_start3A_867 = tpu.memref_slice %arg9[%dma_start3A_864, %dma_start3A_865, %dma_start3A_866] : memref<4x125x64xf32, #tpu.memory_space<vmem>> -> memref<1x125x64xf32, #tpu.memory_space<vmem>>
    %dma_start3A_868 = tpu.memref_squeeze %dma_start3A_867 : memref<1x125x64xf32, #tpu.memory_space<vmem>> -> memref<125x64xf32, #tpu.memory_space<vmem>>
    %dma_start3A_869 = arith.constant 0 : i32
    %dma_start3A_870 = tpu.memref_slice %arg7[%dma_start3A_862, %dma_start3A_863, %dma_start3A_869] : memref<2x32x125xi32, #tpu.memory_space<vmem>> -> memref<1x1x125xi32, #tpu.memory_space<vmem>>
    %dma_start3A_871 = tpu.memref_squeeze %dma_start3A_870 : memref<1x1x125xi32, #tpu.memory_space<vmem>> -> memref<125xi32, #tpu.memory_space<vmem>>
    %dma_start3A_872 = arith.constant 0 : i32
    %dma_start3A_873 = arith.constant 0 : i32
    %dma_start3A_874 = tpu.memref_slice %arg5[%dma_start3A_872, %dma_start3A_873] : memref<10000x64xf32, #tpu.memory_space<vmem_shared>> -> memref<10000x64xf32, #tpu.memory_space<vmem_shared>>
    tpu.enqueue_indirect_dma source(%dma_start3A_874 : memref<10000x64xf32, #tpu.memory_space<vmem_shared>>) target(%dma_start3A_868 : memref<125x64xf32, #tpu.memory_space<vmem>>) offsets(%dma_start3A_871 : memref<125xi32, #tpu.memory_space<vmem>>) semaphore(%arg11 : memref<!tpu.dma_semaphore, #tpu.memory_space<semaphore_mem>>)
    %dma_wait3A_875 = arith.constant 0 : i32
    %dma_wait3A_876 = arith.constant 0 : i32
    %dma_wait3A_877 = arith.constant 0 : i32
    %dma_wait3A_878 = arith.constant 0 : i32
    %dma_wait3A_879 = arith.constant 0 : i32
    %dma_wait3A_880 = tpu.memref_slice %arg9[%dma_wait3A_877, %dma_wait3A_878, %dma_wait3A_879] : memref<4x125x64xf32, #tpu.memory_space<vmem>> -> memref<1x125x64xf32, #tpu.memory_space<vmem>>
    %dma_wait3A_881 = tpu.memref_squeeze %dma_wait3A_880 : memref<1x125x64xf32, #tpu.memory_space<vmem>> -> memref<125x64xf32, #tpu.memory_space<vmem>>
    %dma_wait3A_882 = arith.constant 0 : i32
    %dma_wait3A_883 = tpu.memref_slice %arg7[%dma_wait3A_875, %dma_wait3A_876, %dma_wait3A_882] : memref<2x32x125xi32, #tpu.memory_space<vmem>> -> memref<1x1x125xi32, #tpu.memory_space<vmem>>
    %dma_wait3A_884 = tpu.memref_squeeze %dma_wait3A_883 : memref<1x1x125xi32, #tpu.memory_space<vmem>> -> memref<125xi32, #tpu.memory_space<vmem>>
    %dma_wait3A_885 = arith.constant 0 : i32
    %dma_wait3A_886 = arith.constant 0 : i32
    %dma_wait3A_887 = tpu.memref_slice %arg5[%dma_wait3A_885, %dma_wait3A_886] : memref<10000x64xf32, #tpu.memory_space<vmem_shared>> -> memref<10000x64xf32, #tpu.memory_space<vmem_shared>>
    tpu.wait_indirect_dma semaphore(%arg10 : memref<!tpu.dma_semaphore, #tpu.memory_space<semaphore_mem>>) src(%dma_wait3A_887 : memref<10000x64xf32, #tpu.memory_space<vmem_shared>>) dst(%dma_wait3A_881 : memref<125x64xf32, #tpu.memory_space<vmem>>)
    %dma_start3A_888 = arith.constant 0 : i32
    %dma_start3A_889 = arith.constant 1 : i32
    %dma_start3A_890 = arith.constant 0 : i32
    %dma_start3A_891 = arith.constant 0 : i32
    %dma_start3A_892 = arith.constant 0 : i32
    %dma_start3A_893 = tpu.memref_slice %arg9[%dma_start3A_888, %dma_start3A_891, %dma_start3A_892] : memref<4x125x64xf32, #tpu.memory_space<vmem>> -> memref<1x125x64xf32, #tpu.memory_space<vmem>>
    %dma_start3A_894 = tpu.memref_squeeze %dma_start3A_893 : memref<1x125x64xf32, #tpu.memory_space<vmem>> -> memref<125x64xf32, #tpu.memory_space<vmem>>
    %dma_start3A_895 = arith.constant 0 : i32
    %dma_start3A_896 = tpu.memref_slice %arg8[%dma_start3A_889, %dma_start3A_890, %dma_start3A_895] : memref<2x32x125xi32, #tpu.memory_space<vmem>> -> memref<1x1x125xi32, #tpu.memory_space<vmem>>
    %dma_start3A_897 = tpu.memref_squeeze %dma_start3A_896 : memref<1x1x125xi32, #tpu.memory_space<vmem>> -> memref<125xi32, #tpu.memory_space<vmem>>
    %dma_start3A_898 = arith.constant 0 : i32
    %dma_start3A_899 = arith.constant 0 : i32
    %dma_start3A_900 = tpu.memref_slice %arg6[%dma_start3A_898, %dma_start3A_899] : memref<10000x64xf32, #tpu.memory_space<vmem_shared>> -> memref<10000x64xf32, #tpu.memory_space<vmem_shared>>
    tpu.enqueue_indirect_dma source(%dma_start3A_894 : memref<125x64xf32, #tpu.memory_space<vmem>>) target(%dma_start3A_900 : memref<10000x64xf32, #tpu.memory_space<vmem_shared>>) offsets(%dma_start3A_897 : memref<125xi32, #tpu.memory_space<vmem>>) semaphore(%arg14 : memref<!tpu.dma_semaphore, #tpu.memory_space<semaphore_mem>>) {add = true}
    %dma_wait3A_901 = arith.constant 0 : i32
    %dma_wait3A_902 = arith.constant 0 : i32
    %dma_wait3A_903 = arith.constant 0 : i32
    %dma_wait3A_904 = arith.constant 0 : i32
    %dma_wait3A_905 = arith.constant 0 : i32
    %dma_wait3A_906 = tpu.memref_slice %arg9[%dma_wait3A_901, %dma_wait3A_904, %dma_wait3A_905] : memref<4x125x64xf32, #tpu.memory_space<vmem>> -> memref<1x125x64xf32, #tpu.memory_space<vmem>>
    %dma_wait3A_907 = tpu.memref_squeeze %dma_wait3A_906 : memref<1x125x64xf32, #tpu.memory_space<vmem>> -> memref<125x64xf32, #tpu.memory_space<vmem>>
    %dma_wait3A_908 = arith.constant 0 : i32
    %dma_wait3A_909 = tpu.memref_slice %arg8[%dma_wait3A_902, %dma_wait3A_903, %dma_wait3A_908] : memref<2x32x125xi32, #tpu.memory_space<vmem>> -> memref<1x1x125xi32, #tpu.memory_space<vmem>>
    %dma_wait3A_910 = tpu.memref_squeeze %dma_wait3A_909 : memref<1x1x125xi32, #tpu.memory_space<vmem>> -> memref<125xi32, #tpu.memory_space<vmem>>
    %dma_wait3A_911 = arith.constant 0 : i32
    %dma_wait3A_912 = arith.constant 0 : i32
    %dma_wait3A_913 = tpu.memref_slice %arg6[%dma_wait3A_911, %dma_wait3A_912] : memref<10000x64xf32, #tpu.memory_space<vmem_shared>> -> memref<10000x64xf32, #tpu.memory_space<vmem_shared>>
    tpu.wait_indirect_dma semaphore(%arg16 : memref<!tpu.dma_semaphore, #tpu.memory_space<semaphore_mem>>) src(%dma_wait3A_907 : memref<125x64xf32, #tpu.memory_space<vmem>>) dst(%dma_wait3A_913 : memref<10000x64xf32, #tpu.memory_space<vmem_shared>>)
    %dma_start3A_914 = arith.constant 1 : i32
    %dma_start3A_915 = arith.constant 2 : i32
    %dma_start3A_916 = arith.constant 2 : i32
    %dma_start3A_917 = arith.constant 0 : i32
    %dma_start3A_918 = arith.constant 0 : i32
    %dma_start3A_919 = tpu.memref_slice %arg9[%dma_start3A_916, %dma_start3A_917, %dma_start3A_918] : memref<4x125x64xf32, #tpu.memory_space<vmem>> -> memref<1x125x64xf32, #tpu.memory_space<vmem>>
    %dma_start3A_920 = tpu.memref_squeeze %dma_start3A_919 : memref<1x125x64xf32, #tpu.memory_space<vmem>> -> memref<125x64xf32, #tpu.memory_space<vmem>>
    %dma_start3A_921 = arith.constant 0 : i32
    %dma_start3A_922 = tpu.memref_slice %arg7[%dma_start3A_914, %dma_start3A_915, %dma_start3A_921] : memref<2x32x125xi32, #tpu.memory_space<vmem>> -> memref<1x1x125xi32, #tpu.memory_space<vmem>>
    %dma_start3A_923 = tpu.memref_squeeze %dma_start3A_922 : memref<1x1x125xi32, #tpu.memory_space<vmem>> -> memref<125xi32, #tpu.memory_space<vmem>>
    %dma_start3A_924 = arith.constant 0 : i32
    %dma_start3A_925 = arith.constant 0 : i32
    %dma_start3A_926 = tpu.memref_slice %arg5[%dma_start3A_924, %dma_start3A_925] : memref<10000x64xf32, #tpu.memory_space<vmem_shared>> -> memref<10000x64xf32, #tpu.memory_space<vmem_shared>>
    tpu.enqueue_indirect_dma source(%dma_start3A_926 : memref<10000x64xf32, #tpu.memory_space<vmem_shared>>) target(%dma_start3A_920 : memref<125x64xf32, #tpu.memory_space<vmem>>) offsets(%dma_start3A_923 : memref<125xi32, #tpu.memory_space<vmem>>) semaphore(%arg12 : memref<!tpu.dma_semaphore, #tpu.memory_space<semaphore_mem>>)
    %dma_wait3A_927 = arith.constant 0 : i32
    %dma_wait3A_928 = arith.constant 0 : i32
    %dma_wait3A_929 = arith.constant 1 : i32
    %dma_wait3A_930 = arith.constant 0 : i32
    %dma_wait3A_931 = arith.constant 0 : i32
    %dma_wait3A_932 = tpu.memref_slice %arg9[%dma_wait3A_929, %dma_wait3A_930, %dma_wait3A_931] : memref<4x125x64xf32, #tpu.memory_space<vmem>> -> memref<1x125x64xf32, #tpu.memory_space<vmem>>
    %dma_wait3A_933 = tpu.memref_squeeze %dma_wait3A_932 : memref<1x125x64xf32, #tpu.memory_space<vmem>> -> memref<125x64xf32, #tpu.memory_space<vmem>>
    %dma_wait3A_934 = arith.constant 0 : i32
    %dma_wait3A_935 = tpu.memref_slice %arg7[%dma_wait3A_927, %dma_wait3A_928, %dma_wait3A_934] : memref<2x32x125xi32, #tpu.memory_space<vmem>> -> memref<1x1x125xi32, #tpu.memory_space<vmem>>
    %dma_wait3A_936 = tpu.memref_squeeze %dma_wait3A_935 : memref<1x1x125xi32, #tpu.memory_space<vmem>> -> memref<125xi32, #tpu.memory_space<vmem>>
    %dma_wait3A_937 = arith.constant 0 : i32
    %dma_wait3A_938 = arith.constant 0 : i32
    %dma_wait3A_939 = tpu.memref_slice %arg5[%dma_wait3A_937, %dma_wait3A_938] : memref<10000x64xf32, #tpu.memory_space<vmem_shared>> -> memref<10000x64xf32, #tpu.memory_space<vmem_shared>>
    tpu.wait_indirect_dma semaphore(%arg11 : memref<!tpu.dma_semaphore, #tpu.memory_space<semaphore_mem>>) src(%dma_wait3A_939 : memref<10000x64xf32, #tpu.memory_space<vmem_shared>>) dst(%dma_wait3A_933 : memref<125x64xf32, #tpu.memory_space<vmem>>)
    %dma_start3A_940 = arith.constant 1 : i32
    %dma_start3A_941 = arith.constant 1 : i32
    %dma_start3A_942 = arith.constant 1 : i32
    %dma_start3A_943 = arith.constant 0 : i32
    %dma_start3A_944 = arith.constant 0 : i32
    %dma_start3A_945 = tpu.memref_slice %arg9[%dma_start3A_940, %dma_start3A_943, %dma_start3A_944] : memref<4x125x64xf32, #tpu.memory_space<vmem>> -> memref<1x125x64xf32, #tpu.memory_space<vmem>>
    %dma_start3A_946 = tpu.memref_squeeze %dma_start3A_945 : memref<1x125x64xf32, #tpu.memory_space<vmem>> -> memref<125x64xf32, #tpu.memory_space<vmem>>
    %dma_start3A_947 = arith.constant 0 : i32
    %dma_start3A_948 = tpu.memref_slice %arg8[%dma_start3A_941, %dma_start3A_942, %dma_start3A_947] : memref<2x32x125xi32, #tpu.memory_space<vmem>> -> memref<1x1x125xi32, #tpu.memory_space<vmem>>
    %dma_start3A_949 = tpu.memref_squeeze %dma_start3A_948 : memref<1x1x125xi32, #tpu.memory_space<vmem>> -> memref<125xi32, #tpu.memory_space<vmem>>
    %dma_start3A_950 = arith.constant 0 : i32
    %dma_start3A_951 = arith.constant 0 : i32
    %dma_start3A_952 = tpu.memref_slice %arg6[%dma_start3A_950, %dma_start3A_951] : memref<10000x64xf32, #tpu.memory_space<vmem_shared>> -> memref<10000x64xf32, #tpu.memory_space<vmem_shared>>
    tpu.enqueue_indirect_dma source(%dma_start3A_946 : memref<125x64xf32, #tpu.memory_space<vmem>>) target(%dma_start3A_952 : memref<10000x64xf32, #tpu.memory_space<vmem_shared>>) offsets(%dma_start3A_949 : memref<125xi32, #tpu.memory_space<vmem>>) semaphore(%arg15 : memref<!tpu.dma_semaphore, #tpu.memory_space<semaphore_mem>>) {add = true}
    %dma_wait3A_953 = arith.constant 0 : i32
    %dma_wait3A_954 = arith.constant 0 : i32
    %dma_wait3A_955 = arith.constant 0 : i32
    %dma_wait3A_956 = arith.constant 0 : i32
    %dma_wait3A_957 = arith.constant 0 : i32
    %dma_wait3A_958 = tpu.memref_slice %arg9[%dma_wait3A_953, %dma_wait3A_956, %dma_wait3A_957] : memref<4x125x64xf32, #tpu.memory_space<vmem>> -> memref<1x125x64xf32, #tpu.memory_space<vmem>>
    %dma_wait3A_959 = tpu.memref_squeeze %dma_wait3A_958 : memref<1x125x64xf32, #tpu.memory_space<vmem>> -> memref<125x64xf32, #tpu.memory_space<vmem>>
    %dma_wait3A_960 = arith.constant 0 : i32
    %dma_wait3A_961 = tpu.memref_slice %arg8[%dma_wait3A_954, %dma_wait3A_955, %dma_wait3A_960] : memref<2x32x125xi32, #tpu.memory_space<vmem>> -> memref<1x1x125xi32, #tpu.memory_space<vmem>>
    %dma_wait3A_962 = tpu.memref_squeeze %dma_wait3A_961 : memref<1x1x125xi32, #tpu.memory_space<vmem>> -> memref<125xi32, #tpu.memory_space<vmem>>
    %dma_wait3A_963 = arith.constant 0 : i32
    %dma_wait3A_964 = arith.constant 0 : i32
    %dma_wait3A_965 = tpu.memref_slice %arg6[%dma_wait3A_963, %dma_wait3A_964] : memref<10000x64xf32, #tpu.memory_space<vmem_shared>> -> memref<10000x64xf32, #tpu.memory_space<vmem_shared>>
    tpu.wait_indirect_dma semaphore(%arg17 : memref<!tpu.dma_semaphore, #tpu.memory_space<semaphore_mem>>) src(%dma_wait3A_959 : memref<125x64xf32, #tpu.memory_space<vmem>>) dst(%dma_wait3A_965 : memref<10000x64xf32, #tpu.memory_space<vmem_shared>>)
    %dma_start3A_966 = arith.constant 1 : i32
    %dma_start3A_967 = arith.constant 3 : i32
    %dma_start3A_968 = arith.constant 3 : i32
    %dma_start3A_969 = arith.constant 0 : i32
    %dma_start3A_970 = arith.constant 0 : i32
    %dma_start3A_971 = tpu.memref_slice %arg9[%dma_start3A_968, %dma_start3A_969, %dma_start3A_970] : memref<4x125x64xf32, #tpu.memory_space<vmem>> -> memref<1x125x64xf32, #tpu.memory_space<vmem>>
    %dma_start3A_972 = tpu.memref_squeeze %dma_start3A_971 : memref<1x125x64xf32, #tpu.memory_space<vmem>> -> memref<125x64xf32, #tpu.memory_space<vmem>>
    %dma_start3A_973 = arith.constant 0 : i32
    %dma_start3A_974 = tpu.memref_slice %arg7[%dma_start3A_966, %dma_start3A_967, %dma_start3A_973] : memref<2x32x125xi32, #tpu.memory_space<vmem>> -> memref<1x1x125xi32, #tpu.memory_space<vmem>>
    %dma_start3A_975 = tpu.memref_squeeze %dma_start3A_974 : memref<1x1x125xi32, #tpu.memory_space<vmem>> -> memref<125xi32, #tpu.memory_space<vmem>>
    %dma_start3A_976 = arith.constant 0 : i32
    %dma_start3A_977 = arith.constant 0 : i32
    %dma_start3A_978 = tpu.memref_slice %arg5[%dma_start3A_976, %dma_start3A_977] : memref<10000x64xf32, #tpu.memory_space<vmem_shared>> -> memref<10000x64xf32, #tpu.memory_space<vmem_shared>>
    tpu.enqueue_indirect_dma source(%dma_start3A_978 : memref<10000x64xf32, #tpu.memory_space<vmem_shared>>) target(%dma_start3A_972 : memref<125x64xf32, #tpu.memory_space<vmem>>) offsets(%dma_start3A_975 : memref<125xi32, #tpu.memory_space<vmem>>) semaphore(%arg13 : memref<!tpu.dma_semaphore, #tpu.memory_space<semaphore_mem>>)
    %dma_start3A_979 = arith.constant 0 : i32
    %dma_start3A_980 = arith.constant 4 : i32
    %dma_start3A_981 = arith.constant 0 : i32
    %dma_start3A_982 = arith.constant 0 : i32
    %dma_start3A_983 = arith.constant 0 : i32
    %dma_start3A_984 = tpu.memref_slice %arg7[%dma_start3A_981, %dma_start3A_982, %dma_start3A_983] : memref<2x32x125xi32, #tpu.memory_space<vmem>> -> memref<1x32x125xi32, #tpu.memory_space<vmem>>
    %dma_start3A_985 = tpu.memref_squeeze %dma_start3A_984 : memref<1x32x125xi32, #tpu.memory_space<vmem>> -> memref<32x125xi32, #tpu.memory_space<vmem>>
    %dma_start3A_986 = arith.constant 0 : i32
    %dma_start3A_987 = arith.constant 0 : i32
    %dma_start3A_988 = tpu.memref_slice %arg3[%dma_start3A_979, %arg1, %dma_start3A_980, %dma_start3A_986, %dma_start3A_987] : memref<2x16x5x32x125xi32, #tpu.memory_space<hbm>> -> memref<1x1x1x32x125xi32, #tpu.memory_space<hbm>>
    %dma_start3A_989 = tpu.memref_squeeze %dma_start3A_988 : memref<1x1x1x32x125xi32, #tpu.memory_space<hbm>> -> memref<32x125xi32, #tpu.memory_space<hbm>>
    %dma_start3A_990 = arith.constant 0 : i32
    %dma_start3A_991 = arith.constant 0 : i32
    %dma_start3A_992 = tpu.memref_slice %arg7[%dma_start3A_981, %dma_start3A_990, %dma_start3A_991] : memref<2x32x125xi32, #tpu.memory_space<vmem>> -> memref<1x32x125xi32, #tpu.memory_space<vmem>>
    %dma_start3A_993 = tpu.memref_squeeze %dma_start3A_992 : memref<1x32x125xi32, #tpu.memory_space<vmem>> -> memref<32x125xi32, #tpu.memory_space<vmem>>
    %dma_start3A_994 = arith.constant 0 : i32
    %dma_start3A_995 = arith.constant 0 : i32
    %dma_start3A_996 = tpu.memref_slice %arg3[%dma_start3A_979, %arg1, %dma_start3A_980, %dma_start3A_994, %dma_start3A_995] : memref<2x16x5x32x125xi32, #tpu.memory_space<hbm>> -> memref<1x1x1x32x125xi32, #tpu.memory_space<hbm>>
    %dma_start3A_997 = tpu.memref_squeeze %dma_start3A_996 : memref<1x1x1x32x125xi32, #tpu.memory_space<hbm>> -> memref<32x125xi32, #tpu.memory_space<hbm>>
    tpu.enqueue_dma source(%dma_start3A_997 : memref<32x125xi32, #tpu.memory_space<hbm>>) target(%dma_start3A_993 : memref<32x125xi32, #tpu.memory_space<vmem>>) target_semaphore(%arg18 : memref<!tpu.dma_semaphore, #tpu.memory_space<semaphore_mem>>)
    %dma_start3A_998 = arith.constant 1 : i32
    %dma_start3A_999 = arith.constant 4 : i32
    %dma_start3A_1000 = arith.constant 0 : i32
    %dma_start3A_1001 = arith.constant 0 : i32
    %dma_start3A_1002 = arith.constant 0 : i32
    %dma_start3A_1003 = tpu.memref_slice %arg8[%dma_start3A_1000, %dma_start3A_1001, %dma_start3A_1002] : memref<2x32x125xi32, #tpu.memory_space<vmem>> -> memref<1x32x125xi32, #tpu.memory_space<vmem>>
    %dma_start3A_1004 = tpu.memref_squeeze %dma_start3A_1003 : memref<1x32x125xi32, #tpu.memory_space<vmem>> -> memref<32x125xi32, #tpu.memory_space<vmem>>
    %dma_start3A_1005 = arith.constant 0 : i32
    %dma_start3A_1006 = arith.constant 0 : i32
    %dma_start3A_1007 = tpu.memref_slice %arg3[%dma_start3A_998, %arg1, %dma_start3A_999, %dma_start3A_1005, %dma_start3A_1006] : memref<2x16x5x32x125xi32, #tpu.memory_space<hbm>> -> memref<1x1x1x32x125xi32, #tpu.memory_space<hbm>>
    %dma_start3A_1008 = tpu.memref_squeeze %dma_start3A_1007 : memref<1x1x1x32x125xi32, #tpu.memory_space<hbm>> -> memref<32x125xi32, #tpu.memory_space<hbm>>
    %dma_start3A_1009 = arith.constant 0 : i32
    %dma_start3A_1010 = arith.constant 0 : i32
    %dma_start3A_1011 = tpu.memref_slice %arg8[%dma_start3A_1000, %dma_start3A_1009, %dma_start3A_1010] : memref<2x32x125xi32, #tpu.memory_space<vmem>> -> memref<1x32x125xi32, #tpu.memory_space<vmem>>
    %dma_start3A_1012 = tpu.memref_squeeze %dma_start3A_1011 : memref<1x32x125xi32, #tpu.memory_space<vmem>> -> memref<32x125xi32, #tpu.memory_space<vmem>>
    %dma_start3A_1013 = arith.constant 0 : i32
    %dma_start3A_1014 = arith.constant 0 : i32
    %dma_start3A_1015 = tpu.memref_slice %arg3[%dma_start3A_998, %arg1, %dma_start3A_999, %dma_start3A_1013, %dma_start3A_1014] : memref<2x16x5x32x125xi32, #tpu.memory_space<hbm>> -> memref<1x1x1x32x125xi32, #tpu.memory_space<hbm>>
    %dma_start3A_1016 = tpu.memref_squeeze %dma_start3A_1015 : memref<1x1x1x32x125xi32, #tpu.memory_space<hbm>> -> memref<32x125xi32, #tpu.memory_space<hbm>>
    tpu.enqueue_dma source(%dma_start3A_1016 : memref<32x125xi32, #tpu.memory_space<hbm>>) target(%dma_start3A_1012 : memref<32x125xi32, #tpu.memory_space<vmem>>) target_semaphore(%arg18 : memref<!tpu.dma_semaphore, #tpu.memory_space<semaphore_mem>>)
    %scan3A_1017 = arith.constant 0 : i32
    %scan3A_1018 = arith.constant 0 : i32
    %scan3A_1019 = arith.constant 7 : i32
    %scan3A_1020 = arith.addi %scan3A_1018, %scan3A_1019 : i32
    %scan3A_1021 = arith.constant 1 : i32
    scf.for %scan3A_1380 = %scan3A_1018 to %scan3A_1020 step %scan3A_1021  : i32 {
      %mul3A_1381 = arith.constant 4 : i32
      %mul3A_1382 = arith.muli %mul3A_1381, %scan3A_1380 : i32
      %add3A = arith.constant 2 : i32
      %add3A_1383 = arith.addi %add3A, %mul3A_1382 : i32
      %dma_wait3A_1384 = arith.constant 0 : i32
      %dma_wait3A_1385 = arith.constant 0 : i32
      %dma_wait3A_1386 = arith.constant 2 : i32
      %dma_wait3A_1387 = arith.constant 0 : i32
      %dma_wait3A_1388 = arith.constant 0 : i32
      %dma_wait3A_1389 = tpu.memref_slice %arg9[%dma_wait3A_1386, %dma_wait3A_1387, %dma_wait3A_1388] : memref<4x125x64xf32, #tpu.memory_space<vmem>> -> memref<1x125x64xf32, #tpu.memory_space<vmem>>
      %dma_wait3A_1390 = tpu.memref_squeeze %dma_wait3A_1389 : memref<1x125x64xf32, #tpu.memory_space<vmem>> -> memref<125x64xf32, #tpu.memory_space<vmem>>
      %dma_wait3A_1391 = arith.constant 0 : i32
      %dma_wait3A_1392 = tpu.memref_slice %arg7[%dma_wait3A_1384, %dma_wait3A_1385, %dma_wait3A_1391] : memref<2x32x125xi32, #tpu.memory_space<vmem>> -> memref<1x1x125xi32, #tpu.memory_space<vmem>>
      %dma_wait3A_1393 = tpu.memref_squeeze %dma_wait3A_1392 : memref<1x1x125xi32, #tpu.memory_space<vmem>> -> memref<125xi32, #tpu.memory_space<vmem>>
      %dma_wait3A_1394 = arith.constant 0 : i32
      %dma_wait3A_1395 = arith.constant 0 : i32
      %dma_wait3A_1396 = tpu.memref_slice %arg5[%dma_wait3A_1394, %dma_wait3A_1395] : memref<10000x64xf32, #tpu.memory_space<vmem_shared>> -> memref<10000x64xf32, #tpu.memory_space<vmem_shared>>
      tpu.wait_indirect_dma semaphore(%arg12 : memref<!tpu.dma_semaphore, #tpu.memory_space<semaphore_mem>>) src(%dma_wait3A_1396 : memref<10000x64xf32, #tpu.memory_space<vmem_shared>>) dst(%dma_wait3A_1390 : memref<125x64xf32, #tpu.memory_space<vmem>>)
      %add3A_1397 = arith.constant 0 : i32
      %add3A_1398 = arith.addi %add3A_1383, %add3A_1397 : i32
      %dma_start3A_1399 = arith.constant 2 : i32
      %dma_start3A_1400 = arith.constant 1 : i32
      %dma_start3A_1401 = arith.constant 0 : i32
      %dma_start3A_1402 = arith.constant 0 : i32
      %dma_start3A_1403 = tpu.memref_slice %arg9[%dma_start3A_1399, %dma_start3A_1401, %dma_start3A_1402] : memref<4x125x64xf32, #tpu.memory_space<vmem>> -> memref<1x125x64xf32, #tpu.memory_space<vmem>>
      %dma_start3A_1404 = tpu.memref_squeeze %dma_start3A_1403 : memref<1x125x64xf32, #tpu.memory_space<vmem>> -> memref<125x64xf32, #tpu.memory_space<vmem>>
      %dma_start3A_1405 = arith.constant 0 : i32
      %dma_start3A_1406 = tpu.memref_slice %arg8[%dma_start3A_1400, %add3A_1398, %dma_start3A_1405] : memref<2x32x125xi32, #tpu.memory_space<vmem>> -> memref<1x1x125xi32, #tpu.memory_space<vmem>>
      %dma_start3A_1407 = tpu.memref_squeeze %dma_start3A_1406 : memref<1x1x125xi32, #tpu.memory_space<vmem>> -> memref<125xi32, #tpu.memory_space<vmem>>
      %dma_start3A_1408 = arith.constant 0 : i32
      %dma_start3A_1409 = arith.constant 0 : i32
      %dma_start3A_1410 = tpu.memref_slice %arg6[%dma_start3A_1408, %dma_start3A_1409] : memref<10000x64xf32, #tpu.memory_space<vmem_shared>> -> memref<10000x64xf32, #tpu.memory_space<vmem_shared>>
      tpu.enqueue_indirect_dma source(%dma_start3A_1404 : memref<125x64xf32, #tpu.memory_space<vmem>>) target(%dma_start3A_1410 : memref<10000x64xf32, #tpu.memory_space<vmem_shared>>) offsets(%dma_start3A_1407 : memref<125xi32, #tpu.memory_space<vmem>>) semaphore(%arg16 : memref<!tpu.dma_semaphore, #tpu.memory_space<semaphore_mem>>) {add = true}
      %dma_wait3A_1411 = arith.constant 0 : i32
      %dma_wait3A_1412 = arith.constant 0 : i32
      %dma_wait3A_1413 = arith.constant 0 : i32
      %dma_wait3A_1414 = arith.constant 0 : i32
      %dma_wait3A_1415 = arith.constant 0 : i32
      %dma_wait3A_1416 = tpu.memref_slice %arg9[%dma_wait3A_1411, %dma_wait3A_1414, %dma_wait3A_1415] : memref<4x125x64xf32, #tpu.memory_space<vmem>> -> memref<1x125x64xf32, #tpu.memory_space<vmem>>
      %dma_wait3A_1417 = tpu.memref_squeeze %dma_wait3A_1416 : memref<1x125x64xf32, #tpu.memory_space<vmem>> -> memref<125x64xf32, #tpu.memory_space<vmem>>
      %dma_wait3A_1418 = arith.constant 0 : i32
      %dma_wait3A_1419 = tpu.memref_slice %arg8[%dma_wait3A_1412, %dma_wait3A_1413, %dma_wait3A_1418] : memref<2x32x125xi32, #tpu.memory_space<vmem>> -> memref<1x1x125xi32, #tpu.memory_space<vmem>>
      %dma_wait3A_1420 = tpu.memref_squeeze %dma_wait3A_1419 : memref<1x1x125xi32, #tpu.memory_space<vmem>> -> memref<125xi32, #tpu.memory_space<vmem>>
      %dma_wait3A_1421 = arith.constant 0 : i32
      %dma_wait3A_1422 = arith.constant 0 : i32
      %dma_wait3A_1423 = tpu.memref_slice %arg6[%dma_wait3A_1421, %dma_wait3A_1422] : memref<10000x64xf32, #tpu.memory_space<vmem_shared>> -> memref<10000x64xf32, #tpu.memory_space<vmem_shared>>
      tpu.wait_indirect_dma semaphore(%arg14 : memref<!tpu.dma_semaphore, #tpu.memory_space<semaphore_mem>>) src(%dma_wait3A_1417 : memref<125x64xf32, #tpu.memory_space<vmem>>) dst(%dma_wait3A_1423 : memref<10000x64xf32, #tpu.memory_space<vmem_shared>>)
      %add3A_1424 = arith.constant 0 : i32
      %add3A_1425 = arith.addi %add3A_1383, %add3A_1424 : i32
      %add3A_1426 = arith.constant 2 : i32
      %add3A_1427 = arith.addi %add3A_1425, %add3A_1426 : i32
      %dma_start3A_1428 = arith.constant 1 : i32
      %dma_start3A_1429 = arith.constant 0 : i32
      %dma_start3A_1430 = arith.constant 0 : i32
      %dma_start3A_1431 = arith.constant 0 : i32
      %dma_start3A_1432 = tpu.memref_slice %arg9[%dma_start3A_1429, %dma_start3A_1430, %dma_start3A_1431] : memref<4x125x64xf32, #tpu.memory_space<vmem>> -> memref<1x125x64xf32, #tpu.memory_space<vmem>>
      %dma_start3A_1433 = tpu.memref_squeeze %dma_start3A_1432 : memref<1x125x64xf32, #tpu.memory_space<vmem>> -> memref<125x64xf32, #tpu.memory_space<vmem>>
      %dma_start3A_1434 = arith.constant 0 : i32
      %dma_start3A_1435 = tpu.memref_slice %arg7[%dma_start3A_1428, %add3A_1427, %dma_start3A_1434] : memref<2x32x125xi32, #tpu.memory_space<vmem>> -> memref<1x1x125xi32, #tpu.memory_space<vmem>>
      %dma_start3A_1436 = tpu.memref_squeeze %dma_start3A_1435 : memref<1x1x125xi32, #tpu.memory_space<vmem>> -> memref<125xi32, #tpu.memory_space<vmem>>
      %dma_start3A_1437 = arith.constant 0 : i32
      %dma_start3A_1438 = arith.constant 0 : i32
      %dma_start3A_1439 = tpu.memref_slice %arg5[%dma_start3A_1437, %dma_start3A_1438] : memref<10000x64xf32, #tpu.memory_space<vmem_shared>> -> memref<10000x64xf32, #tpu.memory_space<vmem_shared>>
      tpu.enqueue_indirect_dma source(%dma_start3A_1439 : memref<10000x64xf32, #tpu.memory_space<vmem_shared>>) target(%dma_start3A_1433 : memref<125x64xf32, #tpu.memory_space<vmem>>) offsets(%dma_start3A_1436 : memref<125xi32, #tpu.memory_space<vmem>>) semaphore(%arg10 : memref<!tpu.dma_semaphore, #tpu.memory_space<semaphore_mem>>)
      %dma_wait3A_1440 = arith.constant 0 : i32
      %dma_wait3A_1441 = arith.constant 0 : i32
      %dma_wait3A_1442 = arith.constant 3 : i32
      %dma_wait3A_1443 = arith.constant 0 : i32
      %dma_wait3A_1444 = arith.constant 0 : i32
      %dma_wait3A_1445 = tpu.memref_slice %arg9[%dma_wait3A_1442, %dma_wait3A_1443, %dma_wait3A_1444] : memref<4x125x64xf32, #tpu.memory_space<vmem>> -> memref<1x125x64xf32, #tpu.memory_space<vmem>>
      %dma_wait3A_1446 = tpu.memref_squeeze %dma_wait3A_1445 : memref<1x125x64xf32, #tpu.memory_space<vmem>> -> memref<125x64xf32, #tpu.memory_space<vmem>>
      %dma_wait3A_1447 = arith.constant 0 : i32
      %dma_wait3A_1448 = tpu.memref_slice %arg7[%dma_wait3A_1440, %dma_wait3A_1441, %dma_wait3A_1447] : memref<2x32x125xi32, #tpu.memory_space<vmem>> -> memref<1x1x125xi32, #tpu.memory_space<vmem>>
      %dma_wait3A_1449 = tpu.memref_squeeze %dma_wait3A_1448 : memref<1x1x125xi32, #tpu.memory_space<vmem>> -> memref<125xi32, #tpu.memory_space<vmem>>
      %dma_wait3A_1450 = arith.constant 0 : i32
      %dma_wait3A_1451 = arith.constant 0 : i32
      %dma_wait3A_1452 = tpu.memref_slice %arg5[%dma_wait3A_1450, %dma_wait3A_1451] : memref<10000x64xf32, #tpu.memory_space<vmem_shared>> -> memref<10000x64xf32, #tpu.memory_space<vmem_shared>>
      tpu.wait_indirect_dma semaphore(%arg13 : memref<!tpu.dma_semaphore, #tpu.memory_space<semaphore_mem>>) src(%dma_wait3A_1452 : memref<10000x64xf32, #tpu.memory_space<vmem_shared>>) dst(%dma_wait3A_1446 : memref<125x64xf32, #tpu.memory_space<vmem>>)
      %add3A_1453 = arith.constant 1 : i32
      %add3A_1454 = arith.addi %add3A_1383, %add3A_1453 : i32
      %dma_start3A_1455 = arith.constant 3 : i32
      %dma_start3A_1456 = arith.constant 1 : i32
      %dma_start3A_1457 = arith.constant 0 : i32
      %dma_start3A_1458 = arith.constant 0 : i32
      %dma_start3A_1459 = tpu.memref_slice %arg9[%dma_start3A_1455, %dma_start3A_1457, %dma_start3A_1458] : memref<4x125x64xf32, #tpu.memory_space<vmem>> -> memref<1x125x64xf32, #tpu.memory_space<vmem>>
      %dma_start3A_1460 = tpu.memref_squeeze %dma_start3A_1459 : memref<1x125x64xf32, #tpu.memory_space<vmem>> -> memref<125x64xf32, #tpu.memory_space<vmem>>
      %dma_start3A_1461 = arith.constant 0 : i32
      %dma_start3A_1462 = tpu.memref_slice %arg8[%dma_start3A_1456, %add3A_1454, %dma_start3A_1461] : memref<2x32x125xi32, #tpu.memory_space<vmem>> -> memref<1x1x125xi32, #tpu.memory_space<vmem>>
      %dma_start3A_1463 = tpu.memref_squeeze %dma_start3A_1462 : memref<1x1x125xi32, #tpu.memory_space<vmem>> -> memref<125xi32, #tpu.memory_space<vmem>>
      %dma_start3A_1464 = arith.constant 0 : i32
      %dma_start3A_1465 = arith.constant 0 : i32
      %dma_start3A_1466 = tpu.memref_slice %arg6[%dma_start3A_1464, %dma_start3A_1465] : memref<10000x64xf32, #tpu.memory_space<vmem_shared>> -> memref<10000x64xf32, #tpu.memory_space<vmem_shared>>
      tpu.enqueue_indirect_dma source(%dma_start3A_1460 : memref<125x64xf32, #tpu.memory_space<vmem>>) target(%dma_start3A_1466 : memref<10000x64xf32, #tpu.memory_space<vmem_shared>>) offsets(%dma_start3A_1463 : memref<125xi32, #tpu.memory_space<vmem>>) semaphore(%arg17 : memref<!tpu.dma_semaphore, #tpu.memory_space<semaphore_mem>>) {add = true}
      %dma_wait3A_1467 = arith.constant 0 : i32
      %dma_wait3A_1468 = arith.constant 0 : i32
      %dma_wait3A_1469 = arith.constant 0 : i32
      %dma_wait3A_1470 = arith.constant 0 : i32
      %dma_wait3A_1471 = arith.constant 0 : i32
      %dma_wait3A_1472 = tpu.memref_slice %arg9[%dma_wait3A_1467, %dma_wait3A_1470, %dma_wait3A_1471] : memref<4x125x64xf32, #tpu.memory_space<vmem>> -> memref<1x125x64xf32, #tpu.memory_space<vmem>>
      %dma_wait3A_1473 = tpu.memref_squeeze %dma_wait3A_1472 : memref<1x125x64xf32, #tpu.memory_space<vmem>> -> memref<125x64xf32, #tpu.memory_space<vmem>>
      %dma_wait3A_1474 = arith.constant 0 : i32
      %dma_wait3A_1475 = tpu.memref_slice %arg8[%dma_wait3A_1468, %dma_wait3A_1469, %dma_wait3A_1474] : memref<2x32x125xi32, #tpu.memory_space<vmem>> -> memref<1x1x125xi32, #tpu.memory_space<vmem>>
      %dma_wait3A_1476 = tpu.memref_squeeze %dma_wait3A_1475 : memref<1x1x125xi32, #tpu.memory_space<vmem>> -> memref<125xi32, #tpu.memory_space<vmem>>
      %dma_wait3A_1477 = arith.constant 0 : i32
      %dma_wait3A_1478 = arith.constant 0 : i32
      %dma_wait3A_1479 = tpu.memref_slice %arg6[%dma_wait3A_1477, %dma_wait3A_1478] : memref<10000x64xf32, #tpu.memory_space<vmem_shared>> -> memref<10000x64xf32, #tpu.memory_space<vmem_shared>>
      tpu.wait_indirect_dma semaphore(%arg15 : memref<!tpu.dma_semaphore, #tpu.memory_space<semaphore_mem>>) src(%dma_wait3A_1473 : memref<125x64xf32, #tpu.memory_space<vmem>>) dst(%dma_wait3A_1479 : memref<10000x64xf32, #tpu.memory_space<vmem_shared>>)
      %add3A_1480 = arith.constant 1 : i32
      %add3A_1481 = arith.addi %add3A_1383, %add3A_1480 : i32
      %add3A_1482 = arith.constant 2 : i32
      %add3A_1483 = arith.addi %add3A_1481, %add3A_1482 : i32
      %dma_start3A_1484 = arith.constant 1 : i32
      %dma_start3A_1485 = arith.constant 1 : i32
      %dma_start3A_1486 = arith.constant 0 : i32
      %dma_start3A_1487 = arith.constant 0 : i32
      %dma_start3A_1488 = tpu.memref_slice %arg9[%dma_start3A_1485, %dma_start3A_1486, %dma_start3A_1487] : memref<4x125x64xf32, #tpu.memory_space<vmem>> -> memref<1x125x64xf32, #tpu.memory_space<vmem>>
      %dma_start3A_1489 = tpu.memref_squeeze %dma_start3A_1488 : memref<1x125x64xf32, #tpu.memory_space<vmem>> -> memref<125x64xf32, #tpu.memory_space<vmem>>
      %dma_start3A_1490 = arith.constant 0 : i32
      %dma_start3A_1491 = tpu.memref_slice %arg7[%dma_start3A_1484, %add3A_1483, %dma_start3A_1490] : memref<2x32x125xi32, #tpu.memory_space<vmem>> -> memref<1x1x125xi32, #tpu.memory_space<vmem>>
      %dma_start3A_1492 = tpu.memref_squeeze %dma_start3A_1491 : memref<1x1x125xi32, #tpu.memory_space<vmem>> -> memref<125xi32, #tpu.memory_space<vmem>>
      %dma_start3A_1493 = arith.constant 0 : i32
      %dma_start3A_1494 = arith.constant 0 : i32
      %dma_start3A_1495 = tpu.memref_slice %arg5[%dma_start3A_1493, %dma_start3A_1494] : memref<10000x64xf32, #tpu.memory_space<vmem_shared>> -> memref<10000x64xf32, #tpu.memory_space<vmem_shared>>
      tpu.enqueue_indirect_dma source(%dma_start3A_1495 : memref<10000x64xf32, #tpu.memory_space<vmem_shared>>) target(%dma_start3A_1489 : memref<125x64xf32, #tpu.memory_space<vmem>>) offsets(%dma_start3A_1492 : memref<125xi32, #tpu.memory_space<vmem>>) semaphore(%arg11 : memref<!tpu.dma_semaphore, #tpu.memory_space<semaphore_mem>>)
      %dma_wait3A_1496 = arith.constant 0 : i32
      %dma_wait3A_1497 = arith.constant 0 : i32
      %dma_wait3A_1498 = arith.constant 0 : i32
      %dma_wait3A_1499 = arith.constant 0 : i32
      %dma_wait3A_1500 = arith.constant 0 : i32
      %dma_wait3A_1501 = tpu.memref_slice %arg9[%dma_wait3A_1498, %dma_wait3A_1499, %dma_wait3A_1500] : memref<4x125x64xf32, #tpu.memory_space<vmem>> -> memref<1x125x64xf32, #tpu.memory_space<vmem>>
      %dma_wait3A_1502 = tpu.memref_squeeze %dma_wait3A_1501 : memref<1x125x64xf32, #tpu.memory_space<vmem>> -> memref<125x64xf32, #tpu.memory_space<vmem>>
      %dma_wait3A_1503 = arith.constant 0 : i32
      %dma_wait3A_1504 = tpu.memref_slice %arg7[%dma_wait3A_1496, %dma_wait3A_1497, %dma_wait3A_1503] : memref<2x32x125xi32, #tpu.memory_space<vmem>> -> memref<1x1x125xi32, #tpu.memory_space<vmem>>
      %dma_wait3A_1505 = tpu.memref_squeeze %dma_wait3A_1504 : memref<1x1x125xi32, #tpu.memory_space<vmem>> -> memref<125xi32, #tpu.memory_space<vmem>>
      %dma_wait3A_1506 = arith.constant 0 : i32
      %dma_wait3A_1507 = arith.constant 0 : i32
      %dma_wait3A_1508 = tpu.memref_slice %arg5[%dma_wait3A_1506, %dma_wait3A_1507] : memref<10000x64xf32, #tpu.memory_space<vmem_shared>> -> memref<10000x64xf32, #tpu.memory_space<vmem_shared>>
      tpu.wait_indirect_dma semaphore(%arg10 : memref<!tpu.dma_semaphore, #tpu.memory_space<semaphore_mem>>) src(%dma_wait3A_1508 : memref<10000x64xf32, #tpu.memory_space<vmem_shared>>) dst(%dma_wait3A_1502 : memref<125x64xf32, #tpu.memory_space<vmem>>)
      %add3A_1509 = arith.constant 2 : i32
      %add3A_1510 = arith.addi %add3A_1383, %add3A_1509 : i32
      %dma_start3A_1511 = arith.constant 0 : i32
      %dma_start3A_1512 = arith.constant 1 : i32
      %dma_start3A_1513 = arith.constant 0 : i32
      %dma_start3A_1514 = arith.constant 0 : i32
      %dma_start3A_1515 = tpu.memref_slice %arg9[%dma_start3A_1511, %dma_start3A_1513, %dma_start3A_1514] : memref<4x125x64xf32, #tpu.memory_space<vmem>> -> memref<1x125x64xf32, #tpu.memory_space<vmem>>
      %dma_start3A_1516 = tpu.memref_squeeze %dma_start3A_1515 : memref<1x125x64xf32, #tpu.memory_space<vmem>> -> memref<125x64xf32, #tpu.memory_space<vmem>>
      %dma_start3A_1517 = arith.constant 0 : i32
      %dma_start3A_1518 = tpu.memref_slice %arg8[%dma_start3A_1512, %add3A_1510, %dma_start3A_1517] : memref<2x32x125xi32, #tpu.memory_space<vmem>> -> memref<1x1x125xi32, #tpu.memory_space<vmem>>
      %dma_start3A_1519 = tpu.memref_squeeze %dma_start3A_1518 : memref<1x1x125xi32, #tpu.memory_space<vmem>> -> memref<125xi32, #tpu.memory_space<vmem>>
      %dma_start3A_1520 = arith.constant 0 : i32
      %dma_start3A_1521 = arith.constant 0 : i32
      %dma_start3A_1522 = tpu.memref_slice %arg6[%dma_start3A_1520, %dma_start3A_1521] : memref<10000x64xf32, #tpu.memory_space<vmem_shared>> -> memref<10000x64xf32, #tpu.memory_space<vmem_shared>>
      tpu.enqueue_indirect_dma source(%dma_start3A_1516 : memref<125x64xf32, #tpu.memory_space<vmem>>) target(%dma_start3A_1522 : memref<10000x64xf32, #tpu.memory_space<vmem_shared>>) offsets(%dma_start3A_1519 : memref<125xi32, #tpu.memory_space<vmem>>) semaphore(%arg14 : memref<!tpu.dma_semaphore, #tpu.memory_space<semaphore_mem>>) {add = true}
      %dma_wait3A_1523 = arith.constant 0 : i32
      %dma_wait3A_1524 = arith.constant 0 : i32
      %dma_wait3A_1525 = arith.constant 0 : i32
      %dma_wait3A_1526 = arith.constant 0 : i32
      %dma_wait3A_1527 = arith.constant 0 : i32
      %dma_wait3A_1528 = tpu.memref_slice %arg9[%dma_wait3A_1523, %dma_wait3A_1526, %dma_wait3A_1527] : memref<4x125x64xf32, #tpu.memory_space<vmem>> -> memref<1x125x64xf32, #tpu.memory_space<vmem>>
      %dma_wait3A_1529 = tpu.memref_squeeze %dma_wait3A_1528 : memref<1x125x64xf32, #tpu.memory_space<vmem>> -> memref<125x64xf32, #tpu.memory_space<vmem>>
      %dma_wait3A_1530 = arith.constant 0 : i32
      %dma_wait3A_1531 = tpu.memref_slice %arg8[%dma_wait3A_1524, %dma_wait3A_1525, %dma_wait3A_1530] : memref<2x32x125xi32, #tpu.memory_space<vmem>> -> memref<1x1x125xi32, #tpu.memory_space<vmem>>
      %dma_wait3A_1532 = tpu.memref_squeeze %dma_wait3A_1531 : memref<1x1x125xi32, #tpu.memory_space<vmem>> -> memref<125xi32, #tpu.memory_space<vmem>>
      %dma_wait3A_1533 = arith.constant 0 : i32
      %dma_wait3A_1534 = arith.constant 0 : i32
      %dma_wait3A_1535 = tpu.memref_slice %arg6[%dma_wait3A_1533, %dma_wait3A_1534] : memref<10000x64xf32, #tpu.memory_space<vmem_shared>> -> memref<10000x64xf32, #tpu.memory_space<vmem_shared>>
      tpu.wait_indirect_dma semaphore(%arg16 : memref<!tpu.dma_semaphore, #tpu.memory_space<semaphore_mem>>) src(%dma_wait3A_1529 : memref<125x64xf32, #tpu.memory_space<vmem>>) dst(%dma_wait3A_1535 : memref<10000x64xf32, #tpu.memory_space<vmem_shared>>)
      %add3A_1536 = arith.constant 2 : i32
      %add3A_1537 = arith.addi %add3A_1383, %add3A_1536 : i32
      %add3A_1538 = arith.constant 2 : i32
      %add3A_1539 = arith.addi %add3A_1537, %add3A_1538 : i32
      %dma_start3A_1540 = arith.constant 1 : i32
      %dma_start3A_1541 = arith.constant 2 : i32
      %dma_start3A_1542 = arith.constant 0 : i32
      %dma_start3A_1543 = arith.constant 0 : i32
      %dma_start3A_1544 = tpu.memref_slice %arg9[%dma_start3A_1541, %dma_start3A_1542, %dma_start3A_1543] : memref<4x125x64xf32, #tpu.memory_space<vmem>> -> memref<1x125x64xf32, #tpu.memory_space<vmem>>
      %dma_start3A_1545 = tpu.memref_squeeze %dma_start3A_1544 : memref<1x125x64xf32, #tpu.memory_space<vmem>> -> memref<125x64xf32, #tpu.memory_space<vmem>>
      %dma_start3A_1546 = arith.constant 0 : i32
      %dma_start3A_1547 = tpu.memref_slice %arg7[%dma_start3A_1540, %add3A_1539, %dma_start3A_1546] : memref<2x32x125xi32, #tpu.memory_space<vmem>> -> memref<1x1x125xi32, #tpu.memory_space<vmem>>
      %dma_start3A_1548 = tpu.memref_squeeze %dma_start3A_1547 : memref<1x1x125xi32, #tpu.memory_space<vmem>> -> memref<125xi32, #tpu.memory_space<vmem>>
      %dma_start3A_1549 = arith.constant 0 : i32
      %dma_start3A_1550 = arith.constant 0 : i32
      %dma_start3A_1551 = tpu.memref_slice %arg5[%dma_start3A_1549, %dma_start3A_1550] : memref<10000x64xf32, #tpu.memory_space<vmem_shared>> -> memref<10000x64xf32, #tpu.memory_space<vmem_shared>>
      tpu.enqueue_indirect_dma source(%dma_start3A_1551 : memref<10000x64xf32, #tpu.memory_space<vmem_shared>>) target(%dma_start3A_1545 : memref<125x64xf32, #tpu.memory_space<vmem>>) offsets(%dma_start3A_1548 : memref<125xi32, #tpu.memory_space<vmem>>) semaphore(%arg12 : memref<!tpu.dma_semaphore, #tpu.memory_space<semaphore_mem>>)
      %dma_wait3A_1552 = arith.constant 0 : i32
      %dma_wait3A_1553 = arith.constant 0 : i32
      %dma_wait3A_1554 = arith.constant 1 : i32
      %dma_wait3A_1555 = arith.constant 0 : i32
      %dma_wait3A_1556 = arith.constant 0 : i32
      %dma_wait3A_1557 = tpu.memref_slice %arg9[%dma_wait3A_1554, %dma_wait3A_1555, %dma_wait3A_1556] : memref<4x125x64xf32, #tpu.memory_space<vmem>> -> memref<1x125x64xf32, #tpu.memory_space<vmem>>
      %dma_wait3A_1558 = tpu.memref_squeeze %dma_wait3A_1557 : memref<1x125x64xf32, #tpu.memory_space<vmem>> -> memref<125x64xf32, #tpu.memory_space<vmem>>
      %dma_wait3A_1559 = arith.constant 0 : i32
      %dma_wait3A_1560 = tpu.memref_slice %arg7[%dma_wait3A_1552, %dma_wait3A_1553, %dma_wait3A_1559] : memref<2x32x125xi32, #tpu.memory_space<vmem>> -> memref<1x1x125xi32, #tpu.memory_space<vmem>>
      %dma_wait3A_1561 = tpu.memref_squeeze %dma_wait3A_1560 : memref<1x1x125xi32, #tpu.memory_space<vmem>> -> memref<125xi32, #tpu.memory_space<vmem>>
      %dma_wait3A_1562 = arith.constant 0 : i32
      %dma_wait3A_1563 = arith.constant 0 : i32
      %dma_wait3A_1564 = tpu.memref_slice %arg5[%dma_wait3A_1562, %dma_wait3A_1563] : memref<10000x64xf32, #tpu.memory_space<vmem_shared>> -> memref<10000x64xf32, #tpu.memory_space<vmem_shared>>
      tpu.wait_indirect_dma semaphore(%arg11 : memref<!tpu.dma_semaphore, #tpu.memory_space<semaphore_mem>>) src(%dma_wait3A_1564 : memref<10000x64xf32, #tpu.memory_space<vmem_shared>>) dst(%dma_wait3A_1558 : memref<125x64xf32, #tpu.memory_space<vmem>>)
      %add3A_1565 = arith.constant 3 : i32
      %add3A_1566 = arith.addi %add3A_1383, %add3A_1565 : i32
      %dma_start3A_1567 = arith.constant 1 : i32
      %dma_start3A_1568 = arith.constant 1 : i32
      %dma_start3A_1569 = arith.constant 0 : i32
      %dma_start3A_1570 = arith.constant 0 : i32
      %dma_start3A_1571 = tpu.memref_slice %arg9[%dma_start3A_1567, %dma_start3A_1569, %dma_start3A_1570] : memref<4x125x64xf32, #tpu.memory_space<vmem>> -> memref<1x125x64xf32, #tpu.memory_space<vmem>>
      %dma_start3A_1572 = tpu.memref_squeeze %dma_start3A_1571 : memref<1x125x64xf32, #tpu.memory_space<vmem>> -> memref<125x64xf32, #tpu.memory_space<vmem>>
      %dma_start3A_1573 = arith.constant 0 : i32
      %dma_start3A_1574 = tpu.memref_slice %arg8[%dma_start3A_1568, %add3A_1566, %dma_start3A_1573] : memref<2x32x125xi32, #tpu.memory_space<vmem>> -> memref<1x1x125xi32, #tpu.memory_space<vmem>>
      %dma_start3A_1575 = tpu.memref_squeeze %dma_start3A_1574 : memref<1x1x125xi32, #tpu.memory_space<vmem>> -> memref<125xi32, #tpu.memory_space<vmem>>
      %dma_start3A_1576 = arith.constant 0 : i32
      %dma_start3A_1577 = arith.constant 0 : i32
      %dma_start3A_1578 = tpu.memref_slice %arg6[%dma_start3A_1576, %dma_start3A_1577] : memref<10000x64xf32, #tpu.memory_space<vmem_shared>> -> memref<10000x64xf32, #tpu.memory_space<vmem_shared>>
      tpu.enqueue_indirect_dma source(%dma_start3A_1572 : memref<125x64xf32, #tpu.memory_space<vmem>>) target(%dma_start3A_1578 : memref<10000x64xf32, #tpu.memory_space<vmem_shared>>) offsets(%dma_start3A_1575 : memref<125xi32, #tpu.memory_space<vmem>>) semaphore(%arg15 : memref<!tpu.dma_semaphore, #tpu.memory_space<semaphore_mem>>) {add = true}
      %dma_wait3A_1579 = arith.constant 0 : i32
      %dma_wait3A_1580 = arith.constant 0 : i32
      %dma_wait3A_1581 = arith.constant 0 : i32
      %dma_wait3A_1582 = arith.constant 0 : i32
      %dma_wait3A_1583 = arith.constant 0 : i32
      %dma_wait3A_1584 = tpu.memref_slice %arg9[%dma_wait3A_1579, %dma_wait3A_1582, %dma_wait3A_1583] : memref<4x125x64xf32, #tpu.memory_space<vmem>> -> memref<1x125x64xf32, #tpu.memory_space<vmem>>
      %dma_wait3A_1585 = tpu.memref_squeeze %dma_wait3A_1584 : memref<1x125x64xf32, #tpu.memory_space<vmem>> -> memref<125x64xf32, #tpu.memory_space<vmem>>
      %dma_wait3A_1586 = arith.constant 0 : i32
      %dma_wait3A_1587 = tpu.memref_slice %arg8[%dma_wait3A_1580, %dma_wait3A_1581, %dma_wait3A_1586] : memref<2x32x125xi32, #tpu.memory_space<vmem>> -> memref<1x1x125xi32, #tpu.memory_space<vmem>>
      %dma_wait3A_1588 = tpu.memref_squeeze %dma_wait3A_1587 : memref<1x1x125xi32, #tpu.memory_space<vmem>> -> memref<125xi32, #tpu.memory_space<vmem>>
      %dma_wait3A_1589 = arith.constant 0 : i32
      %dma_wait3A_1590 = arith.constant 0 : i32
      %dma_wait3A_1591 = tpu.memref_slice %arg6[%dma_wait3A_1589, %dma_wait3A_1590] : memref<10000x64xf32, #tpu.memory_space<vmem_shared>> -> memref<10000x64xf32, #tpu.memory_space<vmem_shared>>
      tpu.wait_indirect_dma semaphore(%arg17 : memref<!tpu.dma_semaphore, #tpu.memory_space<semaphore_mem>>) src(%dma_wait3A_1585 : memref<125x64xf32, #tpu.memory_space<vmem>>) dst(%dma_wait3A_1591 : memref<10000x64xf32, #tpu.memory_space<vmem_shared>>)
      %add3A_1592 = arith.constant 3 : i32
      %add3A_1593 = arith.addi %add3A_1383, %add3A_1592 : i32
      %add3A_1594 = arith.constant 2 : i32
      %add3A_1595 = arith.addi %add3A_1593, %add3A_1594 : i32
      %dma_start3A_1596 = arith.constant 1 : i32
      %dma_start3A_1597 = arith.constant 3 : i32
      %dma_start3A_1598 = arith.constant 0 : i32
      %dma_start3A_1599 = arith.constant 0 : i32
      %dma_start3A_1600 = tpu.memref_slice %arg9[%dma_start3A_1597, %dma_start3A_1598, %dma_start3A_1599] : memref<4x125x64xf32, #tpu.memory_space<vmem>> -> memref<1x125x64xf32, #tpu.memory_space<vmem>>
      %dma_start3A_1601 = tpu.memref_squeeze %dma_start3A_1600 : memref<1x125x64xf32, #tpu.memory_space<vmem>> -> memref<125x64xf32, #tpu.memory_space<vmem>>
      %dma_start3A_1602 = arith.constant 0 : i32
      %dma_start3A_1603 = tpu.memref_slice %arg7[%dma_start3A_1596, %add3A_1595, %dma_start3A_1602] : memref<2x32x125xi32, #tpu.memory_space<vmem>> -> memref<1x1x125xi32, #tpu.memory_space<vmem>>
      %dma_start3A_1604 = tpu.memref_squeeze %dma_start3A_1603 : memref<1x1x125xi32, #tpu.memory_space<vmem>> -> memref<125xi32, #tpu.memory_space<vmem>>
      %dma_start3A_1605 = arith.constant 0 : i32
      %dma_start3A_1606 = arith.constant 0 : i32
      %dma_start3A_1607 = tpu.memref_slice %arg5[%dma_start3A_1605, %dma_start3A_1606] : memref<10000x64xf32, #tpu.memory_space<vmem_shared>> -> memref<10000x64xf32, #tpu.memory_space<vmem_shared>>
      tpu.enqueue_indirect_dma source(%dma_start3A_1607 : memref<10000x64xf32, #tpu.memory_space<vmem_shared>>) target(%dma_start3A_1601 : memref<125x64xf32, #tpu.memory_space<vmem>>) offsets(%dma_start3A_1604 : memref<125xi32, #tpu.memory_space<vmem>>) semaphore(%arg13 : memref<!tpu.dma_semaphore, #tpu.memory_space<semaphore_mem>>)
    }
    %scan3A_1022 = arith.constant 7 : i32
    %dma_wait3A_1023 = arith.constant 0 : i32
    %dma_wait3A_1024 = arith.constant 0 : i32
    %dma_wait3A_1025 = arith.constant 0 : i32
    %dma_wait3A_1026 = arith.constant 0 : i32
    %dma_wait3A_1027 = arith.constant 0 : i32
    %dma_wait3A_1028 = tpu.memref_slice %arg7[%dma_wait3A_1025, %dma_wait3A_1026, %dma_wait3A_1027] : memref<2x32x125xi32, #tpu.memory_space<vmem>> -> memref<1x32x125xi32, #tpu.memory_space<vmem>>
    %dma_wait3A_1029 = tpu.memref_squeeze %dma_wait3A_1028 : memref<1x32x125xi32, #tpu.memory_space<vmem>> -> memref<32x125xi32, #tpu.memory_space<vmem>>
    %dma_wait3A_1030 = arith.constant 0 : i32
    %dma_wait3A_1031 = arith.constant 0 : i32
    %dma_wait3A_1032 = tpu.memref_slice %arg3[%dma_wait3A_1023, %arg1, %dma_wait3A_1024, %dma_wait3A_1030, %dma_wait3A_1031] : memref<2x16x5x32x125xi32, #tpu.memory_space<hbm>> -> memref<1x1x1x32x125xi32, #tpu.memory_space<hbm>>
    %dma_wait3A_1033 = tpu.memref_squeeze %dma_wait3A_1032 : memref<1x1x1x32x125xi32, #tpu.memory_space<hbm>> -> memref<32x125xi32, #tpu.memory_space<hbm>>
    %dma_wait3A_1034 = arith.constant 0 : i32
    %dma_wait3A_1035 = arith.constant 0 : i32
    %dma_wait3A_1036 = tpu.memref_slice %arg7[%dma_wait3A_1025, %dma_wait3A_1034, %dma_wait3A_1035] : memref<2x32x125xi32, #tpu.memory_space<vmem>> -> memref<1x32x125xi32, #tpu.memory_space<vmem>>
    %dma_wait3A_1037 = tpu.memref_squeeze %dma_wait3A_1036 : memref<1x32x125xi32, #tpu.memory_space<vmem>> -> memref<32x125xi32, #tpu.memory_space<vmem>>
    %dma_wait3A_1038 = arith.constant 0 : i32
    %dma_wait3A_1039 = arith.constant 0 : i32
    %dma_wait3A_1040 = tpu.memref_slice %arg3[%dma_wait3A_1023, %arg1, %dma_wait3A_1024, %dma_wait3A_1038, %dma_wait3A_1039] : memref<2x16x5x32x125xi32, #tpu.memory_space<hbm>> -> memref<1x1x1x32x125xi32, #tpu.memory_space<hbm>>
    %dma_wait3A_1041 = tpu.memref_squeeze %dma_wait3A_1040 : memref<1x1x1x32x125xi32, #tpu.memory_space<hbm>> -> memref<32x125xi32, #tpu.memory_space<hbm>>
    tpu.wait_dma2 semaphore(%arg18 : memref<!tpu.dma_semaphore, #tpu.memory_space<semaphore_mem>>) src(%dma_wait3A_1041 : memref<32x125xi32, #tpu.memory_space<hbm>>) dst(%dma_wait3A_1037 : memref<32x125xi32, #tpu.memory_space<vmem>>)
    %dma_wait3A_1042 = arith.constant 1 : i32
    %dma_wait3A_1043 = arith.constant 0 : i32
    %dma_wait3A_1044 = arith.constant 0 : i32
    %dma_wait3A_1045 = arith.constant 0 : i32
    %dma_wait3A_1046 = arith.constant 0 : i32
    %dma_wait3A_1047 = tpu.memref_slice %arg8[%dma_wait3A_1044, %dma_wait3A_1045, %dma_wait3A_1046] : memref<2x32x125xi32, #tpu.memory_space<vmem>> -> memref<1x32x125xi32, #tpu.memory_space<vmem>>
    %dma_wait3A_1048 = tpu.memref_squeeze %dma_wait3A_1047 : memref<1x32x125xi32, #tpu.memory_space<vmem>> -> memref<32x125xi32, #tpu.memory_space<vmem>>
    %dma_wait3A_1049 = arith.constant 0 : i32
    %dma_wait3A_1050 = arith.constant 0 : i32
    %dma_wait3A_1051 = tpu.memref_slice %arg3[%dma_wait3A_1042, %arg1, %dma_wait3A_1043, %dma_wait3A_1049, %dma_wait3A_1050] : memref<2x16x5x32x125xi32, #tpu.memory_space<hbm>> -> memref<1x1x1x32x125xi32, #tpu.memory_space<hbm>>
    %dma_wait3A_1052 = tpu.memref_squeeze %dma_wait3A_1051 : memref<1x1x1x32x125xi32, #tpu.memory_space<hbm>> -> memref<32x125xi32, #tpu.memory_space<hbm>>
    %dma_wait3A_1053 = arith.constant 0 : i32
    %dma_wait3A_1054 = arith.constant 0 : i32
    %dma_wait3A_1055 = tpu.memref_slice %arg8[%dma_wait3A_1044, %dma_wait3A_1053, %dma_wait3A_1054] : memref<2x32x125xi32, #tpu.memory_space<vmem>> -> memref<1x32x125xi32, #tpu.memory_space<vmem>>
    %dma_wait3A_1056 = tpu.memref_squeeze %dma_wait3A_1055 : memref<1x32x125xi32, #tpu.memory_space<vmem>> -> memref<32x125xi32, #tpu.memory_space<vmem>>
    %dma_wait3A_1057 = arith.constant 0 : i32
    %dma_wait3A_1058 = arith.constant 0 : i32
    %dma_wait3A_1059 = tpu.memref_slice %arg3[%dma_wait3A_1042, %arg1, %dma_wait3A_1043, %dma_wait3A_1057, %dma_wait3A_1058] : memref<2x16x5x32x125xi32, #tpu.memory_space<hbm>> -> memref<1x1x1x32x125xi32, #tpu.memory_space<hbm>>
    %dma_wait3A_1060 = tpu.memref_squeeze %dma_wait3A_1059 : memref<1x1x1x32x125xi32, #tpu.memory_space<hbm>> -> memref<32x125xi32, #tpu.memory_space<hbm>>
    tpu.wait_dma2 semaphore(%arg18 : memref<!tpu.dma_semaphore, #tpu.memory_space<semaphore_mem>>) src(%dma_wait3A_1060 : memref<32x125xi32, #tpu.memory_space<hbm>>) dst(%dma_wait3A_1056 : memref<32x125xi32, #tpu.memory_space<vmem>>)
    %dma_wait3A_1061 = arith.constant 0 : i32
    %dma_wait3A_1062 = arith.constant 0 : i32
    %dma_wait3A_1063 = arith.constant 2 : i32
    %dma_wait3A_1064 = arith.constant 0 : i32
    %dma_wait3A_1065 = arith.constant 0 : i32
    %dma_wait3A_1066 = tpu.memref_slice %arg9[%dma_wait3A_1063, %dma_wait3A_1064, %dma_wait3A_1065] : memref<4x125x64xf32, #tpu.memory_space<vmem>> -> memref<1x125x64xf32, #tpu.memory_space<vmem>>
    %dma_wait3A_1067 = tpu.memref_squeeze %dma_wait3A_1066 : memref<1x125x64xf32, #tpu.memory_space<vmem>> -> memref<125x64xf32, #tpu.memory_space<vmem>>
    %dma_wait3A_1068 = arith.constant 0 : i32
    %dma_wait3A_1069 = tpu.memref_slice %arg7[%dma_wait3A_1061, %dma_wait3A_1062, %dma_wait3A_1068] : memref<2x32x125xi32, #tpu.memory_space<vmem>> -> memref<1x1x125xi32, #tpu.memory_space<vmem>>
    %dma_wait3A_1070 = tpu.memref_squeeze %dma_wait3A_1069 : memref<1x1x125xi32, #tpu.memory_space<vmem>> -> memref<125xi32, #tpu.memory_space<vmem>>
    %dma_wait3A_1071 = arith.constant 0 : i32
    %dma_wait3A_1072 = arith.constant 0 : i32
    %dma_wait3A_1073 = tpu.memref_slice %arg5[%dma_wait3A_1071, %dma_wait3A_1072] : memref<10000x64xf32, #tpu.memory_space<vmem_shared>> -> memref<10000x64xf32, #tpu.memory_space<vmem_shared>>
    tpu.wait_indirect_dma semaphore(%arg12 : memref<!tpu.dma_semaphore, #tpu.memory_space<semaphore_mem>>) src(%dma_wait3A_1073 : memref<10000x64xf32, #tpu.memory_space<vmem_shared>>) dst(%dma_wait3A_1067 : memref<125x64xf32, #tpu.memory_space<vmem>>)
    %dma_start3A_1074 = arith.constant 2 : i32
    %dma_start3A_1075 = arith.constant 1 : i32
    %dma_start3A_1076 = arith.constant 30 : i32
    %dma_start3A_1077 = arith.constant 0 : i32
    %dma_start3A_1078 = arith.constant 0 : i32
    %dma_start3A_1079 = tpu.memref_slice %arg9[%dma_start3A_1074, %dma_start3A_1077, %dma_start3A_1078] : memref<4x125x64xf32, #tpu.memory_space<vmem>> -> memref<1x125x64xf32, #tpu.memory_space<vmem>>
    %dma_start3A_1080 = tpu.memref_squeeze %dma_start3A_1079 : memref<1x125x64xf32, #tpu.memory_space<vmem>> -> memref<125x64xf32, #tpu.memory_space<vmem>>
    %dma_start3A_1081 = arith.constant 0 : i32
    %dma_start3A_1082 = tpu.memref_slice %arg8[%dma_start3A_1075, %dma_start3A_1076, %dma_start3A_1081] : memref<2x32x125xi32, #tpu.memory_space<vmem>> -> memref<1x1x125xi32, #tpu.memory_space<vmem>>
    %dma_start3A_1083 = tpu.memref_squeeze %dma_start3A_1082 : memref<1x1x125xi32, #tpu.memory_space<vmem>> -> memref<125xi32, #tpu.memory_space<vmem>>
    %dma_start3A_1084 = arith.constant 0 : i32
    %dma_start3A_1085 = arith.constant 0 : i32
    %dma_start3A_1086 = tpu.memref_slice %arg6[%dma_start3A_1084, %dma_start3A_1085] : memref<10000x64xf32, #tpu.memory_space<vmem_shared>> -> memref<10000x64xf32, #tpu.memory_space<vmem_shared>>
    tpu.enqueue_indirect_dma source(%dma_start3A_1080 : memref<125x64xf32, #tpu.memory_space<vmem>>) target(%dma_start3A_1086 : memref<10000x64xf32, #tpu.memory_space<vmem_shared>>) offsets(%dma_start3A_1083 : memref<125xi32, #tpu.memory_space<vmem>>) semaphore(%arg16 : memref<!tpu.dma_semaphore, #tpu.memory_space<semaphore_mem>>) {add = true}
    %dma_wait3A_1087 = arith.constant 0 : i32
    %dma_wait3A_1088 = arith.constant 0 : i32
    %dma_wait3A_1089 = arith.constant 0 : i32
    %dma_wait3A_1090 = arith.constant 0 : i32
    %dma_wait3A_1091 = arith.constant 0 : i32
    %dma_wait3A_1092 = tpu.memref_slice %arg9[%dma_wait3A_1087, %dma_wait3A_1090, %dma_wait3A_1091] : memref<4x125x64xf32, #tpu.memory_space<vmem>> -> memref<1x125x64xf32, #tpu.memory_space<vmem>>
    %dma_wait3A_1093 = tpu.memref_squeeze %dma_wait3A_1092 : memref<1x125x64xf32, #tpu.memory_space<vmem>> -> memref<125x64xf32, #tpu.memory_space<vmem>>
    %dma_wait3A_1094 = arith.constant 0 : i32
    %dma_wait3A_1095 = tpu.memref_slice %arg8[%dma_wait3A_1088, %dma_wait3A_1089, %dma_wait3A_1094] : memref<2x32x125xi32, #tpu.memory_space<vmem>> -> memref<1x1x125xi32, #tpu.memory_space<vmem>>
    %dma_wait3A_1096 = tpu.memref_squeeze %dma_wait3A_1095 : memref<1x1x125xi32, #tpu.memory_space<vmem>> -> memref<125xi32, #tpu.memory_space<vmem>>
    %dma_wait3A_1097 = arith.constant 0 : i32
    %dma_wait3A_1098 = arith.constant 0 : i32
    %dma_wait3A_1099 = tpu.memref_slice %arg6[%dma_wait3A_1097, %dma_wait3A_1098] : memref<10000x64xf32, #tpu.memory_space<vmem_shared>> -> memref<10000x64xf32, #tpu.memory_space<vmem_shared>>
    tpu.wait_indirect_dma semaphore(%arg14 : memref<!tpu.dma_semaphore, #tpu.memory_space<semaphore_mem>>) src(%dma_wait3A_1093 : memref<125x64xf32, #tpu.memory_space<vmem>>) dst(%dma_wait3A_1099 : memref<10000x64xf32, #tpu.memory_space<vmem_shared>>)
    %dma_start3A_1100 = arith.constant 0 : i32
    %dma_start3A_1101 = arith.constant 0 : i32
    %dma_start3A_1102 = arith.constant 0 : i32
    %dma_start3A_1103 = arith.constant 0 : i32
    %dma_start3A_1104 = arith.constant 0 : i32
    %dma_start3A_1105 = tpu.memref_slice %arg9[%dma_start3A_1102, %dma_start3A_1103, %dma_start3A_1104] : memref<4x125x64xf32, #tpu.memory_space<vmem>> -> memref<1x125x64xf32, #tpu.memory_space<vmem>>
    %dma_start3A_1106 = tpu.memref_squeeze %dma_start3A_1105 : memref<1x125x64xf32, #tpu.memory_space<vmem>> -> memref<125x64xf32, #tpu.memory_space<vmem>>
    %dma_start3A_1107 = arith.constant 0 : i32
    %dma_start3A_1108 = tpu.memref_slice %arg7[%dma_start3A_1100, %dma_start3A_1101, %dma_start3A_1107] : memref<2x32x125xi32, #tpu.memory_space<vmem>> -> memref<1x1x125xi32, #tpu.memory_space<vmem>>
    %dma_start3A_1109 = tpu.memref_squeeze %dma_start3A_1108 : memref<1x1x125xi32, #tpu.memory_space<vmem>> -> memref<125xi32, #tpu.memory_space<vmem>>
    %dma_start3A_1110 = arith.constant 0 : i32
    %dma_start3A_1111 = arith.constant 0 : i32
    %dma_start3A_1112 = tpu.memref_slice %arg5[%dma_start3A_1110, %dma_start3A_1111] : memref<10000x64xf32, #tpu.memory_space<vmem_shared>> -> memref<10000x64xf32, #tpu.memory_space<vmem_shared>>
    tpu.enqueue_indirect_dma source(%dma_start3A_1112 : memref<10000x64xf32, #tpu.memory_space<vmem_shared>>) target(%dma_start3A_1106 : memref<125x64xf32, #tpu.memory_space<vmem>>) offsets(%dma_start3A_1109 : memref<125xi32, #tpu.memory_space<vmem>>) semaphore(%arg10 : memref<!tpu.dma_semaphore, #tpu.memory_space<semaphore_mem>>)
    %dma_wait3A_1113 = arith.constant 0 : i32
    %dma_wait3A_1114 = arith.constant 0 : i32
    %dma_wait3A_1115 = arith.constant 3 : i32
    %dma_wait3A_1116 = arith.constant 0 : i32
    %dma_wait3A_1117 = arith.constant 0 : i32
    %dma_wait3A_1118 = tpu.memref_slice %arg9[%dma_wait3A_1115, %dma_wait3A_1116, %dma_wait3A_1117] : memref<4x125x64xf32, #tpu.memory_space<vmem>> -> memref<1x125x64xf32, #tpu.memory_space<vmem>>
    %dma_wait3A_1119 = tpu.memref_squeeze %dma_wait3A_1118 : memref<1x125x64xf32, #tpu.memory_space<vmem>> -> memref<125x64xf32, #tpu.memory_space<vmem>>
    %dma_wait3A_1120 = arith.constant 0 : i32
    %dma_wait3A_1121 = tpu.memref_slice %arg7[%dma_wait3A_1113, %dma_wait3A_1114, %dma_wait3A_1120] : memref<2x32x125xi32, #tpu.memory_space<vmem>> -> memref<1x1x125xi32, #tpu.memory_space<vmem>>
    %dma_wait3A_1122 = tpu.memref_squeeze %dma_wait3A_1121 : memref<1x1x125xi32, #tpu.memory_space<vmem>> -> memref<125xi32, #tpu.memory_space<vmem>>
    %dma_wait3A_1123 = arith.constant 0 : i32
    %dma_wait3A_1124 = arith.constant 0 : i32
    %dma_wait3A_1125 = tpu.memref_slice %arg5[%dma_wait3A_1123, %dma_wait3A_1124] : memref<10000x64xf32, #tpu.memory_space<vmem_shared>> -> memref<10000x64xf32, #tpu.memory_space<vmem_shared>>
    tpu.wait_indirect_dma semaphore(%arg13 : memref<!tpu.dma_semaphore, #tpu.memory_space<semaphore_mem>>) src(%dma_wait3A_1125 : memref<10000x64xf32, #tpu.memory_space<vmem_shared>>) dst(%dma_wait3A_1119 : memref<125x64xf32, #tpu.memory_space<vmem>>)
    %dma_start3A_1126 = arith.constant 3 : i32
    %dma_start3A_1127 = arith.constant 1 : i32
    %dma_start3A_1128 = arith.constant 31 : i32
    %dma_start3A_1129 = arith.constant 0 : i32
    %dma_start3A_1130 = arith.constant 0 : i32
    %dma_start3A_1131 = tpu.memref_slice %arg9[%dma_start3A_1126, %dma_start3A_1129, %dma_start3A_1130] : memref<4x125x64xf32, #tpu.memory_space<vmem>> -> memref<1x125x64xf32, #tpu.memory_space<vmem>>
    %dma_start3A_1132 = tpu.memref_squeeze %dma_start3A_1131 : memref<1x125x64xf32, #tpu.memory_space<vmem>> -> memref<125x64xf32, #tpu.memory_space<vmem>>
    %dma_start3A_1133 = arith.constant 0 : i32
    %dma_start3A_1134 = tpu.memref_slice %arg8[%dma_start3A_1127, %dma_start3A_1128, %dma_start3A_1133] : memref<2x32x125xi32, #tpu.memory_space<vmem>> -> memref<1x1x125xi32, #tpu.memory_space<vmem>>
    %dma_start3A_1135 = tpu.memref_squeeze %dma_start3A_1134 : memref<1x1x125xi32, #tpu.memory_space<vmem>> -> memref<125xi32, #tpu.memory_space<vmem>>
    %dma_start3A_1136 = arith.constant 0 : i32
    %dma_start3A_1137 = arith.constant 0 : i32
    %dma_start3A_1138 = tpu.memref_slice %arg6[%dma_start3A_1136, %dma_start3A_1137] : memref<10000x64xf32, #tpu.memory_space<vmem_shared>> -> memref<10000x64xf32, #tpu.memory_space<vmem_shared>>
    tpu.enqueue_indirect_dma source(%dma_start3A_1132 : memref<125x64xf32, #tpu.memory_space<vmem>>) target(%dma_start3A_1138 : memref<10000x64xf32, #tpu.memory_space<vmem_shared>>) offsets(%dma_start3A_1135 : memref<125xi32, #tpu.memory_space<vmem>>) semaphore(%arg17 : memref<!tpu.dma_semaphore, #tpu.memory_space<semaphore_mem>>) {add = true}
    %dma_wait3A_1139 = arith.constant 0 : i32
    %dma_wait3A_1140 = arith.constant 0 : i32
    %dma_wait3A_1141 = arith.constant 0 : i32
    %dma_wait3A_1142 = arith.constant 0 : i32
    %dma_wait3A_1143 = arith.constant 0 : i32
    %dma_wait3A_1144 = tpu.memref_slice %arg9[%dma_wait3A_1139, %dma_wait3A_1142, %dma_wait3A_1143] : memref<4x125x64xf32, #tpu.memory_space<vmem>> -> memref<1x125x64xf32, #tpu.memory_space<vmem>>
    %dma_wait3A_1145 = tpu.memref_squeeze %dma_wait3A_1144 : memref<1x125x64xf32, #tpu.memory_space<vmem>> -> memref<125x64xf32, #tpu.memory_space<vmem>>
    %dma_wait3A_1146 = arith.constant 0 : i32
    %dma_wait3A_1147 = tpu.memref_slice %arg8[%dma_wait3A_1140, %dma_wait3A_1141, %dma_wait3A_1146] : memref<2x32x125xi32, #tpu.memory_space<vmem>> -> memref<1x1x125xi32, #tpu.memory_space<vmem>>
    %dma_wait3A_1148 = tpu.memref_squeeze %dma_wait3A_1147 : memref<1x1x125xi32, #tpu.memory_space<vmem>> -> memref<125xi32, #tpu.memory_space<vmem>>
    %dma_wait3A_1149 = arith.constant 0 : i32
    %dma_wait3A_1150 = arith.constant 0 : i32
    %dma_wait3A_1151 = tpu.memref_slice %arg6[%dma_wait3A_1149, %dma_wait3A_1150] : memref<10000x64xf32, #tpu.memory_space<vmem_shared>> -> memref<10000x64xf32, #tpu.memory_space<vmem_shared>>
    tpu.wait_indirect_dma semaphore(%arg15 : memref<!tpu.dma_semaphore, #tpu.memory_space<semaphore_mem>>) src(%dma_wait3A_1145 : memref<125x64xf32, #tpu.memory_space<vmem>>) dst(%dma_wait3A_1151 : memref<10000x64xf32, #tpu.memory_space<vmem_shared>>)
    %dma_start3A_1152 = arith.constant 0 : i32
    %dma_start3A_1153 = arith.constant 1 : i32
    %dma_start3A_1154 = arith.constant 1 : i32
    %dma_start3A_1155 = arith.constant 0 : i32
    %dma_start3A_1156 = arith.constant 0 : i32
    %dma_start3A_1157 = tpu.memref_slice %arg9[%dma_start3A_1154, %dma_start3A_1155, %dma_start3A_1156] : memref<4x125x64xf32, #tpu.memory_space<vmem>> -> memref<1x125x64xf32, #tpu.memory_space<vmem>>
    %dma_start3A_1158 = tpu.memref_squeeze %dma_start3A_1157 : memref<1x125x64xf32, #tpu.memory_space<vmem>> -> memref<125x64xf32, #tpu.memory_space<vmem>>
    %dma_start3A_1159 = arith.constant 0 : i32
    %dma_start3A_1160 = tpu.memref_slice %arg7[%dma_start3A_1152, %dma_start3A_1153, %dma_start3A_1159] : memref<2x32x125xi32, #tpu.memory_space<vmem>> -> memref<1x1x125xi32, #tpu.memory_space<vmem>>
    %dma_start3A_1161 = tpu.memref_squeeze %dma_start3A_1160 : memref<1x1x125xi32, #tpu.memory_space<vmem>> -> memref<125xi32, #tpu.memory_space<vmem>>
    %dma_start3A_1162 = arith.constant 0 : i32
    %dma_start3A_1163 = arith.constant 0 : i32
    %dma_start3A_1164 = tpu.memref_slice %arg5[%dma_start3A_1162, %dma_start3A_1163] : memref<10000x64xf32, #tpu.memory_space<vmem_shared>> -> memref<10000x64xf32, #tpu.memory_space<vmem_shared>>
    tpu.enqueue_indirect_dma source(%dma_start3A_1164 : memref<10000x64xf32, #tpu.memory_space<vmem_shared>>) target(%dma_start3A_1158 : memref<125x64xf32, #tpu.memory_space<vmem>>) offsets(%dma_start3A_1161 : memref<125xi32, #tpu.memory_space<vmem>>) semaphore(%arg11 : memref<!tpu.dma_semaphore, #tpu.memory_space<semaphore_mem>>)
    %dma_wait3A_1165 = arith.constant 0 : i32
    %dma_wait3A_1166 = arith.constant 0 : i32
    %dma_wait3A_1167 = arith.constant 0 : i32
    %dma_wait3A_1168 = arith.constant 0 : i32
    %dma_wait3A_1169 = arith.constant 0 : i32
    %dma_wait3A_1170 = tpu.memref_slice %arg9[%dma_wait3A_1167, %dma_wait3A_1168, %dma_wait3A_1169] : memref<4x125x64xf32, #tpu.memory_space<vmem>> -> memref<1x125x64xf32, #tpu.memory_space<vmem>>
    %dma_wait3A_1171 = tpu.memref_squeeze %dma_wait3A_1170 : memref<1x125x64xf32, #tpu.memory_space<vmem>> -> memref<125x64xf32, #tpu.memory_space<vmem>>
    %dma_wait3A_1172 = arith.constant 0 : i32
    %dma_wait3A_1173 = tpu.memref_slice %arg7[%dma_wait3A_1165, %dma_wait3A_1166, %dma_wait3A_1172] : memref<2x32x125xi32, #tpu.memory_space<vmem>> -> memref<1x1x125xi32, #tpu.memory_space<vmem>>
    %dma_wait3A_1174 = tpu.memref_squeeze %dma_wait3A_1173 : memref<1x1x125xi32, #tpu.memory_space<vmem>> -> memref<125xi32, #tpu.memory_space<vmem>>
    %dma_wait3A_1175 = arith.constant 0 : i32
    %dma_wait3A_1176 = arith.constant 0 : i32
    %dma_wait3A_1177 = tpu.memref_slice %arg5[%dma_wait3A_1175, %dma_wait3A_1176] : memref<10000x64xf32, #tpu.memory_space<vmem_shared>> -> memref<10000x64xf32, #tpu.memory_space<vmem_shared>>
    tpu.wait_indirect_dma semaphore(%arg10 : memref<!tpu.dma_semaphore, #tpu.memory_space<semaphore_mem>>) src(%dma_wait3A_1177 : memref<10000x64xf32, #tpu.memory_space<vmem_shared>>) dst(%dma_wait3A_1171 : memref<125x64xf32, #tpu.memory_space<vmem>>)
    %dma_start3A_1178 = arith.constant 0 : i32
    %dma_start3A_1179 = arith.constant 0 : i32
    %dma_start3A_1180 = arith.constant 0 : i32
    %dma_start3A_1181 = arith.constant 0 : i32
    %dma_start3A_1182 = arith.constant 0 : i32
    %dma_start3A_1183 = tpu.memref_slice %arg9[%dma_start3A_1178, %dma_start3A_1181, %dma_start3A_1182] : memref<4x125x64xf32, #tpu.memory_space<vmem>> -> memref<1x125x64xf32, #tpu.memory_space<vmem>>
    %dma_start3A_1184 = tpu.memref_squeeze %dma_start3A_1183 : memref<1x125x64xf32, #tpu.memory_space<vmem>> -> memref<125x64xf32, #tpu.memory_space<vmem>>
    %dma_start3A_1185 = arith.constant 0 : i32
    %dma_start3A_1186 = tpu.memref_slice %arg8[%dma_start3A_1179, %dma_start3A_1180, %dma_start3A_1185] : memref<2x32x125xi32, #tpu.memory_space<vmem>> -> memref<1x1x125xi32, #tpu.memory_space<vmem>>
    %dma_start3A_1187 = tpu.memref_squeeze %dma_start3A_1186 : memref<1x1x125xi32, #tpu.memory_space<vmem>> -> memref<125xi32, #tpu.memory_space<vmem>>
    %dma_start3A_1188 = arith.constant 0 : i32
    %dma_start3A_1189 = arith.constant 0 : i32
    %dma_start3A_1190 = tpu.memref_slice %arg6[%dma_start3A_1188, %dma_start3A_1189] : memref<10000x64xf32, #tpu.memory_space<vmem_shared>> -> memref<10000x64xf32, #tpu.memory_space<vmem_shared>>
    tpu.enqueue_indirect_dma source(%dma_start3A_1184 : memref<125x64xf32, #tpu.memory_space<vmem>>) target(%dma_start3A_1190 : memref<10000x64xf32, #tpu.memory_space<vmem_shared>>) offsets(%dma_start3A_1187 : memref<125xi32, #tpu.memory_space<vmem>>) semaphore(%arg14 : memref<!tpu.dma_semaphore, #tpu.memory_space<semaphore_mem>>) {add = true}
    %dma_wait3A_1191 = arith.constant 0 : i32
    %dma_wait3A_1192 = arith.constant 0 : i32
    %dma_wait3A_1193 = arith.constant 0 : i32
    %dma_wait3A_1194 = arith.constant 0 : i32
    %dma_wait3A_1195 = arith.constant 0 : i32
    %dma_wait3A_1196 = tpu.memref_slice %arg9[%dma_wait3A_1191, %dma_wait3A_1194, %dma_wait3A_1195] : memref<4x125x64xf32, #tpu.memory_space<vmem>> -> memref<1x125x64xf32, #tpu.memory_space<vmem>>
    %dma_wait3A_1197 = tpu.memref_squeeze %dma_wait3A_1196 : memref<1x125x64xf32, #tpu.memory_space<vmem>> -> memref<125x64xf32, #tpu.memory_space<vmem>>
    %dma_wait3A_1198 = arith.constant 0 : i32
    %dma_wait3A_1199 = tpu.memref_slice %arg8[%dma_wait3A_1192, %dma_wait3A_1193, %dma_wait3A_1198] : memref<2x32x125xi32, #tpu.memory_space<vmem>> -> memref<1x1x125xi32, #tpu.memory_space<vmem>>
    %dma_wait3A_1200 = tpu.memref_squeeze %dma_wait3A_1199 : memref<1x1x125xi32, #tpu.memory_space<vmem>> -> memref<125xi32, #tpu.memory_space<vmem>>
    %dma_wait3A_1201 = arith.constant 0 : i32
    %dma_wait3A_1202 = arith.constant 0 : i32
    %dma_wait3A_1203 = tpu.memref_slice %arg6[%dma_wait3A_1201, %dma_wait3A_1202] : memref<10000x64xf32, #tpu.memory_space<vmem_shared>> -> memref<10000x64xf32, #tpu.memory_space<vmem_shared>>
    tpu.wait_indirect_dma semaphore(%arg16 : memref<!tpu.dma_semaphore, #tpu.memory_space<semaphore_mem>>) src(%dma_wait3A_1197 : memref<125x64xf32, #tpu.memory_space<vmem>>) dst(%dma_wait3A_1203 : memref<10000x64xf32, #tpu.memory_space<vmem_shared>>)
    %dma_start3A_1204 = arith.constant 0 : i32
    %dma_start3A_1205 = arith.constant 2 : i32
    %dma_start3A_1206 = arith.constant 2 : i32
    %dma_start3A_1207 = arith.constant 0 : i32
    %dma_start3A_1208 = arith.constant 0 : i32
    %dma_start3A_1209 = tpu.memref_slice %arg9[%dma_start3A_1206, %dma_start3A_1207, %dma_start3A_1208] : memref<4x125x64xf32, #tpu.memory_space<vmem>> -> memref<1x125x64xf32, #tpu.memory_space<vmem>>
    %dma_start3A_1210 = tpu.memref_squeeze %dma_start3A_1209 : memref<1x125x64xf32, #tpu.memory_space<vmem>> -> memref<125x64xf32, #tpu.memory_space<vmem>>
    %dma_start3A_1211 = arith.constant 0 : i32
    %dma_start3A_1212 = tpu.memref_slice %arg7[%dma_start3A_1204, %dma_start3A_1205, %dma_start3A_1211] : memref<2x32x125xi32, #tpu.memory_space<vmem>> -> memref<1x1x125xi32, #tpu.memory_space<vmem>>
    %dma_start3A_1213 = tpu.memref_squeeze %dma_start3A_1212 : memref<1x1x125xi32, #tpu.memory_space<vmem>> -> memref<125xi32, #tpu.memory_space<vmem>>
    %dma_start3A_1214 = arith.constant 0 : i32
    %dma_start3A_1215 = arith.constant 0 : i32
    %dma_start3A_1216 = tpu.memref_slice %arg5[%dma_start3A_1214, %dma_start3A_1215] : memref<10000x64xf32, #tpu.memory_space<vmem_shared>> -> memref<10000x64xf32, #tpu.memory_space<vmem_shared>>
    tpu.enqueue_indirect_dma source(%dma_start3A_1216 : memref<10000x64xf32, #tpu.memory_space<vmem_shared>>) target(%dma_start3A_1210 : memref<125x64xf32, #tpu.memory_space<vmem>>) offsets(%dma_start3A_1213 : memref<125xi32, #tpu.memory_space<vmem>>) semaphore(%arg12 : memref<!tpu.dma_semaphore, #tpu.memory_space<semaphore_mem>>)
    %dma_wait3A_1217 = arith.constant 0 : i32
    %dma_wait3A_1218 = arith.constant 0 : i32
    %dma_wait3A_1219 = arith.constant 1 : i32
    %dma_wait3A_1220 = arith.constant 0 : i32
    %dma_wait3A_1221 = arith.constant 0 : i32
    %dma_wait3A_1222 = tpu.memref_slice %arg9[%dma_wait3A_1219, %dma_wait3A_1220, %dma_wait3A_1221] : memref<4x125x64xf32, #tpu.memory_space<vmem>> -> memref<1x125x64xf32, #tpu.memory_space<vmem>>
    %dma_wait3A_1223 = tpu.memref_squeeze %dma_wait3A_1222 : memref<1x125x64xf32, #tpu.memory_space<vmem>> -> memref<125x64xf32, #tpu.memory_space<vmem>>
    %dma_wait3A_1224 = arith.constant 0 : i32
    %dma_wait3A_1225 = tpu.memref_slice %arg7[%dma_wait3A_1217, %dma_wait3A_1218, %dma_wait3A_1224] : memref<2x32x125xi32, #tpu.memory_space<vmem>> -> memref<1x1x125xi32, #tpu.memory_space<vmem>>
    %dma_wait3A_1226 = tpu.memref_squeeze %dma_wait3A_1225 : memref<1x1x125xi32, #tpu.memory_space<vmem>> -> memref<125xi32, #tpu.memory_space<vmem>>
    %dma_wait3A_1227 = arith.constant 0 : i32
    %dma_wait3A_1228 = arith.constant 0 : i32
    %dma_wait3A_1229 = tpu.memref_slice %arg5[%dma_wait3A_1227, %dma_wait3A_1228] : memref<10000x64xf32, #tpu.memory_space<vmem_shared>> -> memref<10000x64xf32, #tpu.memory_space<vmem_shared>>
    tpu.wait_indirect_dma semaphore(%arg11 : memref<!tpu.dma_semaphore, #tpu.memory_space<semaphore_mem>>) src(%dma_wait3A_1229 : memref<10000x64xf32, #tpu.memory_space<vmem_shared>>) dst(%dma_wait3A_1223 : memref<125x64xf32, #tpu.memory_space<vmem>>)
    %dma_start3A_1230 = arith.constant 1 : i32
    %dma_start3A_1231 = arith.constant 0 : i32
    %dma_start3A_1232 = arith.constant 1 : i32
    %dma_start3A_1233 = arith.constant 0 : i32
    %dma_start3A_1234 = arith.constant 0 : i32
    %dma_start3A_1235 = tpu.memref_slice %arg9[%dma_start3A_1230, %dma_start3A_1233, %dma_start3A_1234] : memref<4x125x64xf32, #tpu.memory_space<vmem>> -> memref<1x125x64xf32, #tpu.memory_space<vmem>>
    %dma_start3A_1236 = tpu.memref_squeeze %dma_start3A_1235 : memref<1x125x64xf32, #tpu.memory_space<vmem>> -> memref<125x64xf32, #tpu.memory_space<vmem>>
    %dma_start3A_1237 = arith.constant 0 : i32
    %dma_start3A_1238 = tpu.memref_slice %arg8[%dma_start3A_1231, %dma_start3A_1232, %dma_start3A_1237] : memref<2x32x125xi32, #tpu.memory_space<vmem>> -> memref<1x1x125xi32, #tpu.memory_space<vmem>>
    %dma_start3A_1239 = tpu.memref_squeeze %dma_start3A_1238 : memref<1x1x125xi32, #tpu.memory_space<vmem>> -> memref<125xi32, #tpu.memory_space<vmem>>
    %dma_start3A_1240 = arith.constant 0 : i32
    %dma_start3A_1241 = arith.constant 0 : i32
    %dma_start3A_1242 = tpu.memref_slice %arg6[%dma_start3A_1240, %dma_start3A_1241] : memref<10000x64xf32, #tpu.memory_space<vmem_shared>> -> memref<10000x64xf32, #tpu.memory_space<vmem_shared>>
    tpu.enqueue_indirect_dma source(%dma_start3A_1236 : memref<125x64xf32, #tpu.memory_space<vmem>>) target(%dma_start3A_1242 : memref<10000x64xf32, #tpu.memory_space<vmem_shared>>) offsets(%dma_start3A_1239 : memref<125xi32, #tpu.memory_space<vmem>>) semaphore(%arg15 : memref<!tpu.dma_semaphore, #tpu.memory_space<semaphore_mem>>) {add = true}
    %dma_wait3A_1243 = arith.constant 0 : i32
    %dma_wait3A_1244 = arith.constant 0 : i32
    %dma_wait3A_1245 = arith.constant 0 : i32
    %dma_wait3A_1246 = arith.constant 0 : i32
    %dma_wait3A_1247 = arith.constant 0 : i32
    %dma_wait3A_1248 = tpu.memref_slice %arg9[%dma_wait3A_1243, %dma_wait3A_1246, %dma_wait3A_1247] : memref<4x125x64xf32, #tpu.memory_space<vmem>> -> memref<1x125x64xf32, #tpu.memory_space<vmem>>
    %dma_wait3A_1249 = tpu.memref_squeeze %dma_wait3A_1248 : memref<1x125x64xf32, #tpu.memory_space<vmem>> -> memref<125x64xf32, #tpu.memory_space<vmem>>
    %dma_wait3A_1250 = arith.constant 0 : i32
    %dma_wait3A_1251 = tpu.memref_slice %arg8[%dma_wait3A_1244, %dma_wait3A_1245, %dma_wait3A_1250] : memref<2x32x125xi32, #tpu.memory_space<vmem>> -> memref<1x1x125xi32, #tpu.memory_space<vmem>>
    %dma_wait3A_1252 = tpu.memref_squeeze %dma_wait3A_1251 : memref<1x1x125xi32, #tpu.memory_space<vmem>> -> memref<125xi32, #tpu.memory_space<vmem>>
    %dma_wait3A_1253 = arith.constant 0 : i32
    %dma_wait3A_1254 = arith.constant 0 : i32
    %dma_wait3A_1255 = tpu.memref_slice %arg6[%dma_wait3A_1253, %dma_wait3A_1254] : memref<10000x64xf32, #tpu.memory_space<vmem_shared>> -> memref<10000x64xf32, #tpu.memory_space<vmem_shared>>
    tpu.wait_indirect_dma semaphore(%arg17 : memref<!tpu.dma_semaphore, #tpu.memory_space<semaphore_mem>>) src(%dma_wait3A_1249 : memref<125x64xf32, #tpu.memory_space<vmem>>) dst(%dma_wait3A_1255 : memref<10000x64xf32, #tpu.memory_space<vmem_shared>>)
    %dma_start3A_1256 = arith.constant 0 : i32
    %dma_start3A_1257 = arith.constant 3 : i32
    %dma_start3A_1258 = arith.constant 3 : i32
    %dma_start3A_1259 = arith.constant 0 : i32
    %dma_start3A_1260 = arith.constant 0 : i32
    %dma_start3A_1261 = tpu.memref_slice %arg9[%dma_start3A_1258, %dma_start3A_1259, %dma_start3A_1260] : memref<4x125x64xf32, #tpu.memory_space<vmem>> -> memref<1x125x64xf32, #tpu.memory_space<vmem>>
    %dma_start3A_1262 = tpu.memref_squeeze %dma_start3A_1261 : memref<1x125x64xf32, #tpu.memory_space<vmem>> -> memref<125x64xf32, #tpu.memory_space<vmem>>
    %dma_start3A_1263 = arith.constant 0 : i32
    %dma_start3A_1264 = tpu.memref_slice %arg7[%dma_start3A_1256, %dma_start3A_1257, %dma_start3A_1263] : memref<2x32x125xi32, #tpu.memory_space<vmem>> -> memref<1x1x125xi32, #tpu.memory_space<vmem>>
    %dma_start3A_1265 = tpu.memref_squeeze %dma_start3A_1264 : memref<1x1x125xi32, #tpu.memory_space<vmem>> -> memref<125xi32, #tpu.memory_space<vmem>>
    %dma_start3A_1266 = arith.constant 0 : i32
    %dma_start3A_1267 = arith.constant 0 : i32
    %dma_start3A_1268 = tpu.memref_slice %arg5[%dma_start3A_1266, %dma_start3A_1267] : memref<10000x64xf32, #tpu.memory_space<vmem_shared>> -> memref<10000x64xf32, #tpu.memory_space<vmem_shared>>
    tpu.enqueue_indirect_dma source(%dma_start3A_1268 : memref<10000x64xf32, #tpu.memory_space<vmem_shared>>) target(%dma_start3A_1262 : memref<125x64xf32, #tpu.memory_space<vmem>>) offsets(%dma_start3A_1265 : memref<125xi32, #tpu.memory_space<vmem>>) semaphore(%arg13 : memref<!tpu.dma_semaphore, #tpu.memory_space<semaphore_mem>>)
    %scan3A_1269 = arith.constant 0 : i32
    %scan3A_1270 = arith.constant 0 : i32
    %scan3A_1271 = arith.constant 7 : i32
    %scan3A_1272 = arith.addi %scan3A_1270, %scan3A_1271 : i32
    %scan3A_1273 = arith.constant 1 : i32
    scf.for %scan3A_1380 = %scan3A_1270 to %scan3A_1272 step %scan3A_1273  : i32 {
      %mul3A_1381 = arith.constant 4 : i32
      %mul3A_1382 = arith.muli %mul3A_1381, %scan3A_1380 : i32
      %add3A = arith.constant 2 : i32
      %add3A_1383 = arith.addi %add3A, %mul3A_1382 : i32
      %dma_wait3A_1384 = arith.constant 0 : i32
      %dma_wait3A_1385 = arith.constant 0 : i32
      %dma_wait3A_1386 = arith.constant 2 : i32
      %dma_wait3A_1387 = arith.constant 0 : i32
      %dma_wait3A_1388 = arith.constant 0 : i32
      %dma_wait3A_1389 = tpu.memref_slice %arg9[%dma_wait3A_1386, %dma_wait3A_1387, %dma_wait3A_1388] : memref<4x125x64xf32, #tpu.memory_space<vmem>> -> memref<1x125x64xf32, #tpu.memory_space<vmem>>
      %dma_wait3A_1390 = tpu.memref_squeeze %dma_wait3A_1389 : memref<1x125x64xf32, #tpu.memory_space<vmem>> -> memref<125x64xf32, #tpu.memory_space<vmem>>
      %dma_wait3A_1391 = arith.constant 0 : i32
      %dma_wait3A_1392 = tpu.memref_slice %arg7[%dma_wait3A_1384, %dma_wait3A_1385, %dma_wait3A_1391] : memref<2x32x125xi32, #tpu.memory_space<vmem>> -> memref<1x1x125xi32, #tpu.memory_space<vmem>>
      %dma_wait3A_1393 = tpu.memref_squeeze %dma_wait3A_1392 : memref<1x1x125xi32, #tpu.memory_space<vmem>> -> memref<125xi32, #tpu.memory_space<vmem>>
      %dma_wait3A_1394 = arith.constant 0 : i32
      %dma_wait3A_1395 = arith.constant 0 : i32
      %dma_wait3A_1396 = tpu.memref_slice %arg5[%dma_wait3A_1394, %dma_wait3A_1395] : memref<10000x64xf32, #tpu.memory_space<vmem_shared>> -> memref<10000x64xf32, #tpu.memory_space<vmem_shared>>
      tpu.wait_indirect_dma semaphore(%arg12 : memref<!tpu.dma_semaphore, #tpu.memory_space<semaphore_mem>>) src(%dma_wait3A_1396 : memref<10000x64xf32, #tpu.memory_space<vmem_shared>>) dst(%dma_wait3A_1390 : memref<125x64xf32, #tpu.memory_space<vmem>>)
      %add3A_1397 = arith.constant 0 : i32
      %add3A_1398 = arith.addi %add3A_1383, %add3A_1397 : i32
      %dma_start3A_1399 = arith.constant 2 : i32
      %dma_start3A_1400 = arith.constant 0 : i32
      %dma_start3A_1401 = arith.constant 0 : i32
      %dma_start3A_1402 = arith.constant 0 : i32
      %dma_start3A_1403 = tpu.memref_slice %arg9[%dma_start3A_1399, %dma_start3A_1401, %dma_start3A_1402] : memref<4x125x64xf32, #tpu.memory_space<vmem>> -> memref<1x125x64xf32, #tpu.memory_space<vmem>>
      %dma_start3A_1404 = tpu.memref_squeeze %dma_start3A_1403 : memref<1x125x64xf32, #tpu.memory_space<vmem>> -> memref<125x64xf32, #tpu.memory_space<vmem>>
      %dma_start3A_1405 = arith.constant 0 : i32
      %dma_start3A_1406 = tpu.memref_slice %arg8[%dma_start3A_1400, %add3A_1398, %dma_start3A_1405] : memref<2x32x125xi32, #tpu.memory_space<vmem>> -> memref<1x1x125xi32, #tpu.memory_space<vmem>>
      %dma_start3A_1407 = tpu.memref_squeeze %dma_start3A_1406 : memref<1x1x125xi32, #tpu.memory_space<vmem>> -> memref<125xi32, #tpu.memory_space<vmem>>
      %dma_start3A_1408 = arith.constant 0 : i32
      %dma_start3A_1409 = arith.constant 0 : i32
      %dma_start3A_1410 = tpu.memref_slice %arg6[%dma_start3A_1408, %dma_start3A_1409] : memref<10000x64xf32, #tpu.memory_space<vmem_shared>> -> memref<10000x64xf32, #tpu.memory_space<vmem_shared>>
      tpu.enqueue_indirect_dma source(%dma_start3A_1404 : memref<125x64xf32, #tpu.memory_space<vmem>>) target(%dma_start3A_1410 : memref<10000x64xf32, #tpu.memory_space<vmem_shared>>) offsets(%dma_start3A_1407 : memref<125xi32, #tpu.memory_space<vmem>>) semaphore(%arg16 : memref<!tpu.dma_semaphore, #tpu.memory_space<semaphore_mem>>) {add = true}
      %dma_wait3A_1411 = arith.constant 0 : i32
      %dma_wait3A_1412 = arith.constant 0 : i32
      %dma_wait3A_1413 = arith.constant 0 : i32
      %dma_wait3A_1414 = arith.constant 0 : i32
      %dma_wait3A_1415 = arith.constant 0 : i32
      %dma_wait3A_1416 = tpu.memref_slice %arg9[%dma_wait3A_1411, %dma_wait3A_1414, %dma_wait3A_1415] : memref<4x125x64xf32, #tpu.memory_space<vmem>> -> memref<1x125x64xf32, #tpu.memory_space<vmem>>
      %dma_wait3A_1417 = tpu.memref_squeeze %dma_wait3A_1416 : memref<1x125x64xf32, #tpu.memory_space<vmem>> -> memref<125x64xf32, #tpu.memory_space<vmem>>
      %dma_wait3A_1418 = arith.constant 0 : i32
      %dma_wait3A_1419 = tpu.memref_slice %arg8[%dma_wait3A_1412, %dma_wait3A_1413, %dma_wait3A_1418] : memref<2x32x125xi32, #tpu.memory_space<vmem>> -> memref<1x1x125xi32, #tpu.memory_space<vmem>>
      %dma_wait3A_1420 = tpu.memref_squeeze %dma_wait3A_1419 : memref<1x1x125xi32, #tpu.memory_space<vmem>> -> memref<125xi32, #tpu.memory_space<vmem>>
      %dma_wait3A_1421 = arith.constant 0 : i32
      %dma_wait3A_1422 = arith.constant 0 : i32
      %dma_wait3A_1423 = tpu.memref_slice %arg6[%dma_wait3A_1421, %dma_wait3A_1422] : memref<10000x64xf32, #tpu.memory_space<vmem_shared>> -> memref<10000x64xf32, #tpu.memory_space<vmem_shared>>
      tpu.wait_indirect_dma semaphore(%arg14 : memref<!tpu.dma_semaphore, #tpu.memory_space<semaphore_mem>>) src(%dma_wait3A_1417 : memref<125x64xf32, #tpu.memory_space<vmem>>) dst(%dma_wait3A_1423 : memref<10000x64xf32, #tpu.memory_space<vmem_shared>>)
      %add3A_1424 = arith.constant 0 : i32
      %add3A_1425 = arith.addi %add3A_1383, %add3A_1424 : i32
      %add3A_1426 = arith.constant 2 : i32
      %add3A_1427 = arith.addi %add3A_1425, %add3A_1426 : i32
      %dma_start3A_1428 = arith.constant 0 : i32
      %dma_start3A_1429 = arith.constant 0 : i32
      %dma_start3A_1430 = arith.constant 0 : i32
      %dma_start3A_1431 = arith.constant 0 : i32
      %dma_start3A_1432 = tpu.memref_slice %arg9[%dma_start3A_1429, %dma_start3A_1430, %dma_start3A_1431] : memref<4x125x64xf32, #tpu.memory_space<vmem>> -> memref<1x125x64xf32, #tpu.memory_space<vmem>>
      %dma_start3A_1433 = tpu.memref_squeeze %dma_start3A_1432 : memref<1x125x64xf32, #tpu.memory_space<vmem>> -> memref<125x64xf32, #tpu.memory_space<vmem>>
      %dma_start3A_1434 = arith.constant 0 : i32
      %dma_start3A_1435 = tpu.memref_slice %arg7[%dma_start3A_1428, %add3A_1427, %dma_start3A_1434] : memref<2x32x125xi32, #tpu.memory_space<vmem>> -> memref<1x1x125xi32, #tpu.memory_space<vmem>>
      %dma_start3A_1436 = tpu.memref_squeeze %dma_start3A_1435 : memref<1x1x125xi32, #tpu.memory_space<vmem>> -> memref<125xi32, #tpu.memory_space<vmem>>
      %dma_start3A_1437 = arith.constant 0 : i32
      %dma_start3A_1438 = arith.constant 0 : i32
      %dma_start3A_1439 = tpu.memref_slice %arg5[%dma_start3A_1437, %dma_start3A_1438] : memref<10000x64xf32, #tpu.memory_space<vmem_shared>> -> memref<10000x64xf32, #tpu.memory_space<vmem_shared>>
      tpu.enqueue_indirect_dma source(%dma_start3A_1439 : memref<10000x64xf32, #tpu.memory_space<vmem_shared>>) target(%dma_start3A_1433 : memref<125x64xf32, #tpu.memory_space<vmem>>) offsets(%dma_start3A_1436 : memref<125xi32, #tpu.memory_space<vmem>>) semaphore(%arg10 : memref<!tpu.dma_semaphore, #tpu.memory_space<semaphore_mem>>)
      %dma_wait3A_1440 = arith.constant 0 : i32
      %dma_wait3A_1441 = arith.constant 0 : i32
      %dma_wait3A_1442 = arith.constant 3 : i32
      %dma_wait3A_1443 = arith.constant 0 : i32
      %dma_wait3A_1444 = arith.constant 0 : i32
      %dma_wait3A_1445 = tpu.memref_slice %arg9[%dma_wait3A_1442, %dma_wait3A_1443, %dma_wait3A_1444] : memref<4x125x64xf32, #tpu.memory_space<vmem>> -> memref<1x125x64xf32, #tpu.memory_space<vmem>>
      %dma_wait3A_1446 = tpu.memref_squeeze %dma_wait3A_1445 : memref<1x125x64xf32, #tpu.memory_space<vmem>> -> memref<125x64xf32, #tpu.memory_space<vmem>>
      %dma_wait3A_1447 = arith.constant 0 : i32
      %dma_wait3A_1448 = tpu.memref_slice %arg7[%dma_wait3A_1440, %dma_wait3A_1441, %dma_wait3A_1447] : memref<2x32x125xi32, #tpu.memory_space<vmem>> -> memref<1x1x125xi32, #tpu.memory_space<vmem>>
      %dma_wait3A_1449 = tpu.memref_squeeze %dma_wait3A_1448 : memref<1x1x125xi32, #tpu.memory_space<vmem>> -> memref<125xi32, #tpu.memory_space<vmem>>
      %dma_wait3A_1450 = arith.constant 0 : i32
      %dma_wait3A_1451 = arith.constant 0 : i32
      %dma_wait3A_1452 = tpu.memref_slice %arg5[%dma_wait3A_1450, %dma_wait3A_1451] : memref<10000x64xf32, #tpu.memory_space<vmem_shared>> -> memref<10000x64xf32, #tpu.memory_space<vmem_shared>>
      tpu.wait_indirect_dma semaphore(%arg13 : memref<!tpu.dma_semaphore, #tpu.memory_space<semaphore_mem>>) src(%dma_wait3A_1452 : memref<10000x64xf32, #tpu.memory_space<vmem_shared>>) dst(%dma_wait3A_1446 : memref<125x64xf32, #tpu.memory_space<vmem>>)
      %add3A_1453 = arith.constant 1 : i32
      %add3A_1454 = arith.addi %add3A_1383, %add3A_1453 : i32
      %dma_start3A_1455 = arith.constant 3 : i32
      %dma_start3A_1456 = arith.constant 0 : i32
      %dma_start3A_1457 = arith.constant 0 : i32
      %dma_start3A_1458 = arith.constant 0 : i32
      %dma_start3A_1459 = tpu.memref_slice %arg9[%dma_start3A_1455, %dma_start3A_1457, %dma_start3A_1458] : memref<4x125x64xf32, #tpu.memory_space<vmem>> -> memref<1x125x64xf32, #tpu.memory_space<vmem>>
      %dma_start3A_1460 = tpu.memref_squeeze %dma_start3A_1459 : memref<1x125x64xf32, #tpu.memory_space<vmem>> -> memref<125x64xf32, #tpu.memory_space<vmem>>
      %dma_start3A_1461 = arith.constant 0 : i32
      %dma_start3A_1462 = tpu.memref_slice %arg8[%dma_start3A_1456, %add3A_1454, %dma_start3A_1461] : memref<2x32x125xi32, #tpu.memory_space<vmem>> -> memref<1x1x125xi32, #tpu.memory_space<vmem>>
      %dma_start3A_1463 = tpu.memref_squeeze %dma_start3A_1462 : memref<1x1x125xi32, #tpu.memory_space<vmem>> -> memref<125xi32, #tpu.memory_space<vmem>>
      %dma_start3A_1464 = arith.constant 0 : i32
      %dma_start3A_1465 = arith.constant 0 : i32
      %dma_start3A_1466 = tpu.memref_slice %arg6[%dma_start3A_1464, %dma_start3A_1465] : memref<10000x64xf32, #tpu.memory_space<vmem_shared>> -> memref<10000x64xf32, #tpu.memory_space<vmem_shared>>
      tpu.enqueue_indirect_dma source(%dma_start3A_1460 : memref<125x64xf32, #tpu.memory_space<vmem>>) target(%dma_start3A_1466 : memref<10000x64xf32, #tpu.memory_space<vmem_shared>>) offsets(%dma_start3A_1463 : memref<125xi32, #tpu.memory_space<vmem>>) semaphore(%arg17 : memref<!tpu.dma_semaphore, #tpu.memory_space<semaphore_mem>>) {add = true}
      %dma_wait3A_1467 = arith.constant 0 : i32
      %dma_wait3A_1468 = arith.constant 0 : i32
      %dma_wait3A_1469 = arith.constant 0 : i32
      %dma_wait3A_1470 = arith.constant 0 : i32
      %dma_wait3A_1471 = arith.constant 0 : i32
      %dma_wait3A_1472 = tpu.memref_slice %arg9[%dma_wait3A_1467, %dma_wait3A_1470, %dma_wait3A_1471] : memref<4x125x64xf32, #tpu.memory_space<vmem>> -> memref<1x125x64xf32, #tpu.memory_space<vmem>>
      %dma_wait3A_1473 = tpu.memref_squeeze %dma_wait3A_1472 : memref<1x125x64xf32, #tpu.memory_space<vmem>> -> memref<125x64xf32, #tpu.memory_space<vmem>>
      %dma_wait3A_1474 = arith.constant 0 : i32
      %dma_wait3A_1475 = tpu.memref_slice %arg8[%dma_wait3A_1468, %dma_wait3A_1469, %dma_wait3A_1474] : memref<2x32x125xi32, #tpu.memory_space<vmem>> -> memref<1x1x125xi32, #tpu.memory_space<vmem>>
      %dma_wait3A_1476 = tpu.memref_squeeze %dma_wait3A_1475 : memref<1x1x125xi32, #tpu.memory_space<vmem>> -> memref<125xi32, #tpu.memory_space<vmem>>
      %dma_wait3A_1477 = arith.constant 0 : i32
      %dma_wait3A_1478 = arith.constant 0 : i32
      %dma_wait3A_1479 = tpu.memref_slice %arg6[%dma_wait3A_1477, %dma_wait3A_1478] : memref<10000x64xf32, #tpu.memory_space<vmem_shared>> -> memref<10000x64xf32, #tpu.memory_space<vmem_shared>>
      tpu.wait_indirect_dma semaphore(%arg15 : memref<!tpu.dma_semaphore, #tpu.memory_space<semaphore_mem>>) src(%dma_wait3A_1473 : memref<125x64xf32, #tpu.memory_space<vmem>>) dst(%dma_wait3A_1479 : memref<10000x64xf32, #tpu.memory_space<vmem_shared>>)
      %add3A_1480 = arith.constant 1 : i32
      %add3A_1481 = arith.addi %add3A_1383, %add3A_1480 : i32
      %add3A_1482 = arith.constant 2 : i32
      %add3A_1483 = arith.addi %add3A_1481, %add3A_1482 : i32
      %dma_start3A_1484 = arith.constant 0 : i32
      %dma_start3A_1485 = arith.constant 1 : i32
      %dma_start3A_1486 = arith.constant 0 : i32
      %dma_start3A_1487 = arith.constant 0 : i32
      %dma_start3A_1488 = tpu.memref_slice %arg9[%dma_start3A_1485, %dma_start3A_1486, %dma_start3A_1487] : memref<4x125x64xf32, #tpu.memory_space<vmem>> -> memref<1x125x64xf32, #tpu.memory_space<vmem>>
      %dma_start3A_1489 = tpu.memref_squeeze %dma_start3A_1488 : memref<1x125x64xf32, #tpu.memory_space<vmem>> -> memref<125x64xf32, #tpu.memory_space<vmem>>
      %dma_start3A_1490 = arith.constant 0 : i32
      %dma_start3A_1491 = tpu.memref_slice %arg7[%dma_start3A_1484, %add3A_1483, %dma_start3A_1490] : memref<2x32x125xi32, #tpu.memory_space<vmem>> -> memref<1x1x125xi32, #tpu.memory_space<vmem>>
      %dma_start3A_1492 = tpu.memref_squeeze %dma_start3A_1491 : memref<1x1x125xi32, #tpu.memory_space<vmem>> -> memref<125xi32, #tpu.memory_space<vmem>>
      %dma_start3A_1493 = arith.constant 0 : i32
      %dma_start3A_1494 = arith.constant 0 : i32
      %dma_start3A_1495 = tpu.memref_slice %arg5[%dma_start3A_1493, %dma_start3A_1494] : memref<10000x64xf32, #tpu.memory_space<vmem_shared>> -> memref<10000x64xf32, #tpu.memory_space<vmem_shared>>
      tpu.enqueue_indirect_dma source(%dma_start3A_1495 : memref<10000x64xf32, #tpu.memory_space<vmem_shared>>) target(%dma_start3A_1489 : memref<125x64xf32, #tpu.memory_space<vmem>>) offsets(%dma_start3A_1492 : memref<125xi32, #tpu.memory_space<vmem>>) semaphore(%arg11 : memref<!tpu.dma_semaphore, #tpu.memory_space<semaphore_mem>>)
      %dma_wait3A_1496 = arith.constant 0 : i32
      %dma_wait3A_1497 = arith.constant 0 : i32
      %dma_wait3A_1498 = arith.constant 0 : i32
      %dma_wait3A_1499 = arith.constant 0 : i32
      %dma_wait3A_1500 = arith.constant 0 : i32
      %dma_wait3A_1501 = tpu.memref_slice %arg9[%dma_wait3A_1498, %dma_wait3A_1499, %dma_wait3A_1500] : memref<4x125x64xf32, #tpu.memory_space<vmem>> -> memref<1x125x64xf32, #tpu.memory_space<vmem>>
      %dma_wait3A_1502 = tpu.memref_squeeze %dma_wait3A_1501 : memref<1x125x64xf32, #tpu.memory_space<vmem>> -> memref<125x64xf32, #tpu.memory_space<vmem>>
      %dma_wait3A_1503 = arith.constant 0 : i32
      %dma_wait3A_1504 = tpu.memref_slice %arg7[%dma_wait3A_1496, %dma_wait3A_1497, %dma_wait3A_1503] : memref<2x32x125xi32, #tpu.memory_space<vmem>> -> memref<1x1x125xi32, #tpu.memory_space<vmem>>
      %dma_wait3A_1505 = tpu.memref_squeeze %dma_wait3A_1504 : memref<1x1x125xi32, #tpu.memory_space<vmem>> -> memref<125xi32, #tpu.memory_space<vmem>>
      %dma_wait3A_1506 = arith.constant 0 : i32
      %dma_wait3A_1507 = arith.constant 0 : i32
      %dma_wait3A_1508 = tpu.memref_slice %arg5[%dma_wait3A_1506, %dma_wait3A_1507] : memref<10000x64xf32, #tpu.memory_space<vmem_shared>> -> memref<10000x64xf32, #tpu.memory_space<vmem_shared>>
      tpu.wait_indirect_dma semaphore(%arg10 : memref<!tpu.dma_semaphore, #tpu.memory_space<semaphore_mem>>) src(%dma_wait3A_1508 : memref<10000x64xf32, #tpu.memory_space<vmem_shared>>) dst(%dma_wait3A_1502 : memref<125x64xf32, #tpu.memory_space<vmem>>)
      %add3A_1509 = arith.constant 2 : i32
      %add3A_1510 = arith.addi %add3A_1383, %add3A_1509 : i32
      %dma_start3A_1511 = arith.constant 0 : i32
      %dma_start3A_1512 = arith.constant 0 : i32
      %dma_start3A_1513 = arith.constant 0 : i32
      %dma_start3A_1514 = arith.constant 0 : i32
      %dma_start3A_1515 = tpu.memref_slice %arg9[%dma_start3A_1511, %dma_start3A_1513, %dma_start3A_1514] : memref<4x125x64xf32, #tpu.memory_space<vmem>> -> memref<1x125x64xf32, #tpu.memory_space<vmem>>
      %dma_start3A_1516 = tpu.memref_squeeze %dma_start3A_1515 : memref<1x125x64xf32, #tpu.memory_space<vmem>> -> memref<125x64xf32, #tpu.memory_space<vmem>>
      %dma_start3A_1517 = arith.constant 0 : i32
      %dma_start3A_1518 = tpu.memref_slice %arg8[%dma_start3A_1512, %add3A_1510, %dma_start3A_1517] : memref<2x32x125xi32, #tpu.memory_space<vmem>> -> memref<1x1x125xi32, #tpu.memory_space<vmem>>
      %dma_start3A_1519 = tpu.memref_squeeze %dma_start3A_1518 : memref<1x1x125xi32, #tpu.memory_space<vmem>> -> memref<125xi32, #tpu.memory_space<vmem>>
      %dma_start3A_1520 = arith.constant 0 : i32
      %dma_start3A_1521 = arith.constant 0 : i32
      %dma_start3A_1522 = tpu.memref_slice %arg6[%dma_start3A_1520, %dma_start3A_1521] : memref<10000x64xf32, #tpu.memory_space<vmem_shared>> -> memref<10000x64xf32, #tpu.memory_space<vmem_shared>>
      tpu.enqueue_indirect_dma source(%dma_start3A_1516 : memref<125x64xf32, #tpu.memory_space<vmem>>) target(%dma_start3A_1522 : memref<10000x64xf32, #tpu.memory_space<vmem_shared>>) offsets(%dma_start3A_1519 : memref<125xi32, #tpu.memory_space<vmem>>) semaphore(%arg14 : memref<!tpu.dma_semaphore, #tpu.memory_space<semaphore_mem>>) {add = true}
      %dma_wait3A_1523 = arith.constant 0 : i32
      %dma_wait3A_1524 = arith.constant 0 : i32
      %dma_wait3A_1525 = arith.constant 0 : i32
      %dma_wait3A_1526 = arith.constant 0 : i32
      %dma_wait3A_1527 = arith.constant 0 : i32
      %dma_wait3A_1528 = tpu.memref_slice %arg9[%dma_wait3A_1523, %dma_wait3A_1526, %dma_wait3A_1527] : memref<4x125x64xf32, #tpu.memory_space<vmem>> -> memref<1x125x64xf32, #tpu.memory_space<vmem>>
      %dma_wait3A_1529 = tpu.memref_squeeze %dma_wait3A_1528 : memref<1x125x64xf32, #tpu.memory_space<vmem>> -> memref<125x64xf32, #tpu.memory_space<vmem>>
      %dma_wait3A_1530 = arith.constant 0 : i32
      %dma_wait3A_1531 = tpu.memref_slice %arg8[%dma_wait3A_1524, %dma_wait3A_1525, %dma_wait3A_1530] : memref<2x32x125xi32, #tpu.memory_space<vmem>> -> memref<1x1x125xi32, #tpu.memory_space<vmem>>
      %dma_wait3A_1532 = tpu.memref_squeeze %dma_wait3A_1531 : memref<1x1x125xi32, #tpu.memory_space<vmem>> -> memref<125xi32, #tpu.memory_space<vmem>>
      %dma_wait3A_1533 = arith.constant 0 : i32
      %dma_wait3A_1534 = arith.constant 0 : i32
      %dma_wait3A_1535 = tpu.memref_slice %arg6[%dma_wait3A_1533, %dma_wait3A_1534] : memref<10000x64xf32, #tpu.memory_space<vmem_shared>> -> memref<10000x64xf32, #tpu.memory_space<vmem_shared>>
      tpu.wait_indirect_dma semaphore(%arg16 : memref<!tpu.dma_semaphore, #tpu.memory_space<semaphore_mem>>) src(%dma_wait3A_1529 : memref<125x64xf32, #tpu.memory_space<vmem>>) dst(%dma_wait3A_1535 : memref<10000x64xf32, #tpu.memory_space<vmem_shared>>)
      %add3A_1536 = arith.constant 2 : i32
      %add3A_1537 = arith.addi %add3A_1383, %add3A_1536 : i32
      %add3A_1538 = arith.constant 2 : i32
      %add3A_1539 = arith.addi %add3A_1537, %add3A_1538 : i32
      %dma_start3A_1540 = arith.constant 0 : i32
      %dma_start3A_1541 = arith.constant 2 : i32
      %dma_start3A_1542 = arith.constant 0 : i32
      %dma_start3A_1543 = arith.constant 0 : i32
      %dma_start3A_1544 = tpu.memref_slice %arg9[%dma_start3A_1541, %dma_start3A_1542, %dma_start3A_1543] : memref<4x125x64xf32, #tpu.memory_space<vmem>> -> memref<1x125x64xf32, #tpu.memory_space<vmem>>
      %dma_start3A_1545 = tpu.memref_squeeze %dma_start3A_1544 : memref<1x125x64xf32, #tpu.memory_space<vmem>> -> memref<125x64xf32, #tpu.memory_space<vmem>>
      %dma_start3A_1546 = arith.constant 0 : i32
      %dma_start3A_1547 = tpu.memref_slice %arg7[%dma_start3A_1540, %add3A_1539, %dma_start3A_1546] : memref<2x32x125xi32, #tpu.memory_space<vmem>> -> memref<1x1x125xi32, #tpu.memory_space<vmem>>
      %dma_start3A_1548 = tpu.memref_squeeze %dma_start3A_1547 : memref<1x1x125xi32, #tpu.memory_space<vmem>> -> memref<125xi32, #tpu.memory_space<vmem>>
      %dma_start3A_1549 = arith.constant 0 : i32
      %dma_start3A_1550 = arith.constant 0 : i32
      %dma_start3A_1551 = tpu.memref_slice %arg5[%dma_start3A_1549, %dma_start3A_1550] : memref<10000x64xf32, #tpu.memory_space<vmem_shared>> -> memref<10000x64xf32, #tpu.memory_space<vmem_shared>>
      tpu.enqueue_indirect_dma source(%dma_start3A_1551 : memref<10000x64xf32, #tpu.memory_space<vmem_shared>>) target(%dma_start3A_1545 : memref<125x64xf32, #tpu.memory_space<vmem>>) offsets(%dma_start3A_1548 : memref<125xi32, #tpu.memory_space<vmem>>) semaphore(%arg12 : memref<!tpu.dma_semaphore, #tpu.memory_space<semaphore_mem>>)
      %dma_wait3A_1552 = arith.constant 0 : i32
      %dma_wait3A_1553 = arith.constant 0 : i32
      %dma_wait3A_1554 = arith.constant 1 : i32
      %dma_wait3A_1555 = arith.constant 0 : i32
      %dma_wait3A_1556 = arith.constant 0 : i32
      %dma_wait3A_1557 = tpu.memref_slice %arg9[%dma_wait3A_1554, %dma_wait3A_1555, %dma_wait3A_1556] : memref<4x125x64xf32, #tpu.memory_space<vmem>> -> memref<1x125x64xf32, #tpu.memory_space<vmem>>
      %dma_wait3A_1558 = tpu.memref_squeeze %dma_wait3A_1557 : memref<1x125x64xf32, #tpu.memory_space<vmem>> -> memref<125x64xf32, #tpu.memory_space<vmem>>
      %dma_wait3A_1559 = arith.constant 0 : i32
      %dma_wait3A_1560 = tpu.memref_slice %arg7[%dma_wait3A_1552, %dma_wait3A_1553, %dma_wait3A_1559] : memref<2x32x125xi32, #tpu.memory_space<vmem>> -> memref<1x1x125xi32, #tpu.memory_space<vmem>>
      %dma_wait3A_1561 = tpu.memref_squeeze %dma_wait3A_1560 : memref<1x1x125xi32, #tpu.memory_space<vmem>> -> memref<125xi32, #tpu.memory_space<vmem>>
      %dma_wait3A_1562 = arith.constant 0 : i32
      %dma_wait3A_1563 = arith.constant 0 : i32
      %dma_wait3A_1564 = tpu.memref_slice %arg5[%dma_wait3A_1562, %dma_wait3A_1563] : memref<10000x64xf32, #tpu.memory_space<vmem_shared>> -> memref<10000x64xf32, #tpu.memory_space<vmem_shared>>
      tpu.wait_indirect_dma semaphore(%arg11 : memref<!tpu.dma_semaphore, #tpu.memory_space<semaphore_mem>>) src(%dma_wait3A_1564 : memref<10000x64xf32, #tpu.memory_space<vmem_shared>>) dst(%dma_wait3A_1558 : memref<125x64xf32, #tpu.memory_space<vmem>>)
      %add3A_1565 = arith.constant 3 : i32
      %add3A_1566 = arith.addi %add3A_1383, %add3A_1565 : i32
      %dma_start3A_1567 = arith.constant 1 : i32
      %dma_start3A_1568 = arith.constant 0 : i32
      %dma_start3A_1569 = arith.constant 0 : i32
      %dma_start3A_1570 = arith.constant 0 : i32
      %dma_start3A_1571 = tpu.memref_slice %arg9[%dma_start3A_1567, %dma_start3A_1569, %dma_start3A_1570] : memref<4x125x64xf32, #tpu.memory_space<vmem>> -> memref<1x125x64xf32, #tpu.memory_space<vmem>>
      %dma_start3A_1572 = tpu.memref_squeeze %dma_start3A_1571 : memref<1x125x64xf32, #tpu.memory_space<vmem>> -> memref<125x64xf32, #tpu.memory_space<vmem>>
      %dma_start3A_1573 = arith.constant 0 : i32
      %dma_start3A_1574 = tpu.memref_slice %arg8[%dma_start3A_1568, %add3A_1566, %dma_start3A_1573] : memref<2x32x125xi32, #tpu.memory_space<vmem>> -> memref<1x1x125xi32, #tpu.memory_space<vmem>>
      %dma_start3A_1575 = tpu.memref_squeeze %dma_start3A_1574 : memref<1x1x125xi32, #tpu.memory_space<vmem>> -> memref<125xi32, #tpu.memory_space<vmem>>
      %dma_start3A_1576 = arith.constant 0 : i32
      %dma_start3A_1577 = arith.constant 0 : i32
      %dma_start3A_1578 = tpu.memref_slice %arg6[%dma_start3A_1576, %dma_start3A_1577] : memref<10000x64xf32, #tpu.memory_space<vmem_shared>> -> memref<10000x64xf32, #tpu.memory_space<vmem_shared>>
      tpu.enqueue_indirect_dma source(%dma_start3A_1572 : memref<125x64xf32, #tpu.memory_space<vmem>>) target(%dma_start3A_1578 : memref<10000x64xf32, #tpu.memory_space<vmem_shared>>) offsets(%dma_start3A_1575 : memref<125xi32, #tpu.memory_space<vmem>>) semaphore(%arg15 : memref<!tpu.dma_semaphore, #tpu.memory_space<semaphore_mem>>) {add = true}
      %dma_wait3A_1579 = arith.constant 0 : i32
      %dma_wait3A_1580 = arith.constant 0 : i32
      %dma_wait3A_1581 = arith.constant 0 : i32
      %dma_wait3A_1582 = arith.constant 0 : i32
      %dma_wait3A_1583 = arith.constant 0 : i32
      %dma_wait3A_1584 = tpu.memref_slice %arg9[%dma_wait3A_1579, %dma_wait3A_1582, %dma_wait3A_1583] : memref<4x125x64xf32, #tpu.memory_space<vmem>> -> memref<1x125x64xf32, #tpu.memory_space<vmem>>
      %dma_wait3A_1585 = tpu.memref_squeeze %dma_wait3A_1584 : memref<1x125x64xf32, #tpu.memory_space<vmem>> -> memref<125x64xf32, #tpu.memory_space<vmem>>
      %dma_wait3A_1586 = arith.constant 0 : i32
      %dma_wait3A_1587 = tpu.memref_slice %arg8[%dma_wait3A_1580, %dma_wait3A_1581, %dma_wait3A_1586] : memref<2x32x125xi32, #tpu.memory_space<vmem>> -> memref<1x1x125xi32, #tpu.memory_space<vmem>>
      %dma_wait3A_1588 = tpu.memref_squeeze %dma_wait3A_1587 : memref<1x1x125xi32, #tpu.memory_space<vmem>> -> memref<125xi32, #tpu.memory_space<vmem>>
      %dma_wait3A_1589 = arith.constant 0 : i32
      %dma_wait3A_1590 = arith.constant 0 : i32
      %dma_wait3A_1591 = tpu.memref_slice %arg6[%dma_wait3A_1589, %dma_wait3A_1590] : memref<10000x64xf32, #tpu.memory_space<vmem_shared>> -> memref<10000x64xf32, #tpu.memory_space<vmem_shared>>
      tpu.wait_indirect_dma semaphore(%arg17 : memref<!tpu.dma_semaphore, #tpu.memory_space<semaphore_mem>>) src(%dma_wait3A_1585 : memref<125x64xf32, #tpu.memory_space<vmem>>) dst(%dma_wait3A_1591 : memref<10000x64xf32, #tpu.memory_space<vmem_shared>>)
      %add3A_1592 = arith.constant 3 : i32
      %add3A_1593 = arith.addi %add3A_1383, %add3A_1592 : i32
      %add3A_1594 = arith.constant 2 : i32
      %add3A_1595 = arith.addi %add3A_1593, %add3A_1594 : i32
      %dma_start3A_1596 = arith.constant 0 : i32
      %dma_start3A_1597 = arith.constant 3 : i32
      %dma_start3A_1598 = arith.constant 0 : i32
      %dma_start3A_1599 = arith.constant 0 : i32
      %dma_start3A_1600 = tpu.memref_slice %arg9[%dma_start3A_1597, %dma_start3A_1598, %dma_start3A_1599] : memref<4x125x64xf32, #tpu.memory_space<vmem>> -> memref<1x125x64xf32, #tpu.memory_space<vmem>>
      %dma_start3A_1601 = tpu.memref_squeeze %dma_start3A_1600 : memref<1x125x64xf32, #tpu.memory_space<vmem>> -> memref<125x64xf32, #tpu.memory_space<vmem>>
      %dma_start3A_1602 = arith.constant 0 : i32
      %dma_start3A_1603 = tpu.memref_slice %arg7[%dma_start3A_1596, %add3A_1595, %dma_start3A_1602] : memref<2x32x125xi32, #tpu.memory_space<vmem>> -> memref<1x1x125xi32, #tpu.memory_space<vmem>>
      %dma_start3A_1604 = tpu.memref_squeeze %dma_start3A_1603 : memref<1x1x125xi32, #tpu.memory_space<vmem>> -> memref<125xi32, #tpu.memory_space<vmem>>
      %dma_start3A_1605 = arith.constant 0 : i32
      %dma_start3A_1606 = arith.constant 0 : i32
      %dma_start3A_1607 = tpu.memref_slice %arg5[%dma_start3A_1605, %dma_start3A_1606] : memref<10000x64xf32, #tpu.memory_space<vmem_shared>> -> memref<10000x64xf32, #tpu.memory_space<vmem_shared>>
      tpu.enqueue_indirect_dma source(%dma_start3A_1607 : memref<10000x64xf32, #tpu.memory_space<vmem_shared>>) target(%dma_start3A_1601 : memref<125x64xf32, #tpu.memory_space<vmem>>) offsets(%dma_start3A_1604 : memref<125xi32, #tpu.memory_space<vmem>>) semaphore(%arg13 : memref<!tpu.dma_semaphore, #tpu.memory_space<semaphore_mem>>)
    }
    %scan3A_1274 = arith.constant 7 : i32
    %dma_wait3A_1275 = arith.constant 0 : i32
    %dma_wait3A_1276 = arith.constant 0 : i32
    %dma_wait3A_1277 = arith.constant 2 : i32
    %dma_wait3A_1278 = arith.constant 0 : i32
    %dma_wait3A_1279 = arith.constant 0 : i32
    %dma_wait3A_1280 = tpu.memref_slice %arg9[%dma_wait3A_1277, %dma_wait3A_1278, %dma_wait3A_1279] : memref<4x125x64xf32, #tpu.memory_space<vmem>> -> memref<1x125x64xf32, #tpu.memory_space<vmem>>
    %dma_wait3A_1281 = tpu.memref_squeeze %dma_wait3A_1280 : memref<1x125x64xf32, #tpu.memory_space<vmem>> -> memref<125x64xf32, #tpu.memory_space<vmem>>
    %dma_wait3A_1282 = arith.constant 0 : i32
    %dma_wait3A_1283 = tpu.memref_slice %arg7[%dma_wait3A_1275, %dma_wait3A_1276, %dma_wait3A_1282] : memref<2x32x125xi32, #tpu.memory_space<vmem>> -> memref<1x1x125xi32, #tpu.memory_space<vmem>>
    %dma_wait3A_1284 = tpu.memref_squeeze %dma_wait3A_1283 : memref<1x1x125xi32, #tpu.memory_space<vmem>> -> memref<125xi32, #tpu.memory_space<vmem>>
    %dma_wait3A_1285 = arith.constant 0 : i32
    %dma_wait3A_1286 = arith.constant 0 : i32
    %dma_wait3A_1287 = tpu.memref_slice %arg5[%dma_wait3A_1285, %dma_wait3A_1286] : memref<10000x64xf32, #tpu.memory_space<vmem_shared>> -> memref<10000x64xf32, #tpu.memory_space<vmem_shared>>
    tpu.wait_indirect_dma semaphore(%arg12 : memref<!tpu.dma_semaphore, #tpu.memory_space<semaphore_mem>>) src(%dma_wait3A_1287 : memref<10000x64xf32, #tpu.memory_space<vmem_shared>>) dst(%dma_wait3A_1281 : memref<125x64xf32, #tpu.memory_space<vmem>>)
    %dma_start3A_1288 = arith.constant 2 : i32
    %dma_start3A_1289 = arith.constant 0 : i32
    %dma_start3A_1290 = arith.constant 30 : i32
    %dma_start3A_1291 = arith.constant 0 : i32
    %dma_start3A_1292 = arith.constant 0 : i32
    %dma_start3A_1293 = tpu.memref_slice %arg9[%dma_start3A_1288, %dma_start3A_1291, %dma_start3A_1292] : memref<4x125x64xf32, #tpu.memory_space<vmem>> -> memref<1x125x64xf32, #tpu.memory_space<vmem>>
    %dma_start3A_1294 = tpu.memref_squeeze %dma_start3A_1293 : memref<1x125x64xf32, #tpu.memory_space<vmem>> -> memref<125x64xf32, #tpu.memory_space<vmem>>
    %dma_start3A_1295 = arith.constant 0 : i32
    %dma_start3A_1296 = tpu.memref_slice %arg8[%dma_start3A_1289, %dma_start3A_1290, %dma_start3A_1295] : memref<2x32x125xi32, #tpu.memory_space<vmem>> -> memref<1x1x125xi32, #tpu.memory_space<vmem>>
    %dma_start3A_1297 = tpu.memref_squeeze %dma_start3A_1296 : memref<1x1x125xi32, #tpu.memory_space<vmem>> -> memref<125xi32, #tpu.memory_space<vmem>>
    %dma_start3A_1298 = arith.constant 0 : i32
    %dma_start3A_1299 = arith.constant 0 : i32
    %dma_start3A_1300 = tpu.memref_slice %arg6[%dma_start3A_1298, %dma_start3A_1299] : memref<10000x64xf32, #tpu.memory_space<vmem_shared>> -> memref<10000x64xf32, #tpu.memory_space<vmem_shared>>
    tpu.enqueue_indirect_dma source(%dma_start3A_1294 : memref<125x64xf32, #tpu.memory_space<vmem>>) target(%dma_start3A_1300 : memref<10000x64xf32, #tpu.memory_space<vmem_shared>>) offsets(%dma_start3A_1297 : memref<125xi32, #tpu.memory_space<vmem>>) semaphore(%arg16 : memref<!tpu.dma_semaphore, #tpu.memory_space<semaphore_mem>>) {add = true}
    %dma_wait3A_1301 = arith.constant 0 : i32
    %dma_wait3A_1302 = arith.constant 0 : i32
    %dma_wait3A_1303 = arith.constant 0 : i32
    %dma_wait3A_1304 = arith.constant 0 : i32
    %dma_wait3A_1305 = arith.constant 0 : i32
    %dma_wait3A_1306 = tpu.memref_slice %arg9[%dma_wait3A_1301, %dma_wait3A_1304, %dma_wait3A_1305] : memref<4x125x64xf32, #tpu.memory_space<vmem>> -> memref<1x125x64xf32, #tpu.memory_space<vmem>>
    %dma_wait3A_1307 = tpu.memref_squeeze %dma_wait3A_1306 : memref<1x125x64xf32, #tpu.memory_space<vmem>> -> memref<125x64xf32, #tpu.memory_space<vmem>>
    %dma_wait3A_1308 = arith.constant 0 : i32
    %dma_wait3A_1309 = tpu.memref_slice %arg8[%dma_wait3A_1302, %dma_wait3A_1303, %dma_wait3A_1308] : memref<2x32x125xi32, #tpu.memory_space<vmem>> -> memref<1x1x125xi32, #tpu.memory_space<vmem>>
    %dma_wait3A_1310 = tpu.memref_squeeze %dma_wait3A_1309 : memref<1x1x125xi32, #tpu.memory_space<vmem>> -> memref<125xi32, #tpu.memory_space<vmem>>
    %dma_wait3A_1311 = arith.constant 0 : i32
    %dma_wait3A_1312 = arith.constant 0 : i32
    %dma_wait3A_1313 = tpu.memref_slice %arg6[%dma_wait3A_1311, %dma_wait3A_1312] : memref<10000x64xf32, #tpu.memory_space<vmem_shared>> -> memref<10000x64xf32, #tpu.memory_space<vmem_shared>>
    tpu.wait_indirect_dma semaphore(%arg14 : memref<!tpu.dma_semaphore, #tpu.memory_space<semaphore_mem>>) src(%dma_wait3A_1307 : memref<125x64xf32, #tpu.memory_space<vmem>>) dst(%dma_wait3A_1313 : memref<10000x64xf32, #tpu.memory_space<vmem_shared>>)
    %dma_wait3A_1314 = arith.constant 0 : i32
    %dma_wait3A_1315 = arith.constant 0 : i32
    %dma_wait3A_1316 = arith.constant 3 : i32
    %dma_wait3A_1317 = arith.constant 0 : i32
    %dma_wait3A_1318 = arith.constant 0 : i32
    %dma_wait3A_1319 = tpu.memref_slice %arg9[%dma_wait3A_1316, %dma_wait3A_1317, %dma_wait3A_1318] : memref<4x125x64xf32, #tpu.memory_space<vmem>> -> memref<1x125x64xf32, #tpu.memory_space<vmem>>
    %dma_wait3A_1320 = tpu.memref_squeeze %dma_wait3A_1319 : memref<1x125x64xf32, #tpu.memory_space<vmem>> -> memref<125x64xf32, #tpu.memory_space<vmem>>
    %dma_wait3A_1321 = arith.constant 0 : i32
    %dma_wait3A_1322 = tpu.memref_slice %arg7[%dma_wait3A_1314, %dma_wait3A_1315, %dma_wait3A_1321] : memref<2x32x125xi32, #tpu.memory_space<vmem>> -> memref<1x1x125xi32, #tpu.memory_space<vmem>>
    %dma_wait3A_1323 = tpu.memref_squeeze %dma_wait3A_1322 : memref<1x1x125xi32, #tpu.memory_space<vmem>> -> memref<125xi32, #tpu.memory_space<vmem>>
    %dma_wait3A_1324 = arith.constant 0 : i32
    %dma_wait3A_1325 = arith.constant 0 : i32
    %dma_wait3A_1326 = tpu.memref_slice %arg5[%dma_wait3A_1324, %dma_wait3A_1325] : memref<10000x64xf32, #tpu.memory_space<vmem_shared>> -> memref<10000x64xf32, #tpu.memory_space<vmem_shared>>
    tpu.wait_indirect_dma semaphore(%arg13 : memref<!tpu.dma_semaphore, #tpu.memory_space<semaphore_mem>>) src(%dma_wait3A_1326 : memref<10000x64xf32, #tpu.memory_space<vmem_shared>>) dst(%dma_wait3A_1320 : memref<125x64xf32, #tpu.memory_space<vmem>>)
    %dma_start3A_1327 = arith.constant 3 : i32
    %dma_start3A_1328 = arith.constant 0 : i32
    %dma_start3A_1329 = arith.constant 31 : i32
    %dma_start3A_1330 = arith.constant 0 : i32
    %dma_start3A_1331 = arith.constant 0 : i32
    %dma_start3A_1332 = tpu.memref_slice %arg9[%dma_start3A_1327, %dma_start3A_1330, %dma_start3A_1331] : memref<4x125x64xf32, #tpu.memory_space<vmem>> -> memref<1x125x64xf32, #tpu.memory_space<vmem>>
    %dma_start3A_1333 = tpu.memref_squeeze %dma_start3A_1332 : memref<1x125x64xf32, #tpu.memory_space<vmem>> -> memref<125x64xf32, #tpu.memory_space<vmem>>
    %dma_start3A_1334 = arith.constant 0 : i32
    %dma_start3A_1335 = tpu.memref_slice %arg8[%dma_start3A_1328, %dma_start3A_1329, %dma_start3A_1334] : memref<2x32x125xi32, #tpu.memory_space<vmem>> -> memref<1x1x125xi32, #tpu.memory_space<vmem>>
    %dma_start3A_1336 = tpu.memref_squeeze %dma_start3A_1335 : memref<1x1x125xi32, #tpu.memory_space<vmem>> -> memref<125xi32, #tpu.memory_space<vmem>>
    %dma_start3A_1337 = arith.constant 0 : i32
    %dma_start3A_1338 = arith.constant 0 : i32
    %dma_start3A_1339 = tpu.memref_slice %arg6[%dma_start3A_1337, %dma_start3A_1338] : memref<10000x64xf32, #tpu.memory_space<vmem_shared>> -> memref<10000x64xf32, #tpu.memory_space<vmem_shared>>
    tpu.enqueue_indirect_dma source(%dma_start3A_1333 : memref<125x64xf32, #tpu.memory_space<vmem>>) target(%dma_start3A_1339 : memref<10000x64xf32, #tpu.memory_space<vmem_shared>>) offsets(%dma_start3A_1336 : memref<125xi32, #tpu.memory_space<vmem>>) semaphore(%arg17 : memref<!tpu.dma_semaphore, #tpu.memory_space<semaphore_mem>>) {add = true}
    %dma_wait3A_1340 = arith.constant 0 : i32
    %dma_wait3A_1341 = arith.constant 0 : i32
    %dma_wait3A_1342 = arith.constant 0 : i32
    %dma_wait3A_1343 = arith.constant 0 : i32
    %dma_wait3A_1344 = arith.constant 0 : i32
    %dma_wait3A_1345 = tpu.memref_slice %arg9[%dma_wait3A_1340, %dma_wait3A_1343, %dma_wait3A_1344] : memref<4x125x64xf32, #tpu.memory_space<vmem>> -> memref<1x125x64xf32, #tpu.memory_space<vmem>>
    %dma_wait3A_1346 = tpu.memref_squeeze %dma_wait3A_1345 : memref<1x125x64xf32, #tpu.memory_space<vmem>> -> memref<125x64xf32, #tpu.memory_space<vmem>>
    %dma_wait3A_1347 = arith.constant 0 : i32
    %dma_wait3A_1348 = tpu.memref_slice %arg8[%dma_wait3A_1341, %dma_wait3A_1342, %dma_wait3A_1347] : memref<2x32x125xi32, #tpu.memory_space<vmem>> -> memref<1x1x125xi32, #tpu.memory_space<vmem>>
    %dma_wait3A_1349 = tpu.memref_squeeze %dma_wait3A_1348 : memref<1x1x125xi32, #tpu.memory_space<vmem>> -> memref<125xi32, #tpu.memory_space<vmem>>
    %dma_wait3A_1350 = arith.constant 0 : i32
    %dma_wait3A_1351 = arith.constant 0 : i32
    %dma_wait3A_1352 = tpu.memref_slice %arg6[%dma_wait3A_1350, %dma_wait3A_1351] : memref<10000x64xf32, #tpu.memory_space<vmem_shared>> -> memref<10000x64xf32, #tpu.memory_space<vmem_shared>>
    tpu.wait_indirect_dma semaphore(%arg15 : memref<!tpu.dma_semaphore, #tpu.memory_space<semaphore_mem>>) src(%dma_wait3A_1346 : memref<125x64xf32, #tpu.memory_space<vmem>>) dst(%dma_wait3A_1352 : memref<10000x64xf32, #tpu.memory_space<vmem_shared>>)
    %dma_wait3A_1353 = arith.constant 0 : i32
    %dma_wait3A_1354 = arith.constant 0 : i32
    %dma_wait3A_1355 = arith.constant 0 : i32
    %dma_wait3A_1356 = arith.constant 0 : i32
    %dma_wait3A_1357 = arith.constant 0 : i32
    %dma_wait3A_1358 = tpu.memref_slice %arg9[%dma_wait3A_1353, %dma_wait3A_1356, %dma_wait3A_1357] : memref<4x125x64xf32, #tpu.memory_space<vmem>> -> memref<1x125x64xf32, #tpu.memory_space<vmem>>
    %dma_wait3A_1359 = tpu.memref_squeeze %dma_wait3A_1358 : memref<1x125x64xf32, #tpu.memory_space<vmem>> -> memref<125x64xf32, #tpu.memory_space<vmem>>
    %dma_wait3A_1360 = arith.constant 0 : i32
    %dma_wait3A_1361 = tpu.memref_slice %arg8[%dma_wait3A_1354, %dma_wait3A_1355, %dma_wait3A_1360] : memref<2x32x125xi32, #tpu.memory_space<vmem>> -> memref<1x1x125xi32, #tpu.memory_space<vmem>>
    %dma_wait3A_1362 = tpu.memref_squeeze %dma_wait3A_1361 : memref<1x1x125xi32, #tpu.memory_space<vmem>> -> memref<125xi32, #tpu.memory_space<vmem>>
    %dma_wait3A_1363 = arith.constant 0 : i32
    %dma_wait3A_1364 = arith.constant 0 : i32
    %dma_wait3A_1365 = tpu.memref_slice %arg6[%dma_wait3A_1363, %dma_wait3A_1364] : memref<10000x64xf32, #tpu.memory_space<vmem_shared>> -> memref<10000x64xf32, #tpu.memory_space<vmem_shared>>
    tpu.wait_indirect_dma semaphore(%arg16 : memref<!tpu.dma_semaphore, #tpu.memory_space<semaphore_mem>>) src(%dma_wait3A_1359 : memref<125x64xf32, #tpu.memory_space<vmem>>) dst(%dma_wait3A_1365 : memref<10000x64xf32, #tpu.memory_space<vmem_shared>>)
    %dma_wait3A_1366 = arith.constant 0 : i32
    %dma_wait3A_1367 = arith.constant 0 : i32
    %dma_wait3A_1368 = arith.constant 0 : i32
    %dma_wait3A_1369 = arith.constant 0 : i32
    %dma_wait3A_1370 = arith.constant 0 : i32
    %dma_wait3A_1371 = tpu.memref_slice %arg9[%dma_wait3A_1366, %dma_wait3A_1369, %dma_wait3A_1370] : memref<4x125x64xf32, #tpu.memory_space<vmem>> -> memref<1x125x64xf32, #tpu.memory_space<vmem>>
    %dma_wait3A_1372 = tpu.memref_squeeze %dma_wait3A_1371 : memref<1x125x64xf32, #tpu.memory_space<vmem>> -> memref<125x64xf32, #tpu.memory_space<vmem>>
    %dma_wait3A_1373 = arith.constant 0 : i32
    %dma_wait3A_1374 = tpu.memref_slice %arg8[%dma_wait3A_1367, %dma_wait3A_1368, %dma_wait3A_1373] : memref<2x32x125xi32, #tpu.memory_space<vmem>> -> memref<1x1x125xi32, #tpu.memory_space<vmem>>
    %dma_wait3A_1375 = tpu.memref_squeeze %dma_wait3A_1374 : memref<1x1x125xi32, #tpu.memory_space<vmem>> -> memref<125xi32, #tpu.memory_space<vmem>>
    %dma_wait3A_1376 = arith.constant 0 : i32
    %dma_wait3A_1377 = arith.constant 0 : i32
    %dma_wait3A_1378 = tpu.memref_slice %arg6[%dma_wait3A_1376, %dma_wait3A_1377] : memref<10000x64xf32, #tpu.memory_space<vmem_shared>> -> memref<10000x64xf32, #tpu.memory_space<vmem_shared>>
    tpu.wait_indirect_dma semaphore(%arg17 : memref<!tpu.dma_semaphore, #tpu.memory_space<semaphore_mem>>) src(%dma_wait3A_1372 : memref<125x64xf32, #tpu.memory_space<vmem>>) dst(%dma_wait3A_1378 : memref<10000x64xf32, #tpu.memory_space<vmem_shared>>)
    %barrier3A_1379 = arith.constant 0 : index
    tpu.barrier barrier_id(%barrier3A_1379)
    "tpu.region"() ({
      %run_scoped3A_1380 = tpu.sem_alloc : memref<!tpu.dma_semaphore, #tpu.memory_space<semaphore_mem>>
      %dma_start3A_1381 = tpu.memref_slice %arg4[%mul3A_0, %mul3A_2] : memref<10000x128xf32, #tpu.memory_space<hbm>> -> memref<625x64xf32, #tpu.memory_space<hbm>>
      %dma_start3A_1382 = arith.constant 0 : i32
      %dma_start3A_1383 = tpu.memref_slice %arg6[%mul3A_0, %dma_start3A_1382] : memref<10000x64xf32, #tpu.memory_space<vmem_shared>> -> memref<625x64xf32, #tpu.memory_space<vmem_shared>>
      tpu.enqueue_dma source(%dma_start3A_1383 : memref<625x64xf32, #tpu.memory_space<vmem_shared>>) target(%dma_start3A_1381 : memref<625x64xf32, #tpu.memory_space<hbm>>) target_semaphore(%run_scoped3A_1380 : memref<!tpu.dma_semaphore, #tpu.memory_space<semaphore_mem>>)
      %dma_wait3A_1384 = tpu.memref_slice %arg4[%mul3A_0, %mul3A_2] : memref<10000x128xf32, #tpu.memory_space<hbm>> -> memref<625x64xf32, #tpu.memory_space<hbm>>
      %dma_wait3A_1385 = arith.constant 0 : i32
      %dma_wait3A_1386 = tpu.memref_slice %arg6[%mul3A_0, %dma_wait3A_1385] : memref<10000x64xf32, #tpu.memory_space<vmem_shared>> -> memref<625x64xf32, #tpu.memory_space<vmem_shared>>
      tpu.wait_dma2 semaphore(%run_scoped3A_1380 : memref<!tpu.dma_semaphore, #tpu.memory_space<semaphore_mem>>) src(%dma_wait3A_1386 : memref<625x64xf32, #tpu.memory_space<vmem_shared>>) dst(%dma_wait3A_1384 : memref<625x64xf32, #tpu.memory_space<hbm>>)
      tpu.yield
    }) : () -> ()
    return
  }
}

module attributes {stable_mosaic.version = 14 : i64} {
  func.func @_mlp_body(%arg0: i32, %arg1: memref<5000x128xf32, #tpu.memory_space<vmem>>, %arg2: memref<128x128xf32, #tpu.memory_space<vmem>>, %arg3: memref<1x128xf32, #tpu.memory_space<vmem>>, %arg4: memref<128x128xf32, #tpu.memory_space<vmem>>, %arg5: memref<1x128xf32, #tpu.memory_space<vmem>>, %arg6: memref<5000x128xf32, #tpu.memory_space<vmem>>) attributes {dimension_semantics = [#tpu.dimension_semantics<arbitrary>], iteration_bounds = array<i64: 2>, scalar_prefetch = 0 : i64, scratch_operands = 0 : i64, tpu.core_type = #tpu.core_type<tc>, window_params = [{transform_indices = @transform_0, window_bounds = array<i64: 5000, 128>}, {pipeline_mode = #tpu.pipeline_mode<synchronous>, transform_indices = @transform_1, window_bounds = array<i64: 128, 128>}, {pipeline_mode = #tpu.pipeline_mode<synchronous>, transform_indices = @transform_2, window_bounds = array<i64: 1, 128>}, {pipeline_mode = #tpu.pipeline_mode<synchronous>, transform_indices = @transform_3, window_bounds = array<i64: 128, 128>}, {pipeline_mode = #tpu.pipeline_mode<synchronous>, transform_indices = @transform_4, window_bounds = array<i64: 1, 128>}, {transform_indices = @transform_5, window_bounds = array<i64: 5000, 128>}]} {
    %get3A = arith.constant 0 : index
    %get3A_0 = arith.constant 0 : index
    %get3A_1 = vector.load %arg1[%get3A, %get3A_0] : memref<5000x128xf32, #tpu.memory_space<vmem>>, vector<5000x128xf32>
    %get3A_2 = arith.constant 0 : index
    %get3A_3 = arith.constant 0 : index
    %get3A_4 = vector.load %arg2[%get3A_2, %get3A_3] : memref<128x128xf32, #tpu.memory_space<vmem>>, vector<128x128xf32>
    %dot_general3A = arith.constant dense<0.000000e+00> : vector<5000x128xf32>
    %dot_general3A_5 = tpu.matmul %get3A_1, %get3A_4, %dot_general3A {dimension_numbers = #tpu.dot_dimension_numbers<[1], [0], [0], [1], [0, 0, 1, 1], [], []>, transpose_lhs_hint = false} : vector<5000x128xf32>, vector<128x128xf32>, vector<5000x128xf32> -> vector<5000x128xf32>
    %get3A_6 = arith.constant 0 : index
    %get3A_7 = arith.constant 0 : index
    %get3A_8 = vector.load %arg3[%get3A_6, %get3A_7] : memref<1x128xf32, #tpu.memory_space<vmem>>, vector<1x128xf32>
    %add3A = vector.broadcast %get3A_8 : vector<1x128xf32> to vector<5000x128xf32>
    %add3A_9 = arith.addf %dot_general3A_5, %add3A : vector<5000x128xf32>
    %max3A = arith.constant 0.000000e+00 : f32
    %max3A_10 = vector.broadcast %max3A : f32 to vector<5000x128xf32>
    %max3A_11 = arith.maximumf %add3A_9, %max3A_10 : vector<5000x128xf32>
    %get3A_12 = arith.constant 0 : index
    %get3A_13 = arith.constant 0 : index
    %get3A_14 = vector.load %arg4[%get3A_12, %get3A_13] : memref<128x128xf32, #tpu.memory_space<vmem>>, vector<128x128xf32>
    %dot_general3A_15 = arith.constant dense<0.000000e+00> : vector<5000x128xf32>
    %dot_general3A_16 = tpu.matmul %max3A_11, %get3A_14, %dot_general3A_15 {dimension_numbers = #tpu.dot_dimension_numbers<[1], [0], [0], [1], [0, 0, 1, 1], [], []>, transpose_lhs_hint = false} : vector<5000x128xf32>, vector<128x128xf32>, vector<5000x128xf32> -> vector<5000x128xf32>
    %get3A_17 = arith.constant 0 : index
    %get3A_18 = arith.constant 0 : index
    %get3A_19 = vector.load %arg5[%get3A_17, %get3A_18] : memref<1x128xf32, #tpu.memory_space<vmem>>, vector<1x128xf32>
    %add3A_20 = vector.broadcast %get3A_19 : vector<1x128xf32> to vector<5000x128xf32>
    %add3A_21 = arith.addf %dot_general3A_16, %add3A_20 : vector<5000x128xf32>
    %swap3A = arith.constant 0 : index
    %swap3A_22 = arith.constant 0 : index
    %swap3A_23 = vector.load %arg6[%swap3A, %swap3A_22] : memref<5000x128xf32, #tpu.memory_space<vmem>>, vector<5000x128xf32>
    tpu.vector_store %arg6[%swap3A, %swap3A_22], %add3A_21 {strides = array<i32>} : memref<5000x128xf32, #tpu.memory_space<vmem>>, vector<5000x128xf32>,
    return
  }
  func.func @transform_0(%arg0: i32) -> (i32, i32) {
    %c0_i32 = arith.constant 0 : i32
    %c0_i32_0 = arith.constant 0 : i32
    return %arg0, %c0_i32 : i32, i32
  }
  func.func @transform_1(%arg0: i32) -> (i32, i32) {
    %c0_i32 = arith.constant 0 : i32
    %c0_i32_0 = arith.constant 0 : i32
    %c0_i32_1 = arith.constant 0 : i32
    return %c0_i32, %c0_i32_0 : i32, i32
  }
  func.func @transform_2(%arg0: i32) -> (i32, i32) {
    %c0_i32 = arith.constant 0 : i32
    %c0_i32_0 = arith.constant 0 : i32
    %c0_i32_1 = arith.constant 0 : i32
    return %c0_i32, %c0_i32_0 : i32, i32
  }
  func.func @transform_3(%arg0: i32) -> (i32, i32) {
    %c0_i32 = arith.constant 0 : i32
    %c0_i32_0 = arith.constant 0 : i32
    %c0_i32_1 = arith.constant 0 : i32
    return %c0_i32, %c0_i32_0 : i32, i32
  }
  func.func @transform_4(%arg0: i32) -> (i32, i32) {
    %c0_i32 = arith.constant 0 : i32
    %c0_i32_0 = arith.constant 0 : i32
    %c0_i32_1 = arith.constant 0 : i32
    return %c0_i32, %c0_i32_0 : i32, i32
  }
  func.func @transform_5(%arg0: i32) -> (i32, i32) {
    %c0_i32 = arith.constant 0 : i32
    %c0_i32_0 = arith.constant 0 : i32
    return %arg0, %c0_i32 : i32, i32
  }
}

</mosaic_0001>

<sc_bundles>
// kernel: kernel.4.cloned.1.call-start
scs
__scs_entry_jumppad:
0x0: {  	(pc) =	sbr.rel $0x88, $3  }
0x1: {  	(tag) =	ssettag $0x0;
	lr =	simm.s32 $0x1  }
0x2: {  	[smem:$0x3F9B] =	sst lr;
	_ =	strace $0xD0000000  }
0x3: {  	_ = 	snop  }
0x4: {  	_ = 	snop  }
0x5: {  	_ = 	snop  }
0x6: {  	_ = 	snop  }
0x7: {  	_ = 	snop  }
__scs_overlays_trampoline_lowered:
0x8: {  	[smem:$0x3FAA] =	sst s0  }
0x9: {  	[smem:$0x3FAB] =	sst s1  }
0xa: {  	[smem:$0x3FAC] =	sst s2  }
0xb: {  	[smem:$0x3FAD] =	sst s3  }
0xc: {  	[smem:$0x3FAE] =	sst s4  }
0xd: {  	[smem:$0x3FAF] =	sst s5  }
0xe: {  	[smem:$0x3FB0] =	sst s6  }
0xf: {  	[smem:$0x3FB1] =	sst s7  }
0x10: {  	[smem:$0x3FB2] =	sst s8  }
0x11: {  	[smem:$0x3FB3] =	sst s9;
	s0 =	simm.s32 @!p0 $0x0  }
0x12: {  	s1 =	sld [smem:$0x3F99];
	s0 =	simm.s32 @p0 $0x1  }
0x13: {  	[smem:$0x3FB4] =	sst s0;
	s0 =	simm.s32 @!p1 $0x0  }
0x14: {  	s2 =	sld [smem:$0x3F98];
	s0 =	simm.s32 @p1 $0x1  }
0x15: {  	[smem:$0x3FB5] =	sst s0;
	s0 =	simm.s32 @!p2 $0x0  }
0x16: {  	s3 =	sld [smem:$0x3FDB];
	s0 =	simm.s32 @p2 $0x1  }
0x17: {  	s4 =	simm.s32 $0x1BF5;
	[smem:$0x3FB7] =	sst s0  }
0x18: {  	s0 =	sld [smem:$0x3F9A];
	_ =	swait.ge [sflag:s4], $0x0  }
0x19: {  	s7 =	sld [smem:$0x3F9B]  }
0x1a: {  	s8 =	sadd.s32 $0xFFFFE003, lr  }
0x1b: {  	s9 =	sadd.s32 $0xFFFFFEF7, lr;
	s5 =	simm.s32 $0xFFFFFFFF;
	p2 =	slt.u32 s8, $0xFFFFF086  }
0x1c: {  	p1 =	slt.u32 s9, $0xF7A;
	s5 =	simm.s32 @!p2 $0x0  }
0x1d: {  	s5 =	simm.s32 @p1 $0x1;
	p0 =	seq.s32 s7, s2  }
0x1e: {  	s7 =	smul.u32 @!p0 $0xF7A, s2;
	p2 =	seq.s32 @!p0 s5, $0x0  }
0x1f: {  	s9 =	smul.u32 $0xF7A, s1;
	s8 =	simm.s32 @!p0 $0x1BF5;
	p2 =	por !p2, p0  }
0x20: {  	[sflag:s8] =	ssyncset.s32 @!p0 $0xFFFFF086;
	s6 =	sadd.s32 @!p0 s3, s7;
	s7 =	simm.s32 @!p0 $0x108  }
0x21: {  	s3 =	sadd.s32 s3, s9;
	s6 =	sadd.s32 @!p0 $0x88, s6;
	s7 =	simm.s32 @p2 $0x1082  }
0x22: {  	[simem:s7], [sflag:s8] =	dma.local @!p0 [hbm:s6], $0xF7A  }
0x23: {  	s9 =	sor.u32 $0xD0000000, s2;
	s6 =	simm.s32 $0x108;
	_ =	swait.ge @!p0 [sflag:s8], $0x0  }
0x24: {  	s3 =	sadd.s32 $0x88, s3;
	s6 =	simm.s32 @!p1 $0x1082;
	[sflag:s4] =	ssyncset.s32 $0xFFFFF086  }
0x25: {  	[simem:s6], [sflag:s4] =	dma.local [hbm:s3], $0xF7A  }
0x26: {  	[smem:$0x3F9B] =	sst s1;
	(tag) =	ssettag s2;
	_ =	strace s9  }
0x27: {  	s1 =	sld [smem:$0x3FAB]  }
0x28: {  	s2 =	sld [smem:$0x3FAC]  }
0x29: {  	s4 =	sld [smem:$0x3FAE]  }
0x2a: {  	p0 =	seq.s32 s5, $0x0;
	s5 =	sld [smem:$0x3FAF]  }
0x2b: {  	s6 =	sld [smem:$0x3FB0]  }
0x2c: {  	s7 =	sld [smem:$0x3FB1]  }
0x2d: {  	s3 =	simm.s32 $0x108;
	s8 =	sld [smem:$0x3FB2]  }
0x2e: {  	s3 =	simm.s32 @!p0 $0x1082;
	s9 =	sld [smem:$0x3FB3]  }
0x2f: {  	lr =	sadd.s32 s0, s3;
	s0 =	sld [smem:$0x3FAA]  }
0x30: {  	s3 =	sld [smem:$0x3FAD]  }
0x31: {  	[smem:$0x3FB6] =	sst s10  }
0x32: {  	s10 =	sld [smem:$0x3FB4];
	_ =	sdelay $0x3  }
0x33: {  	p0 =	seq.s32 s10, $0x1;
	s10 =	sld [smem:$0x3FB6];
	_ =	sdelay $0x3  }
0x34: {  	[smem:$0x3FB6] =	sst s10  }
0x35: {  	s10 =	sld [smem:$0x3FB5];
	_ =	sdelay $0x3  }
0x36: {  	p1 =	seq.s32 s10, $0x1;
	s10 =	sld [smem:$0x3FB6];
	_ =	sdelay $0x3  }
0x37: {  	[smem:$0x3FB6] =	sst s10  }
0x38: {  	s10 =	sld [smem:$0x3FB7]  }
0x39: {  	_ = 	snop;
	(pc) =	sbr.ind lr, $3  }
0x3a: {  	_ = 	snop  }
0x3b: {  	_ = 	snop  }
0x3c: {  	p2 =	seq.s32 s10, $0x1;
	s10 =	sld [smem:$0x3FB6]  }
0x3d: {  	_ =	shalt  }
0x3e: {  	_ =	shalt  }
0x3f: {  	_ =	shalt  }
0x40: {  	_ =	shalt  }
0x41: {  	_ =	shalt  }
0x42: {  	_ =	shalt  }
0x43: {  	_ =	shalt  }
0x44: {  	_ =	shalt  }
0x45: {  	_ =	shalt  }
0x46: {  	_ =	shalt  }
0x47: {  	_ =	shalt  }
0x48: {  	_ =	shalt  }
0x49: {  	_ =	shalt  }
0x4a: {  	_ =	shalt  }
0x4b: {  	_ =	shalt  }
0x4c: {  	_ =	shalt  }
0x4d: {  	_ =	shalt  }
0x4e: {  	_ =	shalt  }
0x4f: {  	_ =	shalt  }
0x50: {  	_ =	shalt  }
0x51: {  	_ =	shalt  }
0x52: {  	_ =	shalt  }
0x53: {  	_ =	shalt  }
0x54: {  	_ =	shalt  }
0x55: {  	_ =	shalt  }
0x56: {  	_ =	shalt  }
0x57: {  	_ =	shalt  }
0x58: {  	_ =	shalt  }
0x59: {  	_ =	shalt  }
0x5a: {  	_ =	shalt  }
0x5b: {  	_ =	shalt  }
0x5c: {  	_ =	shalt  }
0x5d: {  	_ =	shalt  }
0x5e: {  	_ =	shalt  }
0x5f: {  	_ =	shalt  }
0x60: {  	_ =	shalt  }
0x61: {  	_ =	shalt  }
0x62: {  	_ =	shalt  }
0x63: {  	_ =	shalt  }
0x64: {  	_ =	shalt  }
0x65: {  	_ =	shalt  }
0x66: {  	_ =	shalt  }
0x67: {  	_ =	shalt  }
0x68: {  	_ =	shalt  }
0x69: {  	_ =	shalt  }
0x6a: {  	_ =	shalt  }
0x6b: {  	_ =	shalt  }
0x6c: {  	_ =	shalt  }
0x6d: {  	_ =	shalt  }
0x6e: {  	_ =	shalt  }
0x6f: {  	_ =	shalt  }
0x70: {  	_ =	shalt  }
0x71: {  	_ =	shalt  }
0x72: {  	_ =	shalt  }
0x73: {  	_ =	shalt  }
0x74: {  	_ =	shalt  }
0x75: {  	_ =	shalt  }
0x76: {  	_ =	shalt  }
0x77: {  	_ =	shalt  }
0x78: {  	_ =	shalt  }
0x79: {  	_ =	shalt  }
0x7a: {  	_ =	shalt  }
0x7b: {  	_ =	shalt  }
0x7c: {  	_ =	shalt  }
0x7d: {  	_ =	shalt  }
0x7e: {  	_ =	shalt  }
0x7f: {  	_ =	shalt  }
0x80: {  	_ =	shalt  }
0x81: {  	_ =	shalt  }
0x82: {  	_ =	shalt  }
0x83: {  	_ =	shalt  }
0x84: {  	_ =	shalt  }
0x85: {  	_ =	shalt  }
0x86: {  	_ =	shalt  }
0x87: {  	_ =	shalt  }
.Lfunc_end0:
.L_simem_size_0:
called_computation_lowered:
.L_overlay_start_0:
0x88: {  	s2 =	sld [smem:$0x3FD9]  }
0x89: {  	s3 =	sld [smem:$0x3FFE];
	_ =	sdelay $0x1  }
0x8a: {  	s1 =	srdreg.scid  }
0x8b: {  	s0 =	sand.u32 $0x1, s1  }
0x8c: {  	s17 =	sshll.u32 s0, $0xA;
	s2 =	sadd.s32 s3, s2  }
0x8d: {  	s2 =	sadd.s32 s2, s17  }
0x8e: {  	[smem:$0x3FC2] =	sst s2  }
0x8f: {  	_ = 	snop  }
0x90: {  	s2 =	sld [smem:$0x3FC9]  }
0x91: {  	s18 =	sld [smem:$0x3FD0];
	(tm) =	ssettm $0x1  }
0x92: {  	s4 =	sld [smem:$0x3FFB];
	_ =	sdelay $0x3  }
0x93: {  	_ =	strace s4  }
0x94: {  	s4 =	sld [smem:$0x3FFC];
	_ =	sdelay $0x3  }
0x95: {  	_ =	strace s4  }
0x96: {  	s4 =	sld [smem:$0x3FFD];
	_ =	sdelay $0x3  }
0x97: {  	_ =	strace s4  }
0x98: {  	_ =	strace $0x8FFFFFFF  }
0x99: {  	s19 =	sld [smem:$0x3FDB];
	_ =	sdelay $0x1  }
0x9a: {  	s5 =	simm.s32 $_scs_section_size  }
0x9b: {  	s6 =	simm.s32 $_size__tile_overlayer_lowered;
	s7 =	simm.s32 $_tile_overlayer_lowered  }
0x9c: {  	s22 =	simm.s32 $0x1BFF;
	s21 =	sshll.u32 s7, $0x1;
	s4 =	sadd.s32 s5, s19  }
0x9d: {  	s8 =	simm.s32 $0x0;
	s20 =	sshll.u32 s6, $0x1;
	s6 =	sadd.s32 s21, s4  }
0x9e: {  	[timem:s8], [sflag:s22] =	dma.local [hbm:s6], s20  }
0x9f: {  	_ =	swait.ge [sflag:s22], s20  }
0xa0: {  	s5 =	ssub.s32 $0x0, s20;
	[sflag:s22] =	ssyncset.done $0x0  }
0xa1: {  	[sflag:s22] =	ssyncadd.s32 s5;
	_ =	sdelay $0x1  }
0xa2: {  	s23 =	simm.s32 $0x1B8B  }
0xa3: {  	_ =	swait.ge [sflag:s23], $0x1  }
0xa4: {  	[sflag:s23] =	ssyncset.done $0x0  }
0xa5: {  	s25 =	simm.s32 $0x1B8E;
	s24 =	sld [smem:$0x3FFE];
	[sflag:s23] =	ssyncadd.s32 $0xFFFFFFFF  }
0xa6: {  	s26 =	simm.s32 $execute0_lowered;
	[smem:$0x3FD2] =	sst s25  }
0xa7: {  	s6 =	sshll.u32 s26, $0x1;
	_ =	strace $0x80000046;
	[dreg:$0x1] =	wrdreg $0xFFFFFFFF  }
0xa8: {  	s28 =	simm.s32 $_size_execute0_lowered;
	s4 =	sadd.s32 s4, s6;
	[dreg:$0x0] =	wrdreg $0x0  }
0xa9: {  	s6 =	sshll.u32 s28, $0x1;
	[dreg:$0x2] =	wrdreg s4  }
0xaa: {  	[dreg:$0x3] =	wrdreg s6  }
0xab: {  	[dreg:$0x4] =	wrdreg $0xC0  }
0xac: {  	_ =	task [dreg:s8], $0x5FFFF  }
0xad: {  	[dreg:$0x1] =	wrdreg $0xFFFFFFFF  }
0xae: {  	[dreg:$0x0] =	wrdreg $0x60  }
0xaf: {  	[dreg:$0x2] =	wrdreg s2  }
0xb0: {  	[dreg:$0x3] =	wrdreg s24  }
0xb1: {  	[dreg:$0x4] =	wrdreg s18  }
0xb2: {  	[dreg:$0x5] =	wrdreg $0x0  }
0xb3: {  	[dreg:$0x6] =	wrdreg $0x9C400  }
0xb4: {  	[dreg:$0x7] =	wrdreg $0x9  }
0xb5: {  	_ =	task.clear_ibuf [dreg:s8], $0x8FFFF;
	_ =	strace $0x90000046  }
0xb6: {  	s29 =	simm.s32 $0x9;
	_ =	strace $0x80000048  }
0xb7: {  	_ =	swait.ge [sflag:s29], $0x1  }
0xb8: {  	[sflag:s29] =	ssyncadd.s32 $0xFFFFFFFF  }
0xb9: {  	_ =	strace $0x90000048  }
0xba: {  	_ =	sfence  }
0xbb: {  	s30 =	sld [smem:$0x0];
	_ =	sdelay $0x2  }
0xbc: {  	s31 =	sshll.u32 s1, $0xD;
	s1 =	sshrl.u32 s1, $0x2  }
0xbd: {  	s3 =	sand.u32 $0x4000, s31;
	s1 =	sadd.s32 s1, s30  }
0xbe: {  	s0 =	sor.u32 s3, s0;
	s1 =	sshll.u32 s1, $0x11  }
0xbf: {  	s0 =	sor.u32 s1, s0  }
0xc0: {  	s0 =	sadd.s32 $0x8F2B, s0  }
0xc1: {  	[sflag:s0] =	ssyncadd.remote.s32 $0x1  }
0xc2: {  	_ =	sfence.sel $0xFFFF  }
0xc3: {  	[dreg:$0x0] =	wrdreg $0xFFFFFFFF;
	(pc) =	sbr.abs _section_cstart, $3  }
0xc4: {  	[dreg:$0x1] =	wrdreg $0xFFFFFFFF  }
0xc5: {  	_ =	task.clear_ibuf [dreg:s8], $0x2FFFF;
	_ =	strace $0x9FFFFFFF  }
0xc6: {  	(tm) =	ssettm $0x7FFFFFFF  }
0xc7: {  	_ =	shalt  }
tec
execute0_lowered:
.L_overlay_start_1:
0x0: {  	(tag) =	ssettag $0x1  }
0x1: {  	s0 =	rddreg [dreg:$0x0]  }
0x2: {  	s1 =	rddreg [dreg:$0x1]  }
0x3: {  	s5 =	rddreg [dreg:$0x2]  }
0x4: {  	s2 =	rddreg [dreg:$0x3]  }
0x5: {  	s3 =	rddreg [dreg:$0x4]  }
0x6: {  	s4 =	simm.s32 $0x0;
	s11 =	stileid.u32;
	s7 =	srdreg.scid  }
0x7: {  	s28 =	simm.s32 $0x7D;
	s29 =	simm.s32 $0x17880;
	s6 =	smul.u32 $0x5000, s11  }
0x8: {  	s31 =	simm.s32 $0x197C0;
	s30 =	simm.s32 $0x0;
	s8 =	smul.u32 $0x13880, s11  }
0x9: {  	[smem:$0x7FF] =	sst s4;
	s7 =	sand.u32 $0x1, s7;
	s26 =	smul.u32 $0x9C40, s11  }
0xa: {  	_ =	strace $0x80000047;
	s25 =	ssub.s32 $0x2, s7;
	s6 =	sshrl.u32 s6, $0x3  }
0xb: {  	s7 =	sshll.u32 s7, $0x6;
	s14 =	sadd.s32 s26, s3;
	s1 =	sadd.s32 s6, s1  }
0xc: {  	s9 =	sshrl.u32 s25, $0x1;
	[dreg:$0x8] =	wrdreg s14;
	s10 =	sadd.s32 $0xE00, s1  }
0xd: {  	s7 =	sor.u32 s7, s8;
	s13 =	sadd.s32 $0xAE00, s1;
	[dreg:$0x6] =	wrdreg s10  }
0xe: {  	s6 =	ssub.s32 s25, s9;
	s15 =	sadd.s32 $0x1000, s1;
	[dreg:$0x7] =	wrdreg s13  }
0xf: {  	s12 =	sshrl.u32 s7, $0x3;
	s16 =	sadd.s32 $0xB000, s1;
	[dreg:$0x9] =	wrdreg s15  }
0x10: {  	s25 =	sshll.u32 s11, $0x6;
	s17 =	sadd.s32 $0x1200, s1;
	[dreg:$0xa] =	wrdreg s16  }
0x11: {  	s9 =	simm.s32 $0x1D640;
	s18 =	sadd.s32 $0xB200, s1;
	[dreg:$0xb] =	wrdreg s17  }
0x12: {  	s11 =	simm.s32 $0x16880;
	s19 =	sadd.s32 $0x1400, s1;
	[dreg:$0xc] =	wrdreg s18  }
0x13: {  	s14 =	simm.s32 $0x4;
	s20 =	sadd.s32 $0xB400, s1;
	[dreg:$0xd] =	wrdreg s19  }
0x14: {  	s7 =	sadd.s32 s0, s12;
	s21 =	sadd.s32 $0x1600, s1;
	[dreg:$0xe] =	wrdreg s20  }
0x15: {  	s22 =	sadd.s32 $0xB600, s1;
	s23 =	sadd.s32 s5, s12;
	[dreg:$0xf] =	wrdreg s21  }
0x16: {  	s24 =	smax.u32 s6, $0x1;
	s6 =	simm.s32 $0x10;
	[dreg:$0x10] =	wrdreg s22  }
0x17: {  	s1 =	simm.s32 $0x1B700;
	s5 =	simm.s32 $0x2;
	[dreg:$0x11] =	wrdreg s23  }
0x18: {  	s12 =	simm.s32 $0x3;
	s10 =	sadd.s32 s26, s2;
	[dreg:$0x12] =	wrdreg s24  }
0x19: {  	s19 =	simm.s32 $0x13880;
	s20 =	simm.s32 $0xB;
	s21 =	simm.s32 $0x15880  }
0x1a: {  	s22 =	sor.u32 $0x1C0B, s25;
	s24 =	simm.s32 $0x1;
	s25 =	simm.s32 $0x8  }
0x1b: {  	s13 =	simm.s32 $0x5;
	s15 =	simm.s32 $0x6;
	s16 =	simm.s32 $0x7  }
0x1c: {  	s17 =	simm.s32 $0xA;
	s23 =	simm.s32 $0x16800;
	s26 =	sshrl.u32 s10, $0x3  }
0x1d: {  	s10 =	simm.s32 $0x14880;
	[dreg:$0x13] =	wrdreg s26;
	s26 =	simm.s32 $0x9  }
.LBB2_1:
0x1e: {  	s0 =	rddreg [dreg:$0x6]  }
0x1f: {  	[tilespmem:s19], [sflag:$0xB] =	stream.linear.gather [hbm4b:s0+s4], $0x1000, $0x38;
	[tilespmem:$0x1F580] =	vst v63  }
0x20: {  	_ =	swait.ge [sflag:s20], $0x1000  }
0x21: {  	[sflag:s20] =	ssyncset.done $0x0  }
0x22: {  	s8 =	rddreg [dreg:$0x7];
	[sflag:s20] =	ssyncadd.s32 $0xFFFFF000  }
0x23: {  	[tilespmem:s21], [sflag:$0xB] =	stream.linear.gather [hbm4b:s8+s4], $0x1000, $0x38;
	[tilespmem:$0x1F580] =	vst v63  }
0x24: {  	_ =	swait.ge [sflag:s20], $0x1000  }
0x25: {  	[sflag:s20] =	ssyncset.done $0x0  }
0x26: {  	s18 =	rddreg [dreg:$0x13];
	[sflag:s20] =	ssyncadd.s32 $0xFFFFF000  }
0x27: {  	[spmem:s18@s25], [sflag:s22] =	dma.strided [hbm:s7@s6], $0x1388, s24, $0x8   }
0x28: {  	_ =	swait.ge [sflag:s20], $0x1388  }
0x29: {  	[sflag:s20] =	ssyncset.done $0x0;
	s8 =	rddreg [dreg:$0x8]  }
0x2a: {  	[sflag:s20] =	ssyncadd.s32 $0xFFFFEC78;
	s0 =	sshrl.u32 s8, $0x3  }
0x2b: {  	[spmem:s0@s25], [sflag:s22] =	dma.strided [hbm:s7@s6], $0x1388, s24, $0x8   }
0x2c: {  	_ =	swait.ge [sflag:s20], $0x1388  }
0x2d: {  	[sflag:s20] =	ssyncset.done $0x0  }
0x2e: {  	[sflag:s20] =	ssyncadd.s32 $0xFFFFEC78  }
0x2f: {  	[bflag:$0x0] =	sbarrier.arrive $0xFFFF  }
0x30: {  	[tilespmem:s29], [sflag:$0x1] =	stream.indirect.gather [spmem:s2], $0x40, s19, s28, $0xb8;
	[tilespmem:$0x1F580] =	vst v63  }
0x31: {  	s18 =	simm.s32 $0x13900  }
0x32: {  	[tilespmem:s31], [sflag:$0x2] =	stream.indirect.gather [spmem:s2], $0x40, s18, s28, $0xb8;
	[tilespmem:$0x1F580] =	vst v63  }
0x33: {  	_ =	swait.ge [sflag:s24], $0x1F40  }
0x34: {  	[sflag:s24] =	ssyncset.done $0x0  }
0x35: {  	[sflag:s24] =	ssyncadd.s32 $0xFFFFE0C0  }
0x36: {  	[spmem:s3] =	stream.indirect.scatter.add.f32 [tilespmem:s29], [sflag:$0x5], $0x40, s21, s28, $0xb8;
	[tilespmem:$0x1F580] =	vst v63  }
0x37: {  	s8 =	simm.s32 $0x13980  }
0x38: {  	[tilespmem:s1], [sflag:$0x3] =	stream.indirect.gather [spmem:s2], $0x40, s8, s28, $0xb8;
	[tilespmem:$0x1F580] =	vst v63  }
0x39: {  	_ =	swait.ge [sflag:s5], $0x1F40  }
0x3a: {  	[sflag:s5] =	ssyncset.done $0x0  }
0x3b: {  	s18 =	simm.s32 $0x15900;
	[sflag:s5] =	ssyncadd.s32 $0xFFFFE0C0  }
0x3c: {  	[spmem:s3] =	stream.indirect.scatter.add.f32 [tilespmem:s31], [sflag:$0x6], $0x40, s18, s28, $0xb8;
	[tilespmem:$0x1F580] =	vst v63  }
0x3d: {  	s8 =	simm.s32 $0x13A00  }
0x3e: {  	[tilespmem:s9], [sflag:$0x4] =	stream.indirect.gather [spmem:s2], $0x40, s8, s28, $0xb8;
	[tilespmem:$0x1F580] =	vst v63  }
0x3f: {  	s18 =	rddreg [dreg:$0x9]  }
0x40: {  	[tilespmem:s10], [sflag:$0xA] =	stream.linear.gather [hbm4b:s18+s4], $0x1000, $0x38;
	[tilespmem:$0x1F580] =	vst v63  }
0x41: {  	s8 =	rddreg [dreg:$0xa]  }
0x42: {  	[tilespmem:s11], [sflag:$0xA] =	stream.linear.gather [hbm4b:s8+s4], $0x1000, $0x38;
	[tilespmem:$0x1F580] =	vst v63  }
0x43: {  	_ =	swait.ge [sflag:s12], $0x1F40  }
0x44: {  	[sflag:s12] =	ssyncset.done $0x0  }
0x45: {  	s18 =	simm.s32 $0x15980;
	[sflag:s12] =	ssyncadd.s32 $0xFFFFE0C0  }
0x46: {  	[spmem:s3] =	stream.indirect.scatter.add.f32 [tilespmem:s1], [sflag:$0x7], $0x40, s18, s28, $0xb8;
	[tilespmem:$0x1F580] =	vst v63  }
0x47: {  	_ =	swait.ge [sflag:s13], $0x1F40  }
0x48: {  	[sflag:s13] =	ssyncset.done $0x0  }
0x49: {  	s8 =	simm.s32 $0x13A80;
	[sflag:s13] =	ssyncadd.s32 $0xFFFFE0C0  }
0x4a: {  	[tilespmem:s29], [sflag:$0x1] =	stream.indirect.gather [spmem:s2], $0x40, s8, s28, $0xb8;
	[tilespmem:$0x1F580] =	vst v63  }
0x4b: {  	_ =	swait.ge [sflag:s14], $0x1F40  }
0x4c: {  	[sflag:s14] =	ssyncset.done $0x0  }
0x4d: {  	s18 =	simm.s32 $0x15A00;
	[sflag:s14] =	ssyncadd.s32 $0xFFFFE0C0  }
0x4e: {  	[spmem:s3] =	stream.indirect.scatter.add.f32 [tilespmem:s9], [sflag:$0x8], $0x40, s18, s28, $0xb8;
	[tilespmem:$0x1F580] =	vst v63  }
0x4f: {  	_ =	swait.ge [sflag:s15], $0x1F40  }
0x50: {  	[sflag:s15] =	ssyncset.done $0x0  }
0x51: {  	s8 =	simm.s32 $0x13B00;
	[sflag:s15] =	ssyncadd.s32 $0xFFFFE0C0  }
0x52: {  	[tilespmem:s31], [sflag:$0x2] =	stream.indirect.gather [spmem:s2], $0x40, s8, s28, $0xb8;
	[tilespmem:$0x1F580] =	vst v63  }
0x53: {  	_ =	swait.ge [sflag:s24], $0x1F40  }
0x54: {  	[sflag:s24] =	ssyncset.done $0x0  }
0x55: {  	s18 =	simm.s32 $0x15A80;
	[sflag:s24] =	ssyncadd.s32 $0xFFFFE0C0  }
0x56: {  	[spmem:s3] =	stream.indirect.scatter.add.f32 [tilespmem:s29], [sflag:$0x5], $0x40, s18, s28, $0xb8;
	[tilespmem:$0x1F580] =	vst v63  }
0x57: {  	_ =	swait.ge [sflag:s16], $0x1F40  }
0x58: {  	[sflag:s16] =	ssyncset.done $0x0  }
0x59: {  	s8 =	simm.s32 $0x13B80;
	[sflag:s16] =	ssyncadd.s32 $0xFFFFE0C0  }
0x5a: {  	[tilespmem:s1], [sflag:$0x3] =	stream.indirect.gather [spmem:s2], $0x40, s8, s28, $0xb8;
	[tilespmem:$0x1F580] =	vst v63  }
0x5b: {  	_ =	swait.ge [sflag:s5], $0x1F40  }
0x5c: {  	[sflag:s5] =	ssyncset.done $0x0  }
0x5d: {  	s18 =	simm.s32 $0x15B00;
	[sflag:s5] =	ssyncadd.s32 $0xFFFFE0C0  }
0x5e: {  	[spmem:s3] =	stream.indirect.scatter.add.f32 [tilespmem:s31], [sflag:$0x6], $0x40, s18, s28, $0xb8;
	[tilespmem:$0x1F580] =	vst v63  }
0x5f: {  	_ =	swait.ge [sflag:s25], $0x1F40  }
0x60: {  	[sflag:s25] =	ssyncset.done $0x0  }
0x61: {  	s6 =	simm.s32 $0x800;
	s8 =	simm.s32 $0x13C00;
	[sflag:s25] =	ssyncadd.s32 $0xFFFFE0C0  }
.LBB2_2:
0x62: {  	[tilespmem:s9], [sflag:$0x4] =	stream.indirect.gather [spmem:s2], $0x40, s8, s28, $0xb8;
	[tilespmem:$0x1F580] =	vst v63  }
0x63: {  	s8 =	smov.u32 s6  }
0x64: {  	p0 =	sne.s32 s6, $0x3000;
	s6 =	sadd.s32 $0x800, s6;
	_ =	swait.ge [sflag:s12], $0x1F40  }
0x65: {  	s8 =	sshra.s32 s8, $0x2;
	[sflag:s12] =	ssyncset.done $0x0  }
0x66: {  	s18 =	sadd.s32 $0x15980, s8;
	[sflag:s12] =	ssyncadd.s32 $0xFFFFE0C0  }
0x67: {  	[spmem:s3] =	stream.indirect.scatter.add.f32 [tilespmem:s1], [sflag:$0x7], $0x40, s18, s28, $0xb8;
	[tilespmem:$0x1F580] =	vst v63  }
0x68: {  	_ =	swait.ge [sflag:s13], $0x1F40  }
0x69: {  	[sflag:s13] =	ssyncset.done $0x0  }
0x6a: {  	s18 =	sadd.s32 $0x13A80, s8;
	[sflag:s13] =	ssyncadd.s32 $0xFFFFE0C0  }
0x6b: {  	[tilespmem:s29], [sflag:$0x1] =	stream.indirect.gather [spmem:s2], $0x40, s18, s28, $0xb8;
	[tilespmem:$0x1F580] =	vst v63  }
0x6c: {  	_ =	swait.ge [sflag:s14], $0x1F40  }
0x6d: {  	[sflag:s14] =	ssyncset.done $0x0  }
0x6e: {  	s18 =	sadd.s32 $0x15A00, s8;
	[sflag:s14] =	ssyncadd.s32 $0xFFFFE0C0  }
0x6f: {  	[spmem:s3] =	stream.indirect.scatter.add.f32 [tilespmem:s9], [sflag:$0x8], $0x40, s18, s28, $0xb8;
	[tilespmem:$0x1F580] =	vst v63  }
0x70: {  	_ =	swait.ge [sflag:s15], $0x1F40  }
0x71: {  	[sflag:s15] =	ssyncset.done $0x0  }
0x72: {  	s18 =	sadd.s32 $0x13B00, s8;
	[sflag:s15] =	ssyncadd.s32 $0xFFFFE0C0  }
0x73: {  	[tilespmem:s31], [sflag:$0x2] =	stream.indirect.gather [spmem:s2], $0x40, s18, s28, $0xb8;
	[tilespmem:$0x1F580] =	vst v63  }
0x74: {  	_ =	swait.ge [sflag:s24], $0x1F40  }
0x75: {  	[sflag:s24] =	ssyncset.done $0x0  }
0x76: {  	s18 =	sadd.s32 $0x15A80, s8;
	[sflag:s24] =	ssyncadd.s32 $0xFFFFE0C0  }
0x77: {  	[spmem:s3] =	stream.indirect.scatter.add.f32 [tilespmem:s29], [sflag:$0x5], $0x40, s18, s28, $0xb8;
	[tilespmem:$0x1F580] =	vst v63  }
0x78: {  	_ =	swait.ge [sflag:s16], $0x1F40  }
0x79: {  	[sflag:s16] =	ssyncset.done $0x0  }
0x7a: {  	s18 =	sadd.s32 $0x13B80, s8;
	[sflag:s16] =	ssyncadd.s32 $0xFFFFE0C0  }
0x7b: {  	[tilespmem:s1], [sflag:$0x3] =	stream.indirect.gather [spmem:s2], $0x40, s18, s28, $0xb8;
	[tilespmem:$0x1F580] =	vst v63  }
0x7c: {  	_ =	swait.ge [sflag:s5], $0x1F40  }
0x7d: {  	[sflag:s5] =	ssyncset.done $0x0  }
.Ltmp0:
0x7e: {  	s18 =	sadd.s32 $0x15B00, s8;
	[sflag:s5] =	ssyncadd.s32 $0xFFFFE0C0;
	(pc) =	sbr.rel @p0 .LBB2_2-.Ltmp0, $4  }
0x7f: {  	[spmem:s3] =	stream.indirect.scatter.add.f32 [tilespmem:s31], [sflag:$0x6], $0x40, s18, s28, $0xb8;
	[tilespmem:$0x1F580] =	vst v63  }
0x80: {  	_ =	swait.ge [sflag:s25], $0x1F40  }
0x81: {  	[sflag:s25] =	ssyncset.done $0x0  }
0x82: {  	s8 =	sadd.s32 $0x13C00, s8;
	[sflag:s25] =	ssyncadd.s32 $0xFFFFE0C0  }
0x83: {  	[tilespmem:s9], [sflag:$0x4] =	stream.indirect.gather [spmem:s2], $0x40, s8, s28, $0xb8;
	[tilespmem:$0x1F580] =	vst v63  }
0x84: {  	_ =	swait.ge [sflag:s17], $0x1000  }
0x85: {  	[sflag:s17] =	ssyncset.done $0x0  }
0x86: {  	[sflag:s17] =	ssyncadd.s32 $0xFFFFF000  }
0x87: {  	_ =	swait.ge [sflag:s17], $0x1000  }
0x88: {  	[sflag:s17] =	ssyncset.done $0x0  }
0x89: {  	[sflag:s17] =	ssyncadd.s32 $0xFFFFF000  }
0x8a: {  	_ =	swait.ge [sflag:s12], $0x1F40  }
0x8b: {  	[sflag:s12] =	ssyncset.done $0x0  }
0x8c: {  	s6 =	simm.s32 $0x16780;
	[sflag:s12] =	ssyncadd.s32 $0xFFFFE0C0  }
0x8d: {  	[spmem:s3] =	stream.indirect.scatter.add.f32 [tilespmem:s1], [sflag:$0x7], $0x40, s6, s28, $0xb8;
	[tilespmem:$0x1F580] =	vst v63  }
0x8e: {  	_ =	swait.ge [sflag:s13], $0x1F40  }
0x8f: {  	[sflag:s13] =	ssyncset.done $0x0  }
0x90: {  	[sflag:s13] =	ssyncadd.s32 $0xFFFFE0C0  }
0x91: {  	[tilespmem:s29], [sflag:$0x1] =	stream.indirect.gather [spmem:s2], $0x40, s10, s28, $0xb8;
	[tilespmem:$0x1F580] =	vst v63  }
0x92: {  	_ =	swait.ge [sflag:s14], $0x1F40  }
0x93: {  	[sflag:s14] =	ssyncset.done $0x0  }
0x94: {  	[sflag:s14] =	ssyncadd.s32 $0xFFFFE0C0  }
0x95: {  	[spmem:s3] =	stream.indirect.scatter.add.f32 [tilespmem:s9], [sflag:$0x8], $0x40, s23, s28, $0xb8;
	[tilespmem:$0x1F580] =	vst v63  }
0x96: {  	_ =	swait.ge [sflag:s15], $0x1F40  }
0x97: {  	[sflag:s15] =	ssyncset.done $0x0  }
0x98: {  	s18 =	simm.s32 $0x14900;
	[sflag:s15] =	ssyncadd.s32 $0xFFFFE0C0  }
0x99: {  	[tilespmem:s31], [sflag:$0x2] =	stream.indirect.gather [spmem:s2], $0x40, s18, s28, $0xb8;
	[tilespmem:$0x1F580] =	vst v63  }
0x9a: {  	_ =	swait.ge [sflag:s24], $0x1F40  }
0x9b: {  	[sflag:s24] =	ssyncset.done $0x0  }
0x9c: {  	[sflag:s24] =	ssyncadd.s32 $0xFFFFE0C0  }
0x9d: {  	[spmem:s3] =	stream.indirect.scatter.add.f32 [tilespmem:s29], [sflag:$0x5], $0x40, s11, s28, $0xb8;
	[tilespmem:$0x1F580] =	vst v63  }
0x9e: {  	_ =	swait.ge [sflag:s16], $0x1F40  }
0x9f: {  	[sflag:s16] =	ssyncset.done $0x0  }
0xa0: {  	s8 =	simm.s32 $0x14980;
	[sflag:s16] =	ssyncadd.s32 $0xFFFFE0C0  }
0xa1: {  	[tilespmem:s1], [sflag:$0x3] =	stream.indirect.gather [spmem:s2], $0x40, s8, s28, $0xb8;
	[tilespmem:$0x1F580] =	vst v63  }
0xa2: {  	_ =	swait.ge [sflag:s5], $0x1F40  }
0xa3: {  	[sflag:s5] =	ssyncset.done $0x0  }
0xa4: {  	s18 =	simm.s32 $0x16900;
	[sflag:s5] =	ssyncadd.s32 $0xFFFFE0C0  }
0xa5: {  	[spmem:s3] =	stream.indirect.scatter.add.f32 [tilespmem:s31], [sflag:$0x6], $0x40, s18, s28, $0xb8;
	[tilespmem:$0x1F580] =	vst v63  }
0xa6: {  	_ =	swait.ge [sflag:s25], $0x1F40  }
0xa7: {  	[sflag:s25] =	ssyncset.done $0x0  }
0xa8: {  	s8 =	simm.s32 $0x14A00;
	[sflag:s25] =	ssyncadd.s32 $0xFFFFE0C0  }
0xa9: {  	[tilespmem:s9], [sflag:$0x4] =	stream.indirect.gather [spmem:s2], $0x40, s8, s28, $0xb8;
	[tilespmem:$0x1F580] =	vst v63  }
0xaa: {  	s6 =	simm.s32 $0x0;
	s18 =	rddreg [dreg:$0xb]  }
0xab: {  	[tilespmem:s19], [sflag:$0x9] =	stream.linear.gather [hbm4b:s18+s6], $0x1000, $0x38;
	[tilespmem:$0x1F580] =	vst v63  }
0xac: {  	s18 =	rddreg [dreg:$0xc]  }
0xad: {  	[tilespmem:s21], [sflag:$0x9] =	stream.linear.gather [hbm4b:s18+s6], $0x1000, $0x38;
	[tilespmem:$0x1F580] =	vst v63  }
0xae: {  	_ =	swait.ge [sflag:s12], $0x1F40  }
0xaf: {  	[sflag:s12] =	ssyncset.done $0x0  }
0xb0: {  	s18 =	simm.s32 $0x16980;
	[sflag:s12] =	ssyncadd.s32 $0xFFFFE0C0  }
0xb1: {  	[spmem:s3] =	stream.indirect.scatter.add.f32 [tilespmem:s1], [sflag:$0x7], $0x40, s18, s28, $0xb8;
	[tilespmem:$0x1F580] =	vst v63  }
0xb2: {  	_ =	swait.ge [sflag:s13], $0x1F40  }
0xb3: {  	[sflag:s13] =	ssyncset.done $0x0  }
0xb4: {  	s8 =	simm.s32 $0x14A80;
	[sflag:s13] =	ssyncadd.s32 $0xFFFFE0C0  }
0xb5: {  	[tilespmem:s29], [sflag:$0x1] =	stream.indirect.gather [spmem:s2], $0x40, s8, s28, $0xb8;
	[tilespmem:$0x1F580] =	vst v63  }
0xb6: {  	_ =	swait.ge [sflag:s14], $0x1F40  }
0xb7: {  	[sflag:s14] =	ssyncset.done $0x0  }
0xb8: {  	s18 =	simm.s32 $0x16A00;
	[sflag:s14] =	ssyncadd.s32 $0xFFFFE0C0  }
0xb9: {  	[spmem:s3] =	stream.indirect.scatter.add.f32 [tilespmem:s9], [sflag:$0x8], $0x40, s18, s28, $0xb8;
	[tilespmem:$0x1F580] =	vst v63  }
0xba: {  	_ =	swait.ge [sflag:s15], $0x1F40  }
0xbb: {  	[sflag:s15] =	ssyncset.done $0x0  }
0xbc: {  	s8 =	simm.s32 $0x14B00;
	[sflag:s15] =	ssyncadd.s32 $0xFFFFE0C0  }
0xbd: {  	[tilespmem:s31], [sflag:$0x2] =	stream.indirect.gather [spmem:s2], $0x40, s8, s28, $0xb8;
	[tilespmem:$0x1F580] =	vst v63  }
0xbe: {  	_ =	swait.ge [sflag:s24], $0x1F40  }
0xbf: {  	[sflag:s24] =	ssyncset.done $0x0  }
0xc0: {  	s18 =	simm.s32 $0x16A80;
	[sflag:s24] =	ssyncadd.s32 $0xFFFFE0C0  }
0xc1: {  	[spmem:s3] =	stream.indirect.scatter.add.f32 [tilespmem:s29], [sflag:$0x5], $0x40, s18, s28, $0xb8;
	[tilespmem:$0x1F580] =	vst v63  }
0xc2: {  	_ =	swait.ge [sflag:s16], $0x1F40  }
0xc3: {  	[sflag:s16] =	ssyncset.done $0x0  }
0xc4: {  	s8 =	simm.s32 $0x14B80;
	[sflag:s16] =	ssyncadd.s32 $0xFFFFE0C0  }
0xc5: {  	[tilespmem:s1], [sflag:$0x3] =	stream.indirect.gather [spmem:s2], $0x40, s8, s28, $0xb8;
	[tilespmem:$0x1F580] =	vst v63  }
0xc6: {  	_ =	swait.ge [sflag:s5], $0x1F40  }
0xc7: {  	[sflag:s5] =	ssyncset.done $0x0  }
0xc8: {  	s18 =	simm.s32 $0x16B00;
	[sflag:s5] =	ssyncadd.s32 $0xFFFFE0C0  }
0xc9: {  	[spmem:s3] =	stream.indirect.scatter.add.f32 [tilespmem:s31], [sflag:$0x6], $0x40, s18, s28, $0xb8;
	[tilespmem:$0x1F580] =	vst v63  }
0xca: {  	_ =	swait.ge [sflag:s25], $0x1F40  }
0xcb: {  	[sflag:s25] =	ssyncset.done $0x0  }
0xcc: {  	s6 =	simm.s32 $0x800;
	s8 =	simm.s32 $0x14C00;
	[sflag:s25] =	ssyncadd.s32 $0xFFFFE0C0  }
.LBB2_4:
0xcd: {  	[tilespmem:s9], [sflag:$0x4] =	stream.indirect.gather [spmem:s2], $0x40, s8, s28, $0xb8;
	[tilespmem:$0x1F580] =	vst v63  }
0xce: {  	s8 =	smov.u32 s6  }
0xcf: {  	p0 =	sne.s32 s6, $0x3000;
	s6 =	sadd.s32 $0x800, s6;
	_ =	swait.ge [sflag:s12], $0x1F40  }
0xd0: {  	s8 =	sshra.s32 s8, $0x2;
	[sflag:s12] =	ssyncset.done $0x0  }
0xd1: {  	s18 =	sadd.s32 $0x16980, s8;
	[sflag:s12] =	ssyncadd.s32 $0xFFFFE0C0  }
0xd2: {  	[spmem:s3] =	stream.indirect.scatter.add.f32 [tilespmem:s1], [sflag:$0x7], $0x40, s18, s28, $0xb8;
	[tilespmem:$0x1F580] =	vst v63  }
0xd3: {  	_ =	swait.ge [sflag:s13], $0x1F40  }
0xd4: {  	[sflag:s13] =	ssyncset.done $0x0  }
0xd5: {  	s18 =	sadd.s32 $0x14A80, s8;
	[sflag:s13] =	ssyncadd.s32 $0xFFFFE0C0  }
0xd6: {  	[tilespmem:s29], [sflag:$0x1] =	stream.indirect.gather [spmem:s2], $0x40, s18, s28, $0xb8;
	[tilespmem:$0x1F580] =	vst v63  }
0xd7: {  	_ =	swait.ge [sflag:s14], $0x1F40  }
0xd8: {  	[sflag:s14] =	ssyncset.done $0x0  }
0xd9: {  	s18 =	sadd.s32 $0x16A00, s8;
	[sflag:s14] =	ssyncadd.s32 $0xFFFFE0C0  }
0xda: {  	[spmem:s3] =	stream.indirect.scatter.add.f32 [tilespmem:s9], [sflag:$0x8], $0x40, s18, s28, $0xb8;
	[tilespmem:$0x1F580] =	vst v63  }
0xdb: {  	_ =	swait.ge [sflag:s15], $0x1F40  }
0xdc: {  	[sflag:s15] =	ssyncset.done $0x0  }
0xdd: {  	s18 =	sadd.s32 $0x14B00, s8;
	[sflag:s15] =	ssyncadd.s32 $0xFFFFE0C0  }
0xde: {  	[tilespmem:s31], [sflag:$0x2] =	stream.indirect.gather [spmem:s2], $0x40, s18, s28, $0xb8;
	[tilespmem:$0x1F580] =	vst v63  }
0xdf: {  	_ =	swait.ge [sflag:s24], $0x1F40  }
0xe0: {  	[sflag:s24] =	ssyncset.done $0x0  }
0xe1: {  	s18 =	sadd.s32 $0x16A80, s8;
	[sflag:s24] =	ssyncadd.s32 $0xFFFFE0C0  }
0xe2: {  	[spmem:s3] =	stream.indirect.scatter.add.f32 [tilespmem:s29], [sflag:$0x5], $0x40, s18, s28, $0xb8;
	[tilespmem:$0x1F580] =	vst v63  }
0xe3: {  	_ =	swait.ge [sflag:s16], $0x1F40  }
0xe4: {  	[sflag:s16] =	ssyncset.done $0x0  }
0xe5: {  	s18 =	sadd.s32 $0x14B80, s8;
	[sflag:s16] =	ssyncadd.s32 $0xFFFFE0C0  }
0xe6: {  	[tilespmem:s1], [sflag:$0x3] =	stream.indirect.gather [spmem:s2], $0x40, s18, s28, $0xb8;
	[tilespmem:$0x1F580] =	vst v63  }
0xe7: {  	_ =	swait.ge [sflag:s5], $0x1F40  }
0xe8: {  	[sflag:s5] =	ssyncset.done $0x0  }
.Ltmp1:
0xe9: {  	s18 =	sadd.s32 $0x16B00, s8;
	[sflag:s5] =	ssyncadd.s32 $0xFFFFE0C0;
	(pc) =	sbr.rel @p0 .LBB2_4-.Ltmp1, $4  }
0xea: {  	[spmem:s3] =	stream.indirect.scatter.add.f32 [tilespmem:s31], [sflag:$0x6], $0x40, s18, s28, $0xb8;
	[tilespmem:$0x1F580] =	vst v63  }
0xeb: {  	_ =	swait.ge [sflag:s25], $0x1F40  }
0xec: {  	[sflag:s25] =	ssyncset.done $0x0  }
0xed: {  	s8 =	sadd.s32 $0x14C00, s8;
	[sflag:s25] =	ssyncadd.s32 $0xFFFFE0C0  }
0xee: {  	[tilespmem:s9], [sflag:$0x4] =	stream.indirect.gather [spmem:s2], $0x40, s8, s28, $0xb8;
	[tilespmem:$0x1F580] =	vst v63  }
0xef: {  	_ =	swait.ge [sflag:s26], $0x1000  }
0xf0: {  	[sflag:s26] =	ssyncset.done $0x0  }
0xf1: {  	[sflag:s26] =	ssyncadd.s32 $0xFFFFF000  }
0xf2: {  	_ =	swait.ge [sflag:s26], $0x1000  }
0xf3: {  	[sflag:s26] =	ssyncset.done $0x0  }
0xf4: {  	[sflag:s26] =	ssyncadd.s32 $0xFFFFF000  }
0xf5: {  	_ =	swait.ge [sflag:s12], $0x1F40  }
0xf6: {  	[sflag:s12] =	ssyncset.done $0x0  }
0xf7: {  	s6 =	simm.s32 $0x17780;
	[sflag:s12] =	ssyncadd.s32 $0xFFFFE0C0  }
0xf8: {  	[spmem:s3] =	stream.indirect.scatter.add.f32 [tilespmem:s1], [sflag:$0x7], $0x40, s6, s28, $0xb8;
	[tilespmem:$0x1F580] =	vst v63  }
0xf9: {  	_ =	swait.ge [sflag:s13], $0x1F40  }
0xfa: {  	[sflag:s13] =	ssyncset.done $0x0  }
0xfb: {  	[sflag:s13] =	ssyncadd.s32 $0xFFFFE0C0  }
0xfc: {  	[tilespmem:s29], [sflag:$0x1] =	stream.indirect.gather [spmem:s2], $0x40, s19, s28, $0xb8;
	[tilespmem:$0x1F580] =	vst v63  }
0xfd: {  	_ =	swait.ge [sflag:s14], $0x1F40  }
0xfe: {  	[sflag:s14] =	ssyncset.done $0x0  }
0xff: {  	s8 =	simm.s32 $0x17800;
	[sflag:s14] =	ssyncadd.s32 $0xFFFFE0C0  }
0x100: {  	[spmem:s3] =	stream.indirect.scatter.add.f32 [tilespmem:s9], [sflag:$0x8], $0x40, s8, s28, $0xb8;
	[tilespmem:$0x1F580] =	vst v63  }
0x101: {  	_ =	swait.ge [sflag:s15], $0x1F40  }
0x102: {  	[sflag:s15] =	ssyncset.done $0x0  }
0x103: {  	s18 =	simm.s32 $0x13900;
	[sflag:s15] =	ssyncadd.s32 $0xFFFFE0C0  }
0x104: {  	[tilespmem:s31], [sflag:$0x2] =	stream.indirect.gather [spmem:s2], $0x40, s18, s28, $0xb8;
	[tilespmem:$0x1F580] =	vst v63  }
0x105: {  	_ =	swait.ge [sflag:s24], $0x1F40  }
0x106: {  	[sflag:s24] =	ssyncset.done $0x0  }
0x107: {  	[sflag:s24] =	ssyncadd.s32 $0xFFFFE0C0  }
0x108: {  	[spmem:s3] =	stream.indirect.scatter.add.f32 [tilespmem:s29], [sflag:$0x5], $0x40, s21, s28, $0xb8;
	[tilespmem:$0x1F580] =	vst v63  }
0x109: {  	_ =	swait.ge [sflag:s16], $0x1F40  }
0x10a: {  	[sflag:s16] =	ssyncset.done $0x0  }
0x10b: {  	s8 =	simm.s32 $0x13980;
	[sflag:s16] =	ssyncadd.s32 $0xFFFFE0C0  }
0x10c: {  	[tilespmem:s1], [sflag:$0x3] =	stream.indirect.gather [spmem:s2], $0x40, s8, s28, $0xb8;
	[tilespmem:$0x1F580] =	vst v63  }
0x10d: {  	_ =	swait.ge [sflag:s5], $0x1F40  }
0x10e: {  	[sflag:s5] =	ssyncset.done $0x0  }
0x10f: {  	s18 =	simm.s32 $0x15900;
	[sflag:s5] =	ssyncadd.s32 $0xFFFFE0C0  }
0x110: {  	[spmem:s3] =	stream.indirect.scatter.add.f32 [tilespmem:s31], [sflag:$0x6], $0x40, s18, s28, $0xb8;
	[tilespmem:$0x1F580] =	vst v63  }
0x111: {  	_ =	swait.ge [sflag:s25], $0x1F40  }
0x112: {  	[sflag:s25] =	ssyncset.done $0x0  }
0x113: {  	s8 =	simm.s32 $0x13A00;
	[sflag:s25] =	ssyncadd.s32 $0xFFFFE0C0  }
0x114: {  	[tilespmem:s9], [sflag:$0x4] =	stream.indirect.gather [spmem:s2], $0x40, s8, s28, $0xb8;
	[tilespmem:$0x1F580] =	vst v63  }
0x115: {  	s6 =	simm.s32 $0x0;
	s18 =	rddreg [dreg:$0xd]  }
0x116: {  	[tilespmem:s10], [sflag:$0xA] =	stream.linear.gather [hbm4b:s18+s6], $0x1000, $0x38;
	[tilespmem:$0x1F580] =	vst v63  }
0x117: {  	s18 =	rddreg [dreg:$0xe]  }
0x118: {  	[tilespmem:s11], [sflag:$0xA] =	stream.linear.gather [hbm4b:s18+s6], $0x1000, $0x38;
	[tilespmem:$0x1F580] =	vst v63  }
0x119: {  	_ =	swait.ge [sflag:s12], $0x1F40  }
0x11a: {  	[sflag:s12] =	ssyncset.done $0x0  }
0x11b: {  	s18 =	simm.s32 $0x15980;
	[sflag:s12] =	ssyncadd.s32 $0xFFFFE0C0  }
0x11c: {  	[spmem:s3] =	stream.indirect.scatter.add.f32 [tilespmem:s1], [sflag:$0x7], $0x40, s18, s28, $0xb8;
	[tilespmem:$0x1F580] =	vst v63  }
0x11d: {  	_ =	swait.ge [sflag:s13], $0x1F40  }
0x11e: {  	[sflag:s13] =	ssyncset.done $0x0  }
0x11f: {  	s8 =	simm.s32 $0x13A80;
	[sflag:s13] =	ssyncadd.s32 $0xFFFFE0C0  }
0x120: {  	[tilespmem:s29], [sflag:$0x1] =	stream.indirect.gather [spmem:s2], $0x40, s8, s28, $0xb8;
	[tilespmem:$0x1F580] =	vst v63  }
0x121: {  	_ =	swait.ge [sflag:s14], $0x1F40  }
0x122: {  	[sflag:s14] =	ssyncset.done $0x0  }
0x123: {  	s18 =	simm.s32 $0x15A00;
	[sflag:s14] =	ssyncadd.s32 $0xFFFFE0C0  }
0x124: {  	[spmem:s3] =	stream.indirect.scatter.add.f32 [tilespmem:s9], [sflag:$0x8], $0x40, s18, s28, $0xb8;
	[tilespmem:$0x1F580] =	vst v63  }
0x125: {  	_ =	swait.ge [sflag:s15], $0x1F40  }
0x126: {  	[sflag:s15] =	ssyncset.done $0x0  }
0x127: {  	s8 =	simm.s32 $0x13B00;
	[sflag:s15] =	ssyncadd.s32 $0xFFFFE0C0  }
0x128: {  	[tilespmem:s31], [sflag:$0x2] =	stream.indirect.gather [spmem:s2], $0x40, s8, s28, $0xb8;
	[tilespmem:$0x1F580] =	vst v63  }
0x129: {  	_ =	swait.ge [sflag:s24], $0x1F40  }
0x12a: {  	[sflag:s24] =	ssyncset.done $0x0  }
0x12b: {  	s18 =	simm.s32 $0x15A80;
	[sflag:s24] =	ssyncadd.s32 $0xFFFFE0C0  }
0x12c: {  	[spmem:s3] =	stream.indirect.scatter.add.f32 [tilespmem:s29], [sflag:$0x5], $0x40, s18, s28, $0xb8;
	[tilespmem:$0x1F580] =	vst v63  }
0x12d: {  	_ =	swait.ge [sflag:s16], $0x1F40  }
0x12e: {  	[sflag:s16] =	ssyncset.done $0x0  }
0x12f: {  	s8 =	simm.s32 $0x13B80;
	[sflag:s16] =	ssyncadd.s32 $0xFFFFE0C0  }
0x130: {  	[tilespmem:s1], [sflag:$0x3] =	stream.indirect.gather [spmem:s2], $0x40, s8, s28, $0xb8;
	[tilespmem:$0x1F580] =	vst v63  }
0x131: {  	_ =	swait.ge [sflag:s5], $0x1F40  }
0x132: {  	[sflag:s5] =	ssyncset.done $0x0  }
0x133: {  	s18 =	simm.s32 $0x15B00;
	[sflag:s5] =	ssyncadd.s32 $0xFFFFE0C0  }
0x134: {  	[spmem:s3] =	stream.indirect.scatter.add.f32 [tilespmem:s31], [sflag:$0x6], $0x40, s18, s28, $0xb8;
	[tilespmem:$0x1F580] =	vst v63  }
0x135: {  	_ =	swait.ge [sflag:s25], $0x1F40  }
0x136: {  	[sflag:s25] =	ssyncset.done $0x0  }
0x137: {  	s6 =	simm.s32 $0x800;
	s8 =	simm.s32 $0x13C00;
	[sflag:s25] =	ssyncadd.s32 $0xFFFFE0C0  }
.LBB2_6:
0x138: {  	[tilespmem:s9], [sflag:$0x4] =	stream.indirect.gather [spmem:s2], $0x40, s8, s28, $0xb8;
	[tilespmem:$0x1F580] =	vst v63  }
0x139: {  	s8 =	smov.u32 s6  }
0x13a: {  	p0 =	sne.s32 s6, $0x3000;
	s6 =	sadd.s32 $0x800, s6;
	_ =	swait.ge [sflag:s12], $0x1F40  }
0x13b: {  	s8 =	sshra.s32 s8, $0x2;
	[sflag:s12] =	ssyncset.done $0x0  }
0x13c: {  	s18 =	sadd.s32 $0x15980, s8;
	[sflag:s12] =	ssyncadd.s32 $0xFFFFE0C0  }
0x13d: {  	[spmem:s3] =	stream.indirect.scatter.add.f32 [tilespmem:s1], [sflag:$0x7], $0x40, s18, s28, $0xb8;
	[tilespmem:$0x1F580] =	vst v63  }
0x13e: {  	_ =	swait.ge [sflag:s13], $0x1F40  }
0x13f: {  	[sflag:s13] =	ssyncset.done $0x0  }
0x140: {  	s18 =	sadd.s32 $0x13A80, s8;
	[sflag:s13] =	ssyncadd.s32 $0xFFFFE0C0  }
0x141: {  	[tilespmem:s29], [sflag:$0x1] =	stream.indirect.gather [spmem:s2], $0x40, s18, s28, $0xb8;
	[tilespmem:$0x1F580] =	vst v63  }
0x142: {  	_ =	swait.ge [sflag:s14], $0x1F40  }
0x143: {  	[sflag:s14] =	ssyncset.done $0x0  }
0x144: {  	s18 =	sadd.s32 $0x15A00, s8;
	[sflag:s14] =	ssyncadd.s32 $0xFFFFE0C0  }
0x145: {  	[spmem:s3] =	stream.indirect.scatter.add.f32 [tilespmem:s9], [sflag:$0x8], $0x40, s18, s28, $0xb8;
	[tilespmem:$0x1F580] =	vst v63  }
0x146: {  	_ =	swait.ge [sflag:s15], $0x1F40  }
0x147: {  	[sflag:s15] =	ssyncset.done $0x0  }
0x148: {  	s18 =	sadd.s32 $0x13B00, s8;
	[sflag:s15] =	ssyncadd.s32 $0xFFFFE0C0  }
0x149: {  	[tilespmem:s31], [sflag:$0x2] =	stream.indirect.gather [spmem:s2], $0x40, s18, s28, $0xb8;
	[tilespmem:$0x1F580] =	vst v63  }
0x14a: {  	_ =	swait.ge [sflag:s24], $0x1F40  }
0x14b: {  	[sflag:s24] =	ssyncset.done $0x0  }
0x14c: {  	s18 =	sadd.s32 $0x15A80, s8;
	[sflag:s24] =	ssyncadd.s32 $0xFFFFE0C0  }
0x14d: {  	[spmem:s3] =	stream.indirect.scatter.add.f32 [tilespmem:s29], [sflag:$0x5], $0x40, s18, s28, $0xb8;
	[tilespmem:$0x1F580] =	vst v63  }
0x14e: {  	_ =	swait.ge [sflag:s16], $0x1F40  }
0x14f: {  	[sflag:s16] =	ssyncset.done $0x0  }
0x150: {  	s18 =	sadd.s32 $0x13B80, s8;
	[sflag:s16] =	ssyncadd.s32 $0xFFFFE0C0  }
0x151: {  	[tilespmem:s1], [sflag:$0x3] =	stream.indirect.gather [spmem:s2], $0x40, s18, s28, $0xb8;
	[tilespmem:$0x1F580] =	vst v63  }
0x152: {  	_ =	swait.ge [sflag:s5], $0x1F40  }
0x153: {  	[sflag:s5] =	ssyncset.done $0x0  }
.Ltmp2:
0x154: {  	s18 =	sadd.s32 $0x15B00, s8;
	[sflag:s5] =	ssyncadd.s32 $0xFFFFE0C0;
	(pc) =	sbr.rel @p0 .LBB2_6-.Ltmp2, $4  }
0x155: {  	[spmem:s3] =	stream.indirect.scatter.add.f32 [tilespmem:s31], [sflag:$0x6], $0x40, s18, s28, $0xb8;
	[tilespmem:$0x1F580] =	vst v63  }
0x156: {  	_ =	swait.ge [sflag:s25], $0x1F40  }
0x157: {  	[sflag:s25] =	ssyncset.done $0x0  }
0x158: {  	s8 =	sadd.s32 $0x13C00, s8;
	[sflag:s25] =	ssyncadd.s32 $0xFFFFE0C0  }
0x159: {  	[tilespmem:s9], [sflag:$0x4] =	stream.indirect.gather [spmem:s2], $0x40, s8, s28, $0xb8;
	[tilespmem:$0x1F580] =	vst v63  }
0x15a: {  	_ =	swait.ge [sflag:s17], $0x1000  }
0x15b: {  	[sflag:s17] =	ssyncset.done $0x0  }
0x15c: {  	[sflag:s17] =	ssyncadd.s32 $0xFFFFF000  }
0x15d: {  	_ =	swait.ge [sflag:s17], $0x1000  }
0x15e: {  	[sflag:s17] =	ssyncset.done $0x0  }
0x15f: {  	[sflag:s17] =	ssyncadd.s32 $0xFFFFF000  }
0x160: {  	_ =	swait.ge [sflag:s12], $0x1F40  }
0x161: {  	[sflag:s12] =	ssyncset.done $0x0  }
0x162: {  	s6 =	simm.s32 $0x16780;
	[sflag:s12] =	ssyncadd.s32 $0xFFFFE0C0  }
0x163: {  	[spmem:s3] =	stream.indirect.scatter.add.f32 [tilespmem:s1], [sflag:$0x7], $0x40, s6, s28, $0xb8;
	[tilespmem:$0x1F580] =	vst v63  }
0x164: {  	_ =	swait.ge [sflag:s13], $0x1F40  }
0x165: {  	[sflag:s13] =	ssyncset.done $0x0  }
0x166: {  	[sflag:s13] =	ssyncadd.s32 $0xFFFFE0C0  }
0x167: {  	[tilespmem:s29], [sflag:$0x1] =	stream.indirect.gather [spmem:s2], $0x40, s10, s28, $0xb8;
	[tilespmem:$0x1F580] =	vst v63  }
0x168: {  	_ =	swait.ge [sflag:s14], $0x1F40  }
0x169: {  	[sflag:s14] =	ssyncset.done $0x0  }
0x16a: {  	[sflag:s14] =	ssyncadd.s32 $0xFFFFE0C0  }
0x16b: {  	[spmem:s3] =	stream.indirect.scatter.add.f32 [tilespmem:s9], [sflag:$0x8], $0x40, s23, s28, $0xb8;
	[tilespmem:$0x1F580] =	vst v63  }
0x16c: {  	_ =	swait.ge [sflag:s15], $0x1F40  }
0x16d: {  	[sflag:s15] =	ssyncset.done $0x0  }
0x16e: {  	s18 =	simm.s32 $0x14900;
	[sflag:s15] =	ssyncadd.s32 $0xFFFFE0C0  }
0x16f: {  	[tilespmem:s31], [sflag:$0x2] =	stream.indirect.gather [spmem:s2], $0x40, s18, s28, $0xb8;
	[tilespmem:$0x1F580] =	vst v63  }
0x170: {  	_ =	swait.ge [sflag:s24], $0x1F40  }
0x171: {  	[sflag:s24] =	ssyncset.done $0x0  }
0x172: {  	[sflag:s24] =	ssyncadd.s32 $0xFFFFE0C0  }
0x173: {  	[spmem:s3] =	stream.indirect.scatter.add.f32 [tilespmem:s29], [sflag:$0x5], $0x40, s11, s28, $0xb8;
	[tilespmem:$0x1F580] =	vst v63  }
0x174: {  	_ =	swait.ge [sflag:s16], $0x1F40  }
0x175: {  	[sflag:s16] =	ssyncset.done $0x0  }
0x176: {  	s8 =	simm.s32 $0x14980;
	[sflag:s16] =	ssyncadd.s32 $0xFFFFE0C0  }
0x177: {  	[tilespmem:s1], [sflag:$0x3] =	stream.indirect.gather [spmem:s2], $0x40, s8, s28, $0xb8;
	[tilespmem:$0x1F580] =	vst v63  }
0x178: {  	_ =	swait.ge [sflag:s5], $0x1F40  }
0x179: {  	[sflag:s5] =	ssyncset.done $0x0  }
0x17a: {  	s18 =	simm.s32 $0x16900;
	[sflag:s5] =	ssyncadd.s32 $0xFFFFE0C0  }
0x17b: {  	[spmem:s3] =	stream.indirect.scatter.add.f32 [tilespmem:s31], [sflag:$0x6], $0x40, s18, s28, $0xb8;
	[tilespmem:$0x1F580] =	vst v63  }
0x17c: {  	_ =	swait.ge [sflag:s25], $0x1F40  }
0x17d: {  	[sflag:s25] =	ssyncset.done $0x0  }
0x17e: {  	s8 =	simm.s32 $0x14A00;
	[sflag:s25] =	ssyncadd.s32 $0xFFFFE0C0  }
0x17f: {  	[tilespmem:s9], [sflag:$0x4] =	stream.indirect.gather [spmem:s2], $0x40, s8, s28, $0xb8;
	[tilespmem:$0x1F580] =	vst v63  }
0x180: {  	s6 =	simm.s32 $0x0;
	s18 =	rddreg [dreg:$0xf]  }
0x181: {  	[tilespmem:s19], [sflag:$0x9] =	stream.linear.gather [hbm4b:s18+s6], $0x1000, $0x38;
	[tilespmem:$0x1F580] =	vst v63  }
0x182: {  	s18 =	rddreg [dreg:$0x10]  }
0x183: {  	[tilespmem:s21], [sflag:$0x9] =	stream.linear.gather [hbm4b:s18+s6], $0x1000, $0x38;
	[tilespmem:$0x1F580] =	vst v63  }
0x184: {  	_ =	swait.ge [sflag:s12], $0x1F40  }
0x185: {  	[sflag:s12] =	ssyncset.done $0x0  }
0x186: {  	s18 =	simm.s32 $0x16980;
	[sflag:s12] =	ssyncadd.s32 $0xFFFFE0C0  }
0x187: {  	[spmem:s3] =	stream.indirect.scatter.add.f32 [tilespmem:s1], [sflag:$0x7], $0x40, s18, s28, $0xb8;
	[tilespmem:$0x1F580] =	vst v63  }
0x188: {  	_ =	swait.ge [sflag:s13], $0x1F40  }
0x189: {  	[sflag:s13] =	ssyncset.done $0x0  }
0x18a: {  	s8 =	simm.s32 $0x14A80;
	[sflag:s13] =	ssyncadd.s32 $0xFFFFE0C0  }
0x18b: {  	[tilespmem:s29], [sflag:$0x1] =	stream.indirect.gather [spmem:s2], $0x40, s8, s28, $0xb8;
	[tilespmem:$0x1F580] =	vst v63  }
0x18c: {  	_ =	swait.ge [sflag:s14], $0x1F40  }
0x18d: {  	[sflag:s14] =	ssyncset.done $0x0  }
0x18e: {  	s18 =	simm.s32 $0x16A00;
	[sflag:s14] =	ssyncadd.s32 $0xFFFFE0C0  }
0x18f: {  	[spmem:s3] =	stream.indirect.scatter.add.f32 [tilespmem:s9], [sflag:$0x8], $0x40, s18, s28, $0xb8;
	[tilespmem:$0x1F580] =	vst v63  }
0x190: {  	_ =	swait.ge [sflag:s15], $0x1F40  }
0x191: {  	[sflag:s15] =	ssyncset.done $0x0  }
0x192: {  	s8 =	simm.s32 $0x14B00;
	[sflag:s15] =	ssyncadd.s32 $0xFFFFE0C0  }
0x193: {  	[tilespmem:s31], [sflag:$0x2] =	stream.indirect.gather [spmem:s2], $0x40, s8, s28, $0xb8;
	[tilespmem:$0x1F580] =	vst v63  }
0x194: {  	_ =	swait.ge [sflag:s24], $0x1F40  }
0x195: {  	[sflag:s24] =	ssyncset.done $0x0  }
0x196: {  	s18 =	simm.s32 $0x16A80;
	[sflag:s24] =	ssyncadd.s32 $0xFFFFE0C0  }
0x197: {  	[spmem:s3] =	stream.indirect.scatter.add.f32 [tilespmem:s29], [sflag:$0x5], $0x40, s18, s28, $0xb8;
	[tilespmem:$0x1F580] =	vst v63  }
0x198: {  	_ =	swait.ge [sflag:s16], $0x1F40  }
0x199: {  	[sflag:s16] =	ssyncset.done $0x0  }
0x19a: {  	s8 =	simm.s32 $0x14B80;
	[sflag:s16] =	ssyncadd.s32 $0xFFFFE0C0  }
0x19b: {  	[tilespmem:s1], [sflag:$0x3] =	stream.indirect.gather [spmem:s2], $0x40, s8, s28, $0xb8;
	[tilespmem:$0x1F580] =	vst v63  }
0x19c: {  	_ =	swait.ge [sflag:s5], $0x1F40  }
0x19d: {  	[sflag:s5] =	ssyncset.done $0x0  }
0x19e: {  	s18 =	simm.s32 $0x16B00;
	[sflag:s5] =	ssyncadd.s32 $0xFFFFE0C0  }
0x19f: {  	[spmem:s3] =	stream.indirect.scatter.add.f32 [tilespmem:s31], [sflag:$0x6], $0x40, s18, s28, $0xb8;
	[tilespmem:$0x1F580] =	vst v63  }
0x1a0: {  	_ =	swait.ge [sflag:s25], $0x1F40  }
0x1a1: {  	[sflag:s25] =	ssyncset.done $0x0  }
0x1a2: {  	s6 =	simm.s32 $0x800;
	s8 =	simm.s32 $0x14C00;
	[sflag:s25] =	ssyncadd.s32 $0xFFFFE0C0  }
.LBB2_8:
0x1a3: {  	[tilespmem:s9], [sflag:$0x4] =	stream.indirect.gather [spmem:s2], $0x40, s8, s28, $0xb8;
	[tilespmem:$0x1F580] =	vst v63  }
0x1a4: {  	s8 =	smov.u32 s6  }
0x1a5: {  	p0 =	sne.s32 s6, $0x3000;
	s6 =	sadd.s32 $0x800, s6;
	_ =	swait.ge [sflag:s12], $0x1F40  }
0x1a6: {  	s8 =	sshra.s32 s8, $0x2;
	[sflag:s12] =	ssyncset.done $0x0  }
0x1a7: {  	s18 =	sadd.s32 $0x16980, s8;
	[sflag:s12] =	ssyncadd.s32 $0xFFFFE0C0  }
0x1a8: {  	[spmem:s3] =	stream.indirect.scatter.add.f32 [tilespmem:s1], [sflag:$0x7], $0x40, s18, s28, $0xb8;
	[tilespmem:$0x1F580] =	vst v63  }
0x1a9: {  	_ =	swait.ge [sflag:s13], $0x1F40  }
0x1aa: {  	[sflag:s13] =	ssyncset.done $0x0  }
0x1ab: {  	s18 =	sadd.s32 $0x14A80, s8;
	[sflag:s13] =	ssyncadd.s32 $0xFFFFE0C0  }
0x1ac: {  	[tilespmem:s29], [sflag:$0x1] =	stream.indirect.gather [spmem:s2], $0x40, s18, s28, $0xb8;
	[tilespmem:$0x1F580] =	vst v63  }
0x1ad: {  	_ =	swait.ge [sflag:s14], $0x1F40  }
0x1ae: {  	[sflag:s14] =	ssyncset.done $0x0  }
0x1af: {  	s18 =	sadd.s32 $0x16A00, s8;
	[sflag:s14] =	ssyncadd.s32 $0xFFFFE0C0  }
0x1b0: {  	[spmem:s3] =	stream.indirect.scatter.add.f32 [tilespmem:s9], [sflag:$0x8], $0x40, s18, s28, $0xb8;
	[tilespmem:$0x1F580] =	vst v63  }
0x1b1: {  	_ =	swait.ge [sflag:s15], $0x1F40  }
0x1b2: {  	[sflag:s15] =	ssyncset.done $0x0  }
0x1b3: {  	s18 =	sadd.s32 $0x14B00, s8;
	[sflag:s15] =	ssyncadd.s32 $0xFFFFE0C0  }
0x1b4: {  	[tilespmem:s31], [sflag:$0x2] =	stream.indirect.gather [spmem:s2], $0x40, s18, s28, $0xb8;
	[tilespmem:$0x1F580] =	vst v63  }
0x1b5: {  	_ =	swait.ge [sflag:s24], $0x1F40  }
0x1b6: {  	[sflag:s24] =	ssyncset.done $0x0  }
0x1b7: {  	s18 =	sadd.s32 $0x16A80, s8;
	[sflag:s24] =	ssyncadd.s32 $0xFFFFE0C0  }
0x1b8: {  	[spmem:s3] =	stream.indirect.scatter.add.f32 [tilespmem:s29], [sflag:$0x5], $0x40, s18, s28, $0xb8;
	[tilespmem:$0x1F580] =	vst v63  }
0x1b9: {  	_ =	swait.ge [sflag:s16], $0x1F40  }
0x1ba: {  	[sflag:s16] =	ssyncset.done $0x0  }
0x1bb: {  	s18 =	sadd.s32 $0x14B80, s8;
	[sflag:s16] =	ssyncadd.s32 $0xFFFFE0C0  }
0x1bc: {  	[tilespmem:s1], [sflag:$0x3] =	stream.indirect.gather [spmem:s2], $0x40, s18, s28, $0xb8;
	[tilespmem:$0x1F580] =	vst v63  }
0x1bd: {  	_ =	swait.ge [sflag:s5], $0x1F40  }
0x1be: {  	[sflag:s5] =	ssyncset.done $0x0  }
.Ltmp3:
0x1bf: {  	s18 =	sadd.s32 $0x16B00, s8;
	[sflag:s5] =	ssyncadd.s32 $0xFFFFE0C0;
	(pc) =	sbr.rel @p0 .LBB2_8-.Ltmp3, $4  }
0x1c0: {  	[spmem:s3] =	stream.indirect.scatter.add.f32 [tilespmem:s31], [sflag:$0x6], $0x40, s18, s28, $0xb8;
	[tilespmem:$0x1F580] =	vst v63  }
0x1c1: {  	_ =	swait.ge [sflag:s25], $0x1F40  }
0x1c2: {  	[sflag:s25] =	ssyncset.done $0x0  }
0x1c3: {  	s8 =	sadd.s32 $0x14C00, s8;
	[sflag:s25] =	ssyncadd.s32 $0xFFFFE0C0  }
0x1c4: {  	[tilespmem:s9], [sflag:$0x4] =	stream.indirect.gather [spmem:s2], $0x40, s8, s28, $0xb8;
	[tilespmem:$0x1F580] =	vst v63  }
0x1c5: {  	_ =	swait.ge [sflag:s26], $0x1000  }
0x1c6: {  	[sflag:s26] =	ssyncset.done $0x0  }
0x1c7: {  	[sflag:s26] =	ssyncadd.s32 $0xFFFFF000  }
0x1c8: {  	_ =	swait.ge [sflag:s26], $0x1000  }
0x1c9: {  	[sflag:s26] =	ssyncset.done $0x0  }
0x1ca: {  	[sflag:s26] =	ssyncadd.s32 $0xFFFFF000  }
0x1cb: {  	_ =	swait.ge [sflag:s12], $0x1F40  }
0x1cc: {  	[sflag:s12] =	ssyncset.done $0x0  }
0x1cd: {  	s6 =	simm.s32 $0x17780;
	[sflag:s12] =	ssyncadd.s32 $0xFFFFE0C0  }
0x1ce: {  	[spmem:s3] =	stream.indirect.scatter.add.f32 [tilespmem:s1], [sflag:$0x7], $0x40, s6, s28, $0xb8;
	[tilespmem:$0x1F580] =	vst v63  }
0x1cf: {  	_ =	swait.ge [sflag:s13], $0x1F40  }
0x1d0: {  	[sflag:s13] =	ssyncset.done $0x0  }
0x1d1: {  	[sflag:s13] =	ssyncadd.s32 $0xFFFFE0C0  }
0x1d2: {  	[tilespmem:s29], [sflag:$0x1] =	stream.indirect.gather [spmem:s2], $0x40, s19, s28, $0xb8;
	[tilespmem:$0x1F580] =	vst v63  }
0x1d3: {  	_ =	swait.ge [sflag:s14], $0x1F40  }
0x1d4: {  	[sflag:s14] =	ssyncset.done $0x0  }
0x1d5: {  	s8 =	simm.s32 $0x17800;
	[sflag:s14] =	ssyncadd.s32 $0xFFFFE0C0  }
0x1d6: {  	[spmem:s3] =	stream.indirect.scatter.add.f32 [tilespmem:s9], [sflag:$0x8], $0x40, s8, s28, $0xb8;
	[tilespmem:$0x1F580] =	vst v63  }
0x1d7: {  	_ =	swait.ge [sflag:s15], $0x1F40  }
0x1d8: {  	[sflag:s15] =	ssyncset.done $0x0  }
0x1d9: {  	s18 =	simm.s32 $0x13900;
	[sflag:s15] =	ssyncadd.s32 $0xFFFFE0C0  }
0x1da: {  	[tilespmem:s31], [sflag:$0x2] =	stream.indirect.gather [spmem:s2], $0x40, s18, s28, $0xb8;
	[tilespmem:$0x1F580] =	vst v63  }
0x1db: {  	_ =	swait.ge [sflag:s24], $0x1F40  }
0x1dc: {  	[sflag:s24] =	ssyncset.done $0x0  }
0x1dd: {  	[sflag:s24] =	ssyncadd.s32 $0xFFFFE0C0  }
0x1de: {  	[spmem:s3] =	stream.indirect.scatter.add.f32 [tilespmem:s29], [sflag:$0x5], $0x40, s21, s28, $0xb8;
	[tilespmem:$0x1F580] =	vst v63  }
0x1df: {  	_ =	swait.ge [sflag:s16], $0x1F40  }
0x1e0: {  	[sflag:s16] =	ssyncset.done $0x0  }
0x1e1: {  	s8 =	simm.s32 $0x13980;
	[sflag:s16] =	ssyncadd.s32 $0xFFFFE0C0  }
0x1e2: {  	[tilespmem:s1], [sflag:$0x3] =	stream.indirect.gather [spmem:s2], $0x40, s8, s28, $0xb8;
	[tilespmem:$0x1F580] =	vst v63  }
0x1e3: {  	_ =	swait.ge [sflag:s5], $0x1F40  }
0x1e4: {  	[sflag:s5] =	ssyncset.done $0x0  }
0x1e5: {  	s18 =	simm.s32 $0x15900;
	[sflag:s5] =	ssyncadd.s32 $0xFFFFE0C0  }
0x1e6: {  	[spmem:s3] =	stream.indirect.scatter.add.f32 [tilespmem:s31], [sflag:$0x6], $0x40, s18, s28, $0xb8;
	[tilespmem:$0x1F580] =	vst v63  }
0x1e7: {  	_ =	swait.ge [sflag:s25], $0x1F40  }
0x1e8: {  	[sflag:s25] =	ssyncset.done $0x0  }
0x1e9: {  	s8 =	simm.s32 $0x13A00;
	[sflag:s25] =	ssyncadd.s32 $0xFFFFE0C0  }
0x1ea: {  	[tilespmem:s9], [sflag:$0x4] =	stream.indirect.gather [spmem:s2], $0x40, s8, s28, $0xb8;
	[tilespmem:$0x1F580] =	vst v63  }
0x1eb: {  	_ =	swait.ge [sflag:s12], $0x1F40  }
0x1ec: {  	[sflag:s12] =	ssyncset.done $0x0  }
0x1ed: {  	s18 =	simm.s32 $0x15980;
	[sflag:s12] =	ssyncadd.s32 $0xFFFFE0C0  }
0x1ee: {  	[spmem:s3] =	stream.indirect.scatter.add.f32 [tilespmem:s1], [sflag:$0x7], $0x40, s18, s28, $0xb8;
	[tilespmem:$0x1F580] =	vst v63  }
0x1ef: {  	_ =	swait.ge [sflag:s13], $0x1F40  }
0x1f0: {  	[sflag:s13] =	ssyncset.done $0x0  }
0x1f1: {  	s8 =	simm.s32 $0x13A80;
	[sflag:s13] =	ssyncadd.s32 $0xFFFFE0C0  }
0x1f2: {  	[tilespmem:s29], [sflag:$0x1] =	stream.indirect.gather [spmem:s2], $0x40, s8, s28, $0xb8;
	[tilespmem:$0x1F580] =	vst v63  }
0x1f3: {  	_ =	swait.ge [sflag:s14], $0x1F40  }
0x1f4: {  	[sflag:s14] =	ssyncset.done $0x0  }
0x1f5: {  	s18 =	simm.s32 $0x15A00;
	[sflag:s14] =	ssyncadd.s32 $0xFFFFE0C0  }
0x1f6: {  	[spmem:s3] =	stream.indirect.scatter.add.f32 [tilespmem:s9], [sflag:$0x8], $0x40, s18, s28, $0xb8;
	[tilespmem:$0x1F580] =	vst v63  }
0x1f7: {  	_ =	swait.ge [sflag:s15], $0x1F40  }
0x1f8: {  	[sflag:s15] =	ssyncset.done $0x0  }
0x1f9: {  	s8 =	simm.s32 $0x13B00;
	[sflag:s15] =	ssyncadd.s32 $0xFFFFE0C0  }
0x1fa: {  	[tilespmem:s31], [sflag:$0x2] =	stream.indirect.gather [spmem:s2], $0x40, s8, s28, $0xb8;
	[tilespmem:$0x1F580] =	vst v63  }
0x1fb: {  	_ =	swait.ge [sflag:s24], $0x1F40  }
0x1fc: {  	[sflag:s24] =	ssyncset.done $0x0  }
0x1fd: {  	s18 =	simm.s32 $0x15A80;
	[sflag:s24] =	ssyncadd.s32 $0xFFFFE0C0  }
0x1fe: {  	[spmem:s3] =	stream.indirect.scatter.add.f32 [tilespmem:s29], [sflag:$0x5], $0x40, s18, s28, $0xb8;
	[tilespmem:$0x1F580] =	vst v63  }
0x1ff: {  	_ =	swait.ge [sflag:s16], $0x1F40  }
0x200: {  	[sflag:s16] =	ssyncset.done $0x0  }
0x201: {  	s8 =	simm.s32 $0x13B80;
	[sflag:s16] =	ssyncadd.s32 $0xFFFFE0C0  }
0x202: {  	[tilespmem:s1], [sflag:$0x3] =	stream.indirect.gather [spmem:s2], $0x40, s8, s28, $0xb8;
	[tilespmem:$0x1F580] =	vst v63  }
0x203: {  	_ =	swait.ge [sflag:s5], $0x1F40  }
0x204: {  	[sflag:s5] =	ssyncset.done $0x0  }
0x205: {  	s18 =	simm.s32 $0x15B00;
	[sflag:s5] =	ssyncadd.s32 $0xFFFFE0C0  }
0x206: {  	[spmem:s3] =	stream.indirect.scatter.add.f32 [tilespmem:s31], [sflag:$0x6], $0x40, s18, s28, $0xb8;
	[tilespmem:$0x1F580] =	vst v63  }
0x207: {  	_ =	swait.ge [sflag:s25], $0x1F40  }
0x208: {  	[sflag:s25] =	ssyncset.done $0x0  }
0x209: {  	s6 =	simm.s32 $0x800;
	s8 =	simm.s32 $0x13C00;
	[sflag:s25] =	ssyncadd.s32 $0xFFFFE0C0  }
.LBB2_10:
0x20a: {  	[tilespmem:s9], [sflag:$0x4] =	stream.indirect.gather [spmem:s2], $0x40, s8, s28, $0xb8;
	[tilespmem:$0x1F580] =	vst v63  }
0x20b: {  	s8 =	smov.u32 s6  }
0x20c: {  	p0 =	sne.s32 s6, $0x3000;
	s6 =	sadd.s32 $0x800, s6;
	_ =	swait.ge [sflag:s12], $0x1F40  }
0x20d: {  	s8 =	sshra.s32 s8, $0x2;
	[sflag:s12] =	ssyncset.done $0x0  }
0x20e: {  	s18 =	sadd.s32 $0x15980, s8;
	[sflag:s12] =	ssyncadd.s32 $0xFFFFE0C0  }
0x20f: {  	[spmem:s3] =	stream.indirect.scatter.add.f32 [tilespmem:s1], [sflag:$0x7], $0x40, s18, s28, $0xb8;
	[tilespmem:$0x1F580] =	vst v63  }
0x210: {  	_ =	swait.ge [sflag:s13], $0x1F40  }
0x211: {  	[sflag:s13] =	ssyncset.done $0x0  }
0x212: {  	s18 =	sadd.s32 $0x13A80, s8;
	[sflag:s13] =	ssyncadd.s32 $0xFFFFE0C0  }
0x213: {  	[tilespmem:s29], [sflag:$0x1] =	stream.indirect.gather [spmem:s2], $0x40, s18, s28, $0xb8;
	[tilespmem:$0x1F580] =	vst v63  }
0x214: {  	_ =	swait.ge [sflag:s14], $0x1F40  }
0x215: {  	[sflag:s14] =	ssyncset.done $0x0  }
0x216: {  	s18 =	sadd.s32 $0x15A00, s8;
	[sflag:s14] =	ssyncadd.s32 $0xFFFFE0C0  }
0x217: {  	[spmem:s3] =	stream.indirect.scatter.add.f32 [tilespmem:s9], [sflag:$0x8], $0x40, s18, s28, $0xb8;
	[tilespmem:$0x1F580] =	vst v63  }
0x218: {  	_ =	swait.ge [sflag:s15], $0x1F40  }
0x219: {  	[sflag:s15] =	ssyncset.done $0x0  }
0x21a: {  	s18 =	sadd.s32 $0x13B00, s8;
	[sflag:s15] =	ssyncadd.s32 $0xFFFFE0C0  }
0x21b: {  	[tilespmem:s31], [sflag:$0x2] =	stream.indirect.gather [spmem:s2], $0x40, s18, s28, $0xb8;
	[tilespmem:$0x1F580] =	vst v63  }
0x21c: {  	_ =	swait.ge [sflag:s24], $0x1F40  }
0x21d: {  	[sflag:s24] =	ssyncset.done $0x0  }
0x21e: {  	s18 =	sadd.s32 $0x15A80, s8;
	[sflag:s24] =	ssyncadd.s32 $0xFFFFE0C0  }
0x21f: {  	[spmem:s3] =	stream.indirect.scatter.add.f32 [tilespmem:s29], [sflag:$0x5], $0x40, s18, s28, $0xb8;
	[tilespmem:$0x1F580] =	vst v63  }
0x220: {  	_ =	swait.ge [sflag:s16], $0x1F40  }
0x221: {  	[sflag:s16] =	ssyncset.done $0x0  }
0x222: {  	s18 =	sadd.s32 $0x13B80, s8;
	[sflag:s16] =	ssyncadd.s32 $0xFFFFE0C0  }
0x223: {  	[tilespmem:s1], [sflag:$0x3] =	stream.indirect.gather [spmem:s2], $0x40, s18, s28, $0xb8;
	[tilespmem:$0x1F580] =	vst v63  }
0x224: {  	_ =	swait.ge [sflag:s5], $0x1F40  }
0x225: {  	[sflag:s5] =	ssyncset.done $0x0  }
.Ltmp4:
0x226: {  	s18 =	sadd.s32 $0x15B00, s8;
	[sflag:s5] =	ssyncadd.s32 $0xFFFFE0C0;
	(pc) =	sbr.rel @p0 .LBB2_10-.Ltmp4, $4  }
0x227: {  	[spmem:s3] =	stream.indirect.scatter.add.f32 [tilespmem:s31], [sflag:$0x6], $0x40, s18, s28, $0xb8;
	[tilespmem:$0x1F580] =	vst v63  }
0x228: {  	_ =	swait.ge [sflag:s25], $0x1F40  }
0x229: {  	[sflag:s25] =	ssyncset.done $0x0  }
0x22a: {  	s8 =	sadd.s32 $0x13C00, s8;
	[sflag:s25] =	ssyncadd.s32 $0xFFFFE0C0  }
0x22b: {  	[tilespmem:s9], [sflag:$0x4] =	stream.indirect.gather [spmem:s2], $0x40, s8, s28, $0xb8;
	[tilespmem:$0x1F580] =	vst v63  }
0x22c: {  	_ =	swait.ge [sflag:s12], $0x1F40  }
0x22d: {  	[sflag:s12] =	ssyncset.done $0x0  }
0x22e: {  	s6 =	simm.s32 $0x16780;
	[sflag:s12] =	ssyncadd.s32 $0xFFFFE0C0  }
0x22f: {  	[spmem:s3] =	stream.indirect.scatter.add.f32 [tilespmem:s1], [sflag:$0x7], $0x40, s6, s28, $0xb8;
	[tilespmem:$0x1F580] =	vst v63  }
0x230: {  	_ =	swait.ge [sflag:s13], $0x1F40  }
0x231: {  	[sflag:s13] =	ssyncset.done $0x0  }
0x232: {  	[sflag:s13] =	ssyncadd.s32 $0xFFFFE0C0  }
0x233: {  	_ =	swait.ge [sflag:s14], $0x1F40  }
0x234: {  	[sflag:s14] =	ssyncset.done $0x0  }
0x235: {  	[sflag:s14] =	ssyncadd.s32 $0xFFFFE0C0  }
0x236: {  	[spmem:s3] =	stream.indirect.scatter.add.f32 [tilespmem:s9], [sflag:$0x8], $0x40, s23, s28, $0xb8;
	[tilespmem:$0x1F580] =	vst v63  }
0x237: {  	_ =	swait.ge [sflag:s15], $0x1F40  }
0x238: {  	[sflag:s15] =	ssyncset.done $0x0  }
0x239: {  	[sflag:s15] =	ssyncadd.s32 $0xFFFFE0C0  }
0x23a: {  	_ =	swait.ge [sflag:s16], $0x1F40  }
0x23b: {  	[sflag:s16] =	ssyncset.done $0x0  }
0x23c: {  	[sflag:s16] =	ssyncadd.s32 $0xFFFFE0C0  }
0x23d: {  	_ =	swait.ge [sflag:s25], $0x1F40  }
0x23e: {  	[sflag:s25] =	ssyncset.done $0x0  }
0x23f: {  	[sflag:s25] =	ssyncadd.s32 $0xFFFFE0C0  }
0x240: {  	[bflag:$0x0] =	sbarrier.arrive $0xFFFF  }
0x241: {  	s18 =	simm.s32 $0x10;
	s8 =	rddreg [dreg:$0x11]  }
0x242: {  	[hbm:s8@s18], [sflag:s22] =	dma.strided [spmem:s0@s25], $0x1388, s24, $0x8   }
0x243: {  	_ =	swait.ge [sflag:s20], $0x1388  }
0x244: {  	s30 =	sadd.s32 $0x1, s30;
	s18 =	rddreg [dreg:$0x12]  }
0x245: {  	p0 =	sne.s32 s30, s18  }
.Ltmp5:
0x246: {  	_ = 	snop;
	(pc) =	sbr.rel @p0 .LBB2_1-.Ltmp5, $3  }
0x247: {  	_ =	sdelay $0x1  }
0x248: {  	[sflag:s20] =	ssyncset.done $0x0  }
0x249: {  	s6 =	simm.s32 $0x10;
	[sflag:s20] =	ssyncadd.s32 $0xFFFFEC78  }
0x24a: {  	_ =	sfence.sel $0x180000  }
0x24b: {  	[bflag:$0x0] =	sbarrier.arrive $0xFFFF  }
0x24c: {  	_ =	strace $0x90000047  }
0x24d: {  	s0 =	stileid.u32;
	[bflag:$0x2] =	sbarrier.arrive $0xFFFF  }
0x24e: {  	p0 =	sne.s32 s0, $0x0;
	s0 =	rddreg [dreg:$0x5]  }
0x24f: {  	s0 =	sadd.s32 @!p0 $0x100000, s0  }
0x250: {  	[sflag:s0] =	ssyncadd.tile.s32 @!p0 $0x1;
	_ =	shalt  }
.Lfunc_end2:
_tile_overlayer_lowered:
.L_overlay_start_2:
0x251: {  	(tag) =	ssettag $0x2  }
0x252: {  	s0 =	rddreg [dreg:$0x0];
	s2 =	stileid.u32  }
0x253: {  	s1 =	rddreg [dreg:$0x1];
	p0 =	sne.s32 s2, $0x0  }
0x254: {  	s3 =	rddreg [dreg:$0x2];
	[bflag:$0x3] =	sbarrier.arrive $0xFFFF;
	s2 =	simm.s32 @!p0 $0x1C0B  }
0x255: {  	[timem:s3], [sflag:s2] =	dma.local @!p0 [hbm:s0], s1  }
0x256: {  	s0 =	simm.s32 @!p0 $0xB  }
0x257: {  	_ =	swait.ge @!p0 [sflag:s0], s1  }
0x258: {  	s1 =	ssub.s32 @!p0 $0x0, s1;
	[sflag:s0] =	ssyncset.done @!p0 $0x0  }
0x259: {  	[sflag:s0] =	ssyncadd.s32 @!p0 s1  }
0x25a: {  	[bflag:$0x3] =	sbarrier.arrive $0xFFFF  }
0x25b: {  	_ =	shalt  }

</sc_bundles>
